<compile_context>
chip_gen: v7x
topology: tpu7x:2x2x1
jax: 0.10.2.dev20260603
libtpu: 0.0.44.dev20260713+nightly
codegen_flags: <defaults>
</compile_context>

<pallas_src>
import functools

import jax
import jax.numpy as jnp
from jax import lax
from jax.experimental import pallas as pl
from jax.experimental.pallas import tpu as pltpu
from jax.experimental.pallas import tpu_sc as plsc

D_EMB = 128
NC, NS = 2, 16
NW = NC * NS
CHUNK = 128
K_PIPE = 5



NBUF = 4


def _gather_body(table_hbm, idx_hbm, out_hbm, idx_v,
                 r0, r1, r2, r3, g0, g1, g2, g3, s0, s1, s2, s3):
    wid = lax.axis_index("s") * NC + lax.axis_index("c")
    n_chunks = idx_v.shape[0] // CHUNK
    base = wid * (n_chunks * CHUNK)
    pltpu.sync_copy(idx_hbm.at[wid], idx_v)

    rows = [r0, r1, r2, r3]
    gs = [g0, g1, g2, g3]
    ss = [s0, s1, s2, s3]

    def idx_slice(c):
        return idx_v.at[pl.ds(c * CHUNK, CHUNK)]

    def out_slice(c):
        return out_hbm.at[pl.ds(base + c * CHUNK, CHUNK)]

    for b in range(NBUF):
        pltpu.async_copy(table_hbm.at[idx_slice(b)], rows[b], gs[b])

    def body(i, carry):
        for b in range(NBUF):
            c = i * NBUF + b
            pltpu.make_async_copy(table_hbm.at[idx_slice(c)], rows[b], gs[b]).wait()
            pltpu.async_copy(rows[b], out_slice(c), ss[b])
            pltpu.make_async_copy(rows[b], out_slice(c), ss[b]).wait()

            @pl.when(c + NBUF < n_chunks)
            def _():
                pltpu.async_copy(table_hbm.at[idx_slice(c + NBUF)], rows[b], gs[b])

        return carry

    lax.fori_loop(0, n_chunks // NBUF, body, 0)

    for b in range(n_chunks % NBUF):
        c = (n_chunks // NBUF) * NBUF + b
        pltpu.make_async_copy(table_hbm.at[idx_slice(c)], rows[b], gs[b]).wait()
        pltpu.sync_copy(rows[b], out_slice(c))


def _make_gather(n_rows):
    rows_per_w = n_rows // NW
    mesh = plsc.VectorSubcoreMesh(core_axis_name="c", subcore_axis_name="s")
    return pl.kernel(
        _gather_body,
        out_type=jax.ShapeDtypeStruct((n_rows, D_EMB), jnp.float32),
        scratch_types=(
            [pltpu.VMEM((rows_per_w,), jnp.int32)]
            + [pltpu.VMEM((CHUNK, D_EMB), jnp.float32)] * NBUF
            + [pltpu.SemaphoreType.DMA] * (2 * NBUF)
        ),
        mesh=mesh,
    )



def _mlp_body(lb, B, h_ref, w1_ref, b1_ref, w2_ref, b2_ref, out_ref):
    h = h_ref[...]
    z = lax.dot_general(h, w1_ref[...], (((1,), (1,)), ((), ())),
                        preferred_element_type=jnp.float32)
    z = jnp.maximum(z + b1_ref[...], 0.0)
    o = lax.dot_general(w2_ref[...], z, (((1,), (1,)), ((), ())),
                        preferred_element_type=jnp.float32)
    o = o + b2_ref[...]
    out_ref[...] = o.reshape(o.shape[0], lb, B)


def _mlp_t(h, W1, b1, W2, b2, L, B, l_off, o_prev, lb=8):
    n_tags = W2.shape[0]
    lk = h.shape[0] // B
    grid = (lk // lb,)
    ko = l_off // lb
    args = [h, W1, b1, W2, b2]
    in_specs = [
        pl.BlockSpec((lb * B, D_EMB), lambda i: (i, 0)),
        pl.BlockSpec((D_EMB, D_EMB), lambda i: (0, 0)),
        pl.BlockSpec((1, D_EMB), lambda i: (0, 0)),
        pl.BlockSpec((n_tags, D_EMB), lambda i: (0, 0)),
        pl.BlockSpec((n_tags, 1), lambda i: (0, 0)),
    ]
    aliases = {}
    if o_prev is not None:
        args.append(o_prev)
        in_specs.append(pl.BlockSpec(memory_space=pl.ANY))
        aliases = {5: 0}

    def body(*refs):
        _mlp_body(lb, B, *refs[:5], refs[-1])

    return pl.pallas_call(
        body,
        grid=grid,
        in_specs=in_specs,
        out_specs=pl.BlockSpec((n_tags, lb, B), lambda i: (0, i + ko, 0)),
        out_shape=jax.ShapeDtypeStruct((n_tags, L, B), jnp.float32),
        input_output_aliases=aliases,
    )(*args)


def kernel(x, emb, W1, b1, W2, b2):
    B, L = x.shape
    xT = x.T
    b1r, b2c = b1.reshape(1, -1), b2.reshape(-1, 1)
    lk = L // K_PIPE
    nk = lk * B
    gather = _make_gather(nk)
    o = None
    for k in range(K_PIPE):
        xk = lax.slice_in_dim(xT, k * lk, (k + 1) * lk, axis=0)
        idx = xk.reshape(NW, nk // NW).astype(jnp.int32)
        h = gather(emb, idx)
        o = _mlp_t(h, W1, b1r, W2, b2c, L, B, k * lk, o)
    return jnp.transpose(o, (2, 1, 0))

# --- scband reference (transcript-rebuilt; emitter-appended) ---
"""Pipeline reference for scband-pos-26001732010410 (READ-ONLY COPY).

The authoritative reference and input builder live on the scoring server;
editing this copy changes nothing except your own understanding.
"""

import jax, jax.numpy as jnp
import numpy as np

VOCAB = 1000000
D_EMB = 128
D_HID = 128
N_TAGS = 45
B, L = 1024, 200


def setup_inputs(seed: int = 0) -> dict:
    key = jax.random.key(seed)
    k0, k1, k2, k3 = jax.random.split(key, 4)
    x = jax.random.randint(k0, (B, L), 0, VOCAB, dtype=jnp.int64) if jax.config.jax_enable_x64 else jax.random.randint(k0, (B, L), 0, VOCAB, dtype=jnp.int32)
    emb = (jax.random.normal(k1, (VOCAB, D_EMB), dtype=jnp.float32) * 0.02)
    W1 = jax.random.normal(k2, (D_HID, D_EMB), dtype=jnp.float32) * (1.0 / np.sqrt(D_EMB))
    b1 = jnp.zeros((D_HID,), dtype=jnp.float32)
    W2 = jax.random.normal(k3, (N_TAGS, D_HID), dtype=jnp.float32) * (1.0 / np.sqrt(D_HID))
    b2 = jnp.zeros((N_TAGS,), dtype=jnp.float32)
    return {"x": x, "emb": emb, "W1": W1, "b1": b1, "W2": W2, "b2": b2}


def reference(x, emb, W1, b1, W2, b2):
    # embedding lookup
    h = jnp.take(emb, x, axis=0)  # [B, L, 128]
    # fc1 + relu
    h = jax.nn.relu(h @ W1.T + b1)  # [B, L, 128]
    # fc2
    out = h @ W2.T + b2  # [B, L, 45]
    return out

if __name__ == "__main__":
    import jax
    _d = setup_inputs()
    print(jax.jit(kernel)(*tuple(_d.values())))

</pallas_src>

<mosaic_0001>
#map = affine_map<(d0, d1) -> (0, 0)>
module attributes {stable_mosaic.version = 14 : i64} {
  func.func @_gather_body(%arg0: i32, %arg1: i32, %arg2: memref<1000000x128xf32, #tpu.memory_space<hbm>>, %arg3: memref<32x1280xi32, #tpu.memory_space<hbm>>, %arg4: memref<40960x128xf32, #tpu.memory_space<hbm>>, %arg5: memref<1280xi32, #tpu.memory_space<vmem>>, %arg6: memref<128x128xf32, #tpu.memory_space<vmem>>, %arg7: memref<128x128xf32, #tpu.memory_space<vmem>>, %arg8: memref<128x128xf32, #tpu.memory_space<vmem>>, %arg9: memref<128x128xf32, #tpu.memory_space<vmem>>, %arg10: memref<!tpu.dma_semaphore, #tpu.memory_space<semaphore_mem>>, %arg11: memref<!tpu.dma_semaphore, #tpu.memory_space<semaphore_mem>>, %arg12: memref<!tpu.dma_semaphore, #tpu.memory_space<semaphore_mem>>, %arg13: memref<!tpu.dma_semaphore, #tpu.memory_space<semaphore_mem>>, %arg14: memref<!tpu.dma_semaphore, #tpu.memory_space<semaphore_mem>>, %arg15: memref<!tpu.dma_semaphore, #tpu.memory_space<semaphore_mem>>, %arg16: memref<!tpu.dma_semaphore, #tpu.memory_space<semaphore_mem>>, %arg17: memref<!tpu.dma_semaphore, #tpu.memory_space<semaphore_mem>>) attributes {dimension_semantics = [#tpu.dimension_semantics<core_parallel>, #tpu.dimension_semantics<subcore_parallel>], iteration_bounds = array<i64: 2, 16>, scalar_prefetch = 0 : i64, scratch_operands = 13 : i64, tpu.core_type = #tpu.core_type<sc_vector_subcore>, window_params = [{transform_indices = #map}, {transform_indices = #map}, {transform_indices = #map}]} {
    %mul3A = arith.constant 2 : i32
    %mul3A_0 = arith.muli %arg1, %mul3A : i32
    %add3A = arith.addi %mul3A_0, %arg0 : i32
    %mul3A_1 = arith.constant 1280 : i32
    %mul3A_2 = arith.muli %add3A, %mul3A_1 : i32
    "tpu.region"() ({
      %run_scoped3A = tpu.sem_alloc : memref<!tpu.dma_semaphore, #tpu.memory_space<semaphore_mem>>
      %dma_start3A_40 = arith.constant 0 : i32
      %dma_start3A_41 = tpu.memref_slice %arg3[%add3A, %dma_start3A_40] : memref<32x1280xi32, #tpu.memory_space<hbm>> -> memref<1x1280xi32, #tpu.memory_space<hbm>>
      %dma_start3A_42 = tpu.memref_squeeze %dma_start3A_41 : memref<1x1280xi32, #tpu.memory_space<hbm>> -> memref<1280xi32, #tpu.memory_space<hbm>>
      %dma_start3A_43 = arith.constant 0 : i32
      %dma_start3A_44 = tpu.memref_slice %arg3[%add3A, %dma_start3A_43] : memref<32x1280xi32, #tpu.memory_space<hbm>> -> memref<1x1280xi32, #tpu.memory_space<hbm>>
      %dma_start3A_45 = tpu.memref_squeeze %dma_start3A_44 : memref<1x1280xi32, #tpu.memory_space<hbm>> -> memref<1280xi32, #tpu.memory_space<hbm>>
      tpu.enqueue_dma source(%dma_start3A_45 : memref<1280xi32, #tpu.memory_space<hbm>>) target(%arg5 : memref<1280xi32, #tpu.memory_space<vmem>>) target_semaphore(%run_scoped3A : memref<!tpu.dma_semaphore, #tpu.memory_space<semaphore_mem>>)
      %dma_wait3A_46 = arith.constant 0 : i32
      %dma_wait3A_47 = tpu.memref_slice %arg3[%add3A, %dma_wait3A_46] : memref<32x1280xi32, #tpu.memory_space<hbm>> -> memref<1x1280xi32, #tpu.memory_space<hbm>>
      %dma_wait3A_48 = tpu.memref_squeeze %dma_wait3A_47 : memref<1x1280xi32, #tpu.memory_space<hbm>> -> memref<1280xi32, #tpu.memory_space<hbm>>
      %dma_wait3A_49 = arith.constant 0 : i32
      %dma_wait3A_50 = tpu.memref_slice %arg3[%add3A, %dma_wait3A_49] : memref<32x1280xi32, #tpu.memory_space<hbm>> -> memref<1x1280xi32, #tpu.memory_space<hbm>>
      %dma_wait3A_51 = tpu.memref_squeeze %dma_wait3A_50 : memref<1x1280xi32, #tpu.memory_space<hbm>> -> memref<1280xi32, #tpu.memory_space<hbm>>
      tpu.wait_dma2 semaphore(%run_scoped3A : memref<!tpu.dma_semaphore, #tpu.memory_space<semaphore_mem>>) src(%dma_wait3A_51 : memref<1280xi32, #tpu.memory_space<hbm>>) dst(%arg5 : memref<1280xi32, #tpu.memory_space<vmem>>)
      tpu.yield
    }) : () -> ()
    %dma_start3A = arith.constant 0 : i32
    %dma_start3A_3 = tpu.memref_slice %arg5[%dma_start3A] : memref<1280xi32, #tpu.memory_space<vmem>> -> memref<128xi32, #tpu.memory_space<vmem>>
    %dma_start3A_4 = arith.constant 0 : i32
    %dma_start3A_5 = arith.constant 0 : i32
    %dma_start3A_6 = tpu.memref_slice %arg2[%dma_start3A_4, %dma_start3A_5] : memref<1000000x128xf32, #tpu.memory_space<hbm>> -> memref<1000000x128xf32, #tpu.memory_space<hbm>>
    tpu.enqueue_indirect_dma source(%dma_start3A_6 : memref<1000000x128xf32, #tpu.memory_space<hbm>>) target(%arg6 : memref<128x128xf32, #tpu.memory_space<vmem>>) offsets(%dma_start3A_3 : memref<128xi32, #tpu.memory_space<vmem>>) semaphore(%arg10 : memref<!tpu.dma_semaphore, #tpu.memory_space<semaphore_mem>>)
    %dma_start3A_7 = arith.constant 128 : i32
    %dma_start3A_8 = tpu.memref_slice %arg5[%dma_start3A_7] : memref<1280xi32, #tpu.memory_space<vmem>> -> memref<128xi32, #tpu.memory_space<vmem>>
    %dma_start3A_9 = arith.constant 0 : i32
    %dma_start3A_10 = arith.constant 0 : i32
    %dma_start3A_11 = tpu.memref_slice %arg2[%dma_start3A_9, %dma_start3A_10] : memref<1000000x128xf32, #tpu.memory_space<hbm>> -> memref<1000000x128xf32, #tpu.memory_space<hbm>>
    tpu.enqueue_indirect_dma source(%dma_start3A_11 : memref<1000000x128xf32, #tpu.memory_space<hbm>>) target(%arg7 : memref<128x128xf32, #tpu.memory_space<vmem>>) offsets(%dma_start3A_8 : memref<128xi32, #tpu.memory_space<vmem>>) semaphore(%arg11 : memref<!tpu.dma_semaphore, #tpu.memory_space<semaphore_mem>>)
    %dma_start3A_12 = arith.constant 256 : i32
    %dma_start3A_13 = tpu.memref_slice %arg5[%dma_start3A_12] : memref<1280xi32, #tpu.memory_space<vmem>> -> memref<128xi32, #tpu.memory_space<vmem>>
    %dma_start3A_14 = arith.constant 0 : i32
    %dma_start3A_15 = arith.constant 0 : i32
    %dma_start3A_16 = tpu.memref_slice %arg2[%dma_start3A_14, %dma_start3A_15] : memref<1000000x128xf32, #tpu.memory_space<hbm>> -> memref<1000000x128xf32, #tpu.memory_space<hbm>>
    tpu.enqueue_indirect_dma source(%dma_start3A_16 : memref<1000000x128xf32, #tpu.memory_space<hbm>>) target(%arg8 : memref<128x128xf32, #tpu.memory_space<vmem>>) offsets(%dma_start3A_13 : memref<128xi32, #tpu.memory_space<vmem>>) semaphore(%arg12 : memref<!tpu.dma_semaphore, #tpu.memory_space<semaphore_mem>>)
    %dma_start3A_17 = arith.constant 384 : i32
    %dma_start3A_18 = tpu.memref_slice %arg5[%dma_start3A_17] : memref<1280xi32, #tpu.memory_space<vmem>> -> memref<128xi32, #tpu.memory_space<vmem>>
    %dma_start3A_19 = arith.constant 0 : i32
    %dma_start3A_20 = arith.constant 0 : i32
    %dma_start3A_21 = tpu.memref_slice %arg2[%dma_start3A_19, %dma_start3A_20] : memref<1000000x128xf32, #tpu.memory_space<hbm>> -> memref<1000000x128xf32, #tpu.memory_space<hbm>>
    tpu.enqueue_indirect_dma source(%dma_start3A_21 : memref<1000000x128xf32, #tpu.memory_space<hbm>>) target(%arg9 : memref<128x128xf32, #tpu.memory_space<vmem>>) offsets(%dma_start3A_18 : memref<128xi32, #tpu.memory_space<vmem>>) semaphore(%arg13 : memref<!tpu.dma_semaphore, #tpu.memory_space<semaphore_mem>>)
    %scan3A = arith.constant 0 : i32
    %scan3A_22 = arith.constant 0 : i32
    %scan3A_23 = arith.constant 2 : i32
    %scan3A_24 = arith.addi %scan3A_22, %scan3A_23 : i32
    %scan3A_25 = arith.constant 1 : i32
    scf.for %scan3A_40 = %scan3A_22 to %scan3A_24 step %scan3A_25  : i32 {
      %mul3A_41 = arith.constant 4 : i32
      %mul3A_42 = arith.muli %scan3A_40, %mul3A_41 : i32
      %add3A_43 = arith.constant 0 : i32
      %add3A_44 = arith.addi %mul3A_42, %add3A_43 : i32
      %mul3A_45 = arith.constant 128 : i32
      %mul3A_46 = arith.muli %add3A_44, %mul3A_45 : i32
      %dma_wait3A_47 = tpu.memref_slice %arg5[%mul3A_46] : memref<1280xi32, #tpu.memory_space<vmem>> -> memref<128xi32, #tpu.memory_space<vmem>>
      %dma_wait3A_48 = arith.constant 0 : i32
      %dma_wait3A_49 = arith.constant 0 : i32
      %dma_wait3A_50 = tpu.memref_slice %arg2[%dma_wait3A_48, %dma_wait3A_49] : memref<1000000x128xf32, #tpu.memory_space<hbm>> -> memref<1000000x128xf32, #tpu.memory_space<hbm>>
      tpu.wait_indirect_dma semaphore(%arg10 : memref<!tpu.dma_semaphore, #tpu.memory_space<semaphore_mem>>) src(%dma_wait3A_50 : memref<1000000x128xf32, #tpu.memory_space<hbm>>) dst(%arg6 : memref<128x128xf32, #tpu.memory_space<vmem>>)
      %mul3A_51 = arith.constant 128 : i32
      %mul3A_52 = arith.muli %add3A_44, %mul3A_51 : i32
      %add3A_53 = arith.addi %mul3A_2, %mul3A_52 : i32
      %dma_start3A_54 = arith.constant 0 : i32
      %dma_start3A_55 = tpu.memref_slice %arg4[%add3A_53, %dma_start3A_54] : memref<40960x128xf32, #tpu.memory_space<hbm>> -> memref<128x128xf32, #tpu.memory_space<hbm>>
      %dma_start3A_56 = arith.constant 0 : i32
      %dma_start3A_57 = tpu.memref_slice %arg4[%add3A_53, %dma_start3A_56] : memref<40960x128xf32, #tpu.memory_space<hbm>> -> memref<128x128xf32, #tpu.memory_space<hbm>>
      tpu.enqueue_dma source(%arg6 : memref<128x128xf32, #tpu.memory_space<vmem>>) target(%dma_start3A_57 : memref<128x128xf32, #tpu.memory_space<hbm>>) target_semaphore(%arg14 : memref<!tpu.dma_semaphore, #tpu.memory_space<semaphore_mem>>)
      %mul3A_58 = arith.constant 128 : i32
      %mul3A_59 = arith.muli %add3A_44, %mul3A_58 : i32
      %add3A_60 = arith.addi %mul3A_2, %mul3A_59 : i32
      %dma_wait3A_61 = arith.constant 0 : i32
      %dma_wait3A_62 = tpu.memref_slice %arg4[%add3A_60, %dma_wait3A_61] : memref<40960x128xf32, #tpu.memory_space<hbm>> -> memref<128x128xf32, #tpu.memory_space<hbm>>
      %dma_wait3A_63 = arith.constant 0 : i32
      %dma_wait3A_64 = tpu.memref_slice %arg4[%add3A_60, %dma_wait3A_63] : memref<40960x128xf32, #tpu.memory_space<hbm>> -> memref<128x128xf32, #tpu.memory_space<hbm>>
      tpu.wait_dma2 semaphore(%arg14 : memref<!tpu.dma_semaphore, #tpu.memory_space<semaphore_mem>>) src(%arg6 : memref<128x128xf32, #tpu.memory_space<vmem>>) dst(%dma_wait3A_64 : memref<128x128xf32, #tpu.memory_space<hbm>>)
      %add3A_65 = arith.constant 4 : i32
      %add3A_66 = arith.addi %add3A_44, %add3A_65 : i32
      %lt3A = arith.constant 10 : i32
      %lt3A_67 = arith.cmpi slt, %add3A_66, %lt3A : i32
      %convert_element_type3A = arith.extui %lt3A_67 : i1 to i32
      %cond3A = arith.constant 0 : i32
      %cond3A_68 = arith.cmpi ne, %convert_element_type3A, %cond3A : i32
      scf.if %cond3A_68 {
        %add3A_162 = arith.constant 4 : i32
        %add3A_163 = arith.addi %add3A_44, %add3A_162 : i32
        %mul3A_164 = arith.constant 128 : i32
        %mul3A_165 = arith.muli %add3A_163, %mul3A_164 : i32
        %dma_start3A_166 = tpu.memref_slice %arg5[%mul3A_165] : memref<1280xi32, #tpu.memory_space<vmem>> -> memref<128xi32, #tpu.memory_space<vmem>>
        %dma_start3A_167 = arith.constant 0 : i32
        %dma_start3A_168 = arith.constant 0 : i32
        %dma_start3A_169 = tpu.memref_slice %arg2[%dma_start3A_167, %dma_start3A_168] : memref<1000000x128xf32, #tpu.memory_space<hbm>> -> memref<1000000x128xf32, #tpu.memory_space<hbm>>
        tpu.enqueue_indirect_dma source(%dma_start3A_169 : memref<1000000x128xf32, #tpu.memory_space<hbm>>) target(%arg6 : memref<128x128xf32, #tpu.memory_space<vmem>>) offsets(%dma_start3A_166 : memref<128xi32, #tpu.memory_space<vmem>>) semaphore(%arg10 : memref<!tpu.dma_semaphore, #tpu.memory_space<semaphore_mem>>)
      } else {
      }
      %mul3A_69 = arith.constant 4 : i32
      %mul3A_70 = arith.muli %scan3A_40, %mul3A_69 : i32
      %add3A_71 = arith.constant 1 : i32
      %add3A_72 = arith.addi %mul3A_70, %add3A_71 : i32
      %mul3A_73 = arith.constant 128 : i32
      %mul3A_74 = arith.muli %add3A_72, %mul3A_73 : i32
      %dma_wait3A_75 = tpu.memref_slice %arg5[%mul3A_74] : memref<1280xi32, #tpu.memory_space<vmem>> -> memref<128xi32, #tpu.memory_space<vmem>>
      %dma_wait3A_76 = arith.constant 0 : i32
      %dma_wait3A_77 = arith.constant 0 : i32
      %dma_wait3A_78 = tpu.memref_slice %arg2[%dma_wait3A_76, %dma_wait3A_77] : memref<1000000x128xf32, #tpu.memory_space<hbm>> -> memref<1000000x128xf32, #tpu.memory_space<hbm>>
      tpu.wait_indirect_dma semaphore(%arg11 : memref<!tpu.dma_semaphore, #tpu.memory_space<semaphore_mem>>) src(%dma_wait3A_78 : memref<1000000x128xf32, #tpu.memory_space<hbm>>) dst(%arg7 : memref<128x128xf32, #tpu.memory_space<vmem>>)
      %mul3A_79 = arith.constant 128 : i32
      %mul3A_80 = arith.muli %add3A_72, %mul3A_79 : i32
      %add3A_81 = arith.addi %mul3A_2, %mul3A_80 : i32
      %dma_start3A_82 = arith.constant 0 : i32
      %dma_start3A_83 = tpu.memref_slice %arg4[%add3A_81, %dma_start3A_82] : memref<40960x128xf32, #tpu.memory_space<hbm>> -> memref<128x128xf32, #tpu.memory_space<hbm>>
      %dma_start3A_84 = arith.constant 0 : i32
      %dma_start3A_85 = tpu.memref_slice %arg4[%add3A_81, %dma_start3A_84] : memref<40960x128xf32, #tpu.memory_space<hbm>> -> memref<128x128xf32, #tpu.memory_space<hbm>>
      tpu.enqueue_dma source(%arg7 : memref<128x128xf32, #tpu.memory_space<vmem>>) target(%dma_start3A_85 : memref<128x128xf32, #tpu.memory_space<hbm>>) target_semaphore(%arg15 : memref<!tpu.dma_semaphore, #tpu.memory_space<semaphore_mem>>)
      %mul3A_86 = arith.constant 128 : i32
      %mul3A_87 = arith.muli %add3A_72, %mul3A_86 : i32
      %add3A_88 = arith.addi %mul3A_2, %mul3A_87 : i32
      %dma_wait3A_89 = arith.constant 0 : i32
      %dma_wait3A_90 = tpu.memref_slice %arg4[%add3A_88, %dma_wait3A_89] : memref<40960x128xf32, #tpu.memory_space<hbm>> -> memref<128x128xf32, #tpu.memory_space<hbm>>
      %dma_wait3A_91 = arith.constant 0 : i32
      %dma_wait3A_92 = tpu.memref_slice %arg4[%add3A_88, %dma_wait3A_91] : memref<40960x128xf32, #tpu.memory_space<hbm>> -> memref<128x128xf32, #tpu.memory_space<hbm>>
      tpu.wait_dma2 semaphore(%arg15 : memref<!tpu.dma_semaphore, #tpu.memory_space<semaphore_mem>>) src(%arg7 : memref<128x128xf32, #tpu.memory_space<vmem>>) dst(%dma_wait3A_92 : memref<128x128xf32, #tpu.memory_space<hbm>>)
      %add3A_93 = arith.constant 4 : i32
      %add3A_94 = arith.addi %add3A_72, %add3A_93 : i32
      %lt3A_95 = arith.constant 10 : i32
      %lt3A_96 = arith.cmpi slt, %add3A_94, %lt3A_95 : i32
      %convert_element_type3A_97 = arith.extui %lt3A_96 : i1 to i32
      %cond3A_98 = arith.constant 0 : i32
      %cond3A_99 = arith.cmpi ne, %convert_element_type3A_97, %cond3A_98 : i32
      scf.if %cond3A_99 {
        %add3A_162 = arith.constant 4 : i32
        %add3A_163 = arith.addi %add3A_72, %add3A_162 : i32
        %mul3A_164 = arith.constant 128 : i32
        %mul3A_165 = arith.muli %add3A_163, %mul3A_164 : i32
        %dma_start3A_166 = tpu.memref_slice %arg5[%mul3A_165] : memref<1280xi32, #tpu.memory_space<vmem>> -> memref<128xi32, #tpu.memory_space<vmem>>
        %dma_start3A_167 = arith.constant 0 : i32
        %dma_start3A_168 = arith.constant 0 : i32
        %dma_start3A_169 = tpu.memref_slice %arg2[%dma_start3A_167, %dma_start3A_168] : memref<1000000x128xf32, #tpu.memory_space<hbm>> -> memref<1000000x128xf32, #tpu.memory_space<hbm>>
        tpu.enqueue_indirect_dma source(%dma_start3A_169 : memref<1000000x128xf32, #tpu.memory_space<hbm>>) target(%arg7 : memref<128x128xf32, #tpu.memory_space<vmem>>) offsets(%dma_start3A_166 : memref<128xi32, #tpu.memory_space<vmem>>) semaphore(%arg11 : memref<!tpu.dma_semaphore, #tpu.memory_space<semaphore_mem>>)
      } else {
      }
      %mul3A_100 = arith.constant 4 : i32
      %mul3A_101 = arith.muli %scan3A_40, %mul3A_100 : i32
      %add3A_102 = arith.constant 2 : i32
      %add3A_103 = arith.addi %mul3A_101, %add3A_102 : i32
      %mul3A_104 = arith.constant 128 : i32
      %mul3A_105 = arith.muli %add3A_103, %mul3A_104 : i32
      %dma_wait3A_106 = tpu.memref_slice %arg5[%mul3A_105] : memref<1280xi32, #tpu.memory_space<vmem>> -> memref<128xi32, #tpu.memory_space<vmem>>
      %dma_wait3A_107 = arith.constant 0 : i32
      %dma_wait3A_108 = arith.constant 0 : i32
      %dma_wait3A_109 = tpu.memref_slice %arg2[%dma_wait3A_107, %dma_wait3A_108] : memref<1000000x128xf32, #tpu.memory_space<hbm>> -> memref<1000000x128xf32, #tpu.memory_space<hbm>>
      tpu.wait_indirect_dma semaphore(%arg12 : memref<!tpu.dma_semaphore, #tpu.memory_space<semaphore_mem>>) src(%dma_wait3A_109 : memref<1000000x128xf32, #tpu.memory_space<hbm>>) dst(%arg8 : memref<128x128xf32, #tpu.memory_space<vmem>>)
      %mul3A_110 = arith.constant 128 : i32
      %mul3A_111 = arith.muli %add3A_103, %mul3A_110 : i32
      %add3A_112 = arith.addi %mul3A_2, %mul3A_111 : i32
      %dma_start3A_113 = arith.constant 0 : i32
      %dma_start3A_114 = tpu.memref_slice %arg4[%add3A_112, %dma_start3A_113] : memref<40960x128xf32, #tpu.memory_space<hbm>> -> memref<128x128xf32, #tpu.memory_space<hbm>>
      %dma_start3A_115 = arith.constant 0 : i32
      %dma_start3A_116 = tpu.memref_slice %arg4[%add3A_112, %dma_start3A_115] : memref<40960x128xf32, #tpu.memory_space<hbm>> -> memref<128x128xf32, #tpu.memory_space<hbm>>
      tpu.enqueue_dma source(%arg8 : memref<128x128xf32, #tpu.memory_space<vmem>>) target(%dma_start3A_116 : memref<128x128xf32, #tpu.memory_space<hbm>>) target_semaphore(%arg16 : memref<!tpu.dma_semaphore, #tpu.memory_space<semaphore_mem>>)
      %mul3A_117 = arith.constant 128 : i32
      %mul3A_118 = arith.muli %add3A_103, %mul3A_117 : i32
      %add3A_119 = arith.addi %mul3A_2, %mul3A_118 : i32
      %dma_wait3A_120 = arith.constant 0 : i32
      %dma_wait3A_121 = tpu.memref_slice %arg4[%add3A_119, %dma_wait3A_120] : memref<40960x128xf32, #tpu.memory_space<hbm>> -> memref<128x128xf32, #tpu.memory_space<hbm>>
      %dma_wait3A_122 = arith.constant 0 : i32
      %dma_wait3A_123 = tpu.memref_slice %arg4[%add3A_119, %dma_wait3A_122] : memref<40960x128xf32, #tpu.memory_space<hbm>> -> memref<128x128xf32, #tpu.memory_space<hbm>>
      tpu.wait_dma2 semaphore(%arg16 : memref<!tpu.dma_semaphore, #tpu.memory_space<semaphore_mem>>) src(%arg8 : memref<128x128xf32, #tpu.memory_space<vmem>>) dst(%dma_wait3A_123 : memref<128x128xf32, #tpu.memory_space<hbm>>)
      %add3A_124 = arith.constant 4 : i32
      %add3A_125 = arith.addi %add3A_103, %add3A_124 : i32
      %lt3A_126 = arith.constant 10 : i32
      %lt3A_127 = arith.cmpi slt, %add3A_125, %lt3A_126 : i32
      %convert_element_type3A_128 = arith.extui %lt3A_127 : i1 to i32
      %cond3A_129 = arith.constant 0 : i32
      %cond3A_130 = arith.cmpi ne, %convert_element_type3A_128, %cond3A_129 : i32
      scf.if %cond3A_130 {
        %add3A_162 = arith.constant 4 : i32
        %add3A_163 = arith.addi %add3A_103, %add3A_162 : i32
        %mul3A_164 = arith.constant 128 : i32
        %mul3A_165 = arith.muli %add3A_163, %mul3A_164 : i32
        %dma_start3A_166 = tpu.memref_slice %arg5[%mul3A_165] : memref<1280xi32, #tpu.memory_space<vmem>> -> memref<128xi32, #tpu.memory_space<vmem>>
        %dma_start3A_167 = arith.constant 0 : i32
        %dma_start3A_168 = arith.constant 0 : i32
        %dma_start3A_169 = tpu.memref_slice %arg2[%dma_start3A_167, %dma_start3A_168] : memref<1000000x128xf32, #tpu.memory_space<hbm>> -> memref<1000000x128xf32, #tpu.memory_space<hbm>>
        tpu.enqueue_indirect_dma source(%dma_start3A_169 : memref<1000000x128xf32, #tpu.memory_space<hbm>>) target(%arg8 : memref<128x128xf32, #tpu.memory_space<vmem>>) offsets(%dma_start3A_166 : memref<128xi32, #tpu.memory_space<vmem>>) semaphore(%arg12 : memref<!tpu.dma_semaphore, #tpu.memory_space<semaphore_mem>>)
      } else {
      }
      %mul3A_131 = arith.constant 4 : i32
      %mul3A_132 = arith.muli %scan3A_40, %mul3A_131 : i32
      %add3A_133 = arith.constant 3 : i32
      %add3A_134 = arith.addi %mul3A_132, %add3A_133 : i32
      %mul3A_135 = arith.constant 128 : i32
      %mul3A_136 = arith.muli %add3A_134, %mul3A_135 : i32
      %dma_wait3A_137 = tpu.memref_slice %arg5[%mul3A_136] : memref<1280xi32, #tpu.memory_space<vmem>> -> memref<128xi32, #tpu.memory_space<vmem>>
      %dma_wait3A_138 = arith.constant 0 : i32
      %dma_wait3A_139 = arith.constant 0 : i32
      %dma_wait3A_140 = tpu.memref_slice %arg2[%dma_wait3A_138, %dma_wait3A_139] : memref<1000000x128xf32, #tpu.memory_space<hbm>> -> memref<1000000x128xf32, #tpu.memory_space<hbm>>
      tpu.wait_indirect_dma semaphore(%arg13 : memref<!tpu.dma_semaphore, #tpu.memory_space<semaphore_mem>>) src(%dma_wait3A_140 : memref<1000000x128xf32, #tpu.memory_space<hbm>>) dst(%arg9 : memref<128x128xf32, #tpu.memory_space<vmem>>)
      %mul3A_141 = arith.constant 128 : i32
      %mul3A_142 = arith.muli %add3A_134, %mul3A_141 : i32
      %add3A_143 = arith.addi %mul3A_2, %mul3A_142 : i32
      %dma_start3A_144 = arith.constant 0 : i32
      %dma_start3A_145 = tpu.memref_slice %arg4[%add3A_143, %dma_start3A_144] : memref<40960x128xf32, #tpu.memory_space<hbm>> -> memref<128x128xf32, #tpu.memory_space<hbm>>
      %dma_start3A_146 = arith.constant 0 : i32
      %dma_start3A_147 = tpu.memref_slice %arg4[%add3A_143, %dma_start3A_146] : memref<40960x128xf32, #tpu.memory_space<hbm>> -> memref<128x128xf32, #tpu.memory_space<hbm>>
      tpu.enqueue_dma source(%arg9 : memref<128x128xf32, #tpu.memory_space<vmem>>) target(%dma_start3A_147 : memref<128x128xf32, #tpu.memory_space<hbm>>) target_semaphore(%arg17 : memref<!tpu.dma_semaphore, #tpu.memory_space<semaphore_mem>>)
      %mul3A_148 = arith.constant 128 : i32
      %mul3A_149 = arith.muli %add3A_134, %mul3A_148 : i32
      %add3A_150 = arith.addi %mul3A_2, %mul3A_149 : i32
      %dma_wait3A_151 = arith.constant 0 : i32
      %dma_wait3A_152 = tpu.memref_slice %arg4[%add3A_150, %dma_wait3A_151] : memref<40960x128xf32, #tpu.memory_space<hbm>> -> memref<128x128xf32, #tpu.memory_space<hbm>>
      %dma_wait3A_153 = arith.constant 0 : i32
      %dma_wait3A_154 = tpu.memref_slice %arg4[%add3A_150, %dma_wait3A_153] : memref<40960x128xf32, #tpu.memory_space<hbm>> -> memref<128x128xf32, #tpu.memory_space<hbm>>
      tpu.wait_dma2 semaphore(%arg17 : memref<!tpu.dma_semaphore, #tpu.memory_space<semaphore_mem>>) src(%arg9 : memref<128x128xf32, #tpu.memory_space<vmem>>) dst(%dma_wait3A_154 : memref<128x128xf32, #tpu.memory_space<hbm>>)
      %add3A_155 = arith.constant 4 : i32
      %add3A_156 = arith.addi %add3A_134, %add3A_155 : i32
      %lt3A_157 = arith.constant 10 : i32
      %lt3A_158 = arith.cmpi slt, %add3A_156, %lt3A_157 : i32
      %convert_element_type3A_159 = arith.extui %lt3A_158 : i1 to i32
      %cond3A_160 = arith.constant 0 : i32
      %cond3A_161 = arith.cmpi ne, %convert_element_type3A_159, %cond3A_160 : i32
      scf.if %cond3A_161 {
        %add3A_162 = arith.constant 4 : i32
        %add3A_163 = arith.addi %add3A_134, %add3A_162 : i32
        %mul3A_164 = arith.constant 128 : i32
        %mul3A_165 = arith.muli %add3A_163, %mul3A_164 : i32
        %dma_start3A_166 = tpu.memref_slice %arg5[%mul3A_165] : memref<1280xi32, #tpu.memory_space<vmem>> -> memref<128xi32, #tpu.memory_space<vmem>>
        %dma_start3A_167 = arith.constant 0 : i32
        %dma_start3A_168 = arith.constant 0 : i32
        %dma_start3A_169 = tpu.memref_slice %arg2[%dma_start3A_167, %dma_start3A_168] : memref<1000000x128xf32, #tpu.memory_space<hbm>> -> memref<1000000x128xf32, #tpu.memory_space<hbm>>
        tpu.enqueue_indirect_dma source(%dma_start3A_169 : memref<1000000x128xf32, #tpu.memory_space<hbm>>) target(%arg9 : memref<128x128xf32, #tpu.memory_space<vmem>>) offsets(%dma_start3A_166 : memref<128xi32, #tpu.memory_space<vmem>>) semaphore(%arg13 : memref<!tpu.dma_semaphore, #tpu.memory_space<semaphore_mem>>)
      } else {
      }
    }
    %scan3A_26 = arith.constant 2 : i32
    %dma_wait3A = arith.constant 1024 : i32
    %dma_wait3A_27 = tpu.memref_slice %arg5[%dma_wait3A] : memref<1280xi32, #tpu.memory_space<vmem>> -> memref<128xi32, #tpu.memory_space<vmem>>
    %dma_wait3A_28 = arith.constant 0 : i32
    %dma_wait3A_29 = arith.constant 0 : i32
    %dma_wait3A_30 = tpu.memref_slice %arg2[%dma_wait3A_28, %dma_wait3A_29] : memref<1000000x128xf32, #tpu.memory_space<hbm>> -> memref<1000000x128xf32, #tpu.memory_space<hbm>>
    tpu.wait_indirect_dma semaphore(%arg10 : memref<!tpu.dma_semaphore, #tpu.memory_space<semaphore_mem>>) src(%dma_wait3A_30 : memref<1000000x128xf32, #tpu.memory_space<hbm>>) dst(%arg6 : memref<128x128xf32, #tpu.memory_space<vmem>>)
    %add3A_31 = arith.constant 1024 : i32
    %add3A_32 = arith.addi %mul3A_2, %add3A_31 : i32
    "tpu.region"() ({
      %run_scoped3A = tpu.sem_alloc : memref<!tpu.dma_semaphore, #tpu.memory_space<semaphore_mem>>
      %dma_start3A_40 = arith.constant 0 : i32
      %dma_start3A_41 = tpu.memref_slice %arg4[%add3A_32, %dma_start3A_40] : memref<40960x128xf32, #tpu.memory_space<hbm>> -> memref<128x128xf32, #tpu.memory_space<hbm>>
      %dma_start3A_42 = arith.constant 0 : i32
      %dma_start3A_43 = tpu.memref_slice %arg4[%add3A_32, %dma_start3A_42] : memref<40960x128xf32, #tpu.memory_space<hbm>> -> memref<128x128xf32, #tpu.memory_space<hbm>>
      tpu.enqueue_dma source(%arg6 : memref<128x128xf32, #tpu.memory_space<vmem>>) target(%dma_start3A_43 : memref<128x128xf32, #tpu.memory_space<hbm>>) target_semaphore(%run_scoped3A : memref<!tpu.dma_semaphore, #tpu.memory_space<semaphore_mem>>)
      %dma_wait3A_44 = arith.constant 0 : i32
      %dma_wait3A_45 = tpu.memref_slice %arg4[%add3A_32, %dma_wait3A_44] : memref<40960x128xf32, #tpu.memory_space<hbm>> -> memref<128x128xf32, #tpu.memory_space<hbm>>
      %dma_wait3A_46 = arith.constant 0 : i32
      %dma_wait3A_47 = tpu.memref_slice %arg4[%add3A_32, %dma_wait3A_46] : memref<40960x128xf32, #tpu.memory_space<hbm>> -> memref<128x128xf32, #tpu.memory_space<hbm>>
      tpu.wait_dma2 semaphore(%run_scoped3A : memref<!tpu.dma_semaphore, #tpu.memory_space<semaphore_mem>>) src(%arg6 : memref<128x128xf32, #tpu.memory_space<vmem>>) dst(%dma_wait3A_47 : memref<128x128xf32, #tpu.memory_space<hbm>>)
      tpu.yield
    }) : () -> ()
    %dma_wait3A_33 = arith.constant 1152 : i32
    %dma_wait3A_34 = tpu.memref_slice %arg5[%dma_wait3A_33] : memref<1280xi32, #tpu.memory_space<vmem>> -> memref<128xi32, #tpu.memory_space<vmem>>
    %dma_wait3A_35 = arith.constant 0 : i32
    %dma_wait3A_36 = arith.constant 0 : i32
    %dma_wait3A_37 = tpu.memref_slice %arg2[%dma_wait3A_35, %dma_wait3A_36] : memref<1000000x128xf32, #tpu.memory_space<hbm>> -> memref<1000000x128xf32, #tpu.memory_space<hbm>>
    tpu.wait_indirect_dma semaphore(%arg11 : memref<!tpu.dma_semaphore, #tpu.memory_space<semaphore_mem>>) src(%dma_wait3A_37 : memref<1000000x128xf32, #tpu.memory_space<hbm>>) dst(%arg7 : memref<128x128xf32, #tpu.memory_space<vmem>>)
    %add3A_38 = arith.constant 1152 : i32
    %add3A_39 = arith.addi %mul3A_2, %add3A_38 : i32
    "tpu.region"() ({
      %run_scoped3A = tpu.sem_alloc : memref<!tpu.dma_semaphore, #tpu.memory_space<semaphore_mem>>
      %dma_start3A_40 = arith.constant 0 : i32
      %dma_start3A_41 = tpu.memref_slice %arg4[%add3A_39, %dma_start3A_40] : memref<40960x128xf32, #tpu.memory_space<hbm>> -> memref<128x128xf32, #tpu.memory_space<hbm>>
      %dma_start3A_42 = arith.constant 0 : i32
      %dma_start3A_43 = tpu.memref_slice %arg4[%add3A_39, %dma_start3A_42] : memref<40960x128xf32, #tpu.memory_space<hbm>> -> memref<128x128xf32, #tpu.memory_space<hbm>>
      tpu.enqueue_dma source(%arg7 : memref<128x128xf32, #tpu.memory_space<vmem>>) target(%dma_start3A_43 : memref<128x128xf32, #tpu.memory_space<hbm>>) target_semaphore(%run_scoped3A : memref<!tpu.dma_semaphore, #tpu.memory_space<semaphore_mem>>)
      %dma_wait3A_44 = arith.constant 0 : i32
      %dma_wait3A_45 = tpu.memref_slice %arg4[%add3A_39, %dma_wait3A_44] : memref<40960x128xf32, #tpu.memory_space<hbm>> -> memref<128x128xf32, #tpu.memory_space<hbm>>
      %dma_wait3A_46 = arith.constant 0 : i32
      %dma_wait3A_47 = tpu.memref_slice %arg4[%add3A_39, %dma_wait3A_46] : memref<40960x128xf32, #tpu.memory_space<hbm>> -> memref<128x128xf32, #tpu.memory_space<hbm>>
      tpu.wait_dma2 semaphore(%run_scoped3A : memref<!tpu.dma_semaphore, #tpu.memory_space<semaphore_mem>>) src(%arg7 : memref<128x128xf32, #tpu.memory_space<vmem>>) dst(%dma_wait3A_47 : memref<128x128xf32, #tpu.memory_space<hbm>>)
      tpu.yield
    }) : () -> ()
    return
  }
}

#map = affine_map<(d0, d1) -> (0, 0)>
module attributes {stable_mosaic.version = 14 : i64} {
  func.func @_gather_body(%arg0: i32, %arg1: i32, %arg2: memref<1000000x128xf32, #tpu.memory_space<hbm>>, %arg3: memref<32x1280xi32, #tpu.memory_space<hbm>>, %arg4: memref<40960x128xf32, #tpu.memory_space<hbm>>, %arg5: memref<1280xi32, #tpu.memory_space<vmem>>, %arg6: memref<128x128xf32, #tpu.memory_space<vmem>>, %arg7: memref<128x128xf32, #tpu.memory_space<vmem>>, %arg8: memref<128x128xf32, #tpu.memory_space<vmem>>, %arg9: memref<128x128xf32, #tpu.memory_space<vmem>>, %arg10: memref<!tpu.dma_semaphore, #tpu.memory_space<semaphore_mem>>, %arg11: memref<!tpu.dma_semaphore, #tpu.memory_space<semaphore_mem>>, %arg12: memref<!tpu.dma_semaphore, #tpu.memory_space<semaphore_mem>>, %arg13: memref<!tpu.dma_semaphore, #tpu.memory_space<semaphore_mem>>, %arg14: memref<!tpu.dma_semaphore, #tpu.memory_space<semaphore_mem>>, %arg15: memref<!tpu.dma_semaphore, #tpu.memory_space<semaphore_mem>>, %arg16: memref<!tpu.dma_semaphore, #tpu.memory_space<semaphore_mem>>, %arg17: memref<!tpu.dma_semaphore, #tpu.memory_space<semaphore_mem>>) attributes {dimension_semantics = [#tpu.dimension_semantics<core_parallel>, #tpu.dimension_semantics<subcore_parallel>], iteration_bounds = array<i64: 2, 16>, scalar_prefetch = 0 : i64, scratch_operands = 13 : i64, tpu.core_type = #tpu.core_type<sc_vector_subcore>, window_params = [{transform_indices = #map}, {transform_indices = #map}, {transform_indices = #map}]} {
    %mul3A = arith.constant 2 : i32
    %mul3A_0 = arith.muli %arg1, %mul3A : i32
    %add3A = arith.addi %mul3A_0, %arg0 : i32
    %mul3A_1 = arith.constant 1280 : i32
    %mul3A_2 = arith.muli %add3A, %mul3A_1 : i32
    "tpu.region"() ({
      %run_scoped3A = tpu.sem_alloc : memref<!tpu.dma_semaphore, #tpu.memory_space<semaphore_mem>>
      %dma_start3A_40 = arith.constant 0 : i32
      %dma_start3A_41 = tpu.memref_slice %arg3[%add3A, %dma_start3A_40] : memref<32x1280xi32, #tpu.memory_space<hbm>> -> memref<1x1280xi32, #tpu.memory_space<hbm>>
      %dma_start3A_42 = tpu.memref_squeeze %dma_start3A_41 : memref<1x1280xi32, #tpu.memory_space<hbm>> -> memref<1280xi32, #tpu.memory_space<hbm>>
      %dma_start3A_43 = arith.constant 0 : i32
      %dma_start3A_44 = tpu.memref_slice %arg3[%add3A, %dma_start3A_43] : memref<32x1280xi32, #tpu.memory_space<hbm>> -> memref<1x1280xi32, #tpu.memory_space<hbm>>
      %dma_start3A_45 = tpu.memref_squeeze %dma_start3A_44 : memref<1x1280xi32, #tpu.memory_space<hbm>> -> memref<1280xi32, #tpu.memory_space<hbm>>
      tpu.enqueue_dma source(%dma_start3A_45 : memref<1280xi32, #tpu.memory_space<hbm>>) target(%arg5 : memref<1280xi32, #tpu.memory_space<vmem>>) target_semaphore(%run_scoped3A : memref<!tpu.dma_semaphore, #tpu.memory_space<semaphore_mem>>)
      %dma_wait3A_46 = arith.constant 0 : i32
      %dma_wait3A_47 = tpu.memref_slice %arg3[%add3A, %dma_wait3A_46] : memref<32x1280xi32, #tpu.memory_space<hbm>> -> memref<1x1280xi32, #tpu.memory_space<hbm>>
      %dma_wait3A_48 = tpu.memref_squeeze %dma_wait3A_47 : memref<1x1280xi32, #tpu.memory_space<hbm>> -> memref<1280xi32, #tpu.memory_space<hbm>>
      %dma_wait3A_49 = arith.constant 0 : i32
      %dma_wait3A_50 = tpu.memref_slice %arg3[%add3A, %dma_wait3A_49] : memref<32x1280xi32, #tpu.memory_space<hbm>> -> memref<1x1280xi32, #tpu.memory_space<hbm>>
      %dma_wait3A_51 = tpu.memref_squeeze %dma_wait3A_50 : memref<1x1280xi32, #tpu.memory_space<hbm>> -> memref<1280xi32, #tpu.memory_space<hbm>>
      tpu.wait_dma2 semaphore(%run_scoped3A : memref<!tpu.dma_semaphore, #tpu.memory_space<semaphore_mem>>) src(%dma_wait3A_51 : memref<1280xi32, #tpu.memory_space<hbm>>) dst(%arg5 : memref<1280xi32, #tpu.memory_space<vmem>>)
      tpu.yield
    }) : () -> ()
    %dma_start3A = arith.constant 0 : i32
    %dma_start3A_3 = tpu.memref_slice %arg5[%dma_start3A] : memref<1280xi32, #tpu.memory_space<vmem>> -> memref<128xi32, #tpu.memory_space<vmem>>
    %dma_start3A_4 = arith.constant 0 : i32
    %dma_start3A_5 = arith.constant 0 : i32
    %dma_start3A_6 = tpu.memref_slice %arg2[%dma_start3A_4, %dma_start3A_5] : memref<1000000x128xf32, #tpu.memory_space<hbm>> -> memref<1000000x128xf32, #tpu.memory_space<hbm>>
    tpu.enqueue_indirect_dma source(%dma_start3A_6 : memref<1000000x128xf32, #tpu.memory_space<hbm>>) target(%arg6 : memref<128x128xf32, #tpu.memory_space<vmem>>) offsets(%dma_start3A_3 : memref<128xi32, #tpu.memory_space<vmem>>) semaphore(%arg10 : memref<!tpu.dma_semaphore, #tpu.memory_space<semaphore_mem>>)
    %dma_start3A_7 = arith.constant 128 : i32
    %dma_start3A_8 = tpu.memref_slice %arg5[%dma_start3A_7] : memref<1280xi32, #tpu.memory_space<vmem>> -> memref<128xi32, #tpu.memory_space<vmem>>
    %dma_start3A_9 = arith.constant 0 : i32
    %dma_start3A_10 = arith.constant 0 : i32
    %dma_start3A_11 = tpu.memref_slice %arg2[%dma_start3A_9, %dma_start3A_10] : memref<1000000x128xf32, #tpu.memory_space<hbm>> -> memref<1000000x128xf32, #tpu.memory_space<hbm>>
    tpu.enqueue_indirect_dma source(%dma_start3A_11 : memref<1000000x128xf32, #tpu.memory_space<hbm>>) target(%arg7 : memref<128x128xf32, #tpu.memory_space<vmem>>) offsets(%dma_start3A_8 : memref<128xi32, #tpu.memory_space<vmem>>) semaphore(%arg11 : memref<!tpu.dma_semaphore, #tpu.memory_space<semaphore_mem>>)
    %dma_start3A_12 = arith.constant 256 : i32
    %dma_start3A_13 = tpu.memref_slice %arg5[%dma_start3A_12] : memref<1280xi32, #tpu.memory_space<vmem>> -> memref<128xi32, #tpu.memory_space<vmem>>
    %dma_start3A_14 = arith.constant 0 : i32
    %dma_start3A_15 = arith.constant 0 : i32
    %dma_start3A_16 = tpu.memref_slice %arg2[%dma_start3A_14, %dma_start3A_15] : memref<1000000x128xf32, #tpu.memory_space<hbm>> -> memref<1000000x128xf32, #tpu.memory_space<hbm>>
    tpu.enqueue_indirect_dma source(%dma_start3A_16 : memref<1000000x128xf32, #tpu.memory_space<hbm>>) target(%arg8 : memref<128x128xf32, #tpu.memory_space<vmem>>) offsets(%dma_start3A_13 : memref<128xi32, #tpu.memory_space<vmem>>) semaphore(%arg12 : memref<!tpu.dma_semaphore, #tpu.memory_space<semaphore_mem>>)
    %dma_start3A_17 = arith.constant 384 : i32
    %dma_start3A_18 = tpu.memref_slice %arg5[%dma_start3A_17] : memref<1280xi32, #tpu.memory_space<vmem>> -> memref<128xi32, #tpu.memory_space<vmem>>
    %dma_start3A_19 = arith.constant 0 : i32
    %dma_start3A_20 = arith.constant 0 : i32
    %dma_start3A_21 = tpu.memref_slice %arg2[%dma_start3A_19, %dma_start3A_20] : memref<1000000x128xf32, #tpu.memory_space<hbm>> -> memref<1000000x128xf32, #tpu.memory_space<hbm>>
    tpu.enqueue_indirect_dma source(%dma_start3A_21 : memref<1000000x128xf32, #tpu.memory_space<hbm>>) target(%arg9 : memref<128x128xf32, #tpu.memory_space<vmem>>) offsets(%dma_start3A_18 : memref<128xi32, #tpu.memory_space<vmem>>) semaphore(%arg13 : memref<!tpu.dma_semaphore, #tpu.memory_space<semaphore_mem>>)
    %scan3A = arith.constant 0 : i32
    %scan3A_22 = arith.constant 0 : i32
    %scan3A_23 = arith.constant 2 : i32
    %scan3A_24 = arith.addi %scan3A_22, %scan3A_23 : i32
    %scan3A_25 = arith.constant 1 : i32
    scf.for %scan3A_40 = %scan3A_22 to %scan3A_24 step %scan3A_25  : i32 {
      %mul3A_41 = arith.constant 4 : i32
      %mul3A_42 = arith.muli %scan3A_40, %mul3A_41 : i32
      %add3A_43 = arith.constant 0 : i32
      %add3A_44 = arith.addi %mul3A_42, %add3A_43 : i32
      %mul3A_45 = arith.constant 128 : i32
      %mul3A_46 = arith.muli %add3A_44, %mul3A_45 : i32
      %dma_wait3A_47 = tpu.memref_slice %arg5[%mul3A_46] : memref<1280xi32, #tpu.memory_space<vmem>> -> memref<128xi32, #tpu.memory_space<vmem>>
      %dma_wait3A_48 = arith.constant 0 : i32
      %dma_wait3A_49 = arith.constant 0 : i32
      %dma_wait3A_50 = tpu.memref_slice %arg2[%dma_wait3A_48, %dma_wait3A_49] : memref<1000000x128xf32, #tpu.memory_space<hbm>> -> memref<1000000x128xf32, #tpu.memory_space<hbm>>
      tpu.wait_indirect_dma semaphore(%arg10 : memref<!tpu.dma_semaphore, #tpu.memory_space<semaphore_mem>>) src(%dma_wait3A_50 : memref<1000000x128xf32, #tpu.memory_space<hbm>>) dst(%arg6 : memref<128x128xf32, #tpu.memory_space<vmem>>)
      %mul3A_51 = arith.constant 128 : i32
      %mul3A_52 = arith.muli %add3A_44, %mul3A_51 : i32
      %add3A_53 = arith.addi %mul3A_2, %mul3A_52 : i32
      %dma_start3A_54 = arith.constant 0 : i32
      %dma_start3A_55 = tpu.memref_slice %arg4[%add3A_53, %dma_start3A_54] : memref<40960x128xf32, #tpu.memory_space<hbm>> -> memref<128x128xf32, #tpu.memory_space<hbm>>
      %dma_start3A_56 = arith.constant 0 : i32
      %dma_start3A_57 = tpu.memref_slice %arg4[%add3A_53, %dma_start3A_56] : memref<40960x128xf32, #tpu.memory_space<hbm>> -> memref<128x128xf32, #tpu.memory_space<hbm>>
      tpu.enqueue_dma source(%arg6 : memref<128x128xf32, #tpu.memory_space<vmem>>) target(%dma_start3A_57 : memref<128x128xf32, #tpu.memory_space<hbm>>) target_semaphore(%arg14 : memref<!tpu.dma_semaphore, #tpu.memory_space<semaphore_mem>>)
      %mul3A_58 = arith.constant 128 : i32
      %mul3A_59 = arith.muli %add3A_44, %mul3A_58 : i32
      %add3A_60 = arith.addi %mul3A_2, %mul3A_59 : i32
      %dma_wait3A_61 = arith.constant 0 : i32
      %dma_wait3A_62 = tpu.memref_slice %arg4[%add3A_60, %dma_wait3A_61] : memref<40960x128xf32, #tpu.memory_space<hbm>> -> memref<128x128xf32, #tpu.memory_space<hbm>>
      %dma_wait3A_63 = arith.constant 0 : i32
      %dma_wait3A_64 = tpu.memref_slice %arg4[%add3A_60, %dma_wait3A_63] : memref<40960x128xf32, #tpu.memory_space<hbm>> -> memref<128x128xf32, #tpu.memory_space<hbm>>
      tpu.wait_dma2 semaphore(%arg14 : memref<!tpu.dma_semaphore, #tpu.memory_space<semaphore_mem>>) src(%arg6 : memref<128x128xf32, #tpu.memory_space<vmem>>) dst(%dma_wait3A_64 : memref<128x128xf32, #tpu.memory_space<hbm>>)
      %add3A_65 = arith.constant 4 : i32
      %add3A_66 = arith.addi %add3A_44, %add3A_65 : i32
      %lt3A = arith.constant 10 : i32
      %lt3A_67 = arith.cmpi slt, %add3A_66, %lt3A : i32
      %convert_element_type3A = arith.extui %lt3A_67 : i1 to i32
      %cond3A = arith.constant 0 : i32
      %cond3A_68 = arith.cmpi ne, %convert_element_type3A, %cond3A : i32
      scf.if %cond3A_68 {
        %add3A_162 = arith.constant 4 : i32
        %add3A_163 = arith.addi %add3A_44, %add3A_162 : i32
        %mul3A_164 = arith.constant 128 : i32
        %mul3A_165 = arith.muli %add3A_163, %mul3A_164 : i32
        %dma_start3A_166 = tpu.memref_slice %arg5[%mul3A_165] : memref<1280xi32, #tpu.memory_space<vmem>> -> memref<128xi32, #tpu.memory_space<vmem>>
        %dma_start3A_167 = arith.constant 0 : i32
        %dma_start3A_168 = arith.constant 0 : i32
        %dma_start3A_169 = tpu.memref_slice %arg2[%dma_start3A_167, %dma_start3A_168] : memref<1000000x128xf32, #tpu.memory_space<hbm>> -> memref<1000000x128xf32, #tpu.memory_space<hbm>>
        tpu.enqueue_indirect_dma source(%dma_start3A_169 : memref<1000000x128xf32, #tpu.memory_space<hbm>>) target(%arg6 : memref<128x128xf32, #tpu.memory_space<vmem>>) offsets(%dma_start3A_166 : memref<128xi32, #tpu.memory_space<vmem>>) semaphore(%arg10 : memref<!tpu.dma_semaphore, #tpu.memory_space<semaphore_mem>>)
      } else {
      }
      %mul3A_69 = arith.constant 4 : i32
      %mul3A_70 = arith.muli %scan3A_40, %mul3A_69 : i32
      %add3A_71 = arith.constant 1 : i32
      %add3A_72 = arith.addi %mul3A_70, %add3A_71 : i32
      %mul3A_73 = arith.constant 128 : i32
      %mul3A_74 = arith.muli %add3A_72, %mul3A_73 : i32
      %dma_wait3A_75 = tpu.memref_slice %arg5[%mul3A_74] : memref<1280xi32, #tpu.memory_space<vmem>> -> memref<128xi32, #tpu.memory_space<vmem>>
      %dma_wait3A_76 = arith.constant 0 : i32
      %dma_wait3A_77 = arith.constant 0 : i32
      %dma_wait3A_78 = tpu.memref_slice %arg2[%dma_wait3A_76, %dma_wait3A_77] : memref<1000000x128xf32, #tpu.memory_space<hbm>> -> memref<1000000x128xf32, #tpu.memory_space<hbm>>
      tpu.wait_indirect_dma semaphore(%arg11 : memref<!tpu.dma_semaphore, #tpu.memory_space<semaphore_mem>>) src(%dma_wait3A_78 : memref<1000000x128xf32, #tpu.memory_space<hbm>>) dst(%arg7 : memref<128x128xf32, #tpu.memory_space<vmem>>)
      %mul3A_79 = arith.constant 128 : i32
      %mul3A_80 = arith.muli %add3A_72, %mul3A_79 : i32
      %add3A_81 = arith.addi %mul3A_2, %mul3A_80 : i32
      %dma_start3A_82 = arith.constant 0 : i32
      %dma_start3A_83 = tpu.memref_slice %arg4[%add3A_81, %dma_start3A_82] : memref<40960x128xf32, #tpu.memory_space<hbm>> -> memref<128x128xf32, #tpu.memory_space<hbm>>
      %dma_start3A_84 = arith.constant 0 : i32
      %dma_start3A_85 = tpu.memref_slice %arg4[%add3A_81, %dma_start3A_84] : memref<40960x128xf32, #tpu.memory_space<hbm>> -> memref<128x128xf32, #tpu.memory_space<hbm>>
      tpu.enqueue_dma source(%arg7 : memref<128x128xf32, #tpu.memory_space<vmem>>) target(%dma_start3A_85 : memref<128x128xf32, #tpu.memory_space<hbm>>) target_semaphore(%arg15 : memref<!tpu.dma_semaphore, #tpu.memory_space<semaphore_mem>>)
      %mul3A_86 = arith.constant 128 : i32
      %mul3A_87 = arith.muli %add3A_72, %mul3A_86 : i32
      %add3A_88 = arith.addi %mul3A_2, %mul3A_87 : i32
      %dma_wait3A_89 = arith.constant 0 : i32
      %dma_wait3A_90 = tpu.memref_slice %arg4[%add3A_88, %dma_wait3A_89] : memref<40960x128xf32, #tpu.memory_space<hbm>> -> memref<128x128xf32, #tpu.memory_space<hbm>>
      %dma_wait3A_91 = arith.constant 0 : i32
      %dma_wait3A_92 = tpu.memref_slice %arg4[%add3A_88, %dma_wait3A_91] : memref<40960x128xf32, #tpu.memory_space<hbm>> -> memref<128x128xf32, #tpu.memory_space<hbm>>
      tpu.wait_dma2 semaphore(%arg15 : memref<!tpu.dma_semaphore, #tpu.memory_space<semaphore_mem>>) src(%arg7 : memref<128x128xf32, #tpu.memory_space<vmem>>) dst(%dma_wait3A_92 : memref<128x128xf32, #tpu.memory_space<hbm>>)
      %add3A_93 = arith.constant 4 : i32
      %add3A_94 = arith.addi %add3A_72, %add3A_93 : i32
      %lt3A_95 = arith.constant 10 : i32
      %lt3A_96 = arith.cmpi slt, %add3A_94, %lt3A_95 : i32
      %convert_element_type3A_97 = arith.extui %lt3A_96 : i1 to i32
      %cond3A_98 = arith.constant 0 : i32
      %cond3A_99 = arith.cmpi ne, %convert_element_type3A_97, %cond3A_98 : i32
      scf.if %cond3A_99 {
        %add3A_162 = arith.constant 4 : i32
        %add3A_163 = arith.addi %add3A_72, %add3A_162 : i32
        %mul3A_164 = arith.constant 128 : i32
        %mul3A_165 = arith.muli %add3A_163, %mul3A_164 : i32
        %dma_start3A_166 = tpu.memref_slice %arg5[%mul3A_165] : memref<1280xi32, #tpu.memory_space<vmem>> -> memref<128xi32, #tpu.memory_space<vmem>>
        %dma_start3A_167 = arith.constant 0 : i32
        %dma_start3A_168 = arith.constant 0 : i32
        %dma_start3A_169 = tpu.memref_slice %arg2[%dma_start3A_167, %dma_start3A_168] : memref<1000000x128xf32, #tpu.memory_space<hbm>> -> memref<1000000x128xf32, #tpu.memory_space<hbm>>
        tpu.enqueue_indirect_dma source(%dma_start3A_169 : memref<1000000x128xf32, #tpu.memory_space<hbm>>) target(%arg7 : memref<128x128xf32, #tpu.memory_space<vmem>>) offsets(%dma_start3A_166 : memref<128xi32, #tpu.memory_space<vmem>>) semaphore(%arg11 : memref<!tpu.dma_semaphore, #tpu.memory_space<semaphore_mem>>)
      } else {
      }
      %mul3A_100 = arith.constant 4 : i32
      %mul3A_101 = arith.muli %scan3A_40, %mul3A_100 : i32
      %add3A_102 = arith.constant 2 : i32
      %add3A_103 = arith.addi %mul3A_101, %add3A_102 : i32
      %mul3A_104 = arith.constant 128 : i32
      %mul3A_105 = arith.muli %add3A_103, %mul3A_104 : i32
      %dma_wait3A_106 = tpu.memref_slice %arg5[%mul3A_105] : memref<1280xi32, #tpu.memory_space<vmem>> -> memref<128xi32, #tpu.memory_space<vmem>>
      %dma_wait3A_107 = arith.constant 0 : i32
      %dma_wait3A_108 = arith.constant 0 : i32
      %dma_wait3A_109 = tpu.memref_slice %arg2[%dma_wait3A_107, %dma_wait3A_108] : memref<1000000x128xf32, #tpu.memory_space<hbm>> -> memref<1000000x128xf32, #tpu.memory_space<hbm>>
      tpu.wait_indirect_dma semaphore(%arg12 : memref<!tpu.dma_semaphore, #tpu.memory_space<semaphore_mem>>) src(%dma_wait3A_109 : memref<1000000x128xf32, #tpu.memory_space<hbm>>) dst(%arg8 : memref<128x128xf32, #tpu.memory_space<vmem>>)
      %mul3A_110 = arith.constant 128 : i32
      %mul3A_111 = arith.muli %add3A_103, %mul3A_110 : i32
      %add3A_112 = arith.addi %mul3A_2, %mul3A_111 : i32
      %dma_start3A_113 = arith.constant 0 : i32
      %dma_start3A_114 = tpu.memref_slice %arg4[%add3A_112, %dma_start3A_113] : memref<40960x128xf32, #tpu.memory_space<hbm>> -> memref<128x128xf32, #tpu.memory_space<hbm>>
      %dma_start3A_115 = arith.constant 0 : i32
      %dma_start3A_116 = tpu.memref_slice %arg4[%add3A_112, %dma_start3A_115] : memref<40960x128xf32, #tpu.memory_space<hbm>> -> memref<128x128xf32, #tpu.memory_space<hbm>>
      tpu.enqueue_dma source(%arg8 : memref<128x128xf32, #tpu.memory_space<vmem>>) target(%dma_start3A_116 : memref<128x128xf32, #tpu.memory_space<hbm>>) target_semaphore(%arg16 : memref<!tpu.dma_semaphore, #tpu.memory_space<semaphore_mem>>)
      %mul3A_117 = arith.constant 128 : i32
      %mul3A_118 = arith.muli %add3A_103, %mul3A_117 : i32
      %add3A_119 = arith.addi %mul3A_2, %mul3A_118 : i32
      %dma_wait3A_120 = arith.constant 0 : i32
      %dma_wait3A_121 = tpu.memref_slice %arg4[%add3A_119, %dma_wait3A_120] : memref<40960x128xf32, #tpu.memory_space<hbm>> -> memref<128x128xf32, #tpu.memory_space<hbm>>
      %dma_wait3A_122 = arith.constant 0 : i32
      %dma_wait3A_123 = tpu.memref_slice %arg4[%add3A_119, %dma_wait3A_122] : memref<40960x128xf32, #tpu.memory_space<hbm>> -> memref<128x128xf32, #tpu.memory_space<hbm>>
      tpu.wait_dma2 semaphore(%arg16 : memref<!tpu.dma_semaphore, #tpu.memory_space<semaphore_mem>>) src(%arg8 : memref<128x128xf32, #tpu.memory_space<vmem>>) dst(%dma_wait3A_123 : memref<128x128xf32, #tpu.memory_space<hbm>>)
      %add3A_124 = arith.constant 4 : i32
      %add3A_125 = arith.addi %add3A_103, %add3A_124 : i32
      %lt3A_126 = arith.constant 10 : i32
      %lt3A_127 = arith.cmpi slt, %add3A_125, %lt3A_126 : i32
      %convert_element_type3A_128 = arith.extui %lt3A_127 : i1 to i32
      %cond3A_129 = arith.constant 0 : i32
      %cond3A_130 = arith.cmpi ne, %convert_element_type3A_128, %cond3A_129 : i32
      scf.if %cond3A_130 {
        %add3A_162 = arith.constant 4 : i32
        %add3A_163 = arith.addi %add3A_103, %add3A_162 : i32
        %mul3A_164 = arith.constant 128 : i32
        %mul3A_165 = arith.muli %add3A_163, %mul3A_164 : i32
        %dma_start3A_166 = tpu.memref_slice %arg5[%mul3A_165] : memref<1280xi32, #tpu.memory_space<vmem>> -> memref<128xi32, #tpu.memory_space<vmem>>
        %dma_start3A_167 = arith.constant 0 : i32
        %dma_start3A_168 = arith.constant 0 : i32
        %dma_start3A_169 = tpu.memref_slice %arg2[%dma_start3A_167, %dma_start3A_168] : memref<1000000x128xf32, #tpu.memory_space<hbm>> -> memref<1000000x128xf32, #tpu.memory_space<hbm>>
        tpu.enqueue_indirect_dma source(%dma_start3A_169 : memref<1000000x128xf32, #tpu.memory_space<hbm>>) target(%arg8 : memref<128x128xf32, #tpu.memory_space<vmem>>) offsets(%dma_start3A_166 : memref<128xi32, #tpu.memory_space<vmem>>) semaphore(%arg12 : memref<!tpu.dma_semaphore, #tpu.memory_space<semaphore_mem>>)
      } else {
      }
      %mul3A_131 = arith.constant 4 : i32
      %mul3A_132 = arith.muli %scan3A_40, %mul3A_131 : i32
      %add3A_133 = arith.constant 3 : i32
      %add3A_134 = arith.addi %mul3A_132, %add3A_133 : i32
      %mul3A_135 = arith.constant 128 : i32
      %mul3A_136 = arith.muli %add3A_134, %mul3A_135 : i32
      %dma_wait3A_137 = tpu.memref_slice %arg5[%mul3A_136] : memref<1280xi32, #tpu.memory_space<vmem>> -> memref<128xi32, #tpu.memory_space<vmem>>
      %dma_wait3A_138 = arith.constant 0 : i32
      %dma_wait3A_139 = arith.constant 0 : i32
      %dma_wait3A_140 = tpu.memref_slice %arg2[%dma_wait3A_138, %dma_wait3A_139] : memref<1000000x128xf32, #tpu.memory_space<hbm>> -> memref<1000000x128xf32, #tpu.memory_space<hbm>>
      tpu.wait_indirect_dma semaphore(%arg13 : memref<!tpu.dma_semaphore, #tpu.memory_space<semaphore_mem>>) src(%dma_wait3A_140 : memref<1000000x128xf32, #tpu.memory_space<hbm>>) dst(%arg9 : memref<128x128xf32, #tpu.memory_space<vmem>>)
      %mul3A_141 = arith.constant 128 : i32
      %mul3A_142 = arith.muli %add3A_134, %mul3A_141 : i32
      %add3A_143 = arith.addi %mul3A_2, %mul3A_142 : i32
      %dma_start3A_144 = arith.constant 0 : i32
      %dma_start3A_145 = tpu.memref_slice %arg4[%add3A_143, %dma_start3A_144] : memref<40960x128xf32, #tpu.memory_space<hbm>> -> memref<128x128xf32, #tpu.memory_space<hbm>>
      %dma_start3A_146 = arith.constant 0 : i32
      %dma_start3A_147 = tpu.memref_slice %arg4[%add3A_143, %dma_start3A_146] : memref<40960x128xf32, #tpu.memory_space<hbm>> -> memref<128x128xf32, #tpu.memory_space<hbm>>
      tpu.enqueue_dma source(%arg9 : memref<128x128xf32, #tpu.memory_space<vmem>>) target(%dma_start3A_147 : memref<128x128xf32, #tpu.memory_space<hbm>>) target_semaphore(%arg17 : memref<!tpu.dma_semaphore, #tpu.memory_space<semaphore_mem>>)
      %mul3A_148 = arith.constant 128 : i32
      %mul3A_149 = arith.muli %add3A_134, %mul3A_148 : i32
      %add3A_150 = arith.addi %mul3A_2, %mul3A_149 : i32
      %dma_wait3A_151 = arith.constant 0 : i32
      %dma_wait3A_152 = tpu.memref_slice %arg4[%add3A_150, %dma_wait3A_151] : memref<40960x128xf32, #tpu.memory_space<hbm>> -> memref<128x128xf32, #tpu.memory_space<hbm>>
      %dma_wait3A_153 = arith.constant 0 : i32
      %dma_wait3A_154 = tpu.memref_slice %arg4[%add3A_150, %dma_wait3A_153] : memref<40960x128xf32, #tpu.memory_space<hbm>> -> memref<128x128xf32, #tpu.memory_space<hbm>>
      tpu.wait_dma2 semaphore(%arg17 : memref<!tpu.dma_semaphore, #tpu.memory_space<semaphore_mem>>) src(%arg9 : memref<128x128xf32, #tpu.memory_space<vmem>>) dst(%dma_wait3A_154 : memref<128x128xf32, #tpu.memory_space<hbm>>)
      %add3A_155 = arith.constant 4 : i32
      %add3A_156 = arith.addi %add3A_134, %add3A_155 : i32
      %lt3A_157 = arith.constant 10 : i32
      %lt3A_158 = arith.cmpi slt, %add3A_156, %lt3A_157 : i32
      %convert_element_type3A_159 = arith.extui %lt3A_158 : i1 to i32
      %cond3A_160 = arith.constant 0 : i32
      %cond3A_161 = arith.cmpi ne, %convert_element_type3A_159, %cond3A_160 : i32
      scf.if %cond3A_161 {
        %add3A_162 = arith.constant 4 : i32
        %add3A_163 = arith.addi %add3A_134, %add3A_162 : i32
        %mul3A_164 = arith.constant 128 : i32
        %mul3A_165 = arith.muli %add3A_163, %mul3A_164 : i32
        %dma_start3A_166 = tpu.memref_slice %arg5[%mul3A_165] : memref<1280xi32, #tpu.memory_space<vmem>> -> memref<128xi32, #tpu.memory_space<vmem>>
        %dma_start3A_167 = arith.constant 0 : i32
        %dma_start3A_168 = arith.constant 0 : i32
        %dma_start3A_169 = tpu.memref_slice %arg2[%dma_start3A_167, %dma_start3A_168] : memref<1000000x128xf32, #tpu.memory_space<hbm>> -> memref<1000000x128xf32, #tpu.memory_space<hbm>>
        tpu.enqueue_indirect_dma source(%dma_start3A_169 : memref<1000000x128xf32, #tpu.memory_space<hbm>>) target(%arg9 : memref<128x128xf32, #tpu.memory_space<vmem>>) offsets(%dma_start3A_166 : memref<128xi32, #tpu.memory_space<vmem>>) semaphore(%arg13 : memref<!tpu.dma_semaphore, #tpu.memory_space<semaphore_mem>>)
      } else {
      }
    }
    %scan3A_26 = arith.constant 2 : i32
    %dma_wait3A = arith.constant 1024 : i32
    %dma_wait3A_27 = tpu.memref_slice %arg5[%dma_wait3A] : memref<1280xi32, #tpu.memory_space<vmem>> -> memref<128xi32, #tpu.memory_space<vmem>>
    %dma_wait3A_28 = arith.constant 0 : i32
    %dma_wait3A_29 = arith.constant 0 : i32
    %dma_wait3A_30 = tpu.memref_slice %arg2[%dma_wait3A_28, %dma_wait3A_29] : memref<1000000x128xf32, #tpu.memory_space<hbm>> -> memref<1000000x128xf32, #tpu.memory_space<hbm>>
    tpu.wait_indirect_dma semaphore(%arg10 : memref<!tpu.dma_semaphore, #tpu.memory_space<semaphore_mem>>) src(%dma_wait3A_30 : memref<1000000x128xf32, #tpu.memory_space<hbm>>) dst(%arg6 : memref<128x128xf32, #tpu.memory_space<vmem>>)
    %add3A_31 = arith.constant 1024 : i32
    %add3A_32 = arith.addi %mul3A_2, %add3A_31 : i32
    "tpu.region"() ({
      %run_scoped3A = tpu.sem_alloc : memref<!tpu.dma_semaphore, #tpu.memory_space<semaphore_mem>>
      %dma_start3A_40 = arith.constant 0 : i32
      %dma_start3A_41 = tpu.memref_slice %arg4[%add3A_32, %dma_start3A_40] : memref<40960x128xf32, #tpu.memory_space<hbm>> -> memref<128x128xf32, #tpu.memory_space<hbm>>
      %dma_start3A_42 = arith.constant 0 : i32
      %dma_start3A_43 = tpu.memref_slice %arg4[%add3A_32, %dma_start3A_42] : memref<40960x128xf32, #tpu.memory_space<hbm>> -> memref<128x128xf32, #tpu.memory_space<hbm>>
      tpu.enqueue_dma source(%arg6 : memref<128x128xf32, #tpu.memory_space<vmem>>) target(%dma_start3A_43 : memref<128x128xf32, #tpu.memory_space<hbm>>) target_semaphore(%run_scoped3A : memref<!tpu.dma_semaphore, #tpu.memory_space<semaphore_mem>>)
      %dma_wait3A_44 = arith.constant 0 : i32
      %dma_wait3A_45 = tpu.memref_slice %arg4[%add3A_32, %dma_wait3A_44] : memref<40960x128xf32, #tpu.memory_space<hbm>> -> memref<128x128xf32, #tpu.memory_space<hbm>>
      %dma_wait3A_46 = arith.constant 0 : i32
      %dma_wait3A_47 = tpu.memref_slice %arg4[%add3A_32, %dma_wait3A_46] : memref<40960x128xf32, #tpu.memory_space<hbm>> -> memref<128x128xf32, #tpu.memory_space<hbm>>
      tpu.wait_dma2 semaphore(%run_scoped3A : memref<!tpu.dma_semaphore, #tpu.memory_space<semaphore_mem>>) src(%arg6 : memref<128x128xf32, #tpu.memory_space<vmem>>) dst(%dma_wait3A_47 : memref<128x128xf32, #tpu.memory_space<hbm>>)
      tpu.yield
    }) : () -> ()
    %dma_wait3A_33 = arith.constant 1152 : i32
    %dma_wait3A_34 = tpu.memref_slice %arg5[%dma_wait3A_33] : memref<1280xi32, #tpu.memory_space<vmem>> -> memref<128xi32, #tpu.memory_space<vmem>>
    %dma_wait3A_35 = arith.constant 0 : i32
    %dma_wait3A_36 = arith.constant 0 : i32
    %dma_wait3A_37 = tpu.memref_slice %arg2[%dma_wait3A_35, %dma_wait3A_36] : memref<1000000x128xf32, #tpu.memory_space<hbm>> -> memref<1000000x128xf32, #tpu.memory_space<hbm>>
    tpu.wait_indirect_dma semaphore(%arg11 : memref<!tpu.dma_semaphore, #tpu.memory_space<semaphore_mem>>) src(%dma_wait3A_37 : memref<1000000x128xf32, #tpu.memory_space<hbm>>) dst(%arg7 : memref<128x128xf32, #tpu.memory_space<vmem>>)
    %add3A_38 = arith.constant 1152 : i32
    %add3A_39 = arith.addi %mul3A_2, %add3A_38 : i32
    "tpu.region"() ({
      %run_scoped3A = tpu.sem_alloc : memref<!tpu.dma_semaphore, #tpu.memory_space<semaphore_mem>>
      %dma_start3A_40 = arith.constant 0 : i32
      %dma_start3A_41 = tpu.memref_slice %arg4[%add3A_39, %dma_start3A_40] : memref<40960x128xf32, #tpu.memory_space<hbm>> -> memref<128x128xf32, #tpu.memory_space<hbm>>
      %dma_start3A_42 = arith.constant 0 : i32
      %dma_start3A_43 = tpu.memref_slice %arg4[%add3A_39, %dma_start3A_42] : memref<40960x128xf32, #tpu.memory_space<hbm>> -> memref<128x128xf32, #tpu.memory_space<hbm>>
      tpu.enqueue_dma source(%arg7 : memref<128x128xf32, #tpu.memory_space<vmem>>) target(%dma_start3A_43 : memref<128x128xf32, #tpu.memory_space<hbm>>) target_semaphore(%run_scoped3A : memref<!tpu.dma_semaphore, #tpu.memory_space<semaphore_mem>>)
      %dma_wait3A_44 = arith.constant 0 : i32
      %dma_wait3A_45 = tpu.memref_slice %arg4[%add3A_39, %dma_wait3A_44] : memref<40960x128xf32, #tpu.memory_space<hbm>> -> memref<128x128xf32, #tpu.memory_space<hbm>>
      %dma_wait3A_46 = arith.constant 0 : i32
      %dma_wait3A_47 = tpu.memref_slice %arg4[%add3A_39, %dma_wait3A_46] : memref<40960x128xf32, #tpu.memory_space<hbm>> -> memref<128x128xf32, #tpu.memory_space<hbm>>
      tpu.wait_dma2 semaphore(%run_scoped3A : memref<!tpu.dma_semaphore, #tpu.memory_space<semaphore_mem>>) src(%arg7 : memref<128x128xf32, #tpu.memory_space<vmem>>) dst(%dma_wait3A_47 : memref<128x128xf32, #tpu.memory_space<hbm>>)
      tpu.yield
    }) : () -> ()
    return
  }
}

#map = affine_map<(d0, d1) -> (0, 0)>
module attributes {stable_mosaic.version = 14 : i64} {
  func.func @_gather_body(%arg0: i32, %arg1: i32, %arg2: memref<1000000x128xf32, #tpu.memory_space<hbm>>, %arg3: memref<32x1280xi32, #tpu.memory_space<hbm>>, %arg4: memref<40960x128xf32, #tpu.memory_space<hbm>>, %arg5: memref<1280xi32, #tpu.memory_space<vmem>>, %arg6: memref<128x128xf32, #tpu.memory_space<vmem>>, %arg7: memref<128x128xf32, #tpu.memory_space<vmem>>, %arg8: memref<128x128xf32, #tpu.memory_space<vmem>>, %arg9: memref<128x128xf32, #tpu.memory_space<vmem>>, %arg10: memref<!tpu.dma_semaphore, #tpu.memory_space<semaphore_mem>>, %arg11: memref<!tpu.dma_semaphore, #tpu.memory_space<semaphore_mem>>, %arg12: memref<!tpu.dma_semaphore, #tpu.memory_space<semaphore_mem>>, %arg13: memref<!tpu.dma_semaphore, #tpu.memory_space<semaphore_mem>>, %arg14: memref<!tpu.dma_semaphore, #tpu.memory_space<semaphore_mem>>, %arg15: memref<!tpu.dma_semaphore, #tpu.memory_space<semaphore_mem>>, %arg16: memref<!tpu.dma_semaphore, #tpu.memory_space<semaphore_mem>>, %arg17: memref<!tpu.dma_semaphore, #tpu.memory_space<semaphore_mem>>) attributes {dimension_semantics = [#tpu.dimension_semantics<core_parallel>, #tpu.dimension_semantics<subcore_parallel>], iteration_bounds = array<i64: 2, 16>, scalar_prefetch = 0 : i64, scratch_operands = 13 : i64, tpu.core_type = #tpu.core_type<sc_vector_subcore>, window_params = [{transform_indices = #map}, {transform_indices = #map}, {transform_indices = #map}]} {
    %mul3A = arith.constant 2 : i32
    %mul3A_0 = arith.muli %arg1, %mul3A : i32
    %add3A = arith.addi %mul3A_0, %arg0 : i32
    %mul3A_1 = arith.constant 1280 : i32
    %mul3A_2 = arith.muli %add3A, %mul3A_1 : i32
    "tpu.region"() ({
      %run_scoped3A = tpu.sem_alloc : memref<!tpu.dma_semaphore, #tpu.memory_space<semaphore_mem>>
      %dma_start3A_40 = arith.constant 0 : i32
      %dma_start3A_41 = tpu.memref_slice %arg3[%add3A, %dma_start3A_40] : memref<32x1280xi32, #tpu.memory_space<hbm>> -> memref<1x1280xi32, #tpu.memory_space<hbm>>
      %dma_start3A_42 = tpu.memref_squeeze %dma_start3A_41 : memref<1x1280xi32, #tpu.memory_space<hbm>> -> memref<1280xi32, #tpu.memory_space<hbm>>
      %dma_start3A_43 = arith.constant 0 : i32
      %dma_start3A_44 = tpu.memref_slice %arg3[%add3A, %dma_start3A_43] : memref<32x1280xi32, #tpu.memory_space<hbm>> -> memref<1x1280xi32, #tpu.memory_space<hbm>>
      %dma_start3A_45 = tpu.memref_squeeze %dma_start3A_44 : memref<1x1280xi32, #tpu.memory_space<hbm>> -> memref<1280xi32, #tpu.memory_space<hbm>>
      tpu.enqueue_dma source(%dma_start3A_45 : memref<1280xi32, #tpu.memory_space<hbm>>) target(%arg5 : memref<1280xi32, #tpu.memory_space<vmem>>) target_semaphore(%run_scoped3A : memref<!tpu.dma_semaphore, #tpu.memory_space<semaphore_mem>>)
      %dma_wait3A_46 = arith.constant 0 : i32
      %dma_wait3A_47 = tpu.memref_slice %arg3[%add3A, %dma_wait3A_46] : memref<32x1280xi32, #tpu.memory_space<hbm>> -> memref<1x1280xi32, #tpu.memory_space<hbm>>
      %dma_wait3A_48 = tpu.memref_squeeze %dma_wait3A_47 : memref<1x1280xi32, #tpu.memory_space<hbm>> -> memref<1280xi32, #tpu.memory_space<hbm>>
      %dma_wait3A_49 = arith.constant 0 : i32
      %dma_wait3A_50 = tpu.memref_slice %arg3[%add3A, %dma_wait3A_49] : memref<32x1280xi32, #tpu.memory_space<hbm>> -> memref<1x1280xi32, #tpu.memory_space<hbm>>
      %dma_wait3A_51 = tpu.memref_squeeze %dma_wait3A_50 : memref<1x1280xi32, #tpu.memory_space<hbm>> -> memref<1280xi32, #tpu.memory_space<hbm>>
      tpu.wait_dma2 semaphore(%run_scoped3A : memref<!tpu.dma_semaphore, #tpu.memory_space<semaphore_mem>>) src(%dma_wait3A_51 : memref<1280xi32, #tpu.memory_space<hbm>>) dst(%arg5 : memref<1280xi32, #tpu.memory_space<vmem>>)
      tpu.yield
    }) : () -> ()
    %dma_start3A = arith.constant 0 : i32
    %dma_start3A_3 = tpu.memref_slice %arg5[%dma_start3A] : memref<1280xi32, #tpu.memory_space<vmem>> -> memref<128xi32, #tpu.memory_space<vmem>>
    %dma_start3A_4 = arith.constant 0 : i32
    %dma_start3A_5 = arith.constant 0 : i32
    %dma_start3A_6 = tpu.memref_slice %arg2[%dma_start3A_4, %dma_start3A_5] : memref<1000000x128xf32, #tpu.memory_space<hbm>> -> memref<1000000x128xf32, #tpu.memory_space<hbm>>
    tpu.enqueue_indirect_dma source(%dma_start3A_6 : memref<1000000x128xf32, #tpu.memory_space<hbm>>) target(%arg6 : memref<128x128xf32, #tpu.memory_space<vmem>>) offsets(%dma_start3A_3 : memref<128xi32, #tpu.memory_space<vmem>>) semaphore(%arg10 : memref<!tpu.dma_semaphore, #tpu.memory_space<semaphore_mem>>)
    %dma_start3A_7 = arith.constant 128 : i32
    %dma_start3A_8 = tpu.memref_slice %arg5[%dma_start3A_7] : memref<1280xi32, #tpu.memory_space<vmem>> -> memref<128xi32, #tpu.memory_space<vmem>>
    %dma_start3A_9 = arith.constant 0 : i32
    %dma_start3A_10 = arith.constant 0 : i32
    %dma_start3A_11 = tpu.memref_slice %arg2[%dma_start3A_9, %dma_start3A_10] : memref<1000000x128xf32, #tpu.memory_space<hbm>> -> memref<1000000x128xf32, #tpu.memory_space<hbm>>
    tpu.enqueue_indirect_dma source(%dma_start3A_11 : memref<1000000x128xf32, #tpu.memory_space<hbm>>) target(%arg7 : memref<128x128xf32, #tpu.memory_space<vmem>>) offsets(%dma_start3A_8 : memref<128xi32, #tpu.memory_space<vmem>>) semaphore(%arg11 : memref<!tpu.dma_semaphore, #tpu.memory_space<semaphore_mem>>)
    %dma_start3A_12 = arith.constant 256 : i32
    %dma_start3A_13 = tpu.memref_slice %arg5[%dma_start3A_12] : memref<1280xi32, #tpu.memory_space<vmem>> -> memref<128xi32, #tpu.memory_space<vmem>>
    %dma_start3A_14 = arith.constant 0 : i32
    %dma_start3A_15 = arith.constant 0 : i32
    %dma_start3A_16 = tpu.memref_slice %arg2[%dma_start3A_14, %dma_start3A_15] : memref<1000000x128xf32, #tpu.memory_space<hbm>> -> memref<1000000x128xf32, #tpu.memory_space<hbm>>
    tpu.enqueue_indirect_dma source(%dma_start3A_16 : memref<1000000x128xf32, #tpu.memory_space<hbm>>) target(%arg8 : memref<128x128xf32, #tpu.memory_space<vmem>>) offsets(%dma_start3A_13 : memref<128xi32, #tpu.memory_space<vmem>>) semaphore(%arg12 : memref<!tpu.dma_semaphore, #tpu.memory_space<semaphore_mem>>)
    %dma_start3A_17 = arith.constant 384 : i32
    %dma_start3A_18 = tpu.memref_slice %arg5[%dma_start3A_17] : memref<1280xi32, #tpu.memory_space<vmem>> -> memref<128xi32, #tpu.memory_space<vmem>>
    %dma_start3A_19 = arith.constant 0 : i32
    %dma_start3A_20 = arith.constant 0 : i32
    %dma_start3A_21 = tpu.memref_slice %arg2[%dma_start3A_19, %dma_start3A_20] : memref<1000000x128xf32, #tpu.memory_space<hbm>> -> memref<1000000x128xf32, #tpu.memory_space<hbm>>
    tpu.enqueue_indirect_dma source(%dma_start3A_21 : memref<1000000x128xf32, #tpu.memory_space<hbm>>) target(%arg9 : memref<128x128xf32, #tpu.memory_space<vmem>>) offsets(%dma_start3A_18 : memref<128xi32, #tpu.memory_space<vmem>>) semaphore(%arg13 : memref<!tpu.dma_semaphore, #tpu.memory_space<semaphore_mem>>)
    %scan3A = arith.constant 0 : i32
    %scan3A_22 = arith.constant 0 : i32
    %scan3A_23 = arith.constant 2 : i32
    %scan3A_24 = arith.addi %scan3A_22, %scan3A_23 : i32
    %scan3A_25 = arith.constant 1 : i32
    scf.for %scan3A_40 = %scan3A_22 to %scan3A_24 step %scan3A_25  : i32 {
      %mul3A_41 = arith.constant 4 : i32
      %mul3A_42 = arith.muli %scan3A_40, %mul3A_41 : i32
      %add3A_43 = arith.constant 0 : i32
      %add3A_44 = arith.addi %mul3A_42, %add3A_43 : i32
      %mul3A_45 = arith.constant 128 : i32
      %mul3A_46 = arith.muli %add3A_44, %mul3A_45 : i32
      %dma_wait3A_47 = tpu.memref_slice %arg5[%mul3A_46] : memref<1280xi32, #tpu.memory_space<vmem>> -> memref<128xi32, #tpu.memory_space<vmem>>
      %dma_wait3A_48 = arith.constant 0 : i32
      %dma_wait3A_49 = arith.constant 0 : i32
      %dma_wait3A_50 = tpu.memref_slice %arg2[%dma_wait3A_48, %dma_wait3A_49] : memref<1000000x128xf32, #tpu.memory_space<hbm>> -> memref<1000000x128xf32, #tpu.memory_space<hbm>>
      tpu.wait_indirect_dma semaphore(%arg10 : memref<!tpu.dma_semaphore, #tpu.memory_space<semaphore_mem>>) src(%dma_wait3A_50 : memref<1000000x128xf32, #tpu.memory_space<hbm>>) dst(%arg6 : memref<128x128xf32, #tpu.memory_space<vmem>>)
      %mul3A_51 = arith.constant 128 : i32
      %mul3A_52 = arith.muli %add3A_44, %mul3A_51 : i32
      %add3A_53 = arith.addi %mul3A_2, %mul3A_52 : i32
      %dma_start3A_54 = arith.constant 0 : i32
      %dma_start3A_55 = tpu.memref_slice %arg4[%add3A_53, %dma_start3A_54] : memref<40960x128xf32, #tpu.memory_space<hbm>> -> memref<128x128xf32, #tpu.memory_space<hbm>>
      %dma_start3A_56 = arith.constant 0 : i32
      %dma_start3A_57 = tpu.memref_slice %arg4[%add3A_53, %dma_start3A_56] : memref<40960x128xf32, #tpu.memory_space<hbm>> -> memref<128x128xf32, #tpu.memory_space<hbm>>
      tpu.enqueue_dma source(%arg6 : memref<128x128xf32, #tpu.memory_space<vmem>>) target(%dma_start3A_57 : memref<128x128xf32, #tpu.memory_space<hbm>>) target_semaphore(%arg14 : memref<!tpu.dma_semaphore, #tpu.memory_space<semaphore_mem>>)
      %mul3A_58 = arith.constant 128 : i32
      %mul3A_59 = arith.muli %add3A_44, %mul3A_58 : i32
      %add3A_60 = arith.addi %mul3A_2, %mul3A_59 : i32
      %dma_wait3A_61 = arith.constant 0 : i32
      %dma_wait3A_62 = tpu.memref_slice %arg4[%add3A_60, %dma_wait3A_61] : memref<40960x128xf32, #tpu.memory_space<hbm>> -> memref<128x128xf32, #tpu.memory_space<hbm>>
      %dma_wait3A_63 = arith.constant 0 : i32
      %dma_wait3A_64 = tpu.memref_slice %arg4[%add3A_60, %dma_wait3A_63] : memref<40960x128xf32, #tpu.memory_space<hbm>> -> memref<128x128xf32, #tpu.memory_space<hbm>>
      tpu.wait_dma2 semaphore(%arg14 : memref<!tpu.dma_semaphore, #tpu.memory_space<semaphore_mem>>) src(%arg6 : memref<128x128xf32, #tpu.memory_space<vmem>>) dst(%dma_wait3A_64 : memref<128x128xf32, #tpu.memory_space<hbm>>)
      %add3A_65 = arith.constant 4 : i32
      %add3A_66 = arith.addi %add3A_44, %add3A_65 : i32
      %lt3A = arith.constant 10 : i32
      %lt3A_67 = arith.cmpi slt, %add3A_66, %lt3A : i32
      %convert_element_type3A = arith.extui %lt3A_67 : i1 to i32
      %cond3A = arith.constant 0 : i32
      %cond3A_68 = arith.cmpi ne, %convert_element_type3A, %cond3A : i32
      scf.if %cond3A_68 {
        %add3A_162 = arith.constant 4 : i32
        %add3A_163 = arith.addi %add3A_44, %add3A_162 : i32
        %mul3A_164 = arith.constant 128 : i32
        %mul3A_165 = arith.muli %add3A_163, %mul3A_164 : i32
        %dma_start3A_166 = tpu.memref_slice %arg5[%mul3A_165] : memref<1280xi32, #tpu.memory_space<vmem>> -> memref<128xi32, #tpu.memory_space<vmem>>
        %dma_start3A_167 = arith.constant 0 : i32
        %dma_start3A_168 = arith.constant 0 : i32
        %dma_start3A_169 = tpu.memref_slice %arg2[%dma_start3A_167, %dma_start3A_168] : memref<1000000x128xf32, #tpu.memory_space<hbm>> -> memref<1000000x128xf32, #tpu.memory_space<hbm>>
        tpu.enqueue_indirect_dma source(%dma_start3A_169 : memref<1000000x128xf32, #tpu.memory_space<hbm>>) target(%arg6 : memref<128x128xf32, #tpu.memory_space<vmem>>) offsets(%dma_start3A_166 : memref<128xi32, #tpu.memory_space<vmem>>) semaphore(%arg10 : memref<!tpu.dma_semaphore, #tpu.memory_space<semaphore_mem>>)
      } else {
      }
      %mul3A_69 = arith.constant 4 : i32
      %mul3A_70 = arith.muli %scan3A_40, %mul3A_69 : i32
      %add3A_71 = arith.constant 1 : i32
      %add3A_72 = arith.addi %mul3A_70, %add3A_71 : i32
      %mul3A_73 = arith.constant 128 : i32
      %mul3A_74 = arith.muli %add3A_72, %mul3A_73 : i32
      %dma_wait3A_75 = tpu.memref_slice %arg5[%mul3A_74] : memref<1280xi32, #tpu.memory_space<vmem>> -> memref<128xi32, #tpu.memory_space<vmem>>
      %dma_wait3A_76 = arith.constant 0 : i32
      %dma_wait3A_77 = arith.constant 0 : i32
      %dma_wait3A_78 = tpu.memref_slice %arg2[%dma_wait3A_76, %dma_wait3A_77] : memref<1000000x128xf32, #tpu.memory_space<hbm>> -> memref<1000000x128xf32, #tpu.memory_space<hbm>>
      tpu.wait_indirect_dma semaphore(%arg11 : memref<!tpu.dma_semaphore, #tpu.memory_space<semaphore_mem>>) src(%dma_wait3A_78 : memref<1000000x128xf32, #tpu.memory_space<hbm>>) dst(%arg7 : memref<128x128xf32, #tpu.memory_space<vmem>>)
      %mul3A_79 = arith.constant 128 : i32
      %mul3A_80 = arith.muli %add3A_72, %mul3A_79 : i32
      %add3A_81 = arith.addi %mul3A_2, %mul3A_80 : i32
      %dma_start3A_82 = arith.constant 0 : i32
      %dma_start3A_83 = tpu.memref_slice %arg4[%add3A_81, %dma_start3A_82] : memref<40960x128xf32, #tpu.memory_space<hbm>> -> memref<128x128xf32, #tpu.memory_space<hbm>>
      %dma_start3A_84 = arith.constant 0 : i32
      %dma_start3A_85 = tpu.memref_slice %arg4[%add3A_81, %dma_start3A_84] : memref<40960x128xf32, #tpu.memory_space<hbm>> -> memref<128x128xf32, #tpu.memory_space<hbm>>
      tpu.enqueue_dma source(%arg7 : memref<128x128xf32, #tpu.memory_space<vmem>>) target(%dma_start3A_85 : memref<128x128xf32, #tpu.memory_space<hbm>>) target_semaphore(%arg15 : memref<!tpu.dma_semaphore, #tpu.memory_space<semaphore_mem>>)
      %mul3A_86 = arith.constant 128 : i32
      %mul3A_87 = arith.muli %add3A_72, %mul3A_86 : i32
      %add3A_88 = arith.addi %mul3A_2, %mul3A_87 : i32
      %dma_wait3A_89 = arith.constant 0 : i32
      %dma_wait3A_90 = tpu.memref_slice %arg4[%add3A_88, %dma_wait3A_89] : memref<40960x128xf32, #tpu.memory_space<hbm>> -> memref<128x128xf32, #tpu.memory_space<hbm>>
      %dma_wait3A_91 = arith.constant 0 : i32
      %dma_wait3A_92 = tpu.memref_slice %arg4[%add3A_88, %dma_wait3A_91] : memref<40960x128xf32, #tpu.memory_space<hbm>> -> memref<128x128xf32, #tpu.memory_space<hbm>>
      tpu.wait_dma2 semaphore(%arg15 : memref<!tpu.dma_semaphore, #tpu.memory_space<semaphore_mem>>) src(%arg7 : memref<128x128xf32, #tpu.memory_space<vmem>>) dst(%dma_wait3A_92 : memref<128x128xf32, #tpu.memory_space<hbm>>)
      %add3A_93 = arith.constant 4 : i32
      %add3A_94 = arith.addi %add3A_72, %add3A_93 : i32
      %lt3A_95 = arith.constant 10 : i32
      %lt3A_96 = arith.cmpi slt, %add3A_94, %lt3A_95 : i32
      %convert_element_type3A_97 = arith.extui %lt3A_96 : i1 to i32
      %cond3A_98 = arith.constant 0 : i32
      %cond3A_99 = arith.cmpi ne, %convert_element_type3A_97, %cond3A_98 : i32
      scf.if %cond3A_99 {
        %add3A_162 = arith.constant 4 : i32
        %add3A_163 = arith.addi %add3A_72, %add3A_162 : i32
        %mul3A_164 = arith.constant 128 : i32
        %mul3A_165 = arith.muli %add3A_163, %mul3A_164 : i32
        %dma_start3A_166 = tpu.memref_slice %arg5[%mul3A_165] : memref<1280xi32, #tpu.memory_space<vmem>> -> memref<128xi32, #tpu.memory_space<vmem>>
        %dma_start3A_167 = arith.constant 0 : i32
        %dma_start3A_168 = arith.constant 0 : i32
        %dma_start3A_169 = tpu.memref_slice %arg2[%dma_start3A_167, %dma_start3A_168] : memref<1000000x128xf32, #tpu.memory_space<hbm>> -> memref<1000000x128xf32, #tpu.memory_space<hbm>>
        tpu.enqueue_indirect_dma source(%dma_start3A_169 : memref<1000000x128xf32, #tpu.memory_space<hbm>>) target(%arg7 : memref<128x128xf32, #tpu.memory_space<vmem>>) offsets(%dma_start3A_166 : memref<128xi32, #tpu.memory_space<vmem>>) semaphore(%arg11 : memref<!tpu.dma_semaphore, #tpu.memory_space<semaphore_mem>>)
      } else {
      }
      %mul3A_100 = arith.constant 4 : i32
      %mul3A_101 = arith.muli %scan3A_40, %mul3A_100 : i32
      %add3A_102 = arith.constant 2 : i32
      %add3A_103 = arith.addi %mul3A_101, %add3A_102 : i32
      %mul3A_104 = arith.constant 128 : i32
      %mul3A_105 = arith.muli %add3A_103, %mul3A_104 : i32
      %dma_wait3A_106 = tpu.memref_slice %arg5[%mul3A_105] : memref<1280xi32, #tpu.memory_space<vmem>> -> memref<128xi32, #tpu.memory_space<vmem>>
      %dma_wait3A_107 = arith.constant 0 : i32
      %dma_wait3A_108 = arith.constant 0 : i32
      %dma_wait3A_109 = tpu.memref_slice %arg2[%dma_wait3A_107, %dma_wait3A_108] : memref<1000000x128xf32, #tpu.memory_space<hbm>> -> memref<1000000x128xf32, #tpu.memory_space<hbm>>
      tpu.wait_indirect_dma semaphore(%arg12 : memref<!tpu.dma_semaphore, #tpu.memory_space<semaphore_mem>>) src(%dma_wait3A_109 : memref<1000000x128xf32, #tpu.memory_space<hbm>>) dst(%arg8 : memref<128x128xf32, #tpu.memory_space<vmem>>)
      %mul3A_110 = arith.constant 128 : i32
      %mul3A_111 = arith.muli %add3A_103, %mul3A_110 : i32
      %add3A_112 = arith.addi %mul3A_2, %mul3A_111 : i32
      %dma_start3A_113 = arith.constant 0 : i32
      %dma_start3A_114 = tpu.memref_slice %arg4[%add3A_112, %dma_start3A_113] : memref<40960x128xf32, #tpu.memory_space<hbm>> -> memref<128x128xf32, #tpu.memory_space<hbm>>
      %dma_start3A_115 = arith.constant 0 : i32
      %dma_start3A_116 = tpu.memref_slice %arg4[%add3A_112, %dma_start3A_115] : memref<40960x128xf32, #tpu.memory_space<hbm>> -> memref<128x128xf32, #tpu.memory_space<hbm>>
      tpu.enqueue_dma source(%arg8 : memref<128x128xf32, #tpu.memory_space<vmem>>) target(%dma_start3A_116 : memref<128x128xf32, #tpu.memory_space<hbm>>) target_semaphore(%arg16 : memref<!tpu.dma_semaphore, #tpu.memory_space<semaphore_mem>>)
      %mul3A_117 = arith.constant 128 : i32
      %mul3A_118 = arith.muli %add3A_103, %mul3A_117 : i32
      %add3A_119 = arith.addi %mul3A_2, %mul3A_118 : i32
      %dma_wait3A_120 = arith.constant 0 : i32
      %dma_wait3A_121 = tpu.memref_slice %arg4[%add3A_119, %dma_wait3A_120] : memref<40960x128xf32, #tpu.memory_space<hbm>> -> memref<128x128xf32, #tpu.memory_space<hbm>>
      %dma_wait3A_122 = arith.constant 0 : i32
      %dma_wait3A_123 = tpu.memref_slice %arg4[%add3A_119, %dma_wait3A_122] : memref<40960x128xf32, #tpu.memory_space<hbm>> -> memref<128x128xf32, #tpu.memory_space<hbm>>
      tpu.wait_dma2 semaphore(%arg16 : memref<!tpu.dma_semaphore, #tpu.memory_space<semaphore_mem>>) src(%arg8 : memref<128x128xf32, #tpu.memory_space<vmem>>) dst(%dma_wait3A_123 : memref<128x128xf32, #tpu.memory_space<hbm>>)
      %add3A_124 = arith.constant 4 : i32
      %add3A_125 = arith.addi %add3A_103, %add3A_124 : i32
      %lt3A_126 = arith.constant 10 : i32
      %lt3A_127 = arith.cmpi slt, %add3A_125, %lt3A_126 : i32
      %convert_element_type3A_128 = arith.extui %lt3A_127 : i1 to i32
      %cond3A_129 = arith.constant 0 : i32
      %cond3A_130 = arith.cmpi ne, %convert_element_type3A_128, %cond3A_129 : i32
      scf.if %cond3A_130 {
        %add3A_162 = arith.constant 4 : i32
        %add3A_163 = arith.addi %add3A_103, %add3A_162 : i32
        %mul3A_164 = arith.constant 128 : i32
        %mul3A_165 = arith.muli %add3A_163, %mul3A_164 : i32
        %dma_start3A_166 = tpu.memref_slice %arg5[%mul3A_165] : memref<1280xi32, #tpu.memory_space<vmem>> -> memref<128xi32, #tpu.memory_space<vmem>>
        %dma_start3A_167 = arith.constant 0 : i32
        %dma_start3A_168 = arith.constant 0 : i32
        %dma_start3A_169 = tpu.memref_slice %arg2[%dma_start3A_167, %dma_start3A_168] : memref<1000000x128xf32, #tpu.memory_space<hbm>> -> memref<1000000x128xf32, #tpu.memory_space<hbm>>
        tpu.enqueue_indirect_dma source(%dma_start3A_169 : memref<1000000x128xf32, #tpu.memory_space<hbm>>) target(%arg8 : memref<128x128xf32, #tpu.memory_space<vmem>>) offsets(%dma_start3A_166 : memref<128xi32, #tpu.memory_space<vmem>>) semaphore(%arg12 : memref<!tpu.dma_semaphore, #tpu.memory_space<semaphore_mem>>)
      } else {
      }
      %mul3A_131 = arith.constant 4 : i32
      %mul3A_132 = arith.muli %scan3A_40, %mul3A_131 : i32
      %add3A_133 = arith.constant 3 : i32
      %add3A_134 = arith.addi %mul3A_132, %add3A_133 : i32
      %mul3A_135 = arith.constant 128 : i32
      %mul3A_136 = arith.muli %add3A_134, %mul3A_135 : i32
      %dma_wait3A_137 = tpu.memref_slice %arg5[%mul3A_136] : memref<1280xi32, #tpu.memory_space<vmem>> -> memref<128xi32, #tpu.memory_space<vmem>>
      %dma_wait3A_138 = arith.constant 0 : i32
      %dma_wait3A_139 = arith.constant 0 : i32
      %dma_wait3A_140 = tpu.memref_slice %arg2[%dma_wait3A_138, %dma_wait3A_139] : memref<1000000x128xf32, #tpu.memory_space<hbm>> -> memref<1000000x128xf32, #tpu.memory_space<hbm>>
      tpu.wait_indirect_dma semaphore(%arg13 : memref<!tpu.dma_semaphore, #tpu.memory_space<semaphore_mem>>) src(%dma_wait3A_140 : memref<1000000x128xf32, #tpu.memory_space<hbm>>) dst(%arg9 : memref<128x128xf32, #tpu.memory_space<vmem>>)
      %mul3A_141 = arith.constant 128 : i32
      %mul3A_142 = arith.muli %add3A_134, %mul3A_141 : i32
      %add3A_143 = arith.addi %mul3A_2, %mul3A_142 : i32
      %dma_start3A_144 = arith.constant 0 : i32
      %dma_start3A_145 = tpu.memref_slice %arg4[%add3A_143, %dma_start3A_144] : memref<40960x128xf32, #tpu.memory_space<hbm>> -> memref<128x128xf32, #tpu.memory_space<hbm>>
      %dma_start3A_146 = arith.constant 0 : i32
      %dma_start3A_147 = tpu.memref_slice %arg4[%add3A_143, %dma_start3A_146] : memref<40960x128xf32, #tpu.memory_space<hbm>> -> memref<128x128xf32, #tpu.memory_space<hbm>>
      tpu.enqueue_dma source(%arg9 : memref<128x128xf32, #tpu.memory_space<vmem>>) target(%dma_start3A_147 : memref<128x128xf32, #tpu.memory_space<hbm>>) target_semaphore(%arg17 : memref<!tpu.dma_semaphore, #tpu.memory_space<semaphore_mem>>)
      %mul3A_148 = arith.constant 128 : i32
      %mul3A_149 = arith.muli %add3A_134, %mul3A_148 : i32
      %add3A_150 = arith.addi %mul3A_2, %mul3A_149 : i32
      %dma_wait3A_151 = arith.constant 0 : i32
      %dma_wait3A_152 = tpu.memref_slice %arg4[%add3A_150, %dma_wait3A_151] : memref<40960x128xf32, #tpu.memory_space<hbm>> -> memref<128x128xf32, #tpu.memory_space<hbm>>
      %dma_wait3A_153 = arith.constant 0 : i32
      %dma_wait3A_154 = tpu.memref_slice %arg4[%add3A_150, %dma_wait3A_153] : memref<40960x128xf32, #tpu.memory_space<hbm>> -> memref<128x128xf32, #tpu.memory_space<hbm>>
      tpu.wait_dma2 semaphore(%arg17 : memref<!tpu.dma_semaphore, #tpu.memory_space<semaphore_mem>>) src(%arg9 : memref<128x128xf32, #tpu.memory_space<vmem>>) dst(%dma_wait3A_154 : memref<128x128xf32, #tpu.memory_space<hbm>>)
      %add3A_155 = arith.constant 4 : i32
      %add3A_156 = arith.addi %add3A_134, %add3A_155 : i32
      %lt3A_157 = arith.constant 10 : i32
      %lt3A_158 = arith.cmpi slt, %add3A_156, %lt3A_157 : i32
      %convert_element_type3A_159 = arith.extui %lt3A_158 : i1 to i32
      %cond3A_160 = arith.constant 0 : i32
      %cond3A_161 = arith.cmpi ne, %convert_element_type3A_159, %cond3A_160 : i32
      scf.if %cond3A_161 {
        %add3A_162 = arith.constant 4 : i32
        %add3A_163 = arith.addi %add3A_134, %add3A_162 : i32
        %mul3A_164 = arith.constant 128 : i32
        %mul3A_165 = arith.muli %add3A_163, %mul3A_164 : i32
        %dma_start3A_166 = tpu.memref_slice %arg5[%mul3A_165] : memref<1280xi32, #tpu.memory_space<vmem>> -> memref<128xi32, #tpu.memory_space<vmem>>
        %dma_start3A_167 = arith.constant 0 : i32
        %dma_start3A_168 = arith.constant 0 : i32
        %dma_start3A_169 = tpu.memref_slice %arg2[%dma_start3A_167, %dma_start3A_168] : memref<1000000x128xf32, #tpu.memory_space<hbm>> -> memref<1000000x128xf32, #tpu.memory_space<hbm>>
        tpu.enqueue_indirect_dma source(%dma_start3A_169 : memref<1000000x128xf32, #tpu.memory_space<hbm>>) target(%arg9 : memref<128x128xf32, #tpu.memory_space<vmem>>) offsets(%dma_start3A_166 : memref<128xi32, #tpu.memory_space<vmem>>) semaphore(%arg13 : memref<!tpu.dma_semaphore, #tpu.memory_space<semaphore_mem>>)
      } else {
      }
    }
    %scan3A_26 = arith.constant 2 : i32
    %dma_wait3A = arith.constant 1024 : i32
    %dma_wait3A_27 = tpu.memref_slice %arg5[%dma_wait3A] : memref<1280xi32, #tpu.memory_space<vmem>> -> memref<128xi32, #tpu.memory_space<vmem>>
    %dma_wait3A_28 = arith.constant 0 : i32
    %dma_wait3A_29 = arith.constant 0 : i32
    %dma_wait3A_30 = tpu.memref_slice %arg2[%dma_wait3A_28, %dma_wait3A_29] : memref<1000000x128xf32, #tpu.memory_space<hbm>> -> memref<1000000x128xf32, #tpu.memory_space<hbm>>
    tpu.wait_indirect_dma semaphore(%arg10 : memref<!tpu.dma_semaphore, #tpu.memory_space<semaphore_mem>>) src(%dma_wait3A_30 : memref<1000000x128xf32, #tpu.memory_space<hbm>>) dst(%arg6 : memref<128x128xf32, #tpu.memory_space<vmem>>)
    %add3A_31 = arith.constant 1024 : i32
    %add3A_32 = arith.addi %mul3A_2, %add3A_31 : i32
    "tpu.region"() ({
      %run_scoped3A = tpu.sem_alloc : memref<!tpu.dma_semaphore, #tpu.memory_space<semaphore_mem>>
      %dma_start3A_40 = arith.constant 0 : i32
      %dma_start3A_41 = tpu.memref_slice %arg4[%add3A_32, %dma_start3A_40] : memref<40960x128xf32, #tpu.memory_space<hbm>> -> memref<128x128xf32, #tpu.memory_space<hbm>>
      %dma_start3A_42 = arith.constant 0 : i32
      %dma_start3A_43 = tpu.memref_slice %arg4[%add3A_32, %dma_start3A_42] : memref<40960x128xf32, #tpu.memory_space<hbm>> -> memref<128x128xf32, #tpu.memory_space<hbm>>
      tpu.enqueue_dma source(%arg6 : memref<128x128xf32, #tpu.memory_space<vmem>>) target(%dma_start3A_43 : memref<128x128xf32, #tpu.memory_space<hbm>>) target_semaphore(%run_scoped3A : memref<!tpu.dma_semaphore, #tpu.memory_space<semaphore_mem>>)
      %dma_wait3A_44 = arith.constant 0 : i32
      %dma_wait3A_45 = tpu.memref_slice %arg4[%add3A_32, %dma_wait3A_44] : memref<40960x128xf32, #tpu.memory_space<hbm>> -> memref<128x128xf32, #tpu.memory_space<hbm>>
      %dma_wait3A_46 = arith.constant 0 : i32
      %dma_wait3A_47 = tpu.memref_slice %arg4[%add3A_32, %dma_wait3A_46] : memref<40960x128xf32, #tpu.memory_space<hbm>> -> memref<128x128xf32, #tpu.memory_space<hbm>>
      tpu.wait_dma2 semaphore(%run_scoped3A : memref<!tpu.dma_semaphore, #tpu.memory_space<semaphore_mem>>) src(%arg6 : memref<128x128xf32, #tpu.memory_space<vmem>>) dst(%dma_wait3A_47 : memref<128x128xf32, #tpu.memory_space<hbm>>)
      tpu.yield
    }) : () -> ()
    %dma_wait3A_33 = arith.constant 1152 : i32
    %dma_wait3A_34 = tpu.memref_slice %arg5[%dma_wait3A_33] : memref<1280xi32, #tpu.memory_space<vmem>> -> memref<128xi32, #tpu.memory_space<vmem>>
    %dma_wait3A_35 = arith.constant 0 : i32
    %dma_wait3A_36 = arith.constant 0 : i32
    %dma_wait3A_37 = tpu.memref_slice %arg2[%dma_wait3A_35, %dma_wait3A_36] : memref<1000000x128xf32, #tpu.memory_space<hbm>> -> memref<1000000x128xf32, #tpu.memory_space<hbm>>
    tpu.wait_indirect_dma semaphore(%arg11 : memref<!tpu.dma_semaphore, #tpu.memory_space<semaphore_mem>>) src(%dma_wait3A_37 : memref<1000000x128xf32, #tpu.memory_space<hbm>>) dst(%arg7 : memref<128x128xf32, #tpu.memory_space<vmem>>)
    %add3A_38 = arith.constant 1152 : i32
    %add3A_39 = arith.addi %mul3A_2, %add3A_38 : i32
    "tpu.region"() ({
      %run_scoped3A = tpu.sem_alloc : memref<!tpu.dma_semaphore, #tpu.memory_space<semaphore_mem>>
      %dma_start3A_40 = arith.constant 0 : i32
      %dma_start3A_41 = tpu.memref_slice %arg4[%add3A_39, %dma_start3A_40] : memref<40960x128xf32, #tpu.memory_space<hbm>> -> memref<128x128xf32, #tpu.memory_space<hbm>>
      %dma_start3A_42 = arith.constant 0 : i32
      %dma_start3A_43 = tpu.memref_slice %arg4[%add3A_39, %dma_start3A_42] : memref<40960x128xf32, #tpu.memory_space<hbm>> -> memref<128x128xf32, #tpu.memory_space<hbm>>
      tpu.enqueue_dma source(%arg7 : memref<128x128xf32, #tpu.memory_space<vmem>>) target(%dma_start3A_43 : memref<128x128xf32, #tpu.memory_space<hbm>>) target_semaphore(%run_scoped3A : memref<!tpu.dma_semaphore, #tpu.memory_space<semaphore_mem>>)
      %dma_wait3A_44 = arith.constant 0 : i32
      %dma_wait3A_45 = tpu.memref_slice %arg4[%add3A_39, %dma_wait3A_44] : memref<40960x128xf32, #tpu.memory_space<hbm>> -> memref<128x128xf32, #tpu.memory_space<hbm>>
      %dma_wait3A_46 = arith.constant 0 : i32
      %dma_wait3A_47 = tpu.memref_slice %arg4[%add3A_39, %dma_wait3A_46] : memref<40960x128xf32, #tpu.memory_space<hbm>> -> memref<128x128xf32, #tpu.memory_space<hbm>>
      tpu.wait_dma2 semaphore(%run_scoped3A : memref<!tpu.dma_semaphore, #tpu.memory_space<semaphore_mem>>) src(%arg7 : memref<128x128xf32, #tpu.memory_space<vmem>>) dst(%dma_wait3A_47 : memref<128x128xf32, #tpu.memory_space<hbm>>)
      tpu.yield
    }) : () -> ()
    return
  }
}

#map = affine_map<(d0, d1) -> (0, 0)>
module attributes {stable_mosaic.version = 14 : i64} {
  func.func @_gather_body(%arg0: i32, %arg1: i32, %arg2: memref<1000000x128xf32, #tpu.memory_space<hbm>>, %arg3: memref<32x1280xi32, #tpu.memory_space<hbm>>, %arg4: memref<40960x128xf32, #tpu.memory_space<hbm>>, %arg5: memref<1280xi32, #tpu.memory_space<vmem>>, %arg6: memref<128x128xf32, #tpu.memory_space<vmem>>, %arg7: memref<128x128xf32, #tpu.memory_space<vmem>>, %arg8: memref<128x128xf32, #tpu.memory_space<vmem>>, %arg9: memref<128x128xf32, #tpu.memory_space<vmem>>, %arg10: memref<!tpu.dma_semaphore, #tpu.memory_space<semaphore_mem>>, %arg11: memref<!tpu.dma_semaphore, #tpu.memory_space<semaphore_mem>>, %arg12: memref<!tpu.dma_semaphore, #tpu.memory_space<semaphore_mem>>, %arg13: memref<!tpu.dma_semaphore, #tpu.memory_space<semaphore_mem>>, %arg14: memref<!tpu.dma_semaphore, #tpu.memory_space<semaphore_mem>>, %arg15: memref<!tpu.dma_semaphore, #tpu.memory_space<semaphore_mem>>, %arg16: memref<!tpu.dma_semaphore, #tpu.memory_space<semaphore_mem>>, %arg17: memref<!tpu.dma_semaphore, #tpu.memory_space<semaphore_mem>>) attributes {dimension_semantics = [#tpu.dimension_semantics<core_parallel>, #tpu.dimension_semantics<subcore_parallel>], iteration_bounds = array<i64: 2, 16>, scalar_prefetch = 0 : i64, scratch_operands = 13 : i64, tpu.core_type = #tpu.core_type<sc_vector_subcore>, window_params = [{transform_indices = #map}, {transform_indices = #map}, {transform_indices = #map}]} {
    %mul3A = arith.constant 2 : i32
    %mul3A_0 = arith.muli %arg1, %mul3A : i32
    %add3A = arith.addi %mul3A_0, %arg0 : i32
    %mul3A_1 = arith.constant 1280 : i32
    %mul3A_2 = arith.muli %add3A, %mul3A_1 : i32
    "tpu.region"() ({
      %run_scoped3A = tpu.sem_alloc : memref<!tpu.dma_semaphore, #tpu.memory_space<semaphore_mem>>
      %dma_start3A_40 = arith.constant 0 : i32
      %dma_start3A_41 = tpu.memref_slice %arg3[%add3A, %dma_start3A_40] : memref<32x1280xi32, #tpu.memory_space<hbm>> -> memref<1x1280xi32, #tpu.memory_space<hbm>>
      %dma_start3A_42 = tpu.memref_squeeze %dma_start3A_41 : memref<1x1280xi32, #tpu.memory_space<hbm>> -> memref<1280xi32, #tpu.memory_space<hbm>>
      %dma_start3A_43 = arith.constant 0 : i32
      %dma_start3A_44 = tpu.memref_slice %arg3[%add3A, %dma_start3A_43] : memref<32x1280xi32, #tpu.memory_space<hbm>> -> memref<1x1280xi32, #tpu.memory_space<hbm>>
      %dma_start3A_45 = tpu.memref_squeeze %dma_start3A_44 : memref<1x1280xi32, #tpu.memory_space<hbm>> -> memref<1280xi32, #tpu.memory_space<hbm>>
      tpu.enqueue_dma source(%dma_start3A_45 : memref<1280xi32, #tpu.memory_space<hbm>>) target(%arg5 : memref<1280xi32, #tpu.memory_space<vmem>>) target_semaphore(%run_scoped3A : memref<!tpu.dma_semaphore, #tpu.memory_space<semaphore_mem>>)
      %dma_wait3A_46 = arith.constant 0 : i32
      %dma_wait3A_47 = tpu.memref_slice %arg3[%add3A, %dma_wait3A_46] : memref<32x1280xi32, #tpu.memory_space<hbm>> -> memref<1x1280xi32, #tpu.memory_space<hbm>>
      %dma_wait3A_48 = tpu.memref_squeeze %dma_wait3A_47 : memref<1x1280xi32, #tpu.memory_space<hbm>> -> memref<1280xi32, #tpu.memory_space<hbm>>
      %dma_wait3A_49 = arith.constant 0 : i32
      %dma_wait3A_50 = tpu.memref_slice %arg3[%add3A, %dma_wait3A_49] : memref<32x1280xi32, #tpu.memory_space<hbm>> -> memref<1x1280xi32, #tpu.memory_space<hbm>>
      %dma_wait3A_51 = tpu.memref_squeeze %dma_wait3A_50 : memref<1x1280xi32, #tpu.memory_space<hbm>> -> memref<1280xi32, #tpu.memory_space<hbm>>
      tpu.wait_dma2 semaphore(%run_scoped3A : memref<!tpu.dma_semaphore, #tpu.memory_space<semaphore_mem>>) src(%dma_wait3A_51 : memref<1280xi32, #tpu.memory_space<hbm>>) dst(%arg5 : memref<1280xi32, #tpu.memory_space<vmem>>)
      tpu.yield
    }) : () -> ()
    %dma_start3A = arith.constant 0 : i32
    %dma_start3A_3 = tpu.memref_slice %arg5[%dma_start3A] : memref<1280xi32, #tpu.memory_space<vmem>> -> memref<128xi32, #tpu.memory_space<vmem>>
    %dma_start3A_4 = arith.constant 0 : i32
    %dma_start3A_5 = arith.constant 0 : i32
    %dma_start3A_6 = tpu.memref_slice %arg2[%dma_start3A_4, %dma_start3A_5] : memref<1000000x128xf32, #tpu.memory_space<hbm>> -> memref<1000000x128xf32, #tpu.memory_space<hbm>>
    tpu.enqueue_indirect_dma source(%dma_start3A_6 : memref<1000000x128xf32, #tpu.memory_space<hbm>>) target(%arg6 : memref<128x128xf32, #tpu.memory_space<vmem>>) offsets(%dma_start3A_3 : memref<128xi32, #tpu.memory_space<vmem>>) semaphore(%arg10 : memref<!tpu.dma_semaphore, #tpu.memory_space<semaphore_mem>>)
    %dma_start3A_7 = arith.constant 128 : i32
    %dma_start3A_8 = tpu.memref_slice %arg5[%dma_start3A_7] : memref<1280xi32, #tpu.memory_space<vmem>> -> memref<128xi32, #tpu.memory_space<vmem>>
    %dma_start3A_9 = arith.constant 0 : i32
    %dma_start3A_10 = arith.constant 0 : i32
    %dma_start3A_11 = tpu.memref_slice %arg2[%dma_start3A_9, %dma_start3A_10] : memref<1000000x128xf32, #tpu.memory_space<hbm>> -> memref<1000000x128xf32, #tpu.memory_space<hbm>>
    tpu.enqueue_indirect_dma source(%dma_start3A_11 : memref<1000000x128xf32, #tpu.memory_space<hbm>>) target(%arg7 : memref<128x128xf32, #tpu.memory_space<vmem>>) offsets(%dma_start3A_8 : memref<128xi32, #tpu.memory_space<vmem>>) semaphore(%arg11 : memref<!tpu.dma_semaphore, #tpu.memory_space<semaphore_mem>>)
    %dma_start3A_12 = arith.constant 256 : i32
    %dma_start3A_13 = tpu.memref_slice %arg5[%dma_start3A_12] : memref<1280xi32, #tpu.memory_space<vmem>> -> memref<128xi32, #tpu.memory_space<vmem>>
    %dma_start3A_14 = arith.constant 0 : i32
    %dma_start3A_15 = arith.constant 0 : i32
    %dma_start3A_16 = tpu.memref_slice %arg2[%dma_start3A_14, %dma_start3A_15] : memref<1000000x128xf32, #tpu.memory_space<hbm>> -> memref<1000000x128xf32, #tpu.memory_space<hbm>>
    tpu.enqueue_indirect_dma source(%dma_start3A_16 : memref<1000000x128xf32, #tpu.memory_space<hbm>>) target(%arg8 : memref<128x128xf32, #tpu.memory_space<vmem>>) offsets(%dma_start3A_13 : memref<128xi32, #tpu.memory_space<vmem>>) semaphore(%arg12 : memref<!tpu.dma_semaphore, #tpu.memory_space<semaphore_mem>>)
    %dma_start3A_17 = arith.constant 384 : i32
    %dma_start3A_18 = tpu.memref_slice %arg5[%dma_start3A_17] : memref<1280xi32, #tpu.memory_space<vmem>> -> memref<128xi32, #tpu.memory_space<vmem>>
    %dma_start3A_19 = arith.constant 0 : i32
    %dma_start3A_20 = arith.constant 0 : i32
    %dma_start3A_21 = tpu.memref_slice %arg2[%dma_start3A_19, %dma_start3A_20] : memref<1000000x128xf32, #tpu.memory_space<hbm>> -> memref<1000000x128xf32, #tpu.memory_space<hbm>>
    tpu.enqueue_indirect_dma source(%dma_start3A_21 : memref<1000000x128xf32, #tpu.memory_space<hbm>>) target(%arg9 : memref<128x128xf32, #tpu.memory_space<vmem>>) offsets(%dma_start3A_18 : memref<128xi32, #tpu.memory_space<vmem>>) semaphore(%arg13 : memref<!tpu.dma_semaphore, #tpu.memory_space<semaphore_mem>>)
    %scan3A = arith.constant 0 : i32
    %scan3A_22 = arith.constant 0 : i32
    %scan3A_23 = arith.constant 2 : i32
    %scan3A_24 = arith.addi %scan3A_22, %scan3A_23 : i32
    %scan3A_25 = arith.constant 1 : i32
    scf.for %scan3A_40 = %scan3A_22 to %scan3A_24 step %scan3A_25  : i32 {
      %mul3A_41 = arith.constant 4 : i32
      %mul3A_42 = arith.muli %scan3A_40, %mul3A_41 : i32
      %add3A_43 = arith.constant 0 : i32
      %add3A_44 = arith.addi %mul3A_42, %add3A_43 : i32
      %mul3A_45 = arith.constant 128 : i32
      %mul3A_46 = arith.muli %add3A_44, %mul3A_45 : i32
      %dma_wait3A_47 = tpu.memref_slice %arg5[%mul3A_46] : memref<1280xi32, #tpu.memory_space<vmem>> -> memref<128xi32, #tpu.memory_space<vmem>>
      %dma_wait3A_48 = arith.constant 0 : i32
      %dma_wait3A_49 = arith.constant 0 : i32
      %dma_wait3A_50 = tpu.memref_slice %arg2[%dma_wait3A_48, %dma_wait3A_49] : memref<1000000x128xf32, #tpu.memory_space<hbm>> -> memref<1000000x128xf32, #tpu.memory_space<hbm>>
      tpu.wait_indirect_dma semaphore(%arg10 : memref<!tpu.dma_semaphore, #tpu.memory_space<semaphore_mem>>) src(%dma_wait3A_50 : memref<1000000x128xf32, #tpu.memory_space<hbm>>) dst(%arg6 : memref<128x128xf32, #tpu.memory_space<vmem>>)
      %mul3A_51 = arith.constant 128 : i32
      %mul3A_52 = arith.muli %add3A_44, %mul3A_51 : i32
      %add3A_53 = arith.addi %mul3A_2, %mul3A_52 : i32
      %dma_start3A_54 = arith.constant 0 : i32
      %dma_start3A_55 = tpu.memref_slice %arg4[%add3A_53, %dma_start3A_54] : memref<40960x128xf32, #tpu.memory_space<hbm>> -> memref<128x128xf32, #tpu.memory_space<hbm>>
      %dma_start3A_56 = arith.constant 0 : i32
      %dma_start3A_57 = tpu.memref_slice %arg4[%add3A_53, %dma_start3A_56] : memref<40960x128xf32, #tpu.memory_space<hbm>> -> memref<128x128xf32, #tpu.memory_space<hbm>>
      tpu.enqueue_dma source(%arg6 : memref<128x128xf32, #tpu.memory_space<vmem>>) target(%dma_start3A_57 : memref<128x128xf32, #tpu.memory_space<hbm>>) target_semaphore(%arg14 : memref<!tpu.dma_semaphore, #tpu.memory_space<semaphore_mem>>)
      %mul3A_58 = arith.constant 128 : i32
      %mul3A_59 = arith.muli %add3A_44, %mul3A_58 : i32
      %add3A_60 = arith.addi %mul3A_2, %mul3A_59 : i32
      %dma_wait3A_61 = arith.constant 0 : i32
      %dma_wait3A_62 = tpu.memref_slice %arg4[%add3A_60, %dma_wait3A_61] : memref<40960x128xf32, #tpu.memory_space<hbm>> -> memref<128x128xf32, #tpu.memory_space<hbm>>
      %dma_wait3A_63 = arith.constant 0 : i32
      %dma_wait3A_64 = tpu.memref_slice %arg4[%add3A_60, %dma_wait3A_63] : memref<40960x128xf32, #tpu.memory_space<hbm>> -> memref<128x128xf32, #tpu.memory_space<hbm>>
      tpu.wait_dma2 semaphore(%arg14 : memref<!tpu.dma_semaphore, #tpu.memory_space<semaphore_mem>>) src(%arg6 : memref<128x128xf32, #tpu.memory_space<vmem>>) dst(%dma_wait3A_64 : memref<128x128xf32, #tpu.memory_space<hbm>>)
      %add3A_65 = arith.constant 4 : i32
      %add3A_66 = arith.addi %add3A_44, %add3A_65 : i32
      %lt3A = arith.constant 10 : i32
      %lt3A_67 = arith.cmpi slt, %add3A_66, %lt3A : i32
      %convert_element_type3A = arith.extui %lt3A_67 : i1 to i32
      %cond3A = arith.constant 0 : i32
      %cond3A_68 = arith.cmpi ne, %convert_element_type3A, %cond3A : i32
      scf.if %cond3A_68 {
        %add3A_162 = arith.constant 4 : i32
        %add3A_163 = arith.addi %add3A_44, %add3A_162 : i32
        %mul3A_164 = arith.constant 128 : i32
        %mul3A_165 = arith.muli %add3A_163, %mul3A_164 : i32
        %dma_start3A_166 = tpu.memref_slice %arg5[%mul3A_165] : memref<1280xi32, #tpu.memory_space<vmem>> -> memref<128xi32, #tpu.memory_space<vmem>>
        %dma_start3A_167 = arith.constant 0 : i32
        %dma_start3A_168 = arith.constant 0 : i32
        %dma_start3A_169 = tpu.memref_slice %arg2[%dma_start3A_167, %dma_start3A_168] : memref<1000000x128xf32, #tpu.memory_space<hbm>> -> memref<1000000x128xf32, #tpu.memory_space<hbm>>
        tpu.enqueue_indirect_dma source(%dma_start3A_169 : memref<1000000x128xf32, #tpu.memory_space<hbm>>) target(%arg6 : memref<128x128xf32, #tpu.memory_space<vmem>>) offsets(%dma_start3A_166 : memref<128xi32, #tpu.memory_space<vmem>>) semaphore(%arg10 : memref<!tpu.dma_semaphore, #tpu.memory_space<semaphore_mem>>)
      } else {
      }
      %mul3A_69 = arith.constant 4 : i32
      %mul3A_70 = arith.muli %scan3A_40, %mul3A_69 : i32
      %add3A_71 = arith.constant 1 : i32
      %add3A_72 = arith.addi %mul3A_70, %add3A_71 : i32
      %mul3A_73 = arith.constant 128 : i32
      %mul3A_74 = arith.muli %add3A_72, %mul3A_73 : i32
      %dma_wait3A_75 = tpu.memref_slice %arg5[%mul3A_74] : memref<1280xi32, #tpu.memory_space<vmem>> -> memref<128xi32, #tpu.memory_space<vmem>>
      %dma_wait3A_76 = arith.constant 0 : i32
      %dma_wait3A_77 = arith.constant 0 : i32
      %dma_wait3A_78 = tpu.memref_slice %arg2[%dma_wait3A_76, %dma_wait3A_77] : memref<1000000x128xf32, #tpu.memory_space<hbm>> -> memref<1000000x128xf32, #tpu.memory_space<hbm>>
      tpu.wait_indirect_dma semaphore(%arg11 : memref<!tpu.dma_semaphore, #tpu.memory_space<semaphore_mem>>) src(%dma_wait3A_78 : memref<1000000x128xf32, #tpu.memory_space<hbm>>) dst(%arg7 : memref<128x128xf32, #tpu.memory_space<vmem>>)
      %mul3A_79 = arith.constant 128 : i32
      %mul3A_80 = arith.muli %add3A_72, %mul3A_79 : i32
      %add3A_81 = arith.addi %mul3A_2, %mul3A_80 : i32
      %dma_start3A_82 = arith.constant 0 : i32
      %dma_start3A_83 = tpu.memref_slice %arg4[%add3A_81, %dma_start3A_82] : memref<40960x128xf32, #tpu.memory_space<hbm>> -> memref<128x128xf32, #tpu.memory_space<hbm>>
      %dma_start3A_84 = arith.constant 0 : i32
      %dma_start3A_85 = tpu.memref_slice %arg4[%add3A_81, %dma_start3A_84] : memref<40960x128xf32, #tpu.memory_space<hbm>> -> memref<128x128xf32, #tpu.memory_space<hbm>>
      tpu.enqueue_dma source(%arg7 : memref<128x128xf32, #tpu.memory_space<vmem>>) target(%dma_start3A_85 : memref<128x128xf32, #tpu.memory_space<hbm>>) target_semaphore(%arg15 : memref<!tpu.dma_semaphore, #tpu.memory_space<semaphore_mem>>)
      %mul3A_86 = arith.constant 128 : i32
      %mul3A_87 = arith.muli %add3A_72, %mul3A_86 : i32
      %add3A_88 = arith.addi %mul3A_2, %mul3A_87 : i32
      %dma_wait3A_89 = arith.constant 0 : i32
      %dma_wait3A_90 = tpu.memref_slice %arg4[%add3A_88, %dma_wait3A_89] : memref<40960x128xf32, #tpu.memory_space<hbm>> -> memref<128x128xf32, #tpu.memory_space<hbm>>
      %dma_wait3A_91 = arith.constant 0 : i32
      %dma_wait3A_92 = tpu.memref_slice %arg4[%add3A_88, %dma_wait3A_91] : memref<40960x128xf32, #tpu.memory_space<hbm>> -> memref<128x128xf32, #tpu.memory_space<hbm>>
      tpu.wait_dma2 semaphore(%arg15 : memref<!tpu.dma_semaphore, #tpu.memory_space<semaphore_mem>>) src(%arg7 : memref<128x128xf32, #tpu.memory_space<vmem>>) dst(%dma_wait3A_92 : memref<128x128xf32, #tpu.memory_space<hbm>>)
      %add3A_93 = arith.constant 4 : i32
      %add3A_94 = arith.addi %add3A_72, %add3A_93 : i32
      %lt3A_95 = arith.constant 10 : i32
      %lt3A_96 = arith.cmpi slt, %add3A_94, %lt3A_95 : i32
      %convert_element_type3A_97 = arith.extui %lt3A_96 : i1 to i32
      %cond3A_98 = arith.constant 0 : i32
      %cond3A_99 = arith.cmpi ne, %convert_element_type3A_97, %cond3A_98 : i32
      scf.if %cond3A_99 {
        %add3A_162 = arith.constant 4 : i32
        %add3A_163 = arith.addi %add3A_72, %add3A_162 : i32
        %mul3A_164 = arith.constant 128 : i32
        %mul3A_165 = arith.muli %add3A_163, %mul3A_164 : i32
        %dma_start3A_166 = tpu.memref_slice %arg5[%mul3A_165] : memref<1280xi32, #tpu.memory_space<vmem>> -> memref<128xi32, #tpu.memory_space<vmem>>
        %dma_start3A_167 = arith.constant 0 : i32
        %dma_start3A_168 = arith.constant 0 : i32
        %dma_start3A_169 = tpu.memref_slice %arg2[%dma_start3A_167, %dma_start3A_168] : memref<1000000x128xf32, #tpu.memory_space<hbm>> -> memref<1000000x128xf32, #tpu.memory_space<hbm>>
        tpu.enqueue_indirect_dma source(%dma_start3A_169 : memref<1000000x128xf32, #tpu.memory_space<hbm>>) target(%arg7 : memref<128x128xf32, #tpu.memory_space<vmem>>) offsets(%dma_start3A_166 : memref<128xi32, #tpu.memory_space<vmem>>) semaphore(%arg11 : memref<!tpu.dma_semaphore, #tpu.memory_space<semaphore_mem>>)
      } else {
      }
      %mul3A_100 = arith.constant 4 : i32
      %mul3A_101 = arith.muli %scan3A_40, %mul3A_100 : i32
      %add3A_102 = arith.constant 2 : i32
      %add3A_103 = arith.addi %mul3A_101, %add3A_102 : i32
      %mul3A_104 = arith.constant 128 : i32
      %mul3A_105 = arith.muli %add3A_103, %mul3A_104 : i32
      %dma_wait3A_106 = tpu.memref_slice %arg5[%mul3A_105] : memref<1280xi32, #tpu.memory_space<vmem>> -> memref<128xi32, #tpu.memory_space<vmem>>
      %dma_wait3A_107 = arith.constant 0 : i32
      %dma_wait3A_108 = arith.constant 0 : i32
      %dma_wait3A_109 = tpu.memref_slice %arg2[%dma_wait3A_107, %dma_wait3A_108] : memref<1000000x128xf32, #tpu.memory_space<hbm>> -> memref<1000000x128xf32, #tpu.memory_space<hbm>>
      tpu.wait_indirect_dma semaphore(%arg12 : memref<!tpu.dma_semaphore, #tpu.memory_space<semaphore_mem>>) src(%dma_wait3A_109 : memref<1000000x128xf32, #tpu.memory_space<hbm>>) dst(%arg8 : memref<128x128xf32, #tpu.memory_space<vmem>>)
      %mul3A_110 = arith.constant 128 : i32
      %mul3A_111 = arith.muli %add3A_103, %mul3A_110 : i32
      %add3A_112 = arith.addi %mul3A_2, %mul3A_111 : i32
      %dma_start3A_113 = arith.constant 0 : i32
      %dma_start3A_114 = tpu.memref_slice %arg4[%add3A_112, %dma_start3A_113] : memref<40960x128xf32, #tpu.memory_space<hbm>> -> memref<128x128xf32, #tpu.memory_space<hbm>>
      %dma_start3A_115 = arith.constant 0 : i32
      %dma_start3A_116 = tpu.memref_slice %arg4[%add3A_112, %dma_start3A_115] : memref<40960x128xf32, #tpu.memory_space<hbm>> -> memref<128x128xf32, #tpu.memory_space<hbm>>
      tpu.enqueue_dma source(%arg8 : memref<128x128xf32, #tpu.memory_space<vmem>>) target(%dma_start3A_116 : memref<128x128xf32, #tpu.memory_space<hbm>>) target_semaphore(%arg16 : memref<!tpu.dma_semaphore, #tpu.memory_space<semaphore_mem>>)
      %mul3A_117 = arith.constant 128 : i32
      %mul3A_118 = arith.muli %add3A_103, %mul3A_117 : i32
      %add3A_119 = arith.addi %mul3A_2, %mul3A_118 : i32
      %dma_wait3A_120 = arith.constant 0 : i32
      %dma_wait3A_121 = tpu.memref_slice %arg4[%add3A_119, %dma_wait3A_120] : memref<40960x128xf32, #tpu.memory_space<hbm>> -> memref<128x128xf32, #tpu.memory_space<hbm>>
      %dma_wait3A_122 = arith.constant 0 : i32
      %dma_wait3A_123 = tpu.memref_slice %arg4[%add3A_119, %dma_wait3A_122] : memref<40960x128xf32, #tpu.memory_space<hbm>> -> memref<128x128xf32, #tpu.memory_space<hbm>>
      tpu.wait_dma2 semaphore(%arg16 : memref<!tpu.dma_semaphore, #tpu.memory_space<semaphore_mem>>) src(%arg8 : memref<128x128xf32, #tpu.memory_space<vmem>>) dst(%dma_wait3A_123 : memref<128x128xf32, #tpu.memory_space<hbm>>)
      %add3A_124 = arith.constant 4 : i32
      %add3A_125 = arith.addi %add3A_103, %add3A_124 : i32
      %lt3A_126 = arith.constant 10 : i32
      %lt3A_127 = arith.cmpi slt, %add3A_125, %lt3A_126 : i32
      %convert_element_type3A_128 = arith.extui %lt3A_127 : i1 to i32
      %cond3A_129 = arith.constant 0 : i32
      %cond3A_130 = arith.cmpi ne, %convert_element_type3A_128, %cond3A_129 : i32
      scf.if %cond3A_130 {
        %add3A_162 = arith.constant 4 : i32
        %add3A_163 = arith.addi %add3A_103, %add3A_162 : i32
        %mul3A_164 = arith.constant 128 : i32
        %mul3A_165 = arith.muli %add3A_163, %mul3A_164 : i32
        %dma_start3A_166 = tpu.memref_slice %arg5[%mul3A_165] : memref<1280xi32, #tpu.memory_space<vmem>> -> memref<128xi32, #tpu.memory_space<vmem>>
        %dma_start3A_167 = arith.constant 0 : i32
        %dma_start3A_168 = arith.constant 0 : i32
        %dma_start3A_169 = tpu.memref_slice %arg2[%dma_start3A_167, %dma_start3A_168] : memref<1000000x128xf32, #tpu.memory_space<hbm>> -> memref<1000000x128xf32, #tpu.memory_space<hbm>>
        tpu.enqueue_indirect_dma source(%dma_start3A_169 : memref<1000000x128xf32, #tpu.memory_space<hbm>>) target(%arg8 : memref<128x128xf32, #tpu.memory_space<vmem>>) offsets(%dma_start3A_166 : memref<128xi32, #tpu.memory_space<vmem>>) semaphore(%arg12 : memref<!tpu.dma_semaphore, #tpu.memory_space<semaphore_mem>>)
      } else {
      }
      %mul3A_131 = arith.constant 4 : i32
      %mul3A_132 = arith.muli %scan3A_40, %mul3A_131 : i32
      %add3A_133 = arith.constant 3 : i32
      %add3A_134 = arith.addi %mul3A_132, %add3A_133 : i32
      %mul3A_135 = arith.constant 128 : i32
      %mul3A_136 = arith.muli %add3A_134, %mul3A_135 : i32
      %dma_wait3A_137 = tpu.memref_slice %arg5[%mul3A_136] : memref<1280xi32, #tpu.memory_space<vmem>> -> memref<128xi32, #tpu.memory_space<vmem>>
      %dma_wait3A_138 = arith.constant 0 : i32
      %dma_wait3A_139 = arith.constant 0 : i32
      %dma_wait3A_140 = tpu.memref_slice %arg2[%dma_wait3A_138, %dma_wait3A_139] : memref<1000000x128xf32, #tpu.memory_space<hbm>> -> memref<1000000x128xf32, #tpu.memory_space<hbm>>
      tpu.wait_indirect_dma semaphore(%arg13 : memref<!tpu.dma_semaphore, #tpu.memory_space<semaphore_mem>>) src(%dma_wait3A_140 : memref<1000000x128xf32, #tpu.memory_space<hbm>>) dst(%arg9 : memref<128x128xf32, #tpu.memory_space<vmem>>)
      %mul3A_141 = arith.constant 128 : i32
      %mul3A_142 = arith.muli %add3A_134, %mul3A_141 : i32
      %add3A_143 = arith.addi %mul3A_2, %mul3A_142 : i32
      %dma_start3A_144 = arith.constant 0 : i32
      %dma_start3A_145 = tpu.memref_slice %arg4[%add3A_143, %dma_start3A_144] : memref<40960x128xf32, #tpu.memory_space<hbm>> -> memref<128x128xf32, #tpu.memory_space<hbm>>
      %dma_start3A_146 = arith.constant 0 : i32
      %dma_start3A_147 = tpu.memref_slice %arg4[%add3A_143, %dma_start3A_146] : memref<40960x128xf32, #tpu.memory_space<hbm>> -> memref<128x128xf32, #tpu.memory_space<hbm>>
      tpu.enqueue_dma source(%arg9 : memref<128x128xf32, #tpu.memory_space<vmem>>) target(%dma_start3A_147 : memref<128x128xf32, #tpu.memory_space<hbm>>) target_semaphore(%arg17 : memref<!tpu.dma_semaphore, #tpu.memory_space<semaphore_mem>>)
      %mul3A_148 = arith.constant 128 : i32
      %mul3A_149 = arith.muli %add3A_134, %mul3A_148 : i32
      %add3A_150 = arith.addi %mul3A_2, %mul3A_149 : i32
      %dma_wait3A_151 = arith.constant 0 : i32
      %dma_wait3A_152 = tpu.memref_slice %arg4[%add3A_150, %dma_wait3A_151] : memref<40960x128xf32, #tpu.memory_space<hbm>> -> memref<128x128xf32, #tpu.memory_space<hbm>>
      %dma_wait3A_153 = arith.constant 0 : i32
      %dma_wait3A_154 = tpu.memref_slice %arg4[%add3A_150, %dma_wait3A_153] : memref<40960x128xf32, #tpu.memory_space<hbm>> -> memref<128x128xf32, #tpu.memory_space<hbm>>
      tpu.wait_dma2 semaphore(%arg17 : memref<!tpu.dma_semaphore, #tpu.memory_space<semaphore_mem>>) src(%arg9 : memref<128x128xf32, #tpu.memory_space<vmem>>) dst(%dma_wait3A_154 : memref<128x128xf32, #tpu.memory_space<hbm>>)
      %add3A_155 = arith.constant 4 : i32
      %add3A_156 = arith.addi %add3A_134, %add3A_155 : i32
      %lt3A_157 = arith.constant 10 : i32
      %lt3A_158 = arith.cmpi slt, %add3A_156, %lt3A_157 : i32
      %convert_element_type3A_159 = arith.extui %lt3A_158 : i1 to i32
      %cond3A_160 = arith.constant 0 : i32
      %cond3A_161 = arith.cmpi ne, %convert_element_type3A_159, %cond3A_160 : i32
      scf.if %cond3A_161 {
        %add3A_162 = arith.constant 4 : i32
        %add3A_163 = arith.addi %add3A_134, %add3A_162 : i32
        %mul3A_164 = arith.constant 128 : i32
        %mul3A_165 = arith.muli %add3A_163, %mul3A_164 : i32
        %dma_start3A_166 = tpu.memref_slice %arg5[%mul3A_165] : memref<1280xi32, #tpu.memory_space<vmem>> -> memref<128xi32, #tpu.memory_space<vmem>>
        %dma_start3A_167 = arith.constant 0 : i32
        %dma_start3A_168 = arith.constant 0 : i32
        %dma_start3A_169 = tpu.memref_slice %arg2[%dma_start3A_167, %dma_start3A_168] : memref<1000000x128xf32, #tpu.memory_space<hbm>> -> memref<1000000x128xf32, #tpu.memory_space<hbm>>
        tpu.enqueue_indirect_dma source(%dma_start3A_169 : memref<1000000x128xf32, #tpu.memory_space<hbm>>) target(%arg9 : memref<128x128xf32, #tpu.memory_space<vmem>>) offsets(%dma_start3A_166 : memref<128xi32, #tpu.memory_space<vmem>>) semaphore(%arg13 : memref<!tpu.dma_semaphore, #tpu.memory_space<semaphore_mem>>)
      } else {
      }
    }
    %scan3A_26 = arith.constant 2 : i32
    %dma_wait3A = arith.constant 1024 : i32
    %dma_wait3A_27 = tpu.memref_slice %arg5[%dma_wait3A] : memref<1280xi32, #tpu.memory_space<vmem>> -> memref<128xi32, #tpu.memory_space<vmem>>
    %dma_wait3A_28 = arith.constant 0 : i32
    %dma_wait3A_29 = arith.constant 0 : i32
    %dma_wait3A_30 = tpu.memref_slice %arg2[%dma_wait3A_28, %dma_wait3A_29] : memref<1000000x128xf32, #tpu.memory_space<hbm>> -> memref<1000000x128xf32, #tpu.memory_space<hbm>>
    tpu.wait_indirect_dma semaphore(%arg10 : memref<!tpu.dma_semaphore, #tpu.memory_space<semaphore_mem>>) src(%dma_wait3A_30 : memref<1000000x128xf32, #tpu.memory_space<hbm>>) dst(%arg6 : memref<128x128xf32, #tpu.memory_space<vmem>>)
    %add3A_31 = arith.constant 1024 : i32
    %add3A_32 = arith.addi %mul3A_2, %add3A_31 : i32
    "tpu.region"() ({
      %run_scoped3A = tpu.sem_alloc : memref<!tpu.dma_semaphore, #tpu.memory_space<semaphore_mem>>
      %dma_start3A_40 = arith.constant 0 : i32
      %dma_start3A_41 = tpu.memref_slice %arg4[%add3A_32, %dma_start3A_40] : memref<40960x128xf32, #tpu.memory_space<hbm>> -> memref<128x128xf32, #tpu.memory_space<hbm>>
      %dma_start3A_42 = arith.constant 0 : i32
      %dma_start3A_43 = tpu.memref_slice %arg4[%add3A_32, %dma_start3A_42] : memref<40960x128xf32, #tpu.memory_space<hbm>> -> memref<128x128xf32, #tpu.memory_space<hbm>>
      tpu.enqueue_dma source(%arg6 : memref<128x128xf32, #tpu.memory_space<vmem>>) target(%dma_start3A_43 : memref<128x128xf32, #tpu.memory_space<hbm>>) target_semaphore(%run_scoped3A : memref<!tpu.dma_semaphore, #tpu.memory_space<semaphore_mem>>)
      %dma_wait3A_44 = arith.constant 0 : i32
      %dma_wait3A_45 = tpu.memref_slice %arg4[%add3A_32, %dma_wait3A_44] : memref<40960x128xf32, #tpu.memory_space<hbm>> -> memref<128x128xf32, #tpu.memory_space<hbm>>
      %dma_wait3A_46 = arith.constant 0 : i32
      %dma_wait3A_47 = tpu.memref_slice %arg4[%add3A_32, %dma_wait3A_46] : memref<40960x128xf32, #tpu.memory_space<hbm>> -> memref<128x128xf32, #tpu.memory_space<hbm>>
      tpu.wait_dma2 semaphore(%run_scoped3A : memref<!tpu.dma_semaphore, #tpu.memory_space<semaphore_mem>>) src(%arg6 : memref<128x128xf32, #tpu.memory_space<vmem>>) dst(%dma_wait3A_47 : memref<128x128xf32, #tpu.memory_space<hbm>>)
      tpu.yield
    }) : () -> ()
    %dma_wait3A_33 = arith.constant 1152 : i32
    %dma_wait3A_34 = tpu.memref_slice %arg5[%dma_wait3A_33] : memref<1280xi32, #tpu.memory_space<vmem>> -> memref<128xi32, #tpu.memory_space<vmem>>
    %dma_wait3A_35 = arith.constant 0 : i32
    %dma_wait3A_36 = arith.constant 0 : i32
    %dma_wait3A_37 = tpu.memref_slice %arg2[%dma_wait3A_35, %dma_wait3A_36] : memref<1000000x128xf32, #tpu.memory_space<hbm>> -> memref<1000000x128xf32, #tpu.memory_space<hbm>>
    tpu.wait_indirect_dma semaphore(%arg11 : memref<!tpu.dma_semaphore, #tpu.memory_space<semaphore_mem>>) src(%dma_wait3A_37 : memref<1000000x128xf32, #tpu.memory_space<hbm>>) dst(%arg7 : memref<128x128xf32, #tpu.memory_space<vmem>>)
    %add3A_38 = arith.constant 1152 : i32
    %add3A_39 = arith.addi %mul3A_2, %add3A_38 : i32
    "tpu.region"() ({
      %run_scoped3A = tpu.sem_alloc : memref<!tpu.dma_semaphore, #tpu.memory_space<semaphore_mem>>
      %dma_start3A_40 = arith.constant 0 : i32
      %dma_start3A_41 = tpu.memref_slice %arg4[%add3A_39, %dma_start3A_40] : memref<40960x128xf32, #tpu.memory_space<hbm>> -> memref<128x128xf32, #tpu.memory_space<hbm>>
      %dma_start3A_42 = arith.constant 0 : i32
      %dma_start3A_43 = tpu.memref_slice %arg4[%add3A_39, %dma_start3A_42] : memref<40960x128xf32, #tpu.memory_space<hbm>> -> memref<128x128xf32, #tpu.memory_space<hbm>>
      tpu.enqueue_dma source(%arg7 : memref<128x128xf32, #tpu.memory_space<vmem>>) target(%dma_start3A_43 : memref<128x128xf32, #tpu.memory_space<hbm>>) target_semaphore(%run_scoped3A : memref<!tpu.dma_semaphore, #tpu.memory_space<semaphore_mem>>)
      %dma_wait3A_44 = arith.constant 0 : i32
      %dma_wait3A_45 = tpu.memref_slice %arg4[%add3A_39, %dma_wait3A_44] : memref<40960x128xf32, #tpu.memory_space<hbm>> -> memref<128x128xf32, #tpu.memory_space<hbm>>
      %dma_wait3A_46 = arith.constant 0 : i32
      %dma_wait3A_47 = tpu.memref_slice %arg4[%add3A_39, %dma_wait3A_46] : memref<40960x128xf32, #tpu.memory_space<hbm>> -> memref<128x128xf32, #tpu.memory_space<hbm>>
      tpu.wait_dma2 semaphore(%run_scoped3A : memref<!tpu.dma_semaphore, #tpu.memory_space<semaphore_mem>>) src(%arg7 : memref<128x128xf32, #tpu.memory_space<vmem>>) dst(%dma_wait3A_47 : memref<128x128xf32, #tpu.memory_space<hbm>>)
      tpu.yield
    }) : () -> ()
    return
  }
}

#map = affine_map<(d0, d1) -> (0, 0)>
module attributes {stable_mosaic.version = 14 : i64} {
  func.func @_gather_body(%arg0: i32, %arg1: i32, %arg2: memref<1000000x128xf32, #tpu.memory_space<hbm>>, %arg3: memref<32x1280xi32, #tpu.memory_space<hbm>>, %arg4: memref<40960x128xf32, #tpu.memory_space<hbm>>, %arg5: memref<1280xi32, #tpu.memory_space<vmem>>, %arg6: memref<128x128xf32, #tpu.memory_space<vmem>>, %arg7: memref<128x128xf32, #tpu.memory_space<vmem>>, %arg8: memref<128x128xf32, #tpu.memory_space<vmem>>, %arg9: memref<128x128xf32, #tpu.memory_space<vmem>>, %arg10: memref<!tpu.dma_semaphore, #tpu.memory_space<semaphore_mem>>, %arg11: memref<!tpu.dma_semaphore, #tpu.memory_space<semaphore_mem>>, %arg12: memref<!tpu.dma_semaphore, #tpu.memory_space<semaphore_mem>>, %arg13: memref<!tpu.dma_semaphore, #tpu.memory_space<semaphore_mem>>, %arg14: memref<!tpu.dma_semaphore, #tpu.memory_space<semaphore_mem>>, %arg15: memref<!tpu.dma_semaphore, #tpu.memory_space<semaphore_mem>>, %arg16: memref<!tpu.dma_semaphore, #tpu.memory_space<semaphore_mem>>, %arg17: memref<!tpu.dma_semaphore, #tpu.memory_space<semaphore_mem>>) attributes {dimension_semantics = [#tpu.dimension_semantics<core_parallel>, #tpu.dimension_semantics<subcore_parallel>], iteration_bounds = array<i64: 2, 16>, scalar_prefetch = 0 : i64, scratch_operands = 13 : i64, tpu.core_type = #tpu.core_type<sc_vector_subcore>, window_params = [{transform_indices = #map}, {transform_indices = #map}, {transform_indices = #map}]} {
    %mul3A = arith.constant 2 : i32
    %mul3A_0 = arith.muli %arg1, %mul3A : i32
    %add3A = arith.addi %mul3A_0, %arg0 : i32
    %mul3A_1 = arith.constant 1280 : i32
    %mul3A_2 = arith.muli %add3A, %mul3A_1 : i32
    "tpu.region"() ({
      %run_scoped3A = tpu.sem_alloc : memref<!tpu.dma_semaphore, #tpu.memory_space<semaphore_mem>>
      %dma_start3A_40 = arith.constant 0 : i32
      %dma_start3A_41 = tpu.memref_slice %arg3[%add3A, %dma_start3A_40] : memref<32x1280xi32, #tpu.memory_space<hbm>> -> memref<1x1280xi32, #tpu.memory_space<hbm>>
      %dma_start3A_42 = tpu.memref_squeeze %dma_start3A_41 : memref<1x1280xi32, #tpu.memory_space<hbm>> -> memref<1280xi32, #tpu.memory_space<hbm>>
      %dma_start3A_43 = arith.constant 0 : i32
      %dma_start3A_44 = tpu.memref_slice %arg3[%add3A, %dma_start3A_43] : memref<32x1280xi32, #tpu.memory_space<hbm>> -> memref<1x1280xi32, #tpu.memory_space<hbm>>
      %dma_start3A_45 = tpu.memref_squeeze %dma_start3A_44 : memref<1x1280xi32, #tpu.memory_space<hbm>> -> memref<1280xi32, #tpu.memory_space<hbm>>
      tpu.enqueue_dma source(%dma_start3A_45 : memref<1280xi32, #tpu.memory_space<hbm>>) target(%arg5 : memref<1280xi32, #tpu.memory_space<vmem>>) target_semaphore(%run_scoped3A : memref<!tpu.dma_semaphore, #tpu.memory_space<semaphore_mem>>)
      %dma_wait3A_46 = arith.constant 0 : i32
      %dma_wait3A_47 = tpu.memref_slice %arg3[%add3A, %dma_wait3A_46] : memref<32x1280xi32, #tpu.memory_space<hbm>> -> memref<1x1280xi32, #tpu.memory_space<hbm>>
      %dma_wait3A_48 = tpu.memref_squeeze %dma_wait3A_47 : memref<1x1280xi32, #tpu.memory_space<hbm>> -> memref<1280xi32, #tpu.memory_space<hbm>>
      %dma_wait3A_49 = arith.constant 0 : i32
      %dma_wait3A_50 = tpu.memref_slice %arg3[%add3A, %dma_wait3A_49] : memref<32x1280xi32, #tpu.memory_space<hbm>> -> memref<1x1280xi32, #tpu.memory_space<hbm>>
      %dma_wait3A_51 = tpu.memref_squeeze %dma_wait3A_50 : memref<1x1280xi32, #tpu.memory_space<hbm>> -> memref<1280xi32, #tpu.memory_space<hbm>>
      tpu.wait_dma2 semaphore(%run_scoped3A : memref<!tpu.dma_semaphore, #tpu.memory_space<semaphore_mem>>) src(%dma_wait3A_51 : memref<1280xi32, #tpu.memory_space<hbm>>) dst(%arg5 : memref<1280xi32, #tpu.memory_space<vmem>>)
      tpu.yield
    }) : () -> ()
    %dma_start3A = arith.constant 0 : i32
    %dma_start3A_3 = tpu.memref_slice %arg5[%dma_start3A] : memref<1280xi32, #tpu.memory_space<vmem>> -> memref<128xi32, #tpu.memory_space<vmem>>
    %dma_start3A_4 = arith.constant 0 : i32
    %dma_start3A_5 = arith.constant 0 : i32
    %dma_start3A_6 = tpu.memref_slice %arg2[%dma_start3A_4, %dma_start3A_5] : memref<1000000x128xf32, #tpu.memory_space<hbm>> -> memref<1000000x128xf32, #tpu.memory_space<hbm>>
    tpu.enqueue_indirect_dma source(%dma_start3A_6 : memref<1000000x128xf32, #tpu.memory_space<hbm>>) target(%arg6 : memref<128x128xf32, #tpu.memory_space<vmem>>) offsets(%dma_start3A_3 : memref<128xi32, #tpu.memory_space<vmem>>) semaphore(%arg10 : memref<!tpu.dma_semaphore, #tpu.memory_space<semaphore_mem>>)
    %dma_start3A_7 = arith.constant 128 : i32
    %dma_start3A_8 = tpu.memref_slice %arg5[%dma_start3A_7] : memref<1280xi32, #tpu.memory_space<vmem>> -> memref<128xi32, #tpu.memory_space<vmem>>
    %dma_start3A_9 = arith.constant 0 : i32
    %dma_start3A_10 = arith.constant 0 : i32
    %dma_start3A_11 = tpu.memref_slice %arg2[%dma_start3A_9, %dma_start3A_10] : memref<1000000x128xf32, #tpu.memory_space<hbm>> -> memref<1000000x128xf32, #tpu.memory_space<hbm>>
    tpu.enqueue_indirect_dma source(%dma_start3A_11 : memref<1000000x128xf32, #tpu.memory_space<hbm>>) target(%arg7 : memref<128x128xf32, #tpu.memory_space<vmem>>) offsets(%dma_start3A_8 : memref<128xi32, #tpu.memory_space<vmem>>) semaphore(%arg11 : memref<!tpu.dma_semaphore, #tpu.memory_space<semaphore_mem>>)
    %dma_start3A_12 = arith.constant 256 : i32
    %dma_start3A_13 = tpu.memref_slice %arg5[%dma_start3A_12] : memref<1280xi32, #tpu.memory_space<vmem>> -> memref<128xi32, #tpu.memory_space<vmem>>
    %dma_start3A_14 = arith.constant 0 : i32
    %dma_start3A_15 = arith.constant 0 : i32
    %dma_start3A_16 = tpu.memref_slice %arg2[%dma_start3A_14, %dma_start3A_15] : memref<1000000x128xf32, #tpu.memory_space<hbm>> -> memref<1000000x128xf32, #tpu.memory_space<hbm>>
    tpu.enqueue_indirect_dma source(%dma_start3A_16 : memref<1000000x128xf32, #tpu.memory_space<hbm>>) target(%arg8 : memref<128x128xf32, #tpu.memory_space<vmem>>) offsets(%dma_start3A_13 : memref<128xi32, #tpu.memory_space<vmem>>) semaphore(%arg12 : memref<!tpu.dma_semaphore, #tpu.memory_space<semaphore_mem>>)
    %dma_start3A_17 = arith.constant 384 : i32
    %dma_start3A_18 = tpu.memref_slice %arg5[%dma_start3A_17] : memref<1280xi32, #tpu.memory_space<vmem>> -> memref<128xi32, #tpu.memory_space<vmem>>
    %dma_start3A_19 = arith.constant 0 : i32
    %dma_start3A_20 = arith.constant 0 : i32
    %dma_start3A_21 = tpu.memref_slice %arg2[%dma_start3A_19, %dma_start3A_20] : memref<1000000x128xf32, #tpu.memory_space<hbm>> -> memref<1000000x128xf32, #tpu.memory_space<hbm>>
    tpu.enqueue_indirect_dma source(%dma_start3A_21 : memref<1000000x128xf32, #tpu.memory_space<hbm>>) target(%arg9 : memref<128x128xf32, #tpu.memory_space<vmem>>) offsets(%dma_start3A_18 : memref<128xi32, #tpu.memory_space<vmem>>) semaphore(%arg13 : memref<!tpu.dma_semaphore, #tpu.memory_space<semaphore_mem>>)
    %scan3A = arith.constant 0 : i32
    %scan3A_22 = arith.constant 0 : i32
    %scan3A_23 = arith.constant 2 : i32
    %scan3A_24 = arith.addi %scan3A_22, %scan3A_23 : i32
    %scan3A_25 = arith.constant 1 : i32
    scf.for %scan3A_40 = %scan3A_22 to %scan3A_24 step %scan3A_25  : i32 {
      %mul3A_41 = arith.constant 4 : i32
      %mul3A_42 = arith.muli %scan3A_40, %mul3A_41 : i32
      %add3A_43 = arith.constant 0 : i32
      %add3A_44 = arith.addi %mul3A_42, %add3A_43 : i32
      %mul3A_45 = arith.constant 128 : i32
      %mul3A_46 = arith.muli %add3A_44, %mul3A_45 : i32
      %dma_wait3A_47 = tpu.memref_slice %arg5[%mul3A_46] : memref<1280xi32, #tpu.memory_space<vmem>> -> memref<128xi32, #tpu.memory_space<vmem>>
      %dma_wait3A_48 = arith.constant 0 : i32
      %dma_wait3A_49 = arith.constant 0 : i32
      %dma_wait3A_50 = tpu.memref_slice %arg2[%dma_wait3A_48, %dma_wait3A_49] : memref<1000000x128xf32, #tpu.memory_space<hbm>> -> memref<1000000x128xf32, #tpu.memory_space<hbm>>
      tpu.wait_indirect_dma semaphore(%arg10 : memref<!tpu.dma_semaphore, #tpu.memory_space<semaphore_mem>>) src(%dma_wait3A_50 : memref<1000000x128xf32, #tpu.memory_space<hbm>>) dst(%arg6 : memref<128x128xf32, #tpu.memory_space<vmem>>)
      %mul3A_51 = arith.constant 128 : i32
      %mul3A_52 = arith.muli %add3A_44, %mul3A_51 : i32
      %add3A_53 = arith.addi %mul3A_2, %mul3A_52 : i32
      %dma_start3A_54 = arith.constant 0 : i32
      %dma_start3A_55 = tpu.memref_slice %arg4[%add3A_53, %dma_start3A_54] : memref<40960x128xf32, #tpu.memory_space<hbm>> -> memref<128x128xf32, #tpu.memory_space<hbm>>
      %dma_start3A_56 = arith.constant 0 : i32
      %dma_start3A_57 = tpu.memref_slice %arg4[%add3A_53, %dma_start3A_56] : memref<40960x128xf32, #tpu.memory_space<hbm>> -> memref<128x128xf32, #tpu.memory_space<hbm>>
      tpu.enqueue_dma source(%arg6 : memref<128x128xf32, #tpu.memory_space<vmem>>) target(%dma_start3A_57 : memref<128x128xf32, #tpu.memory_space<hbm>>) target_semaphore(%arg14 : memref<!tpu.dma_semaphore, #tpu.memory_space<semaphore_mem>>)
      %mul3A_58 = arith.constant 128 : i32
      %mul3A_59 = arith.muli %add3A_44, %mul3A_58 : i32
      %add3A_60 = arith.addi %mul3A_2, %mul3A_59 : i32
      %dma_wait3A_61 = arith.constant 0 : i32
      %dma_wait3A_62 = tpu.memref_slice %arg4[%add3A_60, %dma_wait3A_61] : memref<40960x128xf32, #tpu.memory_space<hbm>> -> memref<128x128xf32, #tpu.memory_space<hbm>>
      %dma_wait3A_63 = arith.constant 0 : i32
      %dma_wait3A_64 = tpu.memref_slice %arg4[%add3A_60, %dma_wait3A_63] : memref<40960x128xf32, #tpu.memory_space<hbm>> -> memref<128x128xf32, #tpu.memory_space<hbm>>
      tpu.wait_dma2 semaphore(%arg14 : memref<!tpu.dma_semaphore, #tpu.memory_space<semaphore_mem>>) src(%arg6 : memref<128x128xf32, #tpu.memory_space<vmem>>) dst(%dma_wait3A_64 : memref<128x128xf32, #tpu.memory_space<hbm>>)
      %add3A_65 = arith.constant 4 : i32
      %add3A_66 = arith.addi %add3A_44, %add3A_65 : i32
      %lt3A = arith.constant 10 : i32
      %lt3A_67 = arith.cmpi slt, %add3A_66, %lt3A : i32
      %convert_element_type3A = arith.extui %lt3A_67 : i1 to i32
      %cond3A = arith.constant 0 : i32
      %cond3A_68 = arith.cmpi ne, %convert_element_type3A, %cond3A : i32
      scf.if %cond3A_68 {
        %add3A_162 = arith.constant 4 : i32
        %add3A_163 = arith.addi %add3A_44, %add3A_162 : i32
        %mul3A_164 = arith.constant 128 : i32
        %mul3A_165 = arith.muli %add3A_163, %mul3A_164 : i32
        %dma_start3A_166 = tpu.memref_slice %arg5[%mul3A_165] : memref<1280xi32, #tpu.memory_space<vmem>> -> memref<128xi32, #tpu.memory_space<vmem>>
        %dma_start3A_167 = arith.constant 0 : i32
        %dma_start3A_168 = arith.constant 0 : i32
        %dma_start3A_169 = tpu.memref_slice %arg2[%dma_start3A_167, %dma_start3A_168] : memref<1000000x128xf32, #tpu.memory_space<hbm>> -> memref<1000000x128xf32, #tpu.memory_space<hbm>>
        tpu.enqueue_indirect_dma source(%dma_start3A_169 : memref<1000000x128xf32, #tpu.memory_space<hbm>>) target(%arg6 : memref<128x128xf32, #tpu.memory_space<vmem>>) offsets(%dma_start3A_166 : memref<128xi32, #tpu.memory_space<vmem>>) semaphore(%arg10 : memref<!tpu.dma_semaphore, #tpu.memory_space<semaphore_mem>>)
      } else {
      }
      %mul3A_69 = arith.constant 4 : i32
      %mul3A_70 = arith.muli %scan3A_40, %mul3A_69 : i32
      %add3A_71 = arith.constant 1 : i32
      %add3A_72 = arith.addi %mul3A_70, %add3A_71 : i32
      %mul3A_73 = arith.constant 128 : i32
      %mul3A_74 = arith.muli %add3A_72, %mul3A_73 : i32
      %dma_wait3A_75 = tpu.memref_slice %arg5[%mul3A_74] : memref<1280xi32, #tpu.memory_space<vmem>> -> memref<128xi32, #tpu.memory_space<vmem>>
      %dma_wait3A_76 = arith.constant 0 : i32
      %dma_wait3A_77 = arith.constant 0 : i32
      %dma_wait3A_78 = tpu.memref_slice %arg2[%dma_wait3A_76, %dma_wait3A_77] : memref<1000000x128xf32, #tpu.memory_space<hbm>> -> memref<1000000x128xf32, #tpu.memory_space<hbm>>
      tpu.wait_indirect_dma semaphore(%arg11 : memref<!tpu.dma_semaphore, #tpu.memory_space<semaphore_mem>>) src(%dma_wait3A_78 : memref<1000000x128xf32, #tpu.memory_space<hbm>>) dst(%arg7 : memref<128x128xf32, #tpu.memory_space<vmem>>)
      %mul3A_79 = arith.constant 128 : i32
      %mul3A_80 = arith.muli %add3A_72, %mul3A_79 : i32
      %add3A_81 = arith.addi %mul3A_2, %mul3A_80 : i32
      %dma_start3A_82 = arith.constant 0 : i32
      %dma_start3A_83 = tpu.memref_slice %arg4[%add3A_81, %dma_start3A_82] : memref<40960x128xf32, #tpu.memory_space<hbm>> -> memref<128x128xf32, #tpu.memory_space<hbm>>
      %dma_start3A_84 = arith.constant 0 : i32
      %dma_start3A_85 = tpu.memref_slice %arg4[%add3A_81, %dma_start3A_84] : memref<40960x128xf32, #tpu.memory_space<hbm>> -> memref<128x128xf32, #tpu.memory_space<hbm>>
      tpu.enqueue_dma source(%arg7 : memref<128x128xf32, #tpu.memory_space<vmem>>) target(%dma_start3A_85 : memref<128x128xf32, #tpu.memory_space<hbm>>) target_semaphore(%arg15 : memref<!tpu.dma_semaphore, #tpu.memory_space<semaphore_mem>>)
      %mul3A_86 = arith.constant 128 : i32
      %mul3A_87 = arith.muli %add3A_72, %mul3A_86 : i32
      %add3A_88 = arith.addi %mul3A_2, %mul3A_87 : i32
      %dma_wait3A_89 = arith.constant 0 : i32
      %dma_wait3A_90 = tpu.memref_slice %arg4[%add3A_88, %dma_wait3A_89] : memref<40960x128xf32, #tpu.memory_space<hbm>> -> memref<128x128xf32, #tpu.memory_space<hbm>>
      %dma_wait3A_91 = arith.constant 0 : i32
      %dma_wait3A_92 = tpu.memref_slice %arg4[%add3A_88, %dma_wait3A_91] : memref<40960x128xf32, #tpu.memory_space<hbm>> -> memref<128x128xf32, #tpu.memory_space<hbm>>
      tpu.wait_dma2 semaphore(%arg15 : memref<!tpu.dma_semaphore, #tpu.memory_space<semaphore_mem>>) src(%arg7 : memref<128x128xf32, #tpu.memory_space<vmem>>) dst(%dma_wait3A_92 : memref<128x128xf32, #tpu.memory_space<hbm>>)
      %add3A_93 = arith.constant 4 : i32
      %add3A_94 = arith.addi %add3A_72, %add3A_93 : i32
      %lt3A_95 = arith.constant 10 : i32
      %lt3A_96 = arith.cmpi slt, %add3A_94, %lt3A_95 : i32
      %convert_element_type3A_97 = arith.extui %lt3A_96 : i1 to i32
      %cond3A_98 = arith.constant 0 : i32
      %cond3A_99 = arith.cmpi ne, %convert_element_type3A_97, %cond3A_98 : i32
      scf.if %cond3A_99 {
        %add3A_162 = arith.constant 4 : i32
        %add3A_163 = arith.addi %add3A_72, %add3A_162 : i32
        %mul3A_164 = arith.constant 128 : i32
        %mul3A_165 = arith.muli %add3A_163, %mul3A_164 : i32
        %dma_start3A_166 = tpu.memref_slice %arg5[%mul3A_165] : memref<1280xi32, #tpu.memory_space<vmem>> -> memref<128xi32, #tpu.memory_space<vmem>>
        %dma_start3A_167 = arith.constant 0 : i32
        %dma_start3A_168 = arith.constant 0 : i32
        %dma_start3A_169 = tpu.memref_slice %arg2[%dma_start3A_167, %dma_start3A_168] : memref<1000000x128xf32, #tpu.memory_space<hbm>> -> memref<1000000x128xf32, #tpu.memory_space<hbm>>
        tpu.enqueue_indirect_dma source(%dma_start3A_169 : memref<1000000x128xf32, #tpu.memory_space<hbm>>) target(%arg7 : memref<128x128xf32, #tpu.memory_space<vmem>>) offsets(%dma_start3A_166 : memref<128xi32, #tpu.memory_space<vmem>>) semaphore(%arg11 : memref<!tpu.dma_semaphore, #tpu.memory_space<semaphore_mem>>)
      } else {
      }
      %mul3A_100 = arith.constant 4 : i32
      %mul3A_101 = arith.muli %scan3A_40, %mul3A_100 : i32
      %add3A_102 = arith.constant 2 : i32
      %add3A_103 = arith.addi %mul3A_101, %add3A_102 : i32
      %mul3A_104 = arith.constant 128 : i32
      %mul3A_105 = arith.muli %add3A_103, %mul3A_104 : i32
      %dma_wait3A_106 = tpu.memref_slice %arg5[%mul3A_105] : memref<1280xi32, #tpu.memory_space<vmem>> -> memref<128xi32, #tpu.memory_space<vmem>>
      %dma_wait3A_107 = arith.constant 0 : i32
      %dma_wait3A_108 = arith.constant 0 : i32
      %dma_wait3A_109 = tpu.memref_slice %arg2[%dma_wait3A_107, %dma_wait3A_108] : memref<1000000x128xf32, #tpu.memory_space<hbm>> -> memref<1000000x128xf32, #tpu.memory_space<hbm>>
      tpu.wait_indirect_dma semaphore(%arg12 : memref<!tpu.dma_semaphore, #tpu.memory_space<semaphore_mem>>) src(%dma_wait3A_109 : memref<1000000x128xf32, #tpu.memory_space<hbm>>) dst(%arg8 : memref<128x128xf32, #tpu.memory_space<vmem>>)
      %mul3A_110 = arith.constant 128 : i32
      %mul3A_111 = arith.muli %add3A_103, %mul3A_110 : i32
      %add3A_112 = arith.addi %mul3A_2, %mul3A_111 : i32
      %dma_start3A_113 = arith.constant 0 : i32
      %dma_start3A_114 = tpu.memref_slice %arg4[%add3A_112, %dma_start3A_113] : memref<40960x128xf32, #tpu.memory_space<hbm>> -> memref<128x128xf32, #tpu.memory_space<hbm>>
      %dma_start3A_115 = arith.constant 0 : i32
      %dma_start3A_116 = tpu.memref_slice %arg4[%add3A_112, %dma_start3A_115] : memref<40960x128xf32, #tpu.memory_space<hbm>> -> memref<128x128xf32, #tpu.memory_space<hbm>>
      tpu.enqueue_dma source(%arg8 : memref<128x128xf32, #tpu.memory_space<vmem>>) target(%dma_start3A_116 : memref<128x128xf32, #tpu.memory_space<hbm>>) target_semaphore(%arg16 : memref<!tpu.dma_semaphore, #tpu.memory_space<semaphore_mem>>)
      %mul3A_117 = arith.constant 128 : i32
      %mul3A_118 = arith.muli %add3A_103, %mul3A_117 : i32
      %add3A_119 = arith.addi %mul3A_2, %mul3A_118 : i32
      %dma_wait3A_120 = arith.constant 0 : i32
      %dma_wait3A_121 = tpu.memref_slice %arg4[%add3A_119, %dma_wait3A_120] : memref<40960x128xf32, #tpu.memory_space<hbm>> -> memref<128x128xf32, #tpu.memory_space<hbm>>
      %dma_wait3A_122 = arith.constant 0 : i32
      %dma_wait3A_123 = tpu.memref_slice %arg4[%add3A_119, %dma_wait3A_122] : memref<40960x128xf32, #tpu.memory_space<hbm>> -> memref<128x128xf32, #tpu.memory_space<hbm>>
      tpu.wait_dma2 semaphore(%arg16 : memref<!tpu.dma_semaphore, #tpu.memory_space<semaphore_mem>>) src(%arg8 : memref<128x128xf32, #tpu.memory_space<vmem>>) dst(%dma_wait3A_123 : memref<128x128xf32, #tpu.memory_space<hbm>>)
      %add3A_124 = arith.constant 4 : i32
      %add3A_125 = arith.addi %add3A_103, %add3A_124 : i32
      %lt3A_126 = arith.constant 10 : i32
      %lt3A_127 = arith.cmpi slt, %add3A_125, %lt3A_126 : i32
      %convert_element_type3A_128 = arith.extui %lt3A_127 : i1 to i32
      %cond3A_129 = arith.constant 0 : i32
      %cond3A_130 = arith.cmpi ne, %convert_element_type3A_128, %cond3A_129 : i32
      scf.if %cond3A_130 {
        %add3A_162 = arith.constant 4 : i32
        %add3A_163 = arith.addi %add3A_103, %add3A_162 : i32
        %mul3A_164 = arith.constant 128 : i32
        %mul3A_165 = arith.muli %add3A_163, %mul3A_164 : i32
        %dma_start3A_166 = tpu.memref_slice %arg5[%mul3A_165] : memref<1280xi32, #tpu.memory_space<vmem>> -> memref<128xi32, #tpu.memory_space<vmem>>
        %dma_start3A_167 = arith.constant 0 : i32
        %dma_start3A_168 = arith.constant 0 : i32
        %dma_start3A_169 = tpu.memref_slice %arg2[%dma_start3A_167, %dma_start3A_168] : memref<1000000x128xf32, #tpu.memory_space<hbm>> -> memref<1000000x128xf32, #tpu.memory_space<hbm>>
        tpu.enqueue_indirect_dma source(%dma_start3A_169 : memref<1000000x128xf32, #tpu.memory_space<hbm>>) target(%arg8 : memref<128x128xf32, #tpu.memory_space<vmem>>) offsets(%dma_start3A_166 : memref<128xi32, #tpu.memory_space<vmem>>) semaphore(%arg12 : memref<!tpu.dma_semaphore, #tpu.memory_space<semaphore_mem>>)
      } else {
      }
      %mul3A_131 = arith.constant 4 : i32
      %mul3A_132 = arith.muli %scan3A_40, %mul3A_131 : i32
      %add3A_133 = arith.constant 3 : i32
      %add3A_134 = arith.addi %mul3A_132, %add3A_133 : i32
      %mul3A_135 = arith.constant 128 : i32
      %mul3A_136 = arith.muli %add3A_134, %mul3A_135 : i32
      %dma_wait3A_137 = tpu.memref_slice %arg5[%mul3A_136] : memref<1280xi32, #tpu.memory_space<vmem>> -> memref<128xi32, #tpu.memory_space<vmem>>
      %dma_wait3A_138 = arith.constant 0 : i32
      %dma_wait3A_139 = arith.constant 0 : i32
      %dma_wait3A_140 = tpu.memref_slice %arg2[%dma_wait3A_138, %dma_wait3A_139] : memref<1000000x128xf32, #tpu.memory_space<hbm>> -> memref<1000000x128xf32, #tpu.memory_space<hbm>>
      tpu.wait_indirect_dma semaphore(%arg13 : memref<!tpu.dma_semaphore, #tpu.memory_space<semaphore_mem>>) src(%dma_wait3A_140 : memref<1000000x128xf32, #tpu.memory_space<hbm>>) dst(%arg9 : memref<128x128xf32, #tpu.memory_space<vmem>>)
      %mul3A_141 = arith.constant 128 : i32
      %mul3A_142 = arith.muli %add3A_134, %mul3A_141 : i32
      %add3A_143 = arith.addi %mul3A_2, %mul3A_142 : i32
      %dma_start3A_144 = arith.constant 0 : i32
      %dma_start3A_145 = tpu.memref_slice %arg4[%add3A_143, %dma_start3A_144] : memref<40960x128xf32, #tpu.memory_space<hbm>> -> memref<128x128xf32, #tpu.memory_space<hbm>>
      %dma_start3A_146 = arith.constant 0 : i32
      %dma_start3A_147 = tpu.memref_slice %arg4[%add3A_143, %dma_start3A_146] : memref<40960x128xf32, #tpu.memory_space<hbm>> -> memref<128x128xf32, #tpu.memory_space<hbm>>
      tpu.enqueue_dma source(%arg9 : memref<128x128xf32, #tpu.memory_space<vmem>>) target(%dma_start3A_147 : memref<128x128xf32, #tpu.memory_space<hbm>>) target_semaphore(%arg17 : memref<!tpu.dma_semaphore, #tpu.memory_space<semaphore_mem>>)
      %mul3A_148 = arith.constant 128 : i32
      %mul3A_149 = arith.muli %add3A_134, %mul3A_148 : i32
      %add3A_150 = arith.addi %mul3A_2, %mul3A_149 : i32
      %dma_wait3A_151 = arith.constant 0 : i32
      %dma_wait3A_152 = tpu.memref_slice %arg4[%add3A_150, %dma_wait3A_151] : memref<40960x128xf32, #tpu.memory_space<hbm>> -> memref<128x128xf32, #tpu.memory_space<hbm>>
      %dma_wait3A_153 = arith.constant 0 : i32
      %dma_wait3A_154 = tpu.memref_slice %arg4[%add3A_150, %dma_wait3A_153] : memref<40960x128xf32, #tpu.memory_space<hbm>> -> memref<128x128xf32, #tpu.memory_space<hbm>>
      tpu.wait_dma2 semaphore(%arg17 : memref<!tpu.dma_semaphore, #tpu.memory_space<semaphore_mem>>) src(%arg9 : memref<128x128xf32, #tpu.memory_space<vmem>>) dst(%dma_wait3A_154 : memref<128x128xf32, #tpu.memory_space<hbm>>)
      %add3A_155 = arith.constant 4 : i32
      %add3A_156 = arith.addi %add3A_134, %add3A_155 : i32
      %lt3A_157 = arith.constant 10 : i32
      %lt3A_158 = arith.cmpi slt, %add3A_156, %lt3A_157 : i32
      %convert_element_type3A_159 = arith.extui %lt3A_158 : i1 to i32
      %cond3A_160 = arith.constant 0 : i32
      %cond3A_161 = arith.cmpi ne, %convert_element_type3A_159, %cond3A_160 : i32
      scf.if %cond3A_161 {
        %add3A_162 = arith.constant 4 : i32
        %add3A_163 = arith.addi %add3A_134, %add3A_162 : i32
        %mul3A_164 = arith.constant 128 : i32
        %mul3A_165 = arith.muli %add3A_163, %mul3A_164 : i32
        %dma_start3A_166 = tpu.memref_slice %arg5[%mul3A_165] : memref<1280xi32, #tpu.memory_space<vmem>> -> memref<128xi32, #tpu.memory_space<vmem>>
        %dma_start3A_167 = arith.constant 0 : i32
        %dma_start3A_168 = arith.constant 0 : i32
        %dma_start3A_169 = tpu.memref_slice %arg2[%dma_start3A_167, %dma_start3A_168] : memref<1000000x128xf32, #tpu.memory_space<hbm>> -> memref<1000000x128xf32, #tpu.memory_space<hbm>>
        tpu.enqueue_indirect_dma source(%dma_start3A_169 : memref<1000000x128xf32, #tpu.memory_space<hbm>>) target(%arg9 : memref<128x128xf32, #tpu.memory_space<vmem>>) offsets(%dma_start3A_166 : memref<128xi32, #tpu.memory_space<vmem>>) semaphore(%arg13 : memref<!tpu.dma_semaphore, #tpu.memory_space<semaphore_mem>>)
      } else {
      }
    }
    %scan3A_26 = arith.constant 2 : i32
    %dma_wait3A = arith.constant 1024 : i32
    %dma_wait3A_27 = tpu.memref_slice %arg5[%dma_wait3A] : memref<1280xi32, #tpu.memory_space<vmem>> -> memref<128xi32, #tpu.memory_space<vmem>>
    %dma_wait3A_28 = arith.constant 0 : i32
    %dma_wait3A_29 = arith.constant 0 : i32
    %dma_wait3A_30 = tpu.memref_slice %arg2[%dma_wait3A_28, %dma_wait3A_29] : memref<1000000x128xf32, #tpu.memory_space<hbm>> -> memref<1000000x128xf32, #tpu.memory_space<hbm>>
    tpu.wait_indirect_dma semaphore(%arg10 : memref<!tpu.dma_semaphore, #tpu.memory_space<semaphore_mem>>) src(%dma_wait3A_30 : memref<1000000x128xf32, #tpu.memory_space<hbm>>) dst(%arg6 : memref<128x128xf32, #tpu.memory_space<vmem>>)
    %add3A_31 = arith.constant 1024 : i32
    %add3A_32 = arith.addi %mul3A_2, %add3A_31 : i32
    "tpu.region"() ({
      %run_scoped3A = tpu.sem_alloc : memref<!tpu.dma_semaphore, #tpu.memory_space<semaphore_mem>>
      %dma_start3A_40 = arith.constant 0 : i32
      %dma_start3A_41 = tpu.memref_slice %arg4[%add3A_32, %dma_start3A_40] : memref<40960x128xf32, #tpu.memory_space<hbm>> -> memref<128x128xf32, #tpu.memory_space<hbm>>
      %dma_start3A_42 = arith.constant 0 : i32
      %dma_start3A_43 = tpu.memref_slice %arg4[%add3A_32, %dma_start3A_42] : memref<40960x128xf32, #tpu.memory_space<hbm>> -> memref<128x128xf32, #tpu.memory_space<hbm>>
      tpu.enqueue_dma source(%arg6 : memref<128x128xf32, #tpu.memory_space<vmem>>) target(%dma_start3A_43 : memref<128x128xf32, #tpu.memory_space<hbm>>) target_semaphore(%run_scoped3A : memref<!tpu.dma_semaphore, #tpu.memory_space<semaphore_mem>>)
      %dma_wait3A_44 = arith.constant 0 : i32
      %dma_wait3A_45 = tpu.memref_slice %arg4[%add3A_32, %dma_wait3A_44] : memref<40960x128xf32, #tpu.memory_space<hbm>> -> memref<128x128xf32, #tpu.memory_space<hbm>>
      %dma_wait3A_46 = arith.constant 0 : i32
      %dma_wait3A_47 = tpu.memref_slice %arg4[%add3A_32, %dma_wait3A_46] : memref<40960x128xf32, #tpu.memory_space<hbm>> -> memref<128x128xf32, #tpu.memory_space<hbm>>
      tpu.wait_dma2 semaphore(%run_scoped3A : memref<!tpu.dma_semaphore, #tpu.memory_space<semaphore_mem>>) src(%arg6 : memref<128x128xf32, #tpu.memory_space<vmem>>) dst(%dma_wait3A_47 : memref<128x128xf32, #tpu.memory_space<hbm>>)
      tpu.yield
    }) : () -> ()
    %dma_wait3A_33 = arith.constant 1152 : i32
    %dma_wait3A_34 = tpu.memref_slice %arg5[%dma_wait3A_33] : memref<1280xi32, #tpu.memory_space<vmem>> -> memref<128xi32, #tpu.memory_space<vmem>>
    %dma_wait3A_35 = arith.constant 0 : i32
    %dma_wait3A_36 = arith.constant 0 : i32
    %dma_wait3A_37 = tpu.memref_slice %arg2[%dma_wait3A_35, %dma_wait3A_36] : memref<1000000x128xf32, #tpu.memory_space<hbm>> -> memref<1000000x128xf32, #tpu.memory_space<hbm>>
    tpu.wait_indirect_dma semaphore(%arg11 : memref<!tpu.dma_semaphore, #tpu.memory_space<semaphore_mem>>) src(%dma_wait3A_37 : memref<1000000x128xf32, #tpu.memory_space<hbm>>) dst(%arg7 : memref<128x128xf32, #tpu.memory_space<vmem>>)
    %add3A_38 = arith.constant 1152 : i32
    %add3A_39 = arith.addi %mul3A_2, %add3A_38 : i32
    "tpu.region"() ({
      %run_scoped3A = tpu.sem_alloc : memref<!tpu.dma_semaphore, #tpu.memory_space<semaphore_mem>>
      %dma_start3A_40 = arith.constant 0 : i32
      %dma_start3A_41 = tpu.memref_slice %arg4[%add3A_39, %dma_start3A_40] : memref<40960x128xf32, #tpu.memory_space<hbm>> -> memref<128x128xf32, #tpu.memory_space<hbm>>
      %dma_start3A_42 = arith.constant 0 : i32
      %dma_start3A_43 = tpu.memref_slice %arg4[%add3A_39, %dma_start3A_42] : memref<40960x128xf32, #tpu.memory_space<hbm>> -> memref<128x128xf32, #tpu.memory_space<hbm>>
      tpu.enqueue_dma source(%arg7 : memref<128x128xf32, #tpu.memory_space<vmem>>) target(%dma_start3A_43 : memref<128x128xf32, #tpu.memory_space<hbm>>) target_semaphore(%run_scoped3A : memref<!tpu.dma_semaphore, #tpu.memory_space<semaphore_mem>>)
      %dma_wait3A_44 = arith.constant 0 : i32
      %dma_wait3A_45 = tpu.memref_slice %arg4[%add3A_39, %dma_wait3A_44] : memref<40960x128xf32, #tpu.memory_space<hbm>> -> memref<128x128xf32, #tpu.memory_space<hbm>>
      %dma_wait3A_46 = arith.constant 0 : i32
      %dma_wait3A_47 = tpu.memref_slice %arg4[%add3A_39, %dma_wait3A_46] : memref<40960x128xf32, #tpu.memory_space<hbm>> -> memref<128x128xf32, #tpu.memory_space<hbm>>
      tpu.wait_dma2 semaphore(%run_scoped3A : memref<!tpu.dma_semaphore, #tpu.memory_space<semaphore_mem>>) src(%arg7 : memref<128x128xf32, #tpu.memory_space<vmem>>) dst(%dma_wait3A_47 : memref<128x128xf32, #tpu.memory_space<hbm>>)
      tpu.yield
    }) : () -> ()
    return
  }
}

module attributes {stable_mosaic.version = 14 : i64} {
  func.func @body(%arg0: i32, %arg1: memref<8192x128xf32, #tpu.memory_space<vmem>>, %arg2: memref<128x128xf32, #tpu.memory_space<vmem>>, %arg3: memref<1x128xf32, #tpu.memory_space<vmem>>, %arg4: memref<45x128xf32, #tpu.memory_space<vmem>>, %arg5: memref<45x1xf32, #tpu.memory_space<vmem>>, %arg6: memref<45x8x1024xf32, #tpu.memory_space<vmem>>) attributes {dimension_semantics = [#tpu.dimension_semantics<arbitrary>], iteration_bounds = array<i64: 5>, scalar_prefetch = 0 : i64, scratch_operands = 0 : i64, tpu.core_type = #tpu.core_type<tc>, window_params = [{transform_indices = @transform_0, window_bounds = array<i64: 8192, 128>}, {pipeline_mode = #tpu.pipeline_mode<synchronous>, transform_indices = @transform_1, window_bounds = array<i64: 128, 128>}, {pipeline_mode = #tpu.pipeline_mode<synchronous>, transform_indices = @transform_2, window_bounds = array<i64: 1, 128>}, {pipeline_mode = #tpu.pipeline_mode<synchronous>, transform_indices = @transform_3, window_bounds = array<i64: 45, 128>}, {pipeline_mode = #tpu.pipeline_mode<synchronous>, transform_indices = @transform_4, window_bounds = array<i64: 45, 1>}, {transform_indices = @transform_5, window_bounds = array<i64: 45, 8, 1024>}]} {
    %get3A = arith.constant 0 : index
    %get3A_0 = arith.constant 0 : index
    %get3A_1 = vector.load %arg1[%get3A, %get3A_0] : memref<8192x128xf32, #tpu.memory_space<vmem>>, vector<8192x128xf32>
    %get3A_2 = arith.constant 0 : index
    %get3A_3 = arith.constant 0 : index
    %get3A_4 = vector.load %arg2[%get3A_2, %get3A_3] : memref<128x128xf32, #tpu.memory_space<vmem>>, vector<128x128xf32>
    %dot_general3A = arith.constant dense<0.000000e+00> : vector<8192x128xf32>
    %dot_general3A_5 = tpu.matmul %get3A_1, %get3A_4, %dot_general3A {dimension_numbers = #tpu.dot_dimension_numbers<[1], [1], [0], [0], [0, 0, 1, 0], [], []>, transpose_lhs_hint = false} : vector<8192x128xf32>, vector<128x128xf32>, vector<8192x128xf32> -> vector<8192x128xf32>
    %get3A_6 = arith.constant 0 : index
    %get3A_7 = arith.constant 0 : index
    %get3A_8 = vector.load %arg3[%get3A_6, %get3A_7] : memref<1x128xf32, #tpu.memory_space<vmem>>, vector<1x128xf32>
    %add3A = vector.broadcast %get3A_8 : vector<1x128xf32> to vector<8192x128xf32>
    %add3A_9 = arith.addf %dot_general3A_5, %add3A : vector<8192x128xf32>
    %max3A = arith.constant 0.000000e+00 : f32
    %max3A_10 = vector.broadcast %max3A : f32 to vector<8192x128xf32>
    %max3A_11 = arith.maximumf %add3A_9, %max3A_10 : vector<8192x128xf32>
    %get3A_12 = arith.constant 0 : index
    %get3A_13 = arith.constant 0 : index
    %get3A_14 = vector.load %arg4[%get3A_12, %get3A_13] : memref<45x128xf32, #tpu.memory_space<vmem>>, vector<45x128xf32>
    %dot_general3A_15 = arith.constant dense<0.000000e+00> : vector<45x8192xf32>
    %dot_general3A_16 = tpu.matmul %get3A_14, %max3A_11, %dot_general3A_15 {dimension_numbers = #tpu.dot_dimension_numbers<[1], [1], [0], [0], [0, 0, 1, 0], [], []>, transpose_lhs_hint = false} : vector<45x128xf32>, vector<8192x128xf32>, vector<45x8192xf32> -> vector<45x8192xf32>
    %get3A_17 = arith.constant 0 : index
    %get3A_18 = arith.constant 0 : index
    %get3A_19 = vector.load %arg5[%get3A_17, %get3A_18] : memref<45x1xf32, #tpu.memory_space<vmem>>, vector<45x1xf32>
    %add3A_20 = vector.broadcast %get3A_19 : vector<45x1xf32> to vector<45x8192xf32>
    %add3A_21 = arith.addf %dot_general3A_16, %add3A_20 : vector<45x8192xf32>
    %reshape3A = vector.shape_cast %add3A_21 : vector<45x8192xf32> to vector<45x8x1024xf32>
    %swap3A = arith.constant 0 : index
    %swap3A_22 = arith.constant 0 : index
    %swap3A_23 = arith.constant 0 : index
    %swap3A_24 = vector.load %arg6[%swap3A, %swap3A_22, %swap3A_23] : memref<45x8x1024xf32, #tpu.memory_space<vmem>>, vector<45x8x1024xf32>
    tpu.vector_store %arg6[%swap3A, %swap3A_22, %swap3A_23], %reshape3A {strides = array<i32>} : memref<45x8x1024xf32, #tpu.memory_space<vmem>>, vector<45x8x1024xf32>,
    return
  }
  func.func @transform_0(%arg0: i32) -> (i32, i32) {
    %c0_i32 = arith.constant 0 : i32
    %c0_i32_0 = arith.constant 0 : i32
    return %arg0, %c0_i32 : i32, i32
  }
  func.func @transform_1(%arg0: i32) -> (i32, i32) {
    %c0_i32 = arith.constant 0 : i32
    %c0_i32_0 = arith.constant 0 : i32
    %c0_i32_1 = arith.constant 0 : i32
    return %c0_i32, %c0_i32_0 : i32, i32
  }
  func.func @transform_2(%arg0: i32) -> (i32, i32) {
    %c0_i32 = arith.constant 0 : i32
    %c0_i32_0 = arith.constant 0 : i32
    %c0_i32_1 = arith.constant 0 : i32
    return %c0_i32, %c0_i32_0 : i32, i32
  }
  func.func @transform_3(%arg0: i32) -> (i32, i32) {
    %c0_i32 = arith.constant 0 : i32
    %c0_i32_0 = arith.constant 0 : i32
    %c0_i32_1 = arith.constant 0 : i32
    return %c0_i32, %c0_i32_0 : i32, i32
  }
  func.func @transform_4(%arg0: i32) -> (i32, i32) {
    %c0_i32 = arith.constant 0 : i32
    %c0_i32_0 = arith.constant 0 : i32
    %c0_i32_1 = arith.constant 0 : i32
    return %c0_i32, %c0_i32_0 : i32, i32
  }
  func.func @transform_5(%arg0: i32) -> (i32, i32, i32) {
    %add3A = arith.constant 0 : i32
    %add3A_0 = arith.addi %arg0, %add3A : i32
    %c0_i32 = arith.constant 0 : i32
    %c0_i32_1 = arith.constant 0 : i32
    %c0_i32_2 = arith.constant 0 : i32
    return %c0_i32, %add3A_0, %c0_i32_1 : i32, i32, i32
  }
}

module attributes {stable_mosaic.version = 14 : i64} {
  func.func @body(%arg0: i32, %arg1: memref<8192x128xf32, #tpu.memory_space<vmem>>, %arg2: memref<128x128xf32, #tpu.memory_space<vmem>>, %arg3: memref<1x128xf32, #tpu.memory_space<vmem>>, %arg4: memref<45x128xf32, #tpu.memory_space<vmem>>, %arg5: memref<45x1xf32, #tpu.memory_space<vmem>>, %arg6: memref<45x200x1024xf32, #tpu.memory_space<any>>, %arg7: memref<45x8x1024xf32, #tpu.memory_space<vmem>>) attributes {dimension_semantics = [#tpu.dimension_semantics<arbitrary>], iteration_bounds = array<i64: 5>, scalar_prefetch = 0 : i64, scratch_operands = 0 : i64, tpu.core_type = #tpu.core_type<tc>, window_params = [{transform_indices = @transform_0, window_bounds = array<i64: 8192, 128>}, {pipeline_mode = #tpu.pipeline_mode<synchronous>, transform_indices = @transform_1, window_bounds = array<i64: 128, 128>}, {pipeline_mode = #tpu.pipeline_mode<synchronous>, transform_indices = @transform_2, window_bounds = array<i64: 1, 128>}, {pipeline_mode = #tpu.pipeline_mode<synchronous>, transform_indices = @transform_3, window_bounds = array<i64: 45, 128>}, {pipeline_mode = #tpu.pipeline_mode<synchronous>, transform_indices = @transform_4, window_bounds = array<i64: 45, 1>}, {}, {transform_indices = @transform_6, window_bounds = array<i64: 45, 8, 1024>}]} {
    %get3A = arith.constant 0 : index
    %get3A_0 = arith.constant 0 : index
    %get3A_1 = vector.load %arg1[%get3A, %get3A_0] : memref<8192x128xf32, #tpu.memory_space<vmem>>, vector<8192x128xf32>
    %get3A_2 = arith.constant 0 : index
    %get3A_3 = arith.constant 0 : index
    %get3A_4 = vector.load %arg2[%get3A_2, %get3A_3] : memref<128x128xf32, #tpu.memory_space<vmem>>, vector<128x128xf32>
    %dot_general3A = arith.constant dense<0.000000e+00> : vector<8192x128xf32>
    %dot_general3A_5 = tpu.matmul %get3A_1, %get3A_4, %dot_general3A {dimension_numbers = #tpu.dot_dimension_numbers<[1], [1], [0], [0], [0, 0, 1, 0], [], []>, transpose_lhs_hint = false} : vector<8192x128xf32>, vector<128x128xf32>, vector<8192x128xf32> -> vector<8192x128xf32>
    %get3A_6 = arith.constant 0 : index
    %get3A_7 = arith.constant 0 : index
    %get3A_8 = vector.load %arg3[%get3A_6, %get3A_7] : memref<1x128xf32, #tpu.memory_space<vmem>>, vector<1x128xf32>
    %add3A = vector.broadcast %get3A_8 : vector<1x128xf32> to vector<8192x128xf32>
    %add3A_9 = arith.addf %dot_general3A_5, %add3A : vector<8192x128xf32>
    %max3A = arith.constant 0.000000e+00 : f32
    %max3A_10 = vector.broadcast %max3A : f32 to vector<8192x128xf32>
    %max3A_11 = arith.maximumf %add3A_9, %max3A_10 : vector<8192x128xf32>
    %get3A_12 = arith.constant 0 : index
    %get3A_13 = arith.constant 0 : index
    %get3A_14 = vector.load %arg4[%get3A_12, %get3A_13] : memref<45x128xf32, #tpu.memory_space<vmem>>, vector<45x128xf32>
    %dot_general3A_15 = arith.constant dense<0.000000e+00> : vector<45x8192xf32>
    %dot_general3A_16 = tpu.matmul %get3A_14, %max3A_11, %dot_general3A_15 {dimension_numbers = #tpu.dot_dimension_numbers<[1], [1], [0], [0], [0, 0, 1, 0], [], []>, transpose_lhs_hint = false} : vector<45x128xf32>, vector<8192x128xf32>, vector<45x8192xf32> -> vector<45x8192xf32>
    %get3A_17 = arith.constant 0 : index
    %get3A_18 = arith.constant 0 : index
    %get3A_19 = vector.load %arg5[%get3A_17, %get3A_18] : memref<45x1xf32, #tpu.memory_space<vmem>>, vector<45x1xf32>
    %add3A_20 = vector.broadcast %get3A_19 : vector<45x1xf32> to vector<45x8192xf32>
    %add3A_21 = arith.addf %dot_general3A_16, %add3A_20 : vector<45x8192xf32>
    %reshape3A = vector.shape_cast %add3A_21 : vector<45x8192xf32> to vector<45x8x1024xf32>
    %swap3A = arith.constant 0 : index
    %swap3A_22 = arith.constant 0 : index
    %swap3A_23 = arith.constant 0 : index
    %swap3A_24 = vector.load %arg7[%swap3A, %swap3A_22, %swap3A_23] : memref<45x8x1024xf32, #tpu.memory_space<vmem>>, vector<45x8x1024xf32>
    tpu.vector_store %arg7[%swap3A, %swap3A_22, %swap3A_23], %reshape3A {strides = array<i32>} : memref<45x8x1024xf32, #tpu.memory_space<vmem>>, vector<45x8x1024xf32>,
    return
  }
  func.func @transform_0(%arg0: i32) -> (i32, i32) {
    %c0_i32 = arith.constant 0 : i32
    %c0_i32_0 = arith.constant 0 : i32
    return %arg0, %c0_i32 : i32, i32
  }
  func.func @transform_1(%arg0: i32) -> (i32, i32) {
    %c0_i32 = arith.constant 0 : i32
    %c0_i32_0 = arith.constant 0 : i32
    %c0_i32_1 = arith.constant 0 : i32
    return %c0_i32, %c0_i32_0 : i32, i32
  }
  func.func @transform_2(%arg0: i32) -> (i32, i32) {
    %c0_i32 = arith.constant 0 : i32
    %c0_i32_0 = arith.constant 0 : i32
    %c0_i32_1 = arith.constant 0 : i32
    return %c0_i32, %c0_i32_0 : i32, i32
  }
  func.func @transform_3(%arg0: i32) -> (i32, i32) {
    %c0_i32 = arith.constant 0 : i32
    %c0_i32_0 = arith.constant 0 : i32
    %c0_i32_1 = arith.constant 0 : i32
    return %c0_i32, %c0_i32_0 : i32, i32
  }
  func.func @transform_4(%arg0: i32) -> (i32, i32) {
    %c0_i32 = arith.constant 0 : i32
    %c0_i32_0 = arith.constant 0 : i32
    %c0_i32_1 = arith.constant 0 : i32
    return %c0_i32, %c0_i32_0 : i32, i32
  }
  func.func @transform_6(%arg0: i32) -> (i32, i32, i32) {
    %add3A = arith.constant 5 : i32
    %add3A_0 = arith.addi %arg0, %add3A : i32
    %c0_i32 = arith.constant 0 : i32
    %c0_i32_1 = arith.constant 0 : i32
    %c0_i32_2 = arith.constant 0 : i32
    return %c0_i32, %add3A_0, %c0_i32_1 : i32, i32, i32
  }
}

module attributes {stable_mosaic.version = 14 : i64} {
  func.func @body(%arg0: i32, %arg1: memref<8192x128xf32, #tpu.memory_space<vmem>>, %arg2: memref<128x128xf32, #tpu.memory_space<vmem>>, %arg3: memref<1x128xf32, #tpu.memory_space<vmem>>, %arg4: memref<45x128xf32, #tpu.memory_space<vmem>>, %arg5: memref<45x1xf32, #tpu.memory_space<vmem>>, %arg6: memref<45x200x1024xf32, #tpu.memory_space<any>>, %arg7: memref<45x8x1024xf32, #tpu.memory_space<vmem>>) attributes {dimension_semantics = [#tpu.dimension_semantics<arbitrary>], iteration_bounds = array<i64: 5>, scalar_prefetch = 0 : i64, scratch_operands = 0 : i64, tpu.core_type = #tpu.core_type<tc>, window_params = [{transform_indices = @transform_0, window_bounds = array<i64: 8192, 128>}, {pipeline_mode = #tpu.pipeline_mode<synchronous>, transform_indices = @transform_1, window_bounds = array<i64: 128, 128>}, {pipeline_mode = #tpu.pipeline_mode<synchronous>, transform_indices = @transform_2, window_bounds = array<i64: 1, 128>}, {pipeline_mode = #tpu.pipeline_mode<synchronous>, transform_indices = @transform_3, window_bounds = array<i64: 45, 128>}, {pipeline_mode = #tpu.pipeline_mode<synchronous>, transform_indices = @transform_4, window_bounds = array<i64: 45, 1>}, {}, {transform_indices = @transform_6, window_bounds = array<i64: 45, 8, 1024>}]} {
    %get3A = arith.constant 0 : index
    %get3A_0 = arith.constant 0 : index
    %get3A_1 = vector.load %arg1[%get3A, %get3A_0] : memref<8192x128xf32, #tpu.memory_space<vmem>>, vector<8192x128xf32>
    %get3A_2 = arith.constant 0 : index
    %get3A_3 = arith.constant 0 : index
    %get3A_4 = vector.load %arg2[%get3A_2, %get3A_3] : memref<128x128xf32, #tpu.memory_space<vmem>>, vector<128x128xf32>
    %dot_general3A = arith.constant dense<0.000000e+00> : vector<8192x128xf32>
    %dot_general3A_5 = tpu.matmul %get3A_1, %get3A_4, %dot_general3A {dimension_numbers = #tpu.dot_dimension_numbers<[1], [1], [0], [0], [0, 0, 1, 0], [], []>, transpose_lhs_hint = false} : vector<8192x128xf32>, vector<128x128xf32>, vector<8192x128xf32> -> vector<8192x128xf32>
    %get3A_6 = arith.constant 0 : index
    %get3A_7 = arith.constant 0 : index
    %get3A_8 = vector.load %arg3[%get3A_6, %get3A_7] : memref<1x128xf32, #tpu.memory_space<vmem>>, vector<1x128xf32>
    %add3A = vector.broadcast %get3A_8 : vector<1x128xf32> to vector<8192x128xf32>
    %add3A_9 = arith.addf %dot_general3A_5, %add3A : vector<8192x128xf32>
    %max3A = arith.constant 0.000000e+00 : f32
    %max3A_10 = vector.broadcast %max3A : f32 to vector<8192x128xf32>
    %max3A_11 = arith.maximumf %add3A_9, %max3A_10 : vector<8192x128xf32>
    %get3A_12 = arith.constant 0 : index
    %get3A_13 = arith.constant 0 : index
    %get3A_14 = vector.load %arg4[%get3A_12, %get3A_13] : memref<45x128xf32, #tpu.memory_space<vmem>>, vector<45x128xf32>
    %dot_general3A_15 = arith.constant dense<0.000000e+00> : vector<45x8192xf32>
    %dot_general3A_16 = tpu.matmul %get3A_14, %max3A_11, %dot_general3A_15 {dimension_numbers = #tpu.dot_dimension_numbers<[1], [1], [0], [0], [0, 0, 1, 0], [], []>, transpose_lhs_hint = false} : vector<45x128xf32>, vector<8192x128xf32>, vector<45x8192xf32> -> vector<45x8192xf32>
    %get3A_17 = arith.constant 0 : index
    %get3A_18 = arith.constant 0 : index
    %get3A_19 = vector.load %arg5[%get3A_17, %get3A_18] : memref<45x1xf32, #tpu.memory_space<vmem>>, vector<45x1xf32>
    %add3A_20 = vector.broadcast %get3A_19 : vector<45x1xf32> to vector<45x8192xf32>
    %add3A_21 = arith.addf %dot_general3A_16, %add3A_20 : vector<45x8192xf32>
    %reshape3A = vector.shape_cast %add3A_21 : vector<45x8192xf32> to vector<45x8x1024xf32>
    %swap3A = arith.constant 0 : index
    %swap3A_22 = arith.constant 0 : index
    %swap3A_23 = arith.constant 0 : index
    %swap3A_24 = vector.load %arg7[%swap3A, %swap3A_22, %swap3A_23] : memref<45x8x1024xf32, #tpu.memory_space<vmem>>, vector<45x8x1024xf32>
    tpu.vector_store %arg7[%swap3A, %swap3A_22, %swap3A_23], %reshape3A {strides = array<i32>} : memref<45x8x1024xf32, #tpu.memory_space<vmem>>, vector<45x8x1024xf32>,
    return
  }
  func.func @transform_0(%arg0: i32) -> (i32, i32) {
    %c0_i32 = arith.constant 0 : i32
    %c0_i32_0 = arith.constant 0 : i32
    return %arg0, %c0_i32 : i32, i32
  }
  func.func @transform_1(%arg0: i32) -> (i32, i32) {
    %c0_i32 = arith.constant 0 : i32
    %c0_i32_0 = arith.constant 0 : i32
    %c0_i32_1 = arith.constant 0 : i32
    return %c0_i32, %c0_i32_0 : i32, i32
  }
  func.func @transform_2(%arg0: i32) -> (i32, i32) {
    %c0_i32 = arith.constant 0 : i32
    %c0_i32_0 = arith.constant 0 : i32
    %c0_i32_1 = arith.constant 0 : i32
    return %c0_i32, %c0_i32_0 : i32, i32
  }
  func.func @transform_3(%arg0: i32) -> (i32, i32) {
    %c0_i32 = arith.constant 0 : i32
    %c0_i32_0 = arith.constant 0 : i32
    %c0_i32_1 = arith.constant 0 : i32
    return %c0_i32, %c0_i32_0 : i32, i32
  }
  func.func @transform_4(%arg0: i32) -> (i32, i32) {
    %c0_i32 = arith.constant 0 : i32
    %c0_i32_0 = arith.constant 0 : i32
    %c0_i32_1 = arith.constant 0 : i32
    return %c0_i32, %c0_i32_0 : i32, i32
  }
  func.func @transform_6(%arg0: i32) -> (i32, i32, i32) {
    %add3A = arith.constant 10 : i32
    %add3A_0 = arith.addi %arg0, %add3A : i32
    %c0_i32 = arith.constant 0 : i32
    %c0_i32_1 = arith.constant 0 : i32
    %c0_i32_2 = arith.constant 0 : i32
    return %c0_i32, %add3A_0, %c0_i32_1 : i32, i32, i32
  }
}

module attributes {stable_mosaic.version = 14 : i64} {
  func.func @body(%arg0: i32, %arg1: memref<8192x128xf32, #tpu.memory_space<vmem>>, %arg2: memref<128x128xf32, #tpu.memory_space<vmem>>, %arg3: memref<1x128xf32, #tpu.memory_space<vmem>>, %arg4: memref<45x128xf32, #tpu.memory_space<vmem>>, %arg5: memref<45x1xf32, #tpu.memory_space<vmem>>, %arg6: memref<45x200x1024xf32, #tpu.memory_space<any>>, %arg7: memref<45x8x1024xf32, #tpu.memory_space<vmem>>) attributes {dimension_semantics = [#tpu.dimension_semantics<arbitrary>], iteration_bounds = array<i64: 5>, scalar_prefetch = 0 : i64, scratch_operands = 0 : i64, tpu.core_type = #tpu.core_type<tc>, window_params = [{transform_indices = @transform_0, window_bounds = array<i64: 8192, 128>}, {pipeline_mode = #tpu.pipeline_mode<synchronous>, transform_indices = @transform_1, window_bounds = array<i64: 128, 128>}, {pipeline_mode = #tpu.pipeline_mode<synchronous>, transform_indices = @transform_2, window_bounds = array<i64: 1, 128>}, {pipeline_mode = #tpu.pipeline_mode<synchronous>, transform_indices = @transform_3, window_bounds = array<i64: 45, 128>}, {pipeline_mode = #tpu.pipeline_mode<synchronous>, transform_indices = @transform_4, window_bounds = array<i64: 45, 1>}, {}, {transform_indices = @transform_6, window_bounds = array<i64: 45, 8, 1024>}]} {
    %get3A = arith.constant 0 : index
    %get3A_0 = arith.constant 0 : index
    %get3A_1 = vector.load %arg1[%get3A, %get3A_0] : memref<8192x128xf32, #tpu.memory_space<vmem>>, vector<8192x128xf32>
    %get3A_2 = arith.constant 0 : index
    %get3A_3 = arith.constant 0 : index
    %get3A_4 = vector.load %arg2[%get3A_2, %get3A_3] : memref<128x128xf32, #tpu.memory_space<vmem>>, vector<128x128xf32>
    %dot_general3A = arith.constant dense<0.000000e+00> : vector<8192x128xf32>
    %dot_general3A_5 = tpu.matmul %get3A_1, %get3A_4, %dot_general3A {dimension_numbers = #tpu.dot_dimension_numbers<[1], [1], [0], [0], [0, 0, 1, 0], [], []>, transpose_lhs_hint = false} : vector<8192x128xf32>, vector<128x128xf32>, vector<8192x128xf32> -> vector<8192x128xf32>
    %get3A_6 = arith.constant 0 : index
    %get3A_7 = arith.constant 0 : index
    %get3A_8 = vector.load %arg3[%get3A_6, %get3A_7] : memref<1x128xf32, #tpu.memory_space<vmem>>, vector<1x128xf32>
    %add3A = vector.broadcast %get3A_8 : vector<1x128xf32> to vector<8192x128xf32>
    %add3A_9 = arith.addf %dot_general3A_5, %add3A : vector<8192x128xf32>
    %max3A = arith.constant 0.000000e+00 : f32
    %max3A_10 = vector.broadcast %max3A : f32 to vector<8192x128xf32>
    %max3A_11 = arith.maximumf %add3A_9, %max3A_10 : vector<8192x128xf32>
    %get3A_12 = arith.constant 0 : index
    %get3A_13 = arith.constant 0 : index
    %get3A_14 = vector.load %arg4[%get3A_12, %get3A_13] : memref<45x128xf32, #tpu.memory_space<vmem>>, vector<45x128xf32>
    %dot_general3A_15 = arith.constant dense<0.000000e+00> : vector<45x8192xf32>
    %dot_general3A_16 = tpu.matmul %get3A_14, %max3A_11, %dot_general3A_15 {dimension_numbers = #tpu.dot_dimension_numbers<[1], [1], [0], [0], [0, 0, 1, 0], [], []>, transpose_lhs_hint = false} : vector<45x128xf32>, vector<8192x128xf32>, vector<45x8192xf32> -> vector<45x8192xf32>
    %get3A_17 = arith.constant 0 : index
    %get3A_18 = arith.constant 0 : index
    %get3A_19 = vector.load %arg5[%get3A_17, %get3A_18] : memref<45x1xf32, #tpu.memory_space<vmem>>, vector<45x1xf32>
    %add3A_20 = vector.broadcast %get3A_19 : vector<45x1xf32> to vector<45x8192xf32>
    %add3A_21 = arith.addf %dot_general3A_16, %add3A_20 : vector<45x8192xf32>
    %reshape3A = vector.shape_cast %add3A_21 : vector<45x8192xf32> to vector<45x8x1024xf32>
    %swap3A = arith.constant 0 : index
    %swap3A_22 = arith.constant 0 : index
    %swap3A_23 = arith.constant 0 : index
    %swap3A_24 = vector.load %arg7[%swap3A, %swap3A_22, %swap3A_23] : memref<45x8x1024xf32, #tpu.memory_space<vmem>>, vector<45x8x1024xf32>
    tpu.vector_store %arg7[%swap3A, %swap3A_22, %swap3A_23], %reshape3A {strides = array<i32>} : memref<45x8x1024xf32, #tpu.memory_space<vmem>>, vector<45x8x1024xf32>,
    return
  }
  func.func @transform_0(%arg0: i32) -> (i32, i32) {
    %c0_i32 = arith.constant 0 : i32
    %c0_i32_0 = arith.constant 0 : i32
    return %arg0, %c0_i32 : i32, i32
  }
  func.func @transform_1(%arg0: i32) -> (i32, i32) {
    %c0_i32 = arith.constant 0 : i32
    %c0_i32_0 = arith.constant 0 : i32
    %c0_i32_1 = arith.constant 0 : i32
    return %c0_i32, %c0_i32_0 : i32, i32
  }
  func.func @transform_2(%arg0: i32) -> (i32, i32) {
    %c0_i32 = arith.constant 0 : i32
    %c0_i32_0 = arith.constant 0 : i32
    %c0_i32_1 = arith.constant 0 : i32
    return %c0_i32, %c0_i32_0 : i32, i32
  }
  func.func @transform_3(%arg0: i32) -> (i32, i32) {
    %c0_i32 = arith.constant 0 : i32
    %c0_i32_0 = arith.constant 0 : i32
    %c0_i32_1 = arith.constant 0 : i32
    return %c0_i32, %c0_i32_0 : i32, i32
  }
  func.func @transform_4(%arg0: i32) -> (i32, i32) {
    %c0_i32 = arith.constant 0 : i32
    %c0_i32_0 = arith.constant 0 : i32
    %c0_i32_1 = arith.constant 0 : i32
    return %c0_i32, %c0_i32_0 : i32, i32
  }
  func.func @transform_6(%arg0: i32) -> (i32, i32, i32) {
    %add3A = arith.constant 15 : i32
    %add3A_0 = arith.addi %arg0, %add3A : i32
    %c0_i32 = arith.constant 0 : i32
    %c0_i32_1 = arith.constant 0 : i32
    %c0_i32_2 = arith.constant 0 : i32
    return %c0_i32, %add3A_0, %c0_i32_1 : i32, i32, i32
  }
}

module attributes {stable_mosaic.version = 14 : i64} {
  func.func @body(%arg0: i32, %arg1: memref<8192x128xf32, #tpu.memory_space<vmem>>, %arg2: memref<128x128xf32, #tpu.memory_space<vmem>>, %arg3: memref<1x128xf32, #tpu.memory_space<vmem>>, %arg4: memref<45x128xf32, #tpu.memory_space<vmem>>, %arg5: memref<45x1xf32, #tpu.memory_space<vmem>>, %arg6: memref<45x200x1024xf32, #tpu.memory_space<any>>, %arg7: memref<45x8x1024xf32, #tpu.memory_space<vmem>>) attributes {dimension_semantics = [#tpu.dimension_semantics<arbitrary>], iteration_bounds = array<i64: 5>, scalar_prefetch = 0 : i64, scratch_operands = 0 : i64, tpu.core_type = #tpu.core_type<tc>, window_params = [{transform_indices = @transform_0, window_bounds = array<i64: 8192, 128>}, {pipeline_mode = #tpu.pipeline_mode<synchronous>, transform_indices = @transform_1, window_bounds = array<i64: 128, 128>}, {pipeline_mode = #tpu.pipeline_mode<synchronous>, transform_indices = @transform_2, window_bounds = array<i64: 1, 128>}, {pipeline_mode = #tpu.pipeline_mode<synchronous>, transform_indices = @transform_3, window_bounds = array<i64: 45, 128>}, {pipeline_mode = #tpu.pipeline_mode<synchronous>, transform_indices = @transform_4, window_bounds = array<i64: 45, 1>}, {}, {transform_indices = @transform_6, window_bounds = array<i64: 45, 8, 1024>}]} {
    %get3A = arith.constant 0 : index
    %get3A_0 = arith.constant 0 : index
    %get3A_1 = vector.load %arg1[%get3A, %get3A_0] : memref<8192x128xf32, #tpu.memory_space<vmem>>, vector<8192x128xf32>
    %get3A_2 = arith.constant 0 : index
    %get3A_3 = arith.constant 0 : index
    %get3A_4 = vector.load %arg2[%get3A_2, %get3A_3] : memref<128x128xf32, #tpu.memory_space<vmem>>, vector<128x128xf32>
    %dot_general3A = arith.constant dense<0.000000e+00> : vector<8192x128xf32>
    %dot_general3A_5 = tpu.matmul %get3A_1, %get3A_4, %dot_general3A {dimension_numbers = #tpu.dot_dimension_numbers<[1], [1], [0], [0], [0, 0, 1, 0], [], []>, transpose_lhs_hint = false} : vector<8192x128xf32>, vector<128x128xf32>, vector<8192x128xf32> -> vector<8192x128xf32>
    %get3A_6 = arith.constant 0 : index
    %get3A_7 = arith.constant 0 : index
    %get3A_8 = vector.load %arg3[%get3A_6, %get3A_7] : memref<1x128xf32, #tpu.memory_space<vmem>>, vector<1x128xf32>
    %add3A = vector.broadcast %get3A_8 : vector<1x128xf32> to vector<8192x128xf32>
    %add3A_9 = arith.addf %dot_general3A_5, %add3A : vector<8192x128xf32>
    %max3A = arith.constant 0.000000e+00 : f32
    %max3A_10 = vector.broadcast %max3A : f32 to vector<8192x128xf32>
    %max3A_11 = arith.maximumf %add3A_9, %max3A_10 : vector<8192x128xf32>
    %get3A_12 = arith.constant 0 : index
    %get3A_13 = arith.constant 0 : index
    %get3A_14 = vector.load %arg4[%get3A_12, %get3A_13] : memref<45x128xf32, #tpu.memory_space<vmem>>, vector<45x128xf32>
    %dot_general3A_15 = arith.constant dense<0.000000e+00> : vector<45x8192xf32>
    %dot_general3A_16 = tpu.matmul %get3A_14, %max3A_11, %dot_general3A_15 {dimension_numbers = #tpu.dot_dimension_numbers<[1], [1], [0], [0], [0, 0, 1, 0], [], []>, transpose_lhs_hint = false} : vector<45x128xf32>, vector<8192x128xf32>, vector<45x8192xf32> -> vector<45x8192xf32>
    %get3A_17 = arith.constant 0 : index
    %get3A_18 = arith.constant 0 : index
    %get3A_19 = vector.load %arg5[%get3A_17, %get3A_18] : memref<45x1xf32, #tpu.memory_space<vmem>>, vector<45x1xf32>
    %add3A_20 = vector.broadcast %get3A_19 : vector<45x1xf32> to vector<45x8192xf32>
    %add3A_21 = arith.addf %dot_general3A_16, %add3A_20 : vector<45x8192xf32>
    %reshape3A = vector.shape_cast %add3A_21 : vector<45x8192xf32> to vector<45x8x1024xf32>
    %swap3A = arith.constant 0 : index
    %swap3A_22 = arith.constant 0 : index
    %swap3A_23 = arith.constant 0 : index
    %swap3A_24 = vector.load %arg7[%swap3A, %swap3A_22, %swap3A_23] : memref<45x8x1024xf32, #tpu.memory_space<vmem>>, vector<45x8x1024xf32>
    tpu.vector_store %arg7[%swap3A, %swap3A_22, %swap3A_23], %reshape3A {strides = array<i32>} : memref<45x8x1024xf32, #tpu.memory_space<vmem>>, vector<45x8x1024xf32>,
    return
  }
  func.func @transform_0(%arg0: i32) -> (i32, i32) {
    %c0_i32 = arith.constant 0 : i32
    %c0_i32_0 = arith.constant 0 : i32
    return %arg0, %c0_i32 : i32, i32
  }
  func.func @transform_1(%arg0: i32) -> (i32, i32) {
    %c0_i32 = arith.constant 0 : i32
    %c0_i32_0 = arith.constant 0 : i32
    %c0_i32_1 = arith.constant 0 : i32
    return %c0_i32, %c0_i32_0 : i32, i32
  }
  func.func @transform_2(%arg0: i32) -> (i32, i32) {
    %c0_i32 = arith.constant 0 : i32
    %c0_i32_0 = arith.constant 0 : i32
    %c0_i32_1 = arith.constant 0 : i32
    return %c0_i32, %c0_i32_0 : i32, i32
  }
  func.func @transform_3(%arg0: i32) -> (i32, i32) {
    %c0_i32 = arith.constant 0 : i32
    %c0_i32_0 = arith.constant 0 : i32
    %c0_i32_1 = arith.constant 0 : i32
    return %c0_i32, %c0_i32_0 : i32, i32
  }
  func.func @transform_4(%arg0: i32) -> (i32, i32) {
    %c0_i32 = arith.constant 0 : i32
    %c0_i32_0 = arith.constant 0 : i32
    %c0_i32_1 = arith.constant 0 : i32
    return %c0_i32, %c0_i32_0 : i32, i32
  }
  func.func @transform_6(%arg0: i32) -> (i32, i32, i32) {
    %add3A = arith.constant 20 : i32
    %add3A_0 = arith.addi %arg0, %add3A : i32
    %c0_i32 = arith.constant 0 : i32
    %c0_i32_1 = arith.constant 0 : i32
    %c0_i32_2 = arith.constant 0 : i32
    return %c0_i32, %add3A_0, %c0_i32_1 : i32, i32, i32
  }
}

</mosaic_0001>

<sc_bundles>
// kernel: kernel.12.cloned.1.call-start
scs
__scs_entry_jumppad:
0x0: {  	(pc) =	sbr.rel $0x88, $3  }
0x1: {  	(tag) =	ssettag $0x0;
	lr =	simm.s32 $0x1  }
0x2: {  	[smem:$0x3F9B] =	sst lr;
	_ =	strace $0xD0000000  }
0x3: {  	_ = 	snop  }
0x4: {  	_ = 	snop  }
0x5: {  	_ = 	snop  }
0x6: {  	_ = 	snop  }
0x7: {  	_ = 	snop  }
__scs_overlays_trampoline_lowered:
0x8: {  	[smem:$0x3FAA] =	sst s0  }
0x9: {  	[smem:$0x3FAB] =	sst s1  }
0xa: {  	[smem:$0x3FAC] =	sst s2  }
0xb: {  	[smem:$0x3FAD] =	sst s3  }
0xc: {  	[smem:$0x3FAE] =	sst s4  }
0xd: {  	[smem:$0x3FAF] =	sst s5  }
0xe: {  	[smem:$0x3FB0] =	sst s6  }
0xf: {  	[smem:$0x3FB1] =	sst s7  }
0x10: {  	[smem:$0x3FB2] =	sst s8  }
0x11: {  	[smem:$0x3FB3] =	sst s9;
	s0 =	simm.s32 @!p0 $0x0  }
0x12: {  	s1 =	sld [smem:$0x3F99];
	s0 =	simm.s32 @p0 $0x1  }
0x13: {  	[smem:$0x3FB4] =	sst s0;
	s0 =	simm.s32 @!p1 $0x0  }
0x14: {  	s2 =	sld [smem:$0x3F98];
	s0 =	simm.s32 @p1 $0x1  }
0x15: {  	[smem:$0x3FB5] =	sst s0;
	s0 =	simm.s32 @!p2 $0x0  }
0x16: {  	s3 =	sld [smem:$0x3FDB];
	s0 =	simm.s32 @p2 $0x1  }
0x17: {  	s4 =	simm.s32 $0x1BF5;
	[smem:$0x3FB7] =	sst s0  }
0x18: {  	s0 =	sld [smem:$0x3F9A];
	_ =	swait.ge [sflag:s4], $0x0  }
0x19: {  	s7 =	sld [smem:$0x3F9B]  }
0x1a: {  	s8 =	sadd.s32 $0xFFFFE003, lr  }
0x1b: {  	s9 =	sadd.s32 $0xFFFFFEF7, lr;
	s5 =	simm.s32 $0xFFFFFFFF;
	p2 =	slt.u32 s8, $0xFFFFF086  }
0x1c: {  	p1 =	slt.u32 s9, $0xF7A;
	s5 =	simm.s32 @!p2 $0x0  }
0x1d: {  	s5 =	simm.s32 @p1 $0x1;
	p0 =	seq.s32 s7, s2  }
0x1e: {  	s7 =	smul.u32 @!p0 $0xF7A, s2;
	p2 =	seq.s32 @!p0 s5, $0x0  }
0x1f: {  	s9 =	smul.u32 $0xF7A, s1;
	s8 =	simm.s32 @!p0 $0x1BF5;
	p2 =	por !p2, p0  }
0x20: {  	[sflag:s8] =	ssyncset.s32 @!p0 $0xFFFFF086;
	s6 =	sadd.s32 @!p0 s3, s7;
	s7 =	simm.s32 @!p0 $0x108  }
0x21: {  	s3 =	sadd.s32 s3, s9;
	s6 =	sadd.s32 @!p0 $0x88, s6;
	s7 =	simm.s32 @p2 $0x1082  }
0x22: {  	[simem:s7], [sflag:s8] =	dma.local @!p0 [hbm:s6], $0xF7A  }
0x23: {  	s9 =	sor.u32 $0xD0000000, s2;
	s6 =	simm.s32 $0x108;
	_ =	swait.ge @!p0 [sflag:s8], $0x0  }
0x24: {  	s3 =	sadd.s32 $0x88, s3;
	s6 =	simm.s32 @!p1 $0x1082;
	[sflag:s4] =	ssyncset.s32 $0xFFFFF086  }
0x25: {  	[simem:s6], [sflag:s4] =	dma.local [hbm:s3], $0xF7A  }
0x26: {  	[smem:$0x3F9B] =	sst s1;
	(tag) =	ssettag s2;
	_ =	strace s9  }
0x27: {  	s1 =	sld [smem:$0x3FAB]  }
0x28: {  	s2 =	sld [smem:$0x3FAC]  }
0x29: {  	s4 =	sld [smem:$0x3FAE]  }
0x2a: {  	p0 =	seq.s32 s5, $0x0;
	s5 =	sld [smem:$0x3FAF]  }
0x2b: {  	s6 =	sld [smem:$0x3FB0]  }
0x2c: {  	s7 =	sld [smem:$0x3FB1]  }
0x2d: {  	s3 =	simm.s32 $0x108;
	s8 =	sld [smem:$0x3FB2]  }
0x2e: {  	s3 =	simm.s32 @!p0 $0x1082;
	s9 =	sld [smem:$0x3FB3]  }
0x2f: {  	lr =	sadd.s32 s0, s3;
	s0 =	sld [smem:$0x3FAA]  }
0x30: {  	s3 =	sld [smem:$0x3FAD]  }
0x31: {  	[smem:$0x3FB6] =	sst s10  }
0x32: {  	s10 =	sld [smem:$0x3FB4];
	_ =	sdelay $0x3  }
0x33: {  	p0 =	seq.s32 s10, $0x1;
	s10 =	sld [smem:$0x3FB6];
	_ =	sdelay $0x3  }
0x34: {  	[smem:$0x3FB6] =	sst s10  }
0x35: {  	s10 =	sld [smem:$0x3FB5];
	_ =	sdelay $0x3  }
0x36: {  	p1 =	seq.s32 s10, $0x1;
	s10 =	sld [smem:$0x3FB6];
	_ =	sdelay $0x3  }
0x37: {  	[smem:$0x3FB6] =	sst s10  }
0x38: {  	s10 =	sld [smem:$0x3FB7]  }
0x39: {  	_ = 	snop;
	(pc) =	sbr.ind lr, $3  }
0x3a: {  	_ = 	snop  }
0x3b: {  	_ = 	snop  }
0x3c: {  	p2 =	seq.s32 s10, $0x1;
	s10 =	sld [smem:$0x3FB6]  }
0x3d: {  	_ =	shalt  }
0x3e: {  	_ =	shalt  }
0x3f: {  	_ =	shalt  }
0x40: {  	_ =	shalt  }
0x41: {  	_ =	shalt  }
0x42: {  	_ =	shalt  }
0x43: {  	_ =	shalt  }
0x44: {  	_ =	shalt  }
0x45: {  	_ =	shalt  }
0x46: {  	_ =	shalt  }
0x47: {  	_ =	shalt  }
0x48: {  	_ =	shalt  }
0x49: {  	_ =	shalt  }
0x4a: {  	_ =	shalt  }
0x4b: {  	_ =	shalt  }
0x4c: {  	_ =	shalt  }
0x4d: {  	_ =	shalt  }
0x4e: {  	_ =	shalt  }
0x4f: {  	_ =	shalt  }
0x50: {  	_ =	shalt  }
0x51: {  	_ =	shalt  }
0x52: {  	_ =	shalt  }
0x53: {  	_ =	shalt  }
0x54: {  	_ =	shalt  }
0x55: {  	_ =	shalt  }
0x56: {  	_ =	shalt  }
0x57: {  	_ =	shalt  }
0x58: {  	_ =	shalt  }
0x59: {  	_ =	shalt  }
0x5a: {  	_ =	shalt  }
0x5b: {  	_ =	shalt  }
0x5c: {  	_ =	shalt  }
0x5d: {  	_ =	shalt  }
0x5e: {  	_ =	shalt  }
0x5f: {  	_ =	shalt  }
0x60: {  	_ =	shalt  }
0x61: {  	_ =	shalt  }
0x62: {  	_ =	shalt  }
0x63: {  	_ =	shalt  }
0x64: {  	_ =	shalt  }
0x65: {  	_ =	shalt  }
0x66: {  	_ =	shalt  }
0x67: {  	_ =	shalt  }
0x68: {  	_ =	shalt  }
0x69: {  	_ =	shalt  }
0x6a: {  	_ =	shalt  }
0x6b: {  	_ =	shalt  }
0x6c: {  	_ =	shalt  }
0x6d: {  	_ =	shalt  }
0x6e: {  	_ =	shalt  }
0x6f: {  	_ =	shalt  }
0x70: {  	_ =	shalt  }
0x71: {  	_ =	shalt  }
0x72: {  	_ =	shalt  }
0x73: {  	_ =	shalt  }
0x74: {  	_ =	shalt  }
0x75: {  	_ =	shalt  }
0x76: {  	_ =	shalt  }
0x77: {  	_ =	shalt  }
0x78: {  	_ =	shalt  }
0x79: {  	_ =	shalt  }
0x7a: {  	_ =	shalt  }
0x7b: {  	_ =	shalt  }
0x7c: {  	_ =	shalt  }
0x7d: {  	_ =	shalt  }
0x7e: {  	_ =	shalt  }
0x7f: {  	_ =	shalt  }
0x80: {  	_ =	shalt  }
0x81: {  	_ =	shalt  }
0x82: {  	_ =	shalt  }
0x83: {  	_ =	shalt  }
0x84: {  	_ =	shalt  }
0x85: {  	_ =	shalt  }
0x86: {  	_ =	shalt  }
0x87: {  	_ =	shalt  }
.Lfunc_end0:
.L_simem_size_0:
called_computation_lowered:
.L_overlay_start_0:
0x88: {  	s2 =	sld [smem:$0x3FD9]  }
0x89: {  	s3 =	sld [smem:$0x3FFE];
	_ =	sdelay $0x1  }
0x8a: {  	s1 =	srdreg.scid  }
0x8b: {  	s0 =	sand.u32 $0x1, s1  }
0x8c: {  	s17 =	sshll.u32 s0, $0xA;
	s2 =	sadd.s32 s3, s2  }
0x8d: {  	s2 =	sadd.s32 s2, s17  }
0x8e: {  	[smem:$0x3FC2] =	sst s2  }
0x8f: {  	_ = 	snop  }
0x90: {  	s2 =	sld [smem:$0x3FC8]  }
0x91: {  	s18 =	sld [smem:$0x3FD0];
	(tm) =	ssettm $0x1  }
0x92: {  	s4 =	sld [smem:$0x3FFB];
	_ =	sdelay $0x3  }
0x93: {  	_ =	strace s4  }
0x94: {  	s4 =	sld [smem:$0x3FFC];
	_ =	sdelay $0x3  }
0x95: {  	_ =	strace s4  }
0x96: {  	s4 =	sld [smem:$0x3FFD];
	_ =	sdelay $0x3  }
0x97: {  	_ =	strace s4  }
0x98: {  	_ =	strace $0x8FFFFFFF  }
0x99: {  	s19 =	sld [smem:$0x3FDB];
	_ =	sdelay $0x1  }
0x9a: {  	s5 =	simm.s32 $_scs_section_size  }
0x9b: {  	s6 =	simm.s32 $_size__tile_overlayer_lowered;
	s7 =	simm.s32 $_tile_overlayer_lowered  }
0x9c: {  	s22 =	simm.s32 $0x1BFF;
	s21 =	sshll.u32 s7, $0x1;
	s4 =	sadd.s32 s5, s19  }
0x9d: {  	s8 =	simm.s32 $0x0;
	s20 =	sshll.u32 s6, $0x1;
	s6 =	sadd.s32 s21, s4  }
0x9e: {  	[timem:s8], [sflag:s22] =	dma.local [hbm:s6], s20  }
0x9f: {  	_ =	swait.ge [sflag:s22], s20  }
0xa0: {  	s5 =	ssub.s32 $0x0, s20;
	[sflag:s22] =	ssyncset.done $0x0  }
0xa1: {  	[sflag:s22] =	ssyncadd.s32 s5;
	_ =	sdelay $0x1  }
0xa2: {  	s23 =	simm.s32 $0x1B8B  }
0xa3: {  	_ =	swait.ge [sflag:s23], $0x1  }
0xa4: {  	[sflag:s23] =	ssyncset.done $0x0  }
0xa5: {  	s25 =	simm.s32 $0x1B8E;
	s24 =	sld [smem:$0x3FFE];
	[sflag:s23] =	ssyncadd.s32 $0xFFFFFFFF  }
0xa6: {  	s26 =	simm.s32 $execute0_lowered;
	[smem:$0x3FD2] =	sst s25  }
0xa7: {  	s6 =	sshll.u32 s26, $0x1;
	_ =	strace $0x80000046;
	[dreg:$0x1] =	wrdreg $0xFFFFFFFF  }
0xa8: {  	s28 =	simm.s32 $_size_execute0_lowered;
	s4 =	sadd.s32 s4, s6;
	[dreg:$0x0] =	wrdreg $0x0  }
0xa9: {  	s6 =	sshll.u32 s28, $0x1;
	[dreg:$0x2] =	wrdreg s4  }
0xaa: {  	[dreg:$0x3] =	wrdreg s6  }
0xab: {  	[dreg:$0x4] =	wrdreg $0xC0  }
0xac: {  	_ =	task [dreg:s8], $0x5FFFF  }
0xad: {  	[dreg:$0x1] =	wrdreg $0xFFFFFFFF  }
0xae: {  	[dreg:$0x0] =	wrdreg $0x60  }
0xaf: {  	[dreg:$0x2] =	wrdreg s2  }
0xb0: {  	[dreg:$0x3] =	wrdreg s24  }
0xb1: {  	[dreg:$0x4] =	wrdreg s18  }
0xb2: {  	[dreg:$0x5] =	wrdreg $0x9  }
0xb3: {  	_ =	task.clear_ibuf [dreg:s8], $0x6FFFF;
	_ =	strace $0x90000046  }
0xb4: {  	s29 =	simm.s32 $0x9;
	_ =	strace $0x80000048  }
0xb5: {  	_ =	swait.ge [sflag:s29], $0x1  }
0xb6: {  	[sflag:s29] =	ssyncadd.s32 $0xFFFFFFFF  }
0xb7: {  	_ =	strace $0x90000048  }
0xb8: {  	_ =	sfence  }
0xb9: {  	s30 =	sld [smem:$0x0];
	_ =	sdelay $0x2  }
0xba: {  	s31 =	sshll.u32 s1, $0xD;
	s1 =	sshrl.u32 s1, $0x2  }
0xbb: {  	s3 =	sand.u32 $0x4000, s31;
	s1 =	sadd.s32 s1, s30  }
0xbc: {  	s0 =	sor.u32 s3, s0;
	s1 =	sshll.u32 s1, $0x11  }
0xbd: {  	s0 =	sor.u32 s1, s0  }
0xbe: {  	s0 =	sadd.s32 $0x8F2B, s0  }
0xbf: {  	[sflag:s0] =	ssyncadd.remote.s32 $0x1  }
0xc0: {  	_ =	sfence.sel $0xFFFF  }
0xc1: {  	[dreg:$0x0] =	wrdreg $0xFFFFFFFF;
	(pc) =	sbr.abs _section_cstart, $3  }
0xc2: {  	[dreg:$0x1] =	wrdreg $0xFFFFFFFF  }
0xc3: {  	_ =	task.clear_ibuf [dreg:s8], $0x2FFFF;
	_ =	strace $0x9FFFFFFF  }
0xc4: {  	(tm) =	ssettm $0x7FFFFFFF  }
0xc5: {  	_ =	shalt  }
tec
execute0_lowered:
.L_overlay_start_1:
0x0: {  	(tag) =	ssettag $0x1  }
0x1: {  	s2 =	srdreg.scid;
	s0 =	stileid.u32  }
0x2: {  	s1 =	rddreg [dreg:$0x0];
	s2 =	sand.u32 $0x1, s2;
	s3 =	sshll.u32 s0, $0x1  }
0x3: {  	s4 =	rddreg [dreg:$0x1];
	s5 =	sor.u32 s2, s3  }
0x4: {  	s6 =	rddreg [dreg:$0x2];
	s19 =	sshrl.u32 s0, $0x2;
	s21 =	smul.u32 $0x28000, s5  }
0x5: {  	s3 =	simm.s32 $0x0;
	s20 =	sshll.u32 s5, $0x7;
	s5 =	smul.u32 $0x5000, s5  }
0x6: {  	s7 =	smul.u32 $0x2800, s19;
	[smem:$0x7FF] =	sst s3  }
0x7: {  	s8 =	sand.u32 $0x380, s20;
	_ =	strace $0x80000047;
	s31 =	sadd.s32 s6, s5  }
0x8: {  	s7 =	sor.u32 s7, s8;
	s22 =	sshrl.u32 s21, $0x3;
	s5 =	sadd.s32 $0x800, s31  }
0x9: {  	s7 =	sshrl.u32 s7, $0x3;
	s25 =	sadd.s32 $0x1000, s31;
	[dreg:$0x7] =	wrdreg s5  }
0xa: {  	s26 =	sadd.s32 $0x1800, s31;
	s4 =	sadd.s32 s7, s4;
	[dreg:$0x8] =	wrdreg s25  }
0xb: {  	[dreg:$0x9] =	wrdreg s26;
	s23 =	sadd.s32 $0x8000, s4;
	s4 =	sadd.s32 s6, s22  }
0xc: {  	[dreg:$0x4] =	wrdreg s23;
	s7 =	sadd.s32 $0x4000, s4  }
0xd: {  	s24 =	sadd.s32 $0x4800, s4;
	[dreg:$0x5] =	wrdreg s7  }
0xe: {  	s5 =	simm.s32 $0x9;
	[dreg:$0x6] =	wrdreg s24  }
0xf: {  	s6 =	simm.s32 $0x80;
	s8 =	rddreg [dreg:$0x4];
	s7 =	simm.s32 $0x400  }
0x10: {  	[tilespmem:s3], [sflag:$0x9] =	stream.strided.gather [hbm4b:s8+s6], $0x500, s7, s6, $0x38;
	[tilespmem:$0x10500] =	vst v63  }
0x11: {  	_ =	swait.ge [sflag:s5], $0x500  }
0x12: {  	[sflag:s5] =	ssyncset.done $0x0  }
0x13: {  	s8 =	simm.s32 $0x500;
	[sflag:s5] =	ssyncadd.s32 $0xFFFFFB00  }
0x14: {  	[tilespmem:s8], [sflag:$0x1] =	stream.indirect.gather [hbm4b:s1+s6], $0x80, s3, s6, $0xb8;
	[tilespmem:$0x10500] =	vst v63  }
0x15: {  	s9 =	simm.s32 $0x4500  }
0x16: {  	[tilespmem:s9], [sflag:$0x2] =	stream.indirect.gather [hbm4b:s1+s6], $0x80, s6, s6, $0xb8;
	[tilespmem:$0x10500] =	vst v63  }
0x17: {  	s10 =	simm.s32 $0x100;
	s11 =	simm.s32 $0x8500  }
0x18: {  	[tilespmem:s11], [sflag:$0x3] =	stream.indirect.gather [hbm4b:s1+s6], $0x80, s10, s6, $0xb8;
	[tilespmem:$0x10500] =	vst v63  }
0x19: {  	s12 =	simm.s32 $0x180;
	s13 =	simm.s32 $0xC500;
	s14 =	simm.s32 $0x1  }
0x1a: {  	[tilespmem:s13], [sflag:$0x4] =	stream.indirect.gather [hbm4b:s1+s6], $0x80, s12, s6, $0xb8;
	[tilespmem:$0x10500] =	vst v63  }
0x1b: {  	_ =	swait.ge [sflag:s14], $0x4000  }
0x1c: {  	[sflag:s14] =	ssyncset.done $0x0  }
0x1d: {  	s15 =	simm.s32 $0x5;
	[sflag:s14] =	ssyncadd.s32 $0xFFFFC000  }
0x1e: {  	[hbm4b:s4+s3] =	stream.linear.scatter [tilespmem:s8], [sflag:$0x5], $0x4000, $0x38;
	[tilespmem:$0x10500] =	vst v63  }
0x1f: {  	_ =	swait.ge [sflag:s15], $0x4000  }
0x20: {  	[sflag:s15] =	ssyncset.done $0x0  }
0x21: {  	s16 =	simm.s32 $0x200;
	s17 =	simm.s32 $0x2;
	[sflag:s15] =	ssyncadd.s32 $0xFFFFC000  }
0x22: {  	[tilespmem:s8], [sflag:$0x1] =	stream.indirect.gather [hbm4b:s1+s6], $0x80, s16, s6, $0xb8;
	[tilespmem:$0x10500] =	vst v63  }
0x23: {  	_ =	swait.ge [sflag:s17], $0x4000  }
0x24: {  	[sflag:s17] =	ssyncset.done $0x0  }
0x25: {  	s18 =	simm.s32 $0x6;
	s19 =	rddreg [dreg:$0x7];
	[sflag:s17] =	ssyncadd.s32 $0xFFFFC000  }
0x26: {  	[hbm4b:s19+s3] =	stream.linear.scatter [tilespmem:s9], [sflag:$0x6], $0x4000, $0x38;
	[tilespmem:$0x10500] =	vst v63  }
0x27: {  	_ =	swait.ge [sflag:s18], $0x4000  }
0x28: {  	[sflag:s18] =	ssyncset.done $0x0  }
0x29: {  	s20 =	simm.s32 $0x3;
	s19 =	simm.s32 $0x280;
	[sflag:s18] =	ssyncadd.s32 $0xFFFFC000  }
0x2a: {  	[tilespmem:s9], [sflag:$0x2] =	stream.indirect.gather [hbm4b:s1+s6], $0x80, s19, s6, $0xb8;
	[tilespmem:$0x10500] =	vst v63  }
0x2b: {  	_ =	swait.ge [sflag:s20], $0x4000  }
0x2c: {  	[sflag:s20] =	ssyncset.done $0x0  }
0x2d: {  	s21 =	simm.s32 $0x7;
	s22 =	rddreg [dreg:$0x8];
	[sflag:s20] =	ssyncadd.s32 $0xFFFFC000  }
0x2e: {  	[hbm4b:s22+s3] =	stream.linear.scatter [tilespmem:s11], [sflag:$0x7], $0x4000, $0x38;
	[tilespmem:$0x10500] =	vst v63  }
0x2f: {  	_ =	swait.ge [sflag:s21], $0x4000  }
0x30: {  	[sflag:s21] =	ssyncset.done $0x0  }
0x31: {  	s23 =	simm.s32 $0x4;
	s22 =	simm.s32 $0x300;
	[sflag:s21] =	ssyncadd.s32 $0xFFFFC000  }
0x32: {  	[tilespmem:s11], [sflag:$0x3] =	stream.indirect.gather [hbm4b:s1+s6], $0x80, s22, s6, $0xb8;
	[tilespmem:$0x10500] =	vst v63  }
0x33: {  	_ =	swait.ge [sflag:s23], $0x4000  }
0x34: {  	[sflag:s23] =	ssyncset.done $0x0  }
0x35: {  	s24 =	rddreg [dreg:$0x9];
	[sflag:s23] =	ssyncadd.s32 $0xFFFFC000  }
0x36: {  	[hbm4b:s24+s3] =	stream.linear.scatter [tilespmem:s13], [sflag:$0x8], $0x4000, $0x38;
	[tilespmem:$0x10500] =	vst v63  }
0x37: {  	s24 =	simm.s32 $0x8  }
0x38: {  	_ =	swait.ge [sflag:s24], $0x4000  }
0x39: {  	[sflag:s24] =	ssyncset.done $0x0  }
0x3a: {  	s25 =	simm.s32 $0x380;
	[sflag:s24] =	ssyncadd.s32 $0xFFFFC000  }
0x3b: {  	[tilespmem:s13], [sflag:$0x4] =	stream.indirect.gather [hbm4b:s1+s6], $0x80, s25, s6, $0xb8;
	[tilespmem:$0x10500] =	vst v63  }
0x3c: {  	_ =	swait.ge [sflag:s14], $0x4000  }
0x3d: {  	[sflag:s14] =	ssyncset.done $0x0  }
0x3e: {  	s26 =	sadd.s32 $0x2000, s4;
	[sflag:s14] =	ssyncadd.s32 $0xFFFFC000  }
0x3f: {  	[hbm4b:s26+s3] =	stream.linear.scatter [tilespmem:s8], [sflag:$0x5], $0x4000, $0x38;
	[tilespmem:$0x10500] =	vst v63  }
0x40: {  	_ =	swait.ge [sflag:s15], $0x4000  }
0x41: {  	[sflag:s15] =	ssyncset.done $0x0  }
0x42: {  	[sflag:s15] =	ssyncadd.s32 $0xFFFFC000  }
0x43: {  	[tilespmem:s8], [sflag:$0x1] =	stream.indirect.gather [hbm4b:s1+s6], $0x80, s7, s6, $0xb8;
	[tilespmem:$0x10500] =	vst v63  }
0x44: {  	_ =	swait.ge [sflag:s17], $0x4000  }
0x45: {  	[sflag:s17] =	ssyncset.done $0x0  }
0x46: {  	s28 =	sadd.s32 $0x2800, s31;
	[sflag:s17] =	ssyncadd.s32 $0xFFFFC000  }
0x47: {  	[hbm4b:s28+s3] =	stream.linear.scatter [tilespmem:s9], [sflag:$0x6], $0x4000, $0x38;
	[tilespmem:$0x10500] =	vst v63  }
0x48: {  	_ =	swait.ge [sflag:s18], $0x4000  }
0x49: {  	[sflag:s18] =	ssyncset.done $0x0  }
0x4a: {  	s29 =	simm.s32 $0x480;
	[sflag:s18] =	ssyncadd.s32 $0xFFFFC000  }
0x4b: {  	[tilespmem:s9], [sflag:$0x2] =	stream.indirect.gather [hbm4b:s1+s6], $0x80, s29, s6, $0xb8;
	[tilespmem:$0x10500] =	vst v63  }
0x4c: {  	_ =	swait.ge [sflag:s20], $0x4000  }
0x4d: {  	[sflag:s20] =	ssyncset.done $0x0  }
0x4e: {  	s30 =	sadd.s32 $0x3000, s31;
	[sflag:s20] =	ssyncadd.s32 $0xFFFFC000  }
0x4f: {  	[hbm4b:s30+s3] =	stream.linear.scatter [tilespmem:s11], [sflag:$0x7], $0x4000, $0x38;
	[tilespmem:$0x10500] =	vst v63  }
0x50: {  	_ =	swait.ge [sflag:s21], $0x4000  }
0x51: {  	[sflag:s21] =	ssyncset.done $0x0  }
0x52: {  	[sflag:s21] =	ssyncadd.s32 $0xFFFFC000  }
0x53: {  	_ =	swait.ge [sflag:s23], $0x4000  }
0x54: {  	[sflag:s23] =	ssyncset.done $0x0  }
0x55: {  	s31 =	sadd.s32 $0x3800, s31;
	[sflag:s23] =	ssyncadd.s32 $0xFFFFC000  }
0x56: {  	[hbm4b:s31+s3] =	stream.linear.scatter [tilespmem:s13], [sflag:$0x8], $0x4000, $0x38;
	[tilespmem:$0x10500] =	vst v63  }
0x57: {  	_ =	swait.ge [sflag:s24], $0x4000  }
0x58: {  	[sflag:s24] =	ssyncset.done $0x0  }
0x59: {  	[sflag:s24] =	ssyncadd.s32 $0xFFFFC000  }
0x5a: {  	_ =	swait.ge [sflag:s14], $0x4000  }
0x5b: {  	[sflag:s14] =	ssyncset.done $0x0  }
0x5c: {  	s0 =	rddreg [dreg:$0x5];
	[sflag:s14] =	ssyncadd.s32 $0xFFFFC000  }
0x5d: {  	[hbm4b:s0+s3] =	stream.linear.scatter [tilespmem:s8], [sflag:$0x9], $0x4000, $0x38;
	[tilespmem:$0x10500] =	vst v63  }
0x5e: {  	_ =	swait.ge [sflag:s5], $0x4000  }
0x5f: {  	[sflag:s5] =	ssyncset.done $0x0  }
0x60: {  	[sflag:s5] =	ssyncadd.s32 $0xFFFFC000  }
0x61: {  	_ =	swait.ge [sflag:s17], $0x4000  }
0x62: {  	s0 =	ssub.s32 $0x2, s2;
	s2 =	rddreg [dreg:$0x6]  }
0x63: {  	[dreg:$0xa] =	wrdreg s2;
	s2 =	sshrl.u32 s0, $0x1  }
0x64: {  	s0 =	ssub.s32 s0, s2  }
0x65: {  	s0 =	smax.u32 s0, $0x1  }
0x66: {  	p0 =	sne.s32 s0, $0x1  }
.Ltmp0:
0x67: {  	_ = 	snop;
	(pc) =	sbr.rel @!p0 .LBB2_2-.Ltmp0, $4  }
0x68: {  	[sflag:s17] =	ssyncset.done $0x0  }
0x69: {  	[sflag:s17] =	ssyncadd.s32 $0xFFFFC000;
	s2 =	rddreg [dreg:$0xa]  }
0x6a: {  	[hbm4b:s2+s3] =	stream.linear.scatter [tilespmem:s9], [sflag:$0x9], $0x4000, $0x38;
	[tilespmem:$0x10500] =	vst v63  }
0x6b: {  	s2 =	sadd.s32 $0xFFFFFFFF, s0;
	_ =	swait.ge [sflag:s5], $0x4000  }
.LBB2_1:
0x6c: {  	[sflag:s5] =	ssyncset.done $0x0  }
0x6d: {  	s0 =	rddreg [dreg:$0x4];
	[sflag:s5] =	ssyncadd.s32 $0xFFFFC000  }
0x6e: {  	[tilespmem:s3], [sflag:$0x9] =	stream.strided.gather [hbm4b:s0+s6], $0x500, s7, s6, $0x38;
	[tilespmem:$0x10500] =	vst v63  }
0x6f: {  	_ =	swait.ge [sflag:s5], $0x500  }
0x70: {  	[sflag:s5] =	ssyncset.done $0x0  }
0x71: {  	[sflag:s5] =	ssyncadd.s32 $0xFFFFFB00  }
0x72: {  	[tilespmem:s8], [sflag:$0x1] =	stream.indirect.gather [hbm4b:s1+s6], $0x80, s3, s6, $0xb8;
	[tilespmem:$0x10500] =	vst v63  }
0x73: {  	_ = 	snop  }
0x74: {  	[tilespmem:s9], [sflag:$0x2] =	stream.indirect.gather [hbm4b:s1+s6], $0x80, s6, s6, $0xb8;
	[tilespmem:$0x10500] =	vst v63  }
0x75: {  	_ = 	snop  }
0x76: {  	[tilespmem:s11], [sflag:$0x3] =	stream.indirect.gather [hbm4b:s1+s6], $0x80, s10, s6, $0xb8;
	[tilespmem:$0x10500] =	vst v63  }
0x77: {  	_ = 	snop  }
0x78: {  	[tilespmem:s13], [sflag:$0x4] =	stream.indirect.gather [hbm4b:s1+s6], $0x80, s12, s6, $0xb8;
	[tilespmem:$0x10500] =	vst v63  }
0x79: {  	_ =	swait.ge [sflag:s14], $0x4000  }
0x7a: {  	[sflag:s14] =	ssyncset.done $0x0  }
0x7b: {  	[sflag:s14] =	ssyncadd.s32 $0xFFFFC000  }
0x7c: {  	[hbm4b:s4+s3] =	stream.linear.scatter [tilespmem:s8], [sflag:$0x5], $0x4000, $0x38;
	[tilespmem:$0x10500] =	vst v63  }
0x7d: {  	_ =	swait.ge [sflag:s15], $0x4000  }
0x7e: {  	[sflag:s15] =	ssyncset.done $0x0  }
0x7f: {  	[sflag:s15] =	ssyncadd.s32 $0xFFFFC000  }
0x80: {  	[tilespmem:s8], [sflag:$0x1] =	stream.indirect.gather [hbm4b:s1+s6], $0x80, s16, s6, $0xb8;
	[tilespmem:$0x10500] =	vst v63  }
0x81: {  	_ =	swait.ge [sflag:s17], $0x4000  }
0x82: {  	[sflag:s17] =	ssyncset.done $0x0  }
0x83: {  	s0 =	rddreg [dreg:$0x7];
	[sflag:s17] =	ssyncadd.s32 $0xFFFFC000  }
0x84: {  	[hbm4b:s0+s3] =	stream.linear.scatter [tilespmem:s9], [sflag:$0x6], $0x4000, $0x38;
	[tilespmem:$0x10500] =	vst v63  }
0x85: {  	_ =	swait.ge [sflag:s18], $0x4000  }
0x86: {  	[sflag:s18] =	ssyncset.done $0x0  }
0x87: {  	[sflag:s18] =	ssyncadd.s32 $0xFFFFC000  }
0x88: {  	[tilespmem:s9], [sflag:$0x2] =	stream.indirect.gather [hbm4b:s1+s6], $0x80, s19, s6, $0xb8;
	[tilespmem:$0x10500] =	vst v63  }
0x89: {  	_ =	swait.ge [sflag:s20], $0x4000  }
0x8a: {  	[sflag:s20] =	ssyncset.done $0x0  }
0x8b: {  	s0 =	rddreg [dreg:$0x8];
	[sflag:s20] =	ssyncadd.s32 $0xFFFFC000  }
0x8c: {  	[hbm4b:s0+s3] =	stream.linear.scatter [tilespmem:s11], [sflag:$0x7], $0x4000, $0x38;
	[tilespmem:$0x10500] =	vst v63  }
0x8d: {  	_ =	swait.ge [sflag:s21], $0x4000  }
0x8e: {  	[sflag:s21] =	ssyncset.done $0x0  }
0x8f: {  	[sflag:s21] =	ssyncadd.s32 $0xFFFFC000  }
0x90: {  	[tilespmem:s11], [sflag:$0x3] =	stream.indirect.gather [hbm4b:s1+s6], $0x80, s22, s6, $0xb8;
	[tilespmem:$0x10500] =	vst v63  }
0x91: {  	_ =	swait.ge [sflag:s23], $0x4000  }
0x92: {  	[sflag:s23] =	ssyncset.done $0x0  }
0x93: {  	s0 =	rddreg [dreg:$0x9];
	[sflag:s23] =	ssyncadd.s32 $0xFFFFC000  }
0x94: {  	[hbm4b:s0+s3] =	stream.linear.scatter [tilespmem:s13], [sflag:$0x8], $0x4000, $0x38;
	[tilespmem:$0x10500] =	vst v63  }
0x95: {  	_ =	swait.ge [sflag:s24], $0x4000  }
0x96: {  	[sflag:s24] =	ssyncset.done $0x0  }
0x97: {  	[sflag:s24] =	ssyncadd.s32 $0xFFFFC000  }
0x98: {  	[tilespmem:s13], [sflag:$0x4] =	stream.indirect.gather [hbm4b:s1+s6], $0x80, s25, s6, $0xb8;
	[tilespmem:$0x10500] =	vst v63  }
0x99: {  	_ =	swait.ge [sflag:s14], $0x4000  }
0x9a: {  	[sflag:s14] =	ssyncset.done $0x0  }
0x9b: {  	[sflag:s14] =	ssyncadd.s32 $0xFFFFC000  }
0x9c: {  	[hbm4b:s26+s3] =	stream.linear.scatter [tilespmem:s8], [sflag:$0x5], $0x4000, $0x38;
	[tilespmem:$0x10500] =	vst v63  }
0x9d: {  	_ =	swait.ge [sflag:s15], $0x4000  }
0x9e: {  	[sflag:s15] =	ssyncset.done $0x0  }
0x9f: {  	[sflag:s15] =	ssyncadd.s32 $0xFFFFC000  }
0xa0: {  	[tilespmem:s8], [sflag:$0x1] =	stream.indirect.gather [hbm4b:s1+s6], $0x80, s7, s6, $0xb8;
	[tilespmem:$0x10500] =	vst v63  }
0xa1: {  	_ =	swait.ge [sflag:s17], $0x4000  }
0xa2: {  	[sflag:s17] =	ssyncset.done $0x0  }
0xa3: {  	[sflag:s17] =	ssyncadd.s32 $0xFFFFC000  }
0xa4: {  	[hbm4b:s28+s3] =	stream.linear.scatter [tilespmem:s9], [sflag:$0x6], $0x4000, $0x38;
	[tilespmem:$0x10500] =	vst v63  }
0xa5: {  	_ =	swait.ge [sflag:s18], $0x4000  }
0xa6: {  	[sflag:s18] =	ssyncset.done $0x0  }
0xa7: {  	[sflag:s18] =	ssyncadd.s32 $0xFFFFC000  }
0xa8: {  	[tilespmem:s9], [sflag:$0x2] =	stream.indirect.gather [hbm4b:s1+s6], $0x80, s29, s6, $0xb8;
	[tilespmem:$0x10500] =	vst v63  }
0xa9: {  	_ =	swait.ge [sflag:s20], $0x4000  }
0xaa: {  	[sflag:s20] =	ssyncset.done $0x0  }
0xab: {  	[sflag:s20] =	ssyncadd.s32 $0xFFFFC000  }
0xac: {  	[hbm4b:s30+s3] =	stream.linear.scatter [tilespmem:s11], [sflag:$0x7], $0x4000, $0x38;
	[tilespmem:$0x10500] =	vst v63  }
0xad: {  	_ =	swait.ge [sflag:s21], $0x4000  }
0xae: {  	[sflag:s21] =	ssyncset.done $0x0  }
0xaf: {  	[sflag:s21] =	ssyncadd.s32 $0xFFFFC000  }
0xb0: {  	_ =	swait.ge [sflag:s23], $0x4000  }
0xb1: {  	[sflag:s23] =	ssyncset.done $0x0  }
0xb2: {  	[sflag:s23] =	ssyncadd.s32 $0xFFFFC000  }
0xb3: {  	[hbm4b:s31+s3] =	stream.linear.scatter [tilespmem:s13], [sflag:$0x8], $0x4000, $0x38;
	[tilespmem:$0x10500] =	vst v63  }
0xb4: {  	_ =	swait.ge [sflag:s24], $0x4000  }
0xb5: {  	[sflag:s24] =	ssyncset.done $0x0  }
0xb6: {  	[sflag:s24] =	ssyncadd.s32 $0xFFFFC000  }
0xb7: {  	_ =	swait.ge [sflag:s14], $0x4000  }
0xb8: {  	[sflag:s14] =	ssyncset.done $0x0  }
0xb9: {  	s0 =	rddreg [dreg:$0x5];
	[sflag:s14] =	ssyncadd.s32 $0xFFFFC000  }
0xba: {  	[hbm4b:s0+s3] =	stream.linear.scatter [tilespmem:s8], [sflag:$0x9], $0x4000, $0x38;
	[tilespmem:$0x10500] =	vst v63  }
0xbb: {  	_ =	swait.ge [sflag:s5], $0x4000  }
0xbc: {  	[sflag:s5] =	ssyncset.done $0x0  }
0xbd: {  	p0 =	sne.s32 s2, $0x1;
	[sflag:s5] =	ssyncadd.s32 $0xFFFFC000  }
.Ltmp1:
0xbe: {  	_ =	swait.ge [sflag:s17], $0x4000;
	(pc) =	sbr.rel @p0 .LBB2_1-.Ltmp1, $4  }
0xbf: {  	[sflag:s17] =	ssyncset.done $0x0  }
0xc0: {  	s0 =	rddreg [dreg:$0x6];
	[sflag:s17] =	ssyncadd.s32 $0xFFFFC000  }
0xc1: {  	[hbm4b:s0+s3] =	stream.linear.scatter [tilespmem:s9], [sflag:$0x9], $0x4000, $0x38;
	[tilespmem:$0x10500] =	vst v63  }
0xc2: {  	s2 =	sadd.s32 $0xFFFFFFFF, s2;
	_ =	swait.ge [sflag:s5], $0x4000  }
.LBB2_2:
0xc3: {  	[sflag:s5] =	ssyncset.done $0x0  }
0xc4: {  	[sflag:s5] =	ssyncadd.s32 $0xFFFFC000  }
0xc5: {  	_ =	sfence.sel $0x180000  }
0xc6: {  	[bflag:$0x0] =	sbarrier.arrive $0xFFFF  }
0xc7: {  	_ =	strace $0x90000047  }
0xc8: {  	s0 =	stileid.u32;
	[bflag:$0x2] =	sbarrier.arrive $0xFFFF  }
0xc9: {  	p0 =	sne.s32 s0, $0x0;
	s0 =	rddreg [dreg:$0x3]  }
0xca: {  	s0 =	sadd.s32 @!p0 $0x100000, s0  }
0xcb: {  	[sflag:s0] =	ssyncadd.tile.s32 @!p0 $0x1;
	_ =	shalt  }
.Lfunc_end2:
_tile_overlayer_lowered:
.L_overlay_start_2:
0xcc: {  	(tag) =	ssettag $0x2  }
0xcd: {  	s0 =	rddreg [dreg:$0x0];
	s2 =	stileid.u32  }
0xce: {  	s1 =	rddreg [dreg:$0x1];
	p0 =	sne.s32 s2, $0x0  }
0xcf: {  	s3 =	rddreg [dreg:$0x2];
	[bflag:$0x3] =	sbarrier.arrive $0xFFFF;
	s2 =	simm.s32 @!p0 $0x1C09  }
0xd0: {  	[timem:s3], [sflag:s2] =	dma.local @!p0 [hbm:s0], s1  }
0xd1: {  	s0 =	simm.s32 @!p0 $0x9  }
0xd2: {  	_ =	swait.ge @!p0 [sflag:s0], s1  }
0xd3: {  	s1 =	ssub.s32 @!p0 $0x0, s1;
	[sflag:s0] =	ssyncset.done @!p0 $0x0  }
0xd4: {  	[sflag:s0] =	ssyncadd.s32 @!p0 s1  }
0xd5: {  	[bflag:$0x3] =	sbarrier.arrive $0xFFFF  }
0xd6: {  	_ =	shalt  }

// kernel: kernel.15.cloned.1.call-start
scs
__scs_entry_jumppad:
0x0: {  	(pc) =	sbr.rel $0x88, $3  }
0x1: {  	(tag) =	ssettag $0x0;
	lr =	simm.s32 $0x1  }
0x2: {  	[smem:$0x3F9B] =	sst lr;
	_ =	strace $0xD0000000  }
0x3: {  	_ = 	snop  }
0x4: {  	_ = 	snop  }
0x5: {  	_ = 	snop  }
0x6: {  	_ = 	snop  }
0x7: {  	_ = 	snop  }
__scs_overlays_trampoline_lowered:
0x8: {  	[smem:$0x3FAA] =	sst s0  }
0x9: {  	[smem:$0x3FAB] =	sst s1  }
0xa: {  	[smem:$0x3FAC] =	sst s2  }
0xb: {  	[smem:$0x3FAD] =	sst s3  }
0xc: {  	[smem:$0x3FAE] =	sst s4  }
0xd: {  	[smem:$0x3FAF] =	sst s5  }
0xe: {  	[smem:$0x3FB0] =	sst s6  }
0xf: {  	[smem:$0x3FB1] =	sst s7  }
0x10: {  	[smem:$0x3FB2] =	sst s8  }
0x11: {  	[smem:$0x3FB3] =	sst s9;
	s0 =	simm.s32 @!p0 $0x0  }
0x12: {  	s1 =	sld [smem:$0x3F99];
	s0 =	simm.s32 @p0 $0x1  }
0x13: {  	[smem:$0x3FB4] =	sst s0;
	s0 =	simm.s32 @!p1 $0x0  }
0x14: {  	s2 =	sld [smem:$0x3F98];
	s0 =	simm.s32 @p1 $0x1  }
0x15: {  	[smem:$0x3FB5] =	sst s0;
	s0 =	simm.s32 @!p2 $0x0  }
0x16: {  	s3 =	sld [smem:$0x3FDB];
	s0 =	simm.s32 @p2 $0x1  }
0x17: {  	s4 =	simm.s32 $0x1BF5;
	[smem:$0x3FB7] =	sst s0  }
0x18: {  	s0 =	sld [smem:$0x3F9A];
	_ =	swait.ge [sflag:s4], $0x0  }
0x19: {  	s7 =	sld [smem:$0x3F9B]  }
0x1a: {  	s8 =	sadd.s32 $0xFFFFE003, lr  }
0x1b: {  	s9 =	sadd.s32 $0xFFFFFEF7, lr;
	s5 =	simm.s32 $0xFFFFFFFF;
	p2 =	slt.u32 s8, $0xFFFFF086  }
0x1c: {  	p1 =	slt.u32 s9, $0xF7A;
	s5 =	simm.s32 @!p2 $0x0  }
0x1d: {  	s5 =	simm.s32 @p1 $0x1;
	p0 =	seq.s32 s7, s2  }
0x1e: {  	s7 =	smul.u32 @!p0 $0xF7A, s2;
	p2 =	seq.s32 @!p0 s5, $0x0  }
0x1f: {  	s9 =	smul.u32 $0xF7A, s1;
	s8 =	simm.s32 @!p0 $0x1BF5;
	p2 =	por !p2, p0  }
0x20: {  	[sflag:s8] =	ssyncset.s32 @!p0 $0xFFFFF086;
	s6 =	sadd.s32 @!p0 s3, s7;
	s7 =	simm.s32 @!p0 $0x108  }
0x21: {  	s3 =	sadd.s32 s3, s9;
	s6 =	sadd.s32 @!p0 $0x88, s6;
	s7 =	simm.s32 @p2 $0x1082  }
0x22: {  	[simem:s7], [sflag:s8] =	dma.local @!p0 [hbm:s6], $0xF7A  }
0x23: {  	s9 =	sor.u32 $0xD0000000, s2;
	s6 =	simm.s32 $0x108;
	_ =	swait.ge @!p0 [sflag:s8], $0x0  }
0x24: {  	s3 =	sadd.s32 $0x88, s3;
	s6 =	simm.s32 @!p1 $0x1082;
	[sflag:s4] =	ssyncset.s32 $0xFFFFF086  }
0x25: {  	[simem:s6], [sflag:s4] =	dma.local [hbm:s3], $0xF7A  }
0x26: {  	[smem:$0x3F9B] =	sst s1;
	(tag) =	ssettag s2;
	_ =	strace s9  }
0x27: {  	s1 =	sld [smem:$0x3FAB]  }
0x28: {  	s2 =	sld [smem:$0x3FAC]  }
0x29: {  	s4 =	sld [smem:$0x3FAE]  }
0x2a: {  	p0 =	seq.s32 s5, $0x0;
	s5 =	sld [smem:$0x3FAF]  }
0x2b: {  	s6 =	sld [smem:$0x3FB0]  }
0x2c: {  	s7 =	sld [smem:$0x3FB1]  }
0x2d: {  	s3 =	simm.s32 $0x108;
	s8 =	sld [smem:$0x3FB2]  }
0x2e: {  	s3 =	simm.s32 @!p0 $0x1082;
	s9 =	sld [smem:$0x3FB3]  }
0x2f: {  	lr =	sadd.s32 s0, s3;
	s0 =	sld [smem:$0x3FAA]  }
0x30: {  	s3 =	sld [smem:$0x3FAD]  }
0x31: {  	[smem:$0x3FB6] =	sst s10  }
0x32: {  	s10 =	sld [smem:$0x3FB4];
	_ =	sdelay $0x3  }
0x33: {  	p0 =	seq.s32 s10, $0x1;
	s10 =	sld [smem:$0x3FB6];
	_ =	sdelay $0x3  }
0x34: {  	[smem:$0x3FB6] =	sst s10  }
0x35: {  	s10 =	sld [smem:$0x3FB5];
	_ =	sdelay $0x3  }
0x36: {  	p1 =	seq.s32 s10, $0x1;
	s10 =	sld [smem:$0x3FB6];
	_ =	sdelay $0x3  }
0x37: {  	[smem:$0x3FB6] =	sst s10  }
0x38: {  	s10 =	sld [smem:$0x3FB7]  }
0x39: {  	_ = 	snop;
	(pc) =	sbr.ind lr, $3  }
0x3a: {  	_ = 	snop  }
0x3b: {  	_ = 	snop  }
0x3c: {  	p2 =	seq.s32 s10, $0x1;
	s10 =	sld [smem:$0x3FB6]  }
0x3d: {  	_ =	shalt  }
0x3e: {  	_ =	shalt  }
0x3f: {  	_ =	shalt  }
0x40: {  	_ =	shalt  }
0x41: {  	_ =	shalt  }
0x42: {  	_ =	shalt  }
0x43: {  	_ =	shalt  }
0x44: {  	_ =	shalt  }
0x45: {  	_ =	shalt  }
0x46: {  	_ =	shalt  }
0x47: {  	_ =	shalt  }
0x48: {  	_ =	shalt  }
0x49: {  	_ =	shalt  }
0x4a: {  	_ =	shalt  }
0x4b: {  	_ =	shalt  }
0x4c: {  	_ =	shalt  }
0x4d: {  	_ =	shalt  }
0x4e: {  	_ =	shalt  }
0x4f: {  	_ =	shalt  }
0x50: {  	_ =	shalt  }
0x51: {  	_ =	shalt  }
0x52: {  	_ =	shalt  }
0x53: {  	_ =	shalt  }
0x54: {  	_ =	shalt  }
0x55: {  	_ =	shalt  }
0x56: {  	_ =	shalt  }
0x57: {  	_ =	shalt  }
0x58: {  	_ =	shalt  }
0x59: {  	_ =	shalt  }
0x5a: {  	_ =	shalt  }
0x5b: {  	_ =	shalt  }
0x5c: {  	_ =	shalt  }
0x5d: {  	_ =	shalt  }
0x5e: {  	_ =	shalt  }
0x5f: {  	_ =	shalt  }
0x60: {  	_ =	shalt  }
0x61: {  	_ =	shalt  }
0x62: {  	_ =	shalt  }
0x63: {  	_ =	shalt  }
0x64: {  	_ =	shalt  }
0x65: {  	_ =	shalt  }
0x66: {  	_ =	shalt  }
0x67: {  	_ =	shalt  }
0x68: {  	_ =	shalt  }
0x69: {  	_ =	shalt  }
0x6a: {  	_ =	shalt  }
0x6b: {  	_ =	shalt  }
0x6c: {  	_ =	shalt  }
0x6d: {  	_ =	shalt  }
0x6e: {  	_ =	shalt  }
0x6f: {  	_ =	shalt  }
0x70: {  	_ =	shalt  }
0x71: {  	_ =	shalt  }
0x72: {  	_ =	shalt  }
0x73: {  	_ =	shalt  }
0x74: {  	_ =	shalt  }
0x75: {  	_ =	shalt  }
0x76: {  	_ =	shalt  }
0x77: {  	_ =	shalt  }
0x78: {  	_ =	shalt  }
0x79: {  	_ =	shalt  }
0x7a: {  	_ =	shalt  }
0x7b: {  	_ =	shalt  }
0x7c: {  	_ =	shalt  }
0x7d: {  	_ =	shalt  }
0x7e: {  	_ =	shalt  }
0x7f: {  	_ =	shalt  }
0x80: {  	_ =	shalt  }
0x81: {  	_ =	shalt  }
0x82: {  	_ =	shalt  }
0x83: {  	_ =	shalt  }
0x84: {  	_ =	shalt  }
0x85: {  	_ =	shalt  }
0x86: {  	_ =	shalt  }
0x87: {  	_ =	shalt  }
.Lfunc_end0:
.L_simem_size_0:
called_computation.1_lowered:
.L_overlay_start_0:
0x88: {  	s2 =	sld [smem:$0x3FD9]  }
0x89: {  	s3 =	sld [smem:$0x3FFE];
	_ =	sdelay $0x1  }
0x8a: {  	s1 =	srdreg.scid  }
0x8b: {  	s0 =	sand.u32 $0x1, s1  }
0x8c: {  	s17 =	sshll.u32 s0, $0xA;
	s2 =	sadd.s32 s3, s2  }
0x8d: {  	s2 =	sadd.s32 s2, s17  }
0x8e: {  	[smem:$0x3FC2] =	sst s2  }
0x8f: {  	_ = 	snop  }
0x90: {  	s18 =	sld [smem:$0x3FC8];
	(tm) =	ssettm $0x1  }
0x91: {  	s19 =	sld [smem:$0x3FFB];
	_ =	sdelay $0x3  }
0x92: {  	_ =	strace s19  }
0x93: {  	s2 =	sld [smem:$0x3FFC];
	_ =	sdelay $0x3  }
0x94: {  	_ =	strace s2  }
0x95: {  	s2 =	sld [smem:$0x3FFD];
	_ =	sdelay $0x3  }
0x96: {  	_ =	strace s2  }
0x97: {  	_ =	strace $0x8FFFFFFF  }
0x98: {  	s20 =	sld [smem:$0x3FDB];
	_ =	sdelay $0x1  }
0x99: {  	s4 =	simm.s32 $_scs_section_size  }
0x9a: {  	s5 =	simm.s32 $_size__tile_overlayer_lowered;
	s6 =	simm.s32 $_tile_overlayer_lowered  }
0x9b: {  	s7 =	simm.s32 $0x1BFF;
	s21 =	sshll.u32 s6, $0x1;
	s4 =	sadd.s32 s4, s20  }
0x9c: {  	s22 =	simm.s32 $0x0;
	s5 =	sshll.u32 s5, $0x1;
	s6 =	sadd.s32 s21, s4  }
0x9d: {  	[timem:s22], [sflag:s7] =	dma.local [hbm:s6], s5  }
0x9e: {  	_ =	swait.ge [sflag:s7], s5  }
0x9f: {  	s5 =	ssub.s32 $0x0, s5;
	[sflag:s7] =	ssyncset.done $0x0  }
0xa0: {  	[sflag:s7] =	ssyncadd.s32 s5;
	_ =	sdelay $0x1  }
0xa1: {  	s23 =	simm.s32 $0x1B8B  }
0xa2: {  	_ =	swait.ge [sflag:s23], $0x1  }
0xa3: {  	[sflag:s23] =	ssyncset.done $0x0  }
0xa4: {  	[sflag:s23] =	ssyncadd.s32 $0xFFFFFFFF  }
0xa5: {  	s5 =	sld [smem:$0x0]  }
0xa6: {  	s6 =	sand.u32 $0xFFFFFFFE, s1  }
0xa7: {  	p0 =	sne.s32 s1, s6  }
0xa8: {  	s6 =	sshll.u32 @p0 s6, $0xE  }
0xa9: {  	s6 =	sadd.s32 @p0 $0x11B8D, s6;
	s7 =	sshll.u32 @p0 s5, $0x11  }
0xaa: {  	s6 =	sor.u32 @p0 s7, s6  }
0xab: {  	[sflag:s6] =	ssyncadd.remote.s32 @p0 $0x1;
	_ =	sdelay $0x1  }
0xac: {  	s6 =	simm.s32 @p0 $0x1B8D  }
0xad: {  	_ =	swait.eq @p0 [sflag:s6], $0x1  }
0xae: {  	[sflag:s6] =	ssyncadd.s32 @p0 $0xFFFFFFFF  }
0xaf: {  	s7 =	sshll.u32 @!p0 s1, $0xE  }
0xb0: {  	s7 =	sor.u32 @!p0 $0x4000, s7;
	s6 =	simm.s32 @!p0 $0x1B8D  }
0xb1: {  	s5 =	sshll.u32 @!p0 s5, $0x11;
	s7 =	sadd.s32 @!p0 $0x11B8D, s7;
	_ =	swait.eq @!p0 [sflag:s6], $0x1  }
0xb2: {  	s5 =	sor.u32 @!p0 s5, s7;
	[sflag:s6] =	ssyncadd.s32 @!p0 $0xFFFFFFFF  }
0xb3: {  	s25 =	simm.s32 $0x1B8E;
	s24 =	sld [smem:$0x3FFE];
	[sflag:s5] =	ssyncadd.remote.s32 @!p0 $0x1  }
0xb4: {  	s26 =	simm.s32 $execute0_lowered;
	[smem:$0x3FD2] =	sst s25  }
0xb5: {  	s6 =	sshll.u32 s26, $0x1;
	_ =	strace $0x80000049;
	[dreg:$0x1] =	wrdreg $0xFFFFFFFF  }
0xb6: {  	s28 =	simm.s32 $_size_execute0_lowered;
	s4 =	sadd.s32 s4, s6;
	[dreg:$0x0] =	wrdreg $0x0  }
0xb7: {  	s6 =	sshll.u32 s28, $0x1;
	[dreg:$0x2] =	wrdreg s4  }
0xb8: {  	[dreg:$0x3] =	wrdreg s6  }
0xb9: {  	[dreg:$0x4] =	wrdreg $0xC0  }
0xba: {  	_ =	task [dreg:s22], $0x5FFFF  }
0xbb: {  	[dreg:$0x1] =	wrdreg $0xFFFFFFFF  }
0xbc: {  	[dreg:$0x0] =	wrdreg $0x60  }
0xbd: {  	[dreg:$0x2] =	wrdreg s18  }
0xbe: {  	[dreg:$0x3] =	wrdreg s24  }
0xbf: {  	[dreg:$0x4] =	wrdreg $0xA  }
0xc0: {  	_ =	task.clear_ibuf [dreg:s22], $0x5FFFF;
	_ =	strace $0x90000049  }
0xc1: {  	s29 =	simm.s32 $0xA;
	_ =	strace $0x8000004B  }
0xc2: {  	_ =	swait.ge [sflag:s29], $0x1  }
0xc3: {  	[sflag:s29] =	ssyncadd.s32 $0xFFFFFFFF  }
0xc4: {  	_ =	strace $0x9000004B  }
0xc5: {  	_ =	sfence  }
0xc6: {  	s30 =	sld [smem:$0x0];
	_ =	sdelay $0x2  }
0xc7: {  	s31 =	sshll.u32 s1, $0xD;
	s1 =	sshrl.u32 s1, $0x2  }
0xc8: {  	s4 =	sand.u32 $0x4000, s31;
	s1 =	sadd.s32 s1, s30  }
0xc9: {  	s0 =	sor.u32 s4, s0;
	s1 =	sshll.u32 s1, $0x11  }
0xca: {  	s0 =	sor.u32 s1, s0  }
0xcb: {  	s0 =	sadd.s32 $0x8F2B, s0  }
0xcc: {  	[sflag:s0] =	ssyncadd.remote.s32 $0x1  }
0xcd: {  	_ =	sfence.sel $0xFFFF  }
0xce: {  	[dreg:$0x0] =	wrdreg $0xFFFFFFFF;
	(pc) =	sbr.abs _section_cstart, $3  }
0xcf: {  	[dreg:$0x1] =	wrdreg $0xFFFFFFFF  }
0xd0: {  	_ =	task.clear_ibuf [dreg:s22], $0x2FFFF;
	_ =	strace $0x9FFFFFFF  }
0xd1: {  	(tm) =	ssettm $0x7FFFFFFF  }
tec
execute0_lowered:
.L_overlay_start_1:
0x0: {  	(tag) =	ssettag $0x1  }
0x1: {  	s1 =	srdreg.scid;
	s0 =	stileid.u32  }
0x2: {  	s1 =	sand.u32 $0x1, s1;
	s3 =	sshll.u32 s0, $0x1  }
0x3: {  	s2 =	rddreg [dreg:$0x0];
	s5 =	sor.u32 s1, s3  }
0x4: {  	s4 =	rddreg [dreg:$0x1];
	s19 =	sshrl.u32 s0, $0x2;
	s20 =	smul.u32 $0x28000, s5  }
0x5: {  	s3 =	simm.s32 $0x0;
	s7 =	sshll.u32 s5, $0x7;
	s5 =	smul.u32 $0x5000, s5  }
0x6: {  	s8 =	sadd.s32 $0x9400, s4;
	s6 =	smul.u32 $0x2800, s19;
	[smem:$0x7FF] =	sst s3  }
0x7: {  	s7 =	sand.u32 $0x380, s7;
	_ =	strace $0x8000004A;
	s31 =	sadd.s32 s8, s5  }
0x8: {  	s6 =	sor.u32 s6, s7;
	s21 =	sshrl.u32 s20, $0x3;
	s5 =	sadd.s32 $0x800, s31  }
0x9: {  	s6 =	sshrl.u32 s6, $0x3;
	s24 =	sadd.s32 $0x1000, s31;
	[dreg:$0x6] =	wrdreg s5  }
0xa: {  	s25 =	sadd.s32 $0x1800, s31;
	s6 =	sadd.s32 s6, s4;
	[dreg:$0x7] =	wrdreg s24  }
0xb: {  	s4 =	sadd.s32 s8, s21;
	[dreg:$0x8] =	wrdreg s25;
	s6 =	sadd.s32 $0x3000, s6  }
0xc: {  	s22 =	sadd.s32 $0x4000, s4;
	[dreg:$0x3] =	wrdreg s6  }
0xd: {  	s23 =	sadd.s32 $0x4800, s4;
	[dreg:$0x4] =	wrdreg s22  }
0xe: {  	s7 =	simm.s32 $0x400;
	[dreg:$0x5] =	wrdreg s23  }
0xf: {  	s5 =	simm.s32 $0x9;
	s6 =	simm.s32 $0x80;
	s26 =	rddreg [dreg:$0x3]  }
0x10: {  	[tilespmem:s3], [sflag:$0x9] =	stream.strided.gather [hbm4b:s26+s6], $0x500, s7, s6, $0x38;
	[tilespmem:$0x10500] =	vst v63  }
0x11: {  	_ =	swait.ge [sflag:s5], $0x500  }
0x12: {  	[sflag:s5] =	ssyncset.done $0x0  }
0x13: {  	s8 =	simm.s32 $0x500;
	[sflag:s5] =	ssyncadd.s32 $0xFFFFFB00  }
0x14: {  	[tilespmem:s8], [sflag:$0x1] =	stream.indirect.gather [hbm4b:s2+s6], $0x80, s3, s6, $0xb8;
	[tilespmem:$0x10500] =	vst v63  }
0x15: {  	s9 =	simm.s32 $0x4500  }
0x16: {  	[tilespmem:s9], [sflag:$0x2] =	stream.indirect.gather [hbm4b:s2+s6], $0x80, s6, s6, $0xb8;
	[tilespmem:$0x10500] =	vst v63  }
0x17: {  	s10 =	simm.s32 $0x100;
	s11 =	simm.s32 $0x8500  }
0x18: {  	[tilespmem:s11], [sflag:$0x3] =	stream.indirect.gather [hbm4b:s2+s6], $0x80, s10, s6, $0xb8;
	[tilespmem:$0x10500] =	vst v63  }
0x19: {  	s12 =	simm.s32 $0x180;
	s13 =	simm.s32 $0xC500;
	s14 =	simm.s32 $0x1  }
0x1a: {  	[tilespmem:s13], [sflag:$0x4] =	stream.indirect.gather [hbm4b:s2+s6], $0x80, s12, s6, $0xb8;
	[tilespmem:$0x10500] =	vst v63  }
0x1b: {  	_ =	swait.ge [sflag:s14], $0x4000  }
0x1c: {  	[sflag:s14] =	ssyncset.done $0x0  }
0x1d: {  	s15 =	simm.s32 $0x5;
	[sflag:s14] =	ssyncadd.s32 $0xFFFFC000  }
0x1e: {  	[hbm4b:s4+s3] =	stream.linear.scatter [tilespmem:s8], [sflag:$0x5], $0x4000, $0x38;
	[tilespmem:$0x10500] =	vst v63  }
0x1f: {  	_ =	swait.ge [sflag:s15], $0x4000  }
0x20: {  	[sflag:s15] =	ssyncset.done $0x0  }
0x21: {  	s16 =	simm.s32 $0x200;
	s17 =	simm.s32 $0x2;
	[sflag:s15] =	ssyncadd.s32 $0xFFFFC000  }
0x22: {  	[tilespmem:s8], [sflag:$0x1] =	stream.indirect.gather [hbm4b:s2+s6], $0x80, s16, s6, $0xb8;
	[tilespmem:$0x10500] =	vst v63  }
0x23: {  	_ =	swait.ge [sflag:s17], $0x4000  }
0x24: {  	[sflag:s17] =	ssyncset.done $0x0  }
0x25: {  	s18 =	simm.s32 $0x6;
	s19 =	rddreg [dreg:$0x6];
	[sflag:s17] =	ssyncadd.s32 $0xFFFFC000  }
0x26: {  	[hbm4b:s19+s3] =	stream.linear.scatter [tilespmem:s9], [sflag:$0x6], $0x4000, $0x38;
	[tilespmem:$0x10500] =	vst v63  }
0x27: {  	_ =	swait.ge [sflag:s18], $0x4000  }
0x28: {  	[sflag:s18] =	ssyncset.done $0x0  }
0x29: {  	s20 =	simm.s32 $0x3;
	s19 =	simm.s32 $0x280;
	[sflag:s18] =	ssyncadd.s32 $0xFFFFC000  }
0x2a: {  	[tilespmem:s9], [sflag:$0x2] =	stream.indirect.gather [hbm4b:s2+s6], $0x80, s19, s6, $0xb8;
	[tilespmem:$0x10500] =	vst v63  }
0x2b: {  	_ =	swait.ge [sflag:s20], $0x4000  }
0x2c: {  	[sflag:s20] =	ssyncset.done $0x0  }
0x2d: {  	s21 =	simm.s32 $0x7;
	s22 =	rddreg [dreg:$0x7];
	[sflag:s20] =	ssyncadd.s32 $0xFFFFC000  }
0x2e: {  	[hbm4b:s22+s3] =	stream.linear.scatter [tilespmem:s11], [sflag:$0x7], $0x4000, $0x38;
	[tilespmem:$0x10500] =	vst v63  }
0x2f: {  	_ =	swait.ge [sflag:s21], $0x4000  }
0x30: {  	[sflag:s21] =	ssyncset.done $0x0  }
0x31: {  	s23 =	simm.s32 $0x4;
	s22 =	simm.s32 $0x300;
	[sflag:s21] =	ssyncadd.s32 $0xFFFFC000  }
0x32: {  	[tilespmem:s11], [sflag:$0x3] =	stream.indirect.gather [hbm4b:s2+s6], $0x80, s22, s6, $0xb8;
	[tilespmem:$0x10500] =	vst v63  }
0x33: {  	_ =	swait.ge [sflag:s23], $0x4000  }
0x34: {  	[sflag:s23] =	ssyncset.done $0x0  }
0x35: {  	s24 =	rddreg [dreg:$0x8];
	[sflag:s23] =	ssyncadd.s32 $0xFFFFC000  }
0x36: {  	[hbm4b:s24+s3] =	stream.linear.scatter [tilespmem:s13], [sflag:$0x8], $0x4000, $0x38;
	[tilespmem:$0x10500] =	vst v63  }
0x37: {  	s24 =	simm.s32 $0x8  }
0x38: {  	_ =	swait.ge [sflag:s24], $0x4000  }
0x39: {  	[sflag:s24] =	ssyncset.done $0x0  }
0x3a: {  	s25 =	simm.s32 $0x380;
	[sflag:s24] =	ssyncadd.s32 $0xFFFFC000  }
0x3b: {  	[tilespmem:s13], [sflag:$0x4] =	stream.indirect.gather [hbm4b:s2+s6], $0x80, s25, s6, $0xb8;
	[tilespmem:$0x10500] =	vst v63  }
0x3c: {  	_ =	swait.ge [sflag:s14], $0x4000  }
0x3d: {  	[sflag:s14] =	ssyncset.done $0x0  }
0x3e: {  	s26 =	sadd.s32 $0x2000, s4;
	[sflag:s14] =	ssyncadd.s32 $0xFFFFC000  }
0x3f: {  	[hbm4b:s26+s3] =	stream.linear.scatter [tilespmem:s8], [sflag:$0x5], $0x4000, $0x38;
	[tilespmem:$0x10500] =	vst v63  }
0x40: {  	_ =	swait.ge [sflag:s15], $0x4000  }
0x41: {  	[sflag:s15] =	ssyncset.done $0x0  }
0x42: {  	[sflag:s15] =	ssyncadd.s32 $0xFFFFC000  }
0x43: {  	[tilespmem:s8], [sflag:$0x1] =	stream.indirect.gather [hbm4b:s2+s6], $0x80, s7, s6, $0xb8;
	[tilespmem:$0x10500] =	vst v63  }
0x44: {  	_ =	swait.ge [sflag:s17], $0x4000  }
0x45: {  	[sflag:s17] =	ssyncset.done $0x0  }
0x46: {  	s28 =	sadd.s32 $0x2800, s31;
	[sflag:s17] =	ssyncadd.s32 $0xFFFFC000  }
0x47: {  	[hbm4b:s28+s3] =	stream.linear.scatter [tilespmem:s9], [sflag:$0x6], $0x4000, $0x38;
	[tilespmem:$0x10500] =	vst v63  }
0x48: {  	_ =	swait.ge [sflag:s18], $0x4000  }
0x49: {  	[sflag:s18] =	ssyncset.done $0x0  }
0x4a: {  	s29 =	simm.s32 $0x480;
	[sflag:s18] =	ssyncadd.s32 $0xFFFFC000  }
0x4b: {  	[tilespmem:s9], [sflag:$0x2] =	stream.indirect.gather [hbm4b:s2+s6], $0x80, s29, s6, $0xb8;
	[tilespmem:$0x10500] =	vst v63  }
0x4c: {  	_ =	swait.ge [sflag:s20], $0x4000  }
0x4d: {  	[sflag:s20] =	ssyncset.done $0x0  }
0x4e: {  	s30 =	sadd.s32 $0x3000, s31;
	[sflag:s20] =	ssyncadd.s32 $0xFFFFC000  }
0x4f: {  	[hbm4b:s30+s3] =	stream.linear.scatter [tilespmem:s11], [sflag:$0x7], $0x4000, $0x38;
	[tilespmem:$0x10500] =	vst v63  }
0x50: {  	_ =	swait.ge [sflag:s21], $0x4000  }
0x51: {  	[sflag:s21] =	ssyncset.done $0x0  }
0x52: {  	[sflag:s21] =	ssyncadd.s32 $0xFFFFC000  }
0x53: {  	_ =	swait.ge [sflag:s23], $0x4000  }
0x54: {  	[sflag:s23] =	ssyncset.done $0x0  }
0x55: {  	s31 =	sadd.s32 $0x3800, s31;
	[sflag:s23] =	ssyncadd.s32 $0xFFFFC000  }
0x56: {  	[hbm4b:s31+s3] =	stream.linear.scatter [tilespmem:s13], [sflag:$0x8], $0x4000, $0x38;
	[tilespmem:$0x10500] =	vst v63  }
0x57: {  	_ =	swait.ge [sflag:s24], $0x4000  }
0x58: {  	[sflag:s24] =	ssyncset.done $0x0  }
0x59: {  	[sflag:s24] =	ssyncadd.s32 $0xFFFFC000  }
0x5a: {  	_ =	swait.ge [sflag:s14], $0x4000  }
0x5b: {  	[sflag:s14] =	ssyncset.done $0x0  }
0x5c: {  	s0 =	rddreg [dreg:$0x4];
	[sflag:s14] =	ssyncadd.s32 $0xFFFFC000  }
0x5d: {  	[hbm4b:s0+s3] =	stream.linear.scatter [tilespmem:s8], [sflag:$0x9], $0x4000, $0x38;
	[tilespmem:$0x10500] =	vst v63  }
0x5e: {  	_ =	swait.ge [sflag:s5], $0x4000  }
0x5f: {  	[sflag:s5] =	ssyncset.done $0x0  }
0x60: {  	[sflag:s5] =	ssyncadd.s32 $0xFFFFC000  }
0x61: {  	_ =	swait.ge [sflag:s17], $0x4000  }
0x62: {  	s0 =	ssub.s32 $0x2, s1;
	s1 =	rddreg [dreg:$0x5]  }
0x63: {  	[dreg:$0x9] =	wrdreg s1;
	s1 =	sshrl.u32 s0, $0x1  }
0x64: {  	s0 =	ssub.s32 s0, s1  }
0x65: {  	s0 =	smax.u32 s0, $0x1  }
0x66: {  	p0 =	sne.s32 s0, $0x1  }
.Ltmp0:
0x67: {  	_ = 	snop;
	(pc) =	sbr.rel @!p0 .LBB2_2-.Ltmp0, $4  }
0x68: {  	[sflag:s17] =	ssyncset.done $0x0  }
0x69: {  	[sflag:s17] =	ssyncadd.s32 $0xFFFFC000;
	s1 =	rddreg [dreg:$0x9]  }
0x6a: {  	[hbm4b:s1+s3] =	stream.linear.scatter [tilespmem:s9], [sflag:$0x9], $0x4000, $0x38;
	[tilespmem:$0x10500] =	vst v63  }
0x6b: {  	s1 =	sadd.s32 $0xFFFFFFFF, s0;
	_ =	swait.ge [sflag:s5], $0x4000  }
.LBB2_1:
0x6c: {  	[sflag:s5] =	ssyncset.done $0x0  }
0x6d: {  	s0 =	rddreg [dreg:$0x3];
	[sflag:s5] =	ssyncadd.s32 $0xFFFFC000  }
0x6e: {  	[tilespmem:s3], [sflag:$0x9] =	stream.strided.gather [hbm4b:s0+s6], $0x500, s7, s6, $0x38;
	[tilespmem:$0x10500] =	vst v63  }
0x6f: {  	_ =	swait.ge [sflag:s5], $0x500  }
0x70: {  	[sflag:s5] =	ssyncset.done $0x0  }
0x71: {  	[sflag:s5] =	ssyncadd.s32 $0xFFFFFB00  }
0x72: {  	[tilespmem:s8], [sflag:$0x1] =	stream.indirect.gather [hbm4b:s2+s6], $0x80, s3, s6, $0xb8;
	[tilespmem:$0x10500] =	vst v63  }
0x73: {  	_ = 	snop  }
0x74: {  	[tilespmem:s9], [sflag:$0x2] =	stream.indirect.gather [hbm4b:s2+s6], $0x80, s6, s6, $0xb8;
	[tilespmem:$0x10500] =	vst v63  }
0x75: {  	_ = 	snop  }
0x76: {  	[tilespmem:s11], [sflag:$0x3] =	stream.indirect.gather [hbm4b:s2+s6], $0x80, s10, s6, $0xb8;
	[tilespmem:$0x10500] =	vst v63  }
0x77: {  	_ = 	snop  }
0x78: {  	[tilespmem:s13], [sflag:$0x4] =	stream.indirect.gather [hbm4b:s2+s6], $0x80, s12, s6, $0xb8;
	[tilespmem:$0x10500] =	vst v63  }
0x79: {  	_ =	swait.ge [sflag:s14], $0x4000  }
0x7a: {  	[sflag:s14] =	ssyncset.done $0x0  }
0x7b: {  	[sflag:s14] =	ssyncadd.s32 $0xFFFFC000  }
0x7c: {  	[hbm4b:s4+s3] =	stream.linear.scatter [tilespmem:s8], [sflag:$0x5], $0x4000, $0x38;
	[tilespmem:$0x10500] =	vst v63  }
0x7d: {  	_ =	swait.ge [sflag:s15], $0x4000  }
0x7e: {  	[sflag:s15] =	ssyncset.done $0x0  }
0x7f: {  	[sflag:s15] =	ssyncadd.s32 $0xFFFFC000  }
0x80: {  	[tilespmem:s8], [sflag:$0x1] =	stream.indirect.gather [hbm4b:s2+s6], $0x80, s16, s6, $0xb8;
	[tilespmem:$0x10500] =	vst v63  }
0x81: {  	_ =	swait.ge [sflag:s17], $0x4000  }
0x82: {  	[sflag:s17] =	ssyncset.done $0x0  }
0x83: {  	s0 =	rddreg [dreg:$0x6];
	[sflag:s17] =	ssyncadd.s32 $0xFFFFC000  }
0x84: {  	[hbm4b:s0+s3] =	stream.linear.scatter [tilespmem:s9], [sflag:$0x6], $0x4000, $0x38;
	[tilespmem:$0x10500] =	vst v63  }
0x85: {  	_ =	swait.ge [sflag:s18], $0x4000  }
0x86: {  	[sflag:s18] =	ssyncset.done $0x0  }
0x87: {  	[sflag:s18] =	ssyncadd.s32 $0xFFFFC000  }
0x88: {  	[tilespmem:s9], [sflag:$0x2] =	stream.indirect.gather [hbm4b:s2+s6], $0x80, s19, s6, $0xb8;
	[tilespmem:$0x10500] =	vst v63  }
0x89: {  	_ =	swait.ge [sflag:s20], $0x4000  }
0x8a: {  	[sflag:s20] =	ssyncset.done $0x0  }
0x8b: {  	s0 =	rddreg [dreg:$0x7];
	[sflag:s20] =	ssyncadd.s32 $0xFFFFC000  }
0x8c: {  	[hbm4b:s0+s3] =	stream.linear.scatter [tilespmem:s11], [sflag:$0x7], $0x4000, $0x38;
	[tilespmem:$0x10500] =	vst v63  }
0x8d: {  	_ =	swait.ge [sflag:s21], $0x4000  }
0x8e: {  	[sflag:s21] =	ssyncset.done $0x0  }
0x8f: {  	[sflag:s21] =	ssyncadd.s32 $0xFFFFC000  }
0x90: {  	[tilespmem:s11], [sflag:$0x3] =	stream.indirect.gather [hbm4b:s2+s6], $0x80, s22, s6, $0xb8;
	[tilespmem:$0x10500] =	vst v63  }
0x91: {  	_ =	swait.ge [sflag:s23], $0x4000  }
0x92: {  	[sflag:s23] =	ssyncset.done $0x0  }
0x93: {  	s0 =	rddreg [dreg:$0x8];
	[sflag:s23] =	ssyncadd.s32 $0xFFFFC000  }
0x94: {  	[hbm4b:s0+s3] =	stream.linear.scatter [tilespmem:s13], [sflag:$0x8], $0x4000, $0x38;
	[tilespmem:$0x10500] =	vst v63  }
0x95: {  	_ =	swait.ge [sflag:s24], $0x4000  }
0x96: {  	[sflag:s24] =	ssyncset.done $0x0  }
0x97: {  	[sflag:s24] =	ssyncadd.s32 $0xFFFFC000  }
0x98: {  	[tilespmem:s13], [sflag:$0x4] =	stream.indirect.gather [hbm4b:s2+s6], $0x80, s25, s6, $0xb8;
	[tilespmem:$0x10500] =	vst v63  }
0x99: {  	_ =	swait.ge [sflag:s14], $0x4000  }
0x9a: {  	[sflag:s14] =	ssyncset.done $0x0  }
0x9b: {  	[sflag:s14] =	ssyncadd.s32 $0xFFFFC000  }
0x9c: {  	[hbm4b:s26+s3] =	stream.linear.scatter [tilespmem:s8], [sflag:$0x5], $0x4000, $0x38;
	[tilespmem:$0x10500] =	vst v63  }
0x9d: {  	_ =	swait.ge [sflag:s15], $0x4000  }
0x9e: {  	[sflag:s15] =	ssyncset.done $0x0  }
0x9f: {  	[sflag:s15] =	ssyncadd.s32 $0xFFFFC000  }
0xa0: {  	[tilespmem:s8], [sflag:$0x1] =	stream.indirect.gather [hbm4b:s2+s6], $0x80, s7, s6, $0xb8;
	[tilespmem:$0x10500] =	vst v63  }
0xa1: {  	_ =	swait.ge [sflag:s17], $0x4000  }
0xa2: {  	[sflag:s17] =	ssyncset.done $0x0  }
0xa3: {  	[sflag:s17] =	ssyncadd.s32 $0xFFFFC000  }
0xa4: {  	[hbm4b:s28+s3] =	stream.linear.scatter [tilespmem:s9], [sflag:$0x6], $0x4000, $0x38;
	[tilespmem:$0x10500] =	vst v63  }
0xa5: {  	_ =	swait.ge [sflag:s18], $0x4000  }
0xa6: {  	[sflag:s18] =	ssyncset.done $0x0  }
0xa7: {  	[sflag:s18] =	ssyncadd.s32 $0xFFFFC000  }
0xa8: {  	[tilespmem:s9], [sflag:$0x2] =	stream.indirect.gather [hbm4b:s2+s6], $0x80, s29, s6, $0xb8;
	[tilespmem:$0x10500] =	vst v63  }
0xa9: {  	_ =	swait.ge [sflag:s20], $0x4000  }
0xaa: {  	[sflag:s20] =	ssyncset.done $0x0  }
0xab: {  	[sflag:s20] =	ssyncadd.s32 $0xFFFFC000  }
0xac: {  	[hbm4b:s30+s3] =	stream.linear.scatter [tilespmem:s11], [sflag:$0x7], $0x4000, $0x38;
	[tilespmem:$0x10500] =	vst v63  }
0xad: {  	_ =	swait.ge [sflag:s21], $0x4000  }
0xae: {  	[sflag:s21] =	ssyncset.done $0x0  }
0xaf: {  	[sflag:s21] =	ssyncadd.s32 $0xFFFFC000  }
0xb0: {  	_ =	swait.ge [sflag:s23], $0x4000  }
0xb1: {  	[sflag:s23] =	ssyncset.done $0x0  }
0xb2: {  	[sflag:s23] =	ssyncadd.s32 $0xFFFFC000  }
0xb3: {  	[hbm4b:s31+s3] =	stream.linear.scatter [tilespmem:s13], [sflag:$0x8], $0x4000, $0x38;
	[tilespmem:$0x10500] =	vst v63  }
0xb4: {  	_ =	swait.ge [sflag:s24], $0x4000  }
0xb5: {  	[sflag:s24] =	ssyncset.done $0x0  }
0xb6: {  	[sflag:s24] =	ssyncadd.s32 $0xFFFFC000  }
0xb7: {  	_ =	swait.ge [sflag:s14], $0x4000  }
0xb8: {  	[sflag:s14] =	ssyncset.done $0x0  }
0xb9: {  	s0 =	rddreg [dreg:$0x4];
	[sflag:s14] =	ssyncadd.s32 $0xFFFFC000  }
0xba: {  	[hbm4b:s0+s3] =	stream.linear.scatter [tilespmem:s8], [sflag:$0x9], $0x4000, $0x38;
	[tilespmem:$0x10500] =	vst v63  }
0xbb: {  	_ =	swait.ge [sflag:s5], $0x4000  }
0xbc: {  	[sflag:s5] =	ssyncset.done $0x0  }
0xbd: {  	p0 =	sne.s32 s1, $0x1;
	[sflag:s5] =	ssyncadd.s32 $0xFFFFC000  }
.Ltmp1:
0xbe: {  	_ =	swait.ge [sflag:s17], $0x4000;
	(pc) =	sbr.rel @p0 .LBB2_1-.Ltmp1, $4  }
0xbf: {  	[sflag:s17] =	ssyncset.done $0x0  }
0xc0: {  	s0 =	rddreg [dreg:$0x5];
	[sflag:s17] =	ssyncadd.s32 $0xFFFFC000  }
0xc1: {  	[hbm4b:s0+s3] =	stream.linear.scatter [tilespmem:s9], [sflag:$0x9], $0x4000, $0x38;
	[tilespmem:$0x10500] =	vst v63  }
0xc2: {  	s1 =	sadd.s32 $0xFFFFFFFF, s1;
	_ =	swait.ge [sflag:s5], $0x4000  }
.LBB2_2:
0xc3: {  	[sflag:s5] =	ssyncset.done $0x0  }
0xc4: {  	[sflag:s5] =	ssyncadd.s32 $0xFFFFC000  }
0xc5: {  	_ =	sfence.sel $0x180000  }
0xc6: {  	[bflag:$0x0] =	sbarrier.arrive $0xFFFF  }
0xc7: {  	_ =	strace $0x9000004A  }
0xc8: {  	s0 =	stileid.u32;
	[bflag:$0x2] =	sbarrier.arrive $0xFFFF  }
0xc9: {  	p0 =	sne.s32 s0, $0x0;
	s0 =	rddreg [dreg:$0x2]  }
0xca: {  	s0 =	sadd.s32 @!p0 $0x100000, s0  }
0xcb: {  	[sflag:s0] =	ssyncadd.tile.s32 @!p0 $0x1;
	_ =	shalt  }
.Lfunc_end2:
_tile_overlayer_lowered:
.L_overlay_start_2:
0xcc: {  	(tag) =	ssettag $0x2  }
0xcd: {  	s0 =	rddreg [dreg:$0x0];
	s2 =	stileid.u32  }
0xce: {  	s1 =	rddreg [dreg:$0x1];
	p0 =	sne.s32 s2, $0x0  }
0xcf: {  	s3 =	rddreg [dreg:$0x2];
	[bflag:$0x3] =	sbarrier.arrive $0xFFFF;
	s2 =	simm.s32 @!p0 $0x1C09  }
0xd0: {  	[timem:s3], [sflag:s2] =	dma.local @!p0 [hbm:s0], s1  }
0xd1: {  	s0 =	simm.s32 @!p0 $0x9  }
0xd2: {  	_ =	swait.ge @!p0 [sflag:s0], s1  }
0xd3: {  	s1 =	ssub.s32 @!p0 $0x0, s1;
	[sflag:s0] =	ssyncset.done @!p0 $0x0  }
0xd4: {  	[sflag:s0] =	ssyncadd.s32 @!p0 s1  }
0xd5: {  	[bflag:$0x3] =	sbarrier.arrive $0xFFFF  }
0xd6: {  	_ =	shalt  }

// kernel: kernel.18.cloned.1.call-start
scs
__scs_entry_jumppad:
0x0: {  	(pc) =	sbr.rel $0x88, $3  }
0x1: {  	(tag) =	ssettag $0x0;
	lr =	simm.s32 $0x1  }
0x2: {  	[smem:$0x3F9B] =	sst lr;
	_ =	strace $0xD0000000  }
0x3: {  	_ = 	snop  }
0x4: {  	_ = 	snop  }
0x5: {  	_ = 	snop  }
0x6: {  	_ = 	snop  }
0x7: {  	_ = 	snop  }
__scs_overlays_trampoline_lowered:
0x8: {  	[smem:$0x3FAA] =	sst s0  }
0x9: {  	[smem:$0x3FAB] =	sst s1  }
0xa: {  	[smem:$0x3FAC] =	sst s2  }
0xb: {  	[smem:$0x3FAD] =	sst s3  }
0xc: {  	[smem:$0x3FAE] =	sst s4  }
0xd: {  	[smem:$0x3FAF] =	sst s5  }
0xe: {  	[smem:$0x3FB0] =	sst s6  }
0xf: {  	[smem:$0x3FB1] =	sst s7  }
0x10: {  	[smem:$0x3FB2] =	sst s8  }
0x11: {  	[smem:$0x3FB3] =	sst s9;
	s0 =	simm.s32 @!p0 $0x0  }
0x12: {  	s1 =	sld [smem:$0x3F99];
	s0 =	simm.s32 @p0 $0x1  }
0x13: {  	[smem:$0x3FB4] =	sst s0;
	s0 =	simm.s32 @!p1 $0x0  }
0x14: {  	s2 =	sld [smem:$0x3F98];
	s0 =	simm.s32 @p1 $0x1  }
0x15: {  	[smem:$0x3FB5] =	sst s0;
	s0 =	simm.s32 @!p2 $0x0  }
0x16: {  	s3 =	sld [smem:$0x3FDB];
	s0 =	simm.s32 @p2 $0x1  }
0x17: {  	s4 =	simm.s32 $0x1BF5;
	[smem:$0x3FB7] =	sst s0  }
0x18: {  	s0 =	sld [smem:$0x3F9A];
	_ =	swait.ge [sflag:s4], $0x0  }
0x19: {  	s7 =	sld [smem:$0x3F9B]  }
0x1a: {  	s8 =	sadd.s32 $0xFFFFE003, lr  }
0x1b: {  	s9 =	sadd.s32 $0xFFFFFEF7, lr;
	s5 =	simm.s32 $0xFFFFFFFF;
	p2 =	slt.u32 s8, $0xFFFFF086  }
0x1c: {  	p1 =	slt.u32 s9, $0xF7A;
	s5 =	simm.s32 @!p2 $0x0  }
0x1d: {  	s5 =	simm.s32 @p1 $0x1;
	p0 =	seq.s32 s7, s2  }
0x1e: {  	s7 =	smul.u32 @!p0 $0xF7A, s2;
	p2 =	seq.s32 @!p0 s5, $0x0  }
0x1f: {  	s9 =	smul.u32 $0xF7A, s1;
	s8 =	simm.s32 @!p0 $0x1BF5;
	p2 =	por !p2, p0  }
0x20: {  	[sflag:s8] =	ssyncset.s32 @!p0 $0xFFFFF086;
	s6 =	sadd.s32 @!p0 s3, s7;
	s7 =	simm.s32 @!p0 $0x108  }
0x21: {  	s3 =	sadd.s32 s3, s9;
	s6 =	sadd.s32 @!p0 $0x88, s6;
	s7 =	simm.s32 @p2 $0x1082  }
0x22: {  	[simem:s7], [sflag:s8] =	dma.local @!p0 [hbm:s6], $0xF7A  }
0x23: {  	s9 =	sor.u32 $0xD0000000, s2;
	s6 =	simm.s32 $0x108;
	_ =	swait.ge @!p0 [sflag:s8], $0x0  }
0x24: {  	s3 =	sadd.s32 $0x88, s3;
	s6 =	simm.s32 @!p1 $0x1082;
	[sflag:s4] =	ssyncset.s32 $0xFFFFF086  }
0x25: {  	[simem:s6], [sflag:s4] =	dma.local [hbm:s3], $0xF7A  }
0x26: {  	[smem:$0x3F9B] =	sst s1;
	(tag) =	ssettag s2;
	_ =	strace s9  }
0x27: {  	s1 =	sld [smem:$0x3FAB]  }
0x28: {  	s2 =	sld [smem:$0x3FAC]  }
0x29: {  	s4 =	sld [smem:$0x3FAE]  }
0x2a: {  	p0 =	seq.s32 s5, $0x0;
	s5 =	sld [smem:$0x3FAF]  }
0x2b: {  	s6 =	sld [smem:$0x3FB0]  }
0x2c: {  	s7 =	sld [smem:$0x3FB1]  }
0x2d: {  	s3 =	simm.s32 $0x108;
	s8 =	sld [smem:$0x3FB2]  }
0x2e: {  	s3 =	simm.s32 @!p0 $0x1082;
	s9 =	sld [smem:$0x3FB3]  }
0x2f: {  	lr =	sadd.s32 s0, s3;
	s0 =	sld [smem:$0x3FAA]  }
0x30: {  	s3 =	sld [smem:$0x3FAD]  }
0x31: {  	[smem:$0x3FB6] =	sst s10  }
0x32: {  	s10 =	sld [smem:$0x3FB4];
	_ =	sdelay $0x3  }
0x33: {  	p0 =	seq.s32 s10, $0x1;
	s10 =	sld [smem:$0x3FB6];
	_ =	sdelay $0x3  }
0x34: {  	[smem:$0x3FB6] =	sst s10  }
0x35: {  	s10 =	sld [smem:$0x3FB5];
	_ =	sdelay $0x3  }
0x36: {  	p1 =	seq.s32 s10, $0x1;
	s10 =	sld [smem:$0x3FB6];
	_ =	sdelay $0x3  }
0x37: {  	[smem:$0x3FB6] =	sst s10  }
0x38: {  	s10 =	sld [smem:$0x3FB7]  }
0x39: {  	_ = 	snop;
	(pc) =	sbr.ind lr, $3  }
0x3a: {  	_ = 	snop  }
0x3b: {  	_ = 	snop  }
0x3c: {  	p2 =	seq.s32 s10, $0x1;
	s10 =	sld [smem:$0x3FB6]  }
0x3d: {  	_ =	shalt  }
0x3e: {  	_ =	shalt  }
0x3f: {  	_ =	shalt  }
0x40: {  	_ =	shalt  }
0x41: {  	_ =	shalt  }
0x42: {  	_ =	shalt  }
0x43: {  	_ =	shalt  }
0x44: {  	_ =	shalt  }
0x45: {  	_ =	shalt  }
0x46: {  	_ =	shalt  }
0x47: {  	_ =	shalt  }
0x48: {  	_ =	shalt  }
0x49: {  	_ =	shalt  }
0x4a: {  	_ =	shalt  }
0x4b: {  	_ =	shalt  }
0x4c: {  	_ =	shalt  }
0x4d: {  	_ =	shalt  }
0x4e: {  	_ =	shalt  }
0x4f: {  	_ =	shalt  }
0x50: {  	_ =	shalt  }
0x51: {  	_ =	shalt  }
0x52: {  	_ =	shalt  }
0x53: {  	_ =	shalt  }
0x54: {  	_ =	shalt  }
0x55: {  	_ =	shalt  }
0x56: {  	_ =	shalt  }
0x57: {  	_ =	shalt  }
0x58: {  	_ =	shalt  }
0x59: {  	_ =	shalt  }
0x5a: {  	_ =	shalt  }
0x5b: {  	_ =	shalt  }
0x5c: {  	_ =	shalt  }
0x5d: {  	_ =	shalt  }
0x5e: {  	_ =	shalt  }
0x5f: {  	_ =	shalt  }
0x60: {  	_ =	shalt  }
0x61: {  	_ =	shalt  }
0x62: {  	_ =	shalt  }
0x63: {  	_ =	shalt  }
0x64: {  	_ =	shalt  }
0x65: {  	_ =	shalt  }
0x66: {  	_ =	shalt  }
0x67: {  	_ =	shalt  }
0x68: {  	_ =	shalt  }
0x69: {  	_ =	shalt  }
0x6a: {  	_ =	shalt  }
0x6b: {  	_ =	shalt  }
0x6c: {  	_ =	shalt  }
0x6d: {  	_ =	shalt  }
0x6e: {  	_ =	shalt  }
0x6f: {  	_ =	shalt  }
0x70: {  	_ =	shalt  }
0x71: {  	_ =	shalt  }
0x72: {  	_ =	shalt  }
0x73: {  	_ =	shalt  }
0x74: {  	_ =	shalt  }
0x75: {  	_ =	shalt  }
0x76: {  	_ =	shalt  }
0x77: {  	_ =	shalt  }
0x78: {  	_ =	shalt  }
0x79: {  	_ =	shalt  }
0x7a: {  	_ =	shalt  }
0x7b: {  	_ =	shalt  }
0x7c: {  	_ =	shalt  }
0x7d: {  	_ =	shalt  }
0x7e: {  	_ =	shalt  }
0x7f: {  	_ =	shalt  }
0x80: {  	_ =	shalt  }
0x81: {  	_ =	shalt  }
0x82: {  	_ =	shalt  }
0x83: {  	_ =	shalt  }
0x84: {  	_ =	shalt  }
0x85: {  	_ =	shalt  }
0x86: {  	_ =	shalt  }
0x87: {  	_ =	shalt  }
.Lfunc_end0:
.L_simem_size_0:
called_computation.2_lowered:
.L_overlay_start_0:
0x88: {  	s2 =	sld [smem:$0x3FD9]  }
0x89: {  	s3 =	sld [smem:$0x3FFE];
	_ =	sdelay $0x1  }
0x8a: {  	s1 =	srdreg.scid  }
0x8b: {  	s0 =	sand.u32 $0x1, s1  }
0x8c: {  	s17 =	sshll.u32 s0, $0xA;
	s2 =	sadd.s32 s3, s2  }
0x8d: {  	s2 =	sadd.s32 s2, s17  }
0x8e: {  	[smem:$0x3FC2] =	sst s2  }
0x8f: {  	_ = 	snop  }
0x90: {  	s18 =	sld [smem:$0x3FC8];
	(tm) =	ssettm $0x1  }
0x91: {  	s19 =	sld [smem:$0x3FFB];
	_ =	sdelay $0x3  }
0x92: {  	_ =	strace s19  }
0x93: {  	s2 =	sld [smem:$0x3FFC];
	_ =	sdelay $0x3  }
0x94: {  	_ =	strace s2  }
0x95: {  	s2 =	sld [smem:$0x3FFD];
	_ =	sdelay $0x3  }
0x96: {  	_ =	strace s2  }
0x97: {  	_ =	strace $0x8FFFFFFF  }
0x98: {  	s20 =	sld [smem:$0x3FDB];
	_ =	sdelay $0x1  }
0x99: {  	s4 =	simm.s32 $_scs_section_size  }
0x9a: {  	s5 =	simm.s32 $_size__tile_overlayer_lowered;
	s6 =	simm.s32 $_tile_overlayer_lowered  }
0x9b: {  	s7 =	simm.s32 $0x1BFF;
	s21 =	sshll.u32 s6, $0x1;
	s4 =	sadd.s32 s4, s20  }
0x9c: {  	s22 =	simm.s32 $0x0;
	s5 =	sshll.u32 s5, $0x1;
	s6 =	sadd.s32 s21, s4  }
0x9d: {  	[timem:s22], [sflag:s7] =	dma.local [hbm:s6], s5  }
0x9e: {  	_ =	swait.ge [sflag:s7], s5  }
0x9f: {  	s5 =	ssub.s32 $0x0, s5;
	[sflag:s7] =	ssyncset.done $0x0  }
0xa0: {  	[sflag:s7] =	ssyncadd.s32 s5;
	_ =	sdelay $0x1  }
0xa1: {  	s23 =	simm.s32 $0x1B8B  }
0xa2: {  	_ =	swait.ge [sflag:s23], $0x1  }
0xa3: {  	[sflag:s23] =	ssyncset.done $0x0  }
0xa4: {  	[sflag:s23] =	ssyncadd.s32 $0xFFFFFFFF  }
0xa5: {  	s5 =	sld [smem:$0x0]  }
0xa6: {  	s6 =	sand.u32 $0xFFFFFFFE, s1  }
0xa7: {  	p0 =	sne.s32 s1, s6  }
0xa8: {  	s6 =	sshll.u32 @p0 s6, $0xE  }
0xa9: {  	s6 =	sadd.s32 @p0 $0x11B8D, s6;
	s7 =	sshll.u32 @p0 s5, $0x11  }
0xaa: {  	s6 =	sor.u32 @p0 s7, s6  }
0xab: {  	[sflag:s6] =	ssyncadd.remote.s32 @p0 $0x1;
	_ =	sdelay $0x1  }
0xac: {  	s6 =	simm.s32 @p0 $0x1B8D  }
0xad: {  	_ =	swait.eq @p0 [sflag:s6], $0x1  }
0xae: {  	[sflag:s6] =	ssyncadd.s32 @p0 $0xFFFFFFFF  }
0xaf: {  	s7 =	sshll.u32 @!p0 s1, $0xE  }
0xb0: {  	s7 =	sor.u32 @!p0 $0x4000, s7;
	s6 =	simm.s32 @!p0 $0x1B8D  }
0xb1: {  	s5 =	sshll.u32 @!p0 s5, $0x11;
	s7 =	sadd.s32 @!p0 $0x11B8D, s7;
	_ =	swait.eq @!p0 [sflag:s6], $0x1  }
0xb2: {  	s5 =	sor.u32 @!p0 s5, s7;
	[sflag:s6] =	ssyncadd.s32 @!p0 $0xFFFFFFFF  }
0xb3: {  	s25 =	simm.s32 $0x1B8E;
	s24 =	sld [smem:$0x3FFE];
	[sflag:s5] =	ssyncadd.remote.s32 @!p0 $0x1  }
0xb4: {  	s26 =	simm.s32 $execute0_lowered;
	[smem:$0x3FD2] =	sst s25  }
0xb5: {  	s6 =	sshll.u32 s26, $0x1;
	_ =	strace $0x8000004C;
	[dreg:$0x1] =	wrdreg $0xFFFFFFFF  }
0xb6: {  	s28 =	simm.s32 $_size_execute0_lowered;
	s4 =	sadd.s32 s4, s6;
	[dreg:$0x0] =	wrdreg $0x0  }
0xb7: {  	s6 =	sshll.u32 s28, $0x1;
	[dreg:$0x2] =	wrdreg s4  }
0xb8: {  	[dreg:$0x3] =	wrdreg s6  }
0xb9: {  	[dreg:$0x4] =	wrdreg $0xC0  }
0xba: {  	_ =	task [dreg:s22], $0x5FFFF  }
0xbb: {  	[dreg:$0x1] =	wrdreg $0xFFFFFFFF  }
0xbc: {  	[dreg:$0x0] =	wrdreg $0x60  }
0xbd: {  	[dreg:$0x2] =	wrdreg s18  }
0xbe: {  	[dreg:$0x3] =	wrdreg s24  }
0xbf: {  	[dreg:$0x4] =	wrdreg $0xB  }
0xc0: {  	_ =	task.clear_ibuf [dreg:s22], $0x5FFFF;
	_ =	strace $0x9000004C  }
0xc1: {  	s29 =	simm.s32 $0xB;
	_ =	strace $0x8000004E  }
0xc2: {  	_ =	swait.ge [sflag:s29], $0x1  }
0xc3: {  	[sflag:s29] =	ssyncadd.s32 $0xFFFFFFFF  }
0xc4: {  	_ =	strace $0x9000004E  }
0xc5: {  	_ =	sfence  }
0xc6: {  	s30 =	sld [smem:$0x0];
	_ =	sdelay $0x2  }
0xc7: {  	s31 =	sshll.u32 s1, $0xD;
	s1 =	sshrl.u32 s1, $0x2  }
0xc8: {  	s4 =	sand.u32 $0x4000, s31;
	s1 =	sadd.s32 s1, s30  }
0xc9: {  	s0 =	sor.u32 s4, s0;
	s1 =	sshll.u32 s1, $0x11  }
0xca: {  	s0 =	sor.u32 s1, s0  }
0xcb: {  	s0 =	sadd.s32 $0x8F2B, s0  }
0xcc: {  	[sflag:s0] =	ssyncadd.remote.s32 $0x1  }
0xcd: {  	_ =	sfence.sel $0xFFFF  }
0xce: {  	[dreg:$0x0] =	wrdreg $0xFFFFFFFF;
	(pc) =	sbr.abs _section_cstart, $3  }
0xcf: {  	[dreg:$0x1] =	wrdreg $0xFFFFFFFF  }
0xd0: {  	_ =	task.clear_ibuf [dreg:s22], $0x2FFFF;
	_ =	strace $0x9FFFFFFF  }
0xd1: {  	(tm) =	ssettm $0x7FFFFFFF  }
tec
execute0_lowered:
.L_overlay_start_1:
0x0: {  	(tag) =	ssettag $0x1  }
0x1: {  	s1 =	srdreg.scid;
	s0 =	stileid.u32  }
0x2: {  	s1 =	sand.u32 $0x1, s1;
	s3 =	sshll.u32 s0, $0x1  }
0x3: {  	s2 =	rddreg [dreg:$0x0];
	s5 =	sor.u32 s1, s3  }
0x4: {  	s4 =	rddreg [dreg:$0x1];
	s19 =	sshrl.u32 s0, $0x2;
	s20 =	smul.u32 $0x28000, s5  }
0x5: {  	s3 =	simm.s32 $0x0;
	s7 =	sshll.u32 s5, $0x7;
	s5 =	smul.u32 $0x5000, s5  }
0x6: {  	s8 =	sadd.s32 $0xA9400, s4;
	s6 =	smul.u32 $0x2800, s19;
	[smem:$0x7FF] =	sst s3  }
0x7: {  	s7 =	sand.u32 $0x380, s7;
	_ =	strace $0x8000004D;
	s31 =	sadd.s32 s8, s5  }
0x8: {  	s6 =	sor.u32 s6, s7;
	s21 =	sshrl.u32 s20, $0x3;
	s5 =	sadd.s32 $0x800, s31  }
0x9: {  	s6 =	sshrl.u32 s6, $0x3;
	s24 =	sadd.s32 $0x1000, s31;
	[dreg:$0x6] =	wrdreg s5  }
0xa: {  	s25 =	sadd.s32 $0x1800, s31;
	s6 =	sadd.s32 s6, s4;
	[dreg:$0x7] =	wrdreg s24  }
0xb: {  	s4 =	sadd.s32 s8, s21;
	[dreg:$0x8] =	wrdreg s25;
	s6 =	sadd.s32 $0x4400, s6  }
0xc: {  	s22 =	sadd.s32 $0x4000, s4;
	[dreg:$0x3] =	wrdreg s6  }
0xd: {  	s23 =	sadd.s32 $0x4800, s4;
	[dreg:$0x4] =	wrdreg s22  }
0xe: {  	s7 =	simm.s32 $0x400;
	[dreg:$0x5] =	wrdreg s23  }
0xf: {  	s5 =	simm.s32 $0x9;
	s6 =	simm.s32 $0x80;
	s26 =	rddreg [dreg:$0x3]  }
0x10: {  	[tilespmem:s3], [sflag:$0x9] =	stream.strided.gather [hbm4b:s26+s6], $0x500, s7, s6, $0x38;
	[tilespmem:$0x10500] =	vst v63  }
0x11: {  	_ =	swait.ge [sflag:s5], $0x500  }
0x12: {  	[sflag:s5] =	ssyncset.done $0x0  }
0x13: {  	s8 =	simm.s32 $0x500;
	[sflag:s5] =	ssyncadd.s32 $0xFFFFFB00  }
0x14: {  	[tilespmem:s8], [sflag:$0x1] =	stream.indirect.gather [hbm4b:s2+s6], $0x80, s3, s6, $0xb8;
	[tilespmem:$0x10500] =	vst v63  }
0x15: {  	s9 =	simm.s32 $0x4500  }
0x16: {  	[tilespmem:s9], [sflag:$0x2] =	stream.indirect.gather [hbm4b:s2+s6], $0x80, s6, s6, $0xb8;
	[tilespmem:$0x10500] =	vst v63  }
0x17: {  	s10 =	simm.s32 $0x100;
	s11 =	simm.s32 $0x8500  }
0x18: {  	[tilespmem:s11], [sflag:$0x3] =	stream.indirect.gather [hbm4b:s2+s6], $0x80, s10, s6, $0xb8;
	[tilespmem:$0x10500] =	vst v63  }
0x19: {  	s12 =	simm.s32 $0x180;
	s13 =	simm.s32 $0xC500;
	s14 =	simm.s32 $0x1  }
0x1a: {  	[tilespmem:s13], [sflag:$0x4] =	stream.indirect.gather [hbm4b:s2+s6], $0x80, s12, s6, $0xb8;
	[tilespmem:$0x10500] =	vst v63  }
0x1b: {  	_ =	swait.ge [sflag:s14], $0x4000  }
0x1c: {  	[sflag:s14] =	ssyncset.done $0x0  }
0x1d: {  	s15 =	simm.s32 $0x5;
	[sflag:s14] =	ssyncadd.s32 $0xFFFFC000  }
0x1e: {  	[hbm4b:s4+s3] =	stream.linear.scatter [tilespmem:s8], [sflag:$0x5], $0x4000, $0x38;
	[tilespmem:$0x10500] =	vst v63  }
0x1f: {  	_ =	swait.ge [sflag:s15], $0x4000  }
0x20: {  	[sflag:s15] =	ssyncset.done $0x0  }
0x21: {  	s16 =	simm.s32 $0x200;
	s17 =	simm.s32 $0x2;
	[sflag:s15] =	ssyncadd.s32 $0xFFFFC000  }
0x22: {  	[tilespmem:s8], [sflag:$0x1] =	stream.indirect.gather [hbm4b:s2+s6], $0x80, s16, s6, $0xb8;
	[tilespmem:$0x10500] =	vst v63  }
0x23: {  	_ =	swait.ge [sflag:s17], $0x4000  }
0x24: {  	[sflag:s17] =	ssyncset.done $0x0  }
0x25: {  	s18 =	simm.s32 $0x6;
	s19 =	rddreg [dreg:$0x6];
	[sflag:s17] =	ssyncadd.s32 $0xFFFFC000  }
0x26: {  	[hbm4b:s19+s3] =	stream.linear.scatter [tilespmem:s9], [sflag:$0x6], $0x4000, $0x38;
	[tilespmem:$0x10500] =	vst v63  }
0x27: {  	_ =	swait.ge [sflag:s18], $0x4000  }
0x28: {  	[sflag:s18] =	ssyncset.done $0x0  }
0x29: {  	s20 =	simm.s32 $0x3;
	s19 =	simm.s32 $0x280;
	[sflag:s18] =	ssyncadd.s32 $0xFFFFC000  }
0x2a: {  	[tilespmem:s9], [sflag:$0x2] =	stream.indirect.gather [hbm4b:s2+s6], $0x80, s19, s6, $0xb8;
	[tilespmem:$0x10500] =	vst v63  }
0x2b: {  	_ =	swait.ge [sflag:s20], $0x4000  }
0x2c: {  	[sflag:s20] =	ssyncset.done $0x0  }
0x2d: {  	s21 =	simm.s32 $0x7;
	s22 =	rddreg [dreg:$0x7];
	[sflag:s20] =	ssyncadd.s32 $0xFFFFC000  }
0x2e: {  	[hbm4b:s22+s3] =	stream.linear.scatter [tilespmem:s11], [sflag:$0x7], $0x4000, $0x38;
	[tilespmem:$0x10500] =	vst v63  }
0x2f: {  	_ =	swait.ge [sflag:s21], $0x4000  }
0x30: {  	[sflag:s21] =	ssyncset.done $0x0  }
0x31: {  	s23 =	simm.s32 $0x4;
	s22 =	simm.s32 $0x300;
	[sflag:s21] =	ssyncadd.s32 $0xFFFFC000  }
0x32: {  	[tilespmem:s11], [sflag:$0x3] =	stream.indirect.gather [hbm4b:s2+s6], $0x80, s22, s6, $0xb8;
	[tilespmem:$0x10500] =	vst v63  }
0x33: {  	_ =	swait.ge [sflag:s23], $0x4000  }
0x34: {  	[sflag:s23] =	ssyncset.done $0x0  }
0x35: {  	s24 =	rddreg [dreg:$0x8];
	[sflag:s23] =	ssyncadd.s32 $0xFFFFC000  }
0x36: {  	[hbm4b:s24+s3] =	stream.linear.scatter [tilespmem:s13], [sflag:$0x8], $0x4000, $0x38;
	[tilespmem:$0x10500] =	vst v63  }
0x37: {  	s24 =	simm.s32 $0x8  }
0x38: {  	_ =	swait.ge [sflag:s24], $0x4000  }
0x39: {  	[sflag:s24] =	ssyncset.done $0x0  }
0x3a: {  	s25 =	simm.s32 $0x380;
	[sflag:s24] =	ssyncadd.s32 $0xFFFFC000  }
0x3b: {  	[tilespmem:s13], [sflag:$0x4] =	stream.indirect.gather [hbm4b:s2+s6], $0x80, s25, s6, $0xb8;
	[tilespmem:$0x10500] =	vst v63  }
0x3c: {  	_ =	swait.ge [sflag:s14], $0x4000  }
0x3d: {  	[sflag:s14] =	ssyncset.done $0x0  }
0x3e: {  	s26 =	sadd.s32 $0x2000, s4;
	[sflag:s14] =	ssyncadd.s32 $0xFFFFC000  }
0x3f: {  	[hbm4b:s26+s3] =	stream.linear.scatter [tilespmem:s8], [sflag:$0x5], $0x4000, $0x38;
	[tilespmem:$0x10500] =	vst v63  }
0x40: {  	_ =	swait.ge [sflag:s15], $0x4000  }
0x41: {  	[sflag:s15] =	ssyncset.done $0x0  }
0x42: {  	[sflag:s15] =	ssyncadd.s32 $0xFFFFC000  }
0x43: {  	[tilespmem:s8], [sflag:$0x1] =	stream.indirect.gather [hbm4b:s2+s6], $0x80, s7, s6, $0xb8;
	[tilespmem:$0x10500] =	vst v63  }
0x44: {  	_ =	swait.ge [sflag:s17], $0x4000  }
0x45: {  	[sflag:s17] =	ssyncset.done $0x0  }
0x46: {  	s28 =	sadd.s32 $0x2800, s31;
	[sflag:s17] =	ssyncadd.s32 $0xFFFFC000  }
0x47: {  	[hbm4b:s28+s3] =	stream.linear.scatter [tilespmem:s9], [sflag:$0x6], $0x4000, $0x38;
	[tilespmem:$0x10500] =	vst v63  }
0x48: {  	_ =	swait.ge [sflag:s18], $0x4000  }
0x49: {  	[sflag:s18] =	ssyncset.done $0x0  }
0x4a: {  	s29 =	simm.s32 $0x480;
	[sflag:s18] =	ssyncadd.s32 $0xFFFFC000  }
0x4b: {  	[tilespmem:s9], [sflag:$0x2] =	stream.indirect.gather [hbm4b:s2+s6], $0x80, s29, s6, $0xb8;
	[tilespmem:$0x10500] =	vst v63  }
0x4c: {  	_ =	swait.ge [sflag:s20], $0x4000  }
0x4d: {  	[sflag:s20] =	ssyncset.done $0x0  }
0x4e: {  	s30 =	sadd.s32 $0x3000, s31;
	[sflag:s20] =	ssyncadd.s32 $0xFFFFC000  }
0x4f: {  	[hbm4b:s30+s3] =	stream.linear.scatter [tilespmem:s11], [sflag:$0x7], $0x4000, $0x38;
	[tilespmem:$0x10500] =	vst v63  }
0x50: {  	_ =	swait.ge [sflag:s21], $0x4000  }
0x51: {  	[sflag:s21] =	ssyncset.done $0x0  }
0x52: {  	[sflag:s21] =	ssyncadd.s32 $0xFFFFC000  }
0x53: {  	_ =	swait.ge [sflag:s23], $0x4000  }
0x54: {  	[sflag:s23] =	ssyncset.done $0x0  }
0x55: {  	s31 =	sadd.s32 $0x3800, s31;
	[sflag:s23] =	ssyncadd.s32 $0xFFFFC000  }
0x56: {  	[hbm4b:s31+s3] =	stream.linear.scatter [tilespmem:s13], [sflag:$0x8], $0x4000, $0x38;
	[tilespmem:$0x10500] =	vst v63  }
0x57: {  	_ =	swait.ge [sflag:s24], $0x4000  }
0x58: {  	[sflag:s24] =	ssyncset.done $0x0  }
0x59: {  	[sflag:s24] =	ssyncadd.s32 $0xFFFFC000  }
0x5a: {  	_ =	swait.ge [sflag:s14], $0x4000  }
0x5b: {  	[sflag:s14] =	ssyncset.done $0x0  }
0x5c: {  	s0 =	rddreg [dreg:$0x4];
	[sflag:s14] =	ssyncadd.s32 $0xFFFFC000  }
0x5d: {  	[hbm4b:s0+s3] =	stream.linear.scatter [tilespmem:s8], [sflag:$0x9], $0x4000, $0x38;
	[tilespmem:$0x10500] =	vst v63  }
0x5e: {  	_ =	swait.ge [sflag:s5], $0x4000  }
0x5f: {  	[sflag:s5] =	ssyncset.done $0x0  }
0x60: {  	[sflag:s5] =	ssyncadd.s32 $0xFFFFC000  }
0x61: {  	_ =	swait.ge [sflag:s17], $0x4000  }
0x62: {  	s0 =	ssub.s32 $0x2, s1;
	s1 =	rddreg [dreg:$0x5]  }
0x63: {  	[dreg:$0x9] =	wrdreg s1;
	s1 =	sshrl.u32 s0, $0x1  }
0x64: {  	s0 =	ssub.s32 s0, s1  }
0x65: {  	s0 =	smax.u32 s0, $0x1  }
0x66: {  	p0 =	sne.s32 s0, $0x1  }
.Ltmp0:
0x67: {  	_ = 	snop;
	(pc) =	sbr.rel @!p0 .LBB2_2-.Ltmp0, $4  }
0x68: {  	[sflag:s17] =	ssyncset.done $0x0  }
0x69: {  	[sflag:s17] =	ssyncadd.s32 $0xFFFFC000;
	s1 =	rddreg [dreg:$0x9]  }
0x6a: {  	[hbm4b:s1+s3] =	stream.linear.scatter [tilespmem:s9], [sflag:$0x9], $0x4000, $0x38;
	[tilespmem:$0x10500] =	vst v63  }
0x6b: {  	s1 =	sadd.s32 $0xFFFFFFFF, s0;
	_ =	swait.ge [sflag:s5], $0x4000  }
.LBB2_1:
0x6c: {  	[sflag:s5] =	ssyncset.done $0x0  }
0x6d: {  	s0 =	rddreg [dreg:$0x3];
	[sflag:s5] =	ssyncadd.s32 $0xFFFFC000  }
0x6e: {  	[tilespmem:s3], [sflag:$0x9] =	stream.strided.gather [hbm4b:s0+s6], $0x500, s7, s6, $0x38;
	[tilespmem:$0x10500] =	vst v63  }
0x6f: {  	_ =	swait.ge [sflag:s5], $0x500  }
0x70: {  	[sflag:s5] =	ssyncset.done $0x0  }
0x71: {  	[sflag:s5] =	ssyncadd.s32 $0xFFFFFB00  }
0x72: {  	[tilespmem:s8], [sflag:$0x1] =	stream.indirect.gather [hbm4b:s2+s6], $0x80, s3, s6, $0xb8;
	[tilespmem:$0x10500] =	vst v63  }
0x73: {  	_ = 	snop  }
0x74: {  	[tilespmem:s9], [sflag:$0x2] =	stream.indirect.gather [hbm4b:s2+s6], $0x80, s6, s6, $0xb8;
	[tilespmem:$0x10500] =	vst v63  }
0x75: {  	_ = 	snop  }
0x76: {  	[tilespmem:s11], [sflag:$0x3] =	stream.indirect.gather [hbm4b:s2+s6], $0x80, s10, s6, $0xb8;
	[tilespmem:$0x10500] =	vst v63  }
0x77: {  	_ = 	snop  }
0x78: {  	[tilespmem:s13], [sflag:$0x4] =	stream.indirect.gather [hbm4b:s2+s6], $0x80, s12, s6, $0xb8;
	[tilespmem:$0x10500] =	vst v63  }
0x79: {  	_ =	swait.ge [sflag:s14], $0x4000  }
0x7a: {  	[sflag:s14] =	ssyncset.done $0x0  }
0x7b: {  	[sflag:s14] =	ssyncadd.s32 $0xFFFFC000  }
0x7c: {  	[hbm4b:s4+s3] =	stream.linear.scatter [tilespmem:s8], [sflag:$0x5], $0x4000, $0x38;
	[tilespmem:$0x10500] =	vst v63  }
0x7d: {  	_ =	swait.ge [sflag:s15], $0x4000  }
0x7e: {  	[sflag:s15] =	ssyncset.done $0x0  }
0x7f: {  	[sflag:s15] =	ssyncadd.s32 $0xFFFFC000  }
0x80: {  	[tilespmem:s8], [sflag:$0x1] =	stream.indirect.gather [hbm4b:s2+s6], $0x80, s16, s6, $0xb8;
	[tilespmem:$0x10500] =	vst v63  }
0x81: {  	_ =	swait.ge [sflag:s17], $0x4000  }
0x82: {  	[sflag:s17] =	ssyncset.done $0x0  }
0x83: {  	s0 =	rddreg [dreg:$0x6];
	[sflag:s17] =	ssyncadd.s32 $0xFFFFC000  }
0x84: {  	[hbm4b:s0+s3] =	stream.linear.scatter [tilespmem:s9], [sflag:$0x6], $0x4000, $0x38;
	[tilespmem:$0x10500] =	vst v63  }
0x85: {  	_ =	swait.ge [sflag:s18], $0x4000  }
0x86: {  	[sflag:s18] =	ssyncset.done $0x0  }
0x87: {  	[sflag:s18] =	ssyncadd.s32 $0xFFFFC000  }
0x88: {  	[tilespmem:s9], [sflag:$0x2] =	stream.indirect.gather [hbm4b:s2+s6], $0x80, s19, s6, $0xb8;
	[tilespmem:$0x10500] =	vst v63  }
0x89: {  	_ =	swait.ge [sflag:s20], $0x4000  }
0x8a: {  	[sflag:s20] =	ssyncset.done $0x0  }
0x8b: {  	s0 =	rddreg [dreg:$0x7];
	[sflag:s20] =	ssyncadd.s32 $0xFFFFC000  }
0x8c: {  	[hbm4b:s0+s3] =	stream.linear.scatter [tilespmem:s11], [sflag:$0x7], $0x4000, $0x38;
	[tilespmem:$0x10500] =	vst v63  }
0x8d: {  	_ =	swait.ge [sflag:s21], $0x4000  }
0x8e: {  	[sflag:s21] =	ssyncset.done $0x0  }
0x8f: {  	[sflag:s21] =	ssyncadd.s32 $0xFFFFC000  }
0x90: {  	[tilespmem:s11], [sflag:$0x3] =	stream.indirect.gather [hbm4b:s2+s6], $0x80, s22, s6, $0xb8;
	[tilespmem:$0x10500] =	vst v63  }
0x91: {  	_ =	swait.ge [sflag:s23], $0x4000  }
0x92: {  	[sflag:s23] =	ssyncset.done $0x0  }
0x93: {  	s0 =	rddreg [dreg:$0x8];
	[sflag:s23] =	ssyncadd.s32 $0xFFFFC000  }
0x94: {  	[hbm4b:s0+s3] =	stream.linear.scatter [tilespmem:s13], [sflag:$0x8], $0x4000, $0x38;
	[tilespmem:$0x10500] =	vst v63  }
0x95: {  	_ =	swait.ge [sflag:s24], $0x4000  }
0x96: {  	[sflag:s24] =	ssyncset.done $0x0  }
0x97: {  	[sflag:s24] =	ssyncadd.s32 $0xFFFFC000  }
0x98: {  	[tilespmem:s13], [sflag:$0x4] =	stream.indirect.gather [hbm4b:s2+s6], $0x80, s25, s6, $0xb8;
	[tilespmem:$0x10500] =	vst v63  }
0x99: {  	_ =	swait.ge [sflag:s14], $0x4000  }
0x9a: {  	[sflag:s14] =	ssyncset.done $0x0  }
0x9b: {  	[sflag:s14] =	ssyncadd.s32 $0xFFFFC000  }
0x9c: {  	[hbm4b:s26+s3] =	stream.linear.scatter [tilespmem:s8], [sflag:$0x5], $0x4000, $0x38;
	[tilespmem:$0x10500] =	vst v63  }
0x9d: {  	_ =	swait.ge [sflag:s15], $0x4000  }
0x9e: {  	[sflag:s15] =	ssyncset.done $0x0  }
0x9f: {  	[sflag:s15] =	ssyncadd.s32 $0xFFFFC000  }
0xa0: {  	[tilespmem:s8], [sflag:$0x1] =	stream.indirect.gather [hbm4b:s2+s6], $0x80, s7, s6, $0xb8;
	[tilespmem:$0x10500] =	vst v63  }
0xa1: {  	_ =	swait.ge [sflag:s17], $0x4000  }
0xa2: {  	[sflag:s17] =	ssyncset.done $0x0  }
0xa3: {  	[sflag:s17] =	ssyncadd.s32 $0xFFFFC000  }
0xa4: {  	[hbm4b:s28+s3] =	stream.linear.scatter [tilespmem:s9], [sflag:$0x6], $0x4000, $0x38;
	[tilespmem:$0x10500] =	vst v63  }
0xa5: {  	_ =	swait.ge [sflag:s18], $0x4000  }
0xa6: {  	[sflag:s18] =	ssyncset.done $0x0  }
0xa7: {  	[sflag:s18] =	ssyncadd.s32 $0xFFFFC000  }
0xa8: {  	[tilespmem:s9], [sflag:$0x2] =	stream.indirect.gather [hbm4b:s2+s6], $0x80, s29, s6, $0xb8;
	[tilespmem:$0x10500] =	vst v63  }
0xa9: {  	_ =	swait.ge [sflag:s20], $0x4000  }
0xaa: {  	[sflag:s20] =	ssyncset.done $0x0  }
0xab: {  	[sflag:s20] =	ssyncadd.s32 $0xFFFFC000  }
0xac: {  	[hbm4b:s30+s3] =	stream.linear.scatter [tilespmem:s11], [sflag:$0x7], $0x4000, $0x38;
	[tilespmem:$0x10500] =	vst v63  }
0xad: {  	_ =	swait.ge [sflag:s21], $0x4000  }
0xae: {  	[sflag:s21] =	ssyncset.done $0x0  }
0xaf: {  	[sflag:s21] =	ssyncadd.s32 $0xFFFFC000  }
0xb0: {  	_ =	swait.ge [sflag:s23], $0x4000  }
0xb1: {  	[sflag:s23] =	ssyncset.done $0x0  }
0xb2: {  	[sflag:s23] =	ssyncadd.s32 $0xFFFFC000  }
0xb3: {  	[hbm4b:s31+s3] =	stream.linear.scatter [tilespmem:s13], [sflag:$0x8], $0x4000, $0x38;
	[tilespmem:$0x10500] =	vst v63  }
0xb4: {  	_ =	swait.ge [sflag:s24], $0x4000  }
0xb5: {  	[sflag:s24] =	ssyncset.done $0x0  }
0xb6: {  	[sflag:s24] =	ssyncadd.s32 $0xFFFFC000  }
0xb7: {  	_ =	swait.ge [sflag:s14], $0x4000  }
0xb8: {  	[sflag:s14] =	ssyncset.done $0x0  }
0xb9: {  	s0 =	rddreg [dreg:$0x4];
	[sflag:s14] =	ssyncadd.s32 $0xFFFFC000  }
0xba: {  	[hbm4b:s0+s3] =	stream.linear.scatter [tilespmem:s8], [sflag:$0x9], $0x4000, $0x38;
	[tilespmem:$0x10500] =	vst v63  }
0xbb: {  	_ =	swait.ge [sflag:s5], $0x4000  }
0xbc: {  	[sflag:s5] =	ssyncset.done $0x0  }
0xbd: {  	p0 =	sne.s32 s1, $0x1;
	[sflag:s5] =	ssyncadd.s32 $0xFFFFC000  }
.Ltmp1:
0xbe: {  	_ =	swait.ge [sflag:s17], $0x4000;
	(pc) =	sbr.rel @p0 .LBB2_1-.Ltmp1, $4  }
0xbf: {  	[sflag:s17] =	ssyncset.done $0x0  }
0xc0: {  	s0 =	rddreg [dreg:$0x5];
	[sflag:s17] =	ssyncadd.s32 $0xFFFFC000  }
0xc1: {  	[hbm4b:s0+s3] =	stream.linear.scatter [tilespmem:s9], [sflag:$0x9], $0x4000, $0x38;
	[tilespmem:$0x10500] =	vst v63  }
0xc2: {  	s1 =	sadd.s32 $0xFFFFFFFF, s1;
	_ =	swait.ge [sflag:s5], $0x4000  }
.LBB2_2:
0xc3: {  	[sflag:s5] =	ssyncset.done $0x0  }
0xc4: {  	[sflag:s5] =	ssyncadd.s32 $0xFFFFC000  }
0xc5: {  	_ =	sfence.sel $0x180000  }
0xc6: {  	[bflag:$0x0] =	sbarrier.arrive $0xFFFF  }
0xc7: {  	_ =	strace $0x9000004D  }
0xc8: {  	s0 =	stileid.u32;
	[bflag:$0x2] =	sbarrier.arrive $0xFFFF  }
0xc9: {  	p0 =	sne.s32 s0, $0x0;
	s0 =	rddreg [dreg:$0x2]  }
0xca: {  	s0 =	sadd.s32 @!p0 $0x100000, s0  }
0xcb: {  	[sflag:s0] =	ssyncadd.tile.s32 @!p0 $0x1;
	_ =	shalt  }
.Lfunc_end2:
_tile_overlayer_lowered:
.L_overlay_start_2:
0xcc: {  	(tag) =	ssettag $0x2  }
0xcd: {  	s0 =	rddreg [dreg:$0x0];
	s2 =	stileid.u32  }
0xce: {  	s1 =	rddreg [dreg:$0x1];
	p0 =	sne.s32 s2, $0x0  }
0xcf: {  	s3 =	rddreg [dreg:$0x2];
	[bflag:$0x3] =	sbarrier.arrive $0xFFFF;
	s2 =	simm.s32 @!p0 $0x1C09  }
0xd0: {  	[timem:s3], [sflag:s2] =	dma.local @!p0 [hbm:s0], s1  }
0xd1: {  	s0 =	simm.s32 @!p0 $0x9  }
0xd2: {  	_ =	swait.ge @!p0 [sflag:s0], s1  }
0xd3: {  	s1 =	ssub.s32 @!p0 $0x0, s1;
	[sflag:s0] =	ssyncset.done @!p0 $0x0  }
0xd4: {  	[sflag:s0] =	ssyncadd.s32 @!p0 s1  }
0xd5: {  	[bflag:$0x3] =	sbarrier.arrive $0xFFFF  }
0xd6: {  	_ =	shalt  }

// kernel: kernel.21.cloned.1.call-start
scs
__scs_entry_jumppad:
0x0: {  	(pc) =	sbr.rel $0x88, $3  }
0x1: {  	(tag) =	ssettag $0x0;
	lr =	simm.s32 $0x1  }
0x2: {  	[smem:$0x3F9B] =	sst lr;
	_ =	strace $0xD0000000  }
0x3: {  	_ = 	snop  }
0x4: {  	_ = 	snop  }
0x5: {  	_ = 	snop  }
0x6: {  	_ = 	snop  }
0x7: {  	_ = 	snop  }
__scs_overlays_trampoline_lowered:
0x8: {  	[smem:$0x3FAA] =	sst s0  }
0x9: {  	[smem:$0x3FAB] =	sst s1  }
0xa: {  	[smem:$0x3FAC] =	sst s2  }
0xb: {  	[smem:$0x3FAD] =	sst s3  }
0xc: {  	[smem:$0x3FAE] =	sst s4  }
0xd: {  	[smem:$0x3FAF] =	sst s5  }
0xe: {  	[smem:$0x3FB0] =	sst s6  }
0xf: {  	[smem:$0x3FB1] =	sst s7  }
0x10: {  	[smem:$0x3FB2] =	sst s8  }
0x11: {  	[smem:$0x3FB3] =	sst s9;
	s0 =	simm.s32 @!p0 $0x0  }
0x12: {  	s1 =	sld [smem:$0x3F99];
	s0 =	simm.s32 @p0 $0x1  }
0x13: {  	[smem:$0x3FB4] =	sst s0;
	s0 =	simm.s32 @!p1 $0x0  }
0x14: {  	s2 =	sld [smem:$0x3F98];
	s0 =	simm.s32 @p1 $0x1  }
0x15: {  	[smem:$0x3FB5] =	sst s0;
	s0 =	simm.s32 @!p2 $0x0  }
0x16: {  	s3 =	sld [smem:$0x3FDB];
	s0 =	simm.s32 @p2 $0x1  }
0x17: {  	s4 =	simm.s32 $0x1BF5;
	[smem:$0x3FB7] =	sst s0  }
0x18: {  	s0 =	sld [smem:$0x3F9A];
	_ =	swait.ge [sflag:s4], $0x0  }
0x19: {  	s7 =	sld [smem:$0x3F9B]  }
0x1a: {  	s8 =	sadd.s32 $0xFFFFE003, lr  }
0x1b: {  	s9 =	sadd.s32 $0xFFFFFEF7, lr;
	s5 =	simm.s32 $0xFFFFFFFF;
	p2 =	slt.u32 s8, $0xFFFFF086  }
0x1c: {  	p1 =	slt.u32 s9, $0xF7A;
	s5 =	simm.s32 @!p2 $0x0  }
0x1d: {  	s5 =	simm.s32 @p1 $0x1;
	p0 =	seq.s32 s7, s2  }
0x1e: {  	s7 =	smul.u32 @!p0 $0xF7A, s2;
	p2 =	seq.s32 @!p0 s5, $0x0  }
0x1f: {  	s9 =	smul.u32 $0xF7A, s1;
	s8 =	simm.s32 @!p0 $0x1BF5;
	p2 =	por !p2, p0  }
0x20: {  	[sflag:s8] =	ssyncset.s32 @!p0 $0xFFFFF086;
	s6 =	sadd.s32 @!p0 s3, s7;
	s7 =	simm.s32 @!p0 $0x108  }
0x21: {  	s3 =	sadd.s32 s3, s9;
	s6 =	sadd.s32 @!p0 $0x88, s6;
	s7 =	simm.s32 @p2 $0x1082  }
0x22: {  	[simem:s7], [sflag:s8] =	dma.local @!p0 [hbm:s6], $0xF7A  }
0x23: {  	s9 =	sor.u32 $0xD0000000, s2;
	s6 =	simm.s32 $0x108;
	_ =	swait.ge @!p0 [sflag:s8], $0x0  }
0x24: {  	s3 =	sadd.s32 $0x88, s3;
	s6 =	simm.s32 @!p1 $0x1082;
	[sflag:s4] =	ssyncset.s32 $0xFFFFF086  }
0x25: {  	[simem:s6], [sflag:s4] =	dma.local [hbm:s3], $0xF7A  }
0x26: {  	[smem:$0x3F9B] =	sst s1;
	(tag) =	ssettag s2;
	_ =	strace s9  }
0x27: {  	s1 =	sld [smem:$0x3FAB]  }
0x28: {  	s2 =	sld [smem:$0x3FAC]  }
0x29: {  	s4 =	sld [smem:$0x3FAE]  }
0x2a: {  	p0 =	seq.s32 s5, $0x0;
	s5 =	sld [smem:$0x3FAF]  }
0x2b: {  	s6 =	sld [smem:$0x3FB0]  }
0x2c: {  	s7 =	sld [smem:$0x3FB1]  }
0x2d: {  	s3 =	simm.s32 $0x108;
	s8 =	sld [smem:$0x3FB2]  }
0x2e: {  	s3 =	simm.s32 @!p0 $0x1082;
	s9 =	sld [smem:$0x3FB3]  }
0x2f: {  	lr =	sadd.s32 s0, s3;
	s0 =	sld [smem:$0x3FAA]  }
0x30: {  	s3 =	sld [smem:$0x3FAD]  }
0x31: {  	[smem:$0x3FB6] =	sst s10  }
0x32: {  	s10 =	sld [smem:$0x3FB4];
	_ =	sdelay $0x3  }
0x33: {  	p0 =	seq.s32 s10, $0x1;
	s10 =	sld [smem:$0x3FB6];
	_ =	sdelay $0x3  }
0x34: {  	[smem:$0x3FB6] =	sst s10  }
0x35: {  	s10 =	sld [smem:$0x3FB5];
	_ =	sdelay $0x3  }
0x36: {  	p1 =	seq.s32 s10, $0x1;
	s10 =	sld [smem:$0x3FB6];
	_ =	sdelay $0x3  }
0x37: {  	[smem:$0x3FB6] =	sst s10  }
0x38: {  	s10 =	sld [smem:$0x3FB7]  }
0x39: {  	_ = 	snop;
	(pc) =	sbr.ind lr, $3  }
0x3a: {  	_ = 	snop  }
0x3b: {  	_ = 	snop  }
0x3c: {  	p2 =	seq.s32 s10, $0x1;
	s10 =	sld [smem:$0x3FB6]  }
0x3d: {  	_ =	shalt  }
0x3e: {  	_ =	shalt  }
0x3f: {  	_ =	shalt  }
0x40: {  	_ =	shalt  }
0x41: {  	_ =	shalt  }
0x42: {  	_ =	shalt  }
0x43: {  	_ =	shalt  }
0x44: {  	_ =	shalt  }
0x45: {  	_ =	shalt  }
0x46: {  	_ =	shalt  }
0x47: {  	_ =	shalt  }
0x48: {  	_ =	shalt  }
0x49: {  	_ =	shalt  }
0x4a: {  	_ =	shalt  }
0x4b: {  	_ =	shalt  }
0x4c: {  	_ =	shalt  }
0x4d: {  	_ =	shalt  }
0x4e: {  	_ =	shalt  }
0x4f: {  	_ =	shalt  }
0x50: {  	_ =	shalt  }
0x51: {  	_ =	shalt  }
0x52: {  	_ =	shalt  }
0x53: {  	_ =	shalt  }
0x54: {  	_ =	shalt  }
0x55: {  	_ =	shalt  }
0x56: {  	_ =	shalt  }
0x57: {  	_ =	shalt  }
0x58: {  	_ =	shalt  }
0x59: {  	_ =	shalt  }
0x5a: {  	_ =	shalt  }
0x5b: {  	_ =	shalt  }
0x5c: {  	_ =	shalt  }
0x5d: {  	_ =	shalt  }
0x5e: {  	_ =	shalt  }
0x5f: {  	_ =	shalt  }
0x60: {  	_ =	shalt  }
0x61: {  	_ =	shalt  }
0x62: {  	_ =	shalt  }
0x63: {  	_ =	shalt  }
0x64: {  	_ =	shalt  }
0x65: {  	_ =	shalt  }
0x66: {  	_ =	shalt  }
0x67: {  	_ =	shalt  }
0x68: {  	_ =	shalt  }
0x69: {  	_ =	shalt  }
0x6a: {  	_ =	shalt  }
0x6b: {  	_ =	shalt  }
0x6c: {  	_ =	shalt  }
0x6d: {  	_ =	shalt  }
0x6e: {  	_ =	shalt  }
0x6f: {  	_ =	shalt  }
0x70: {  	_ =	shalt  }
0x71: {  	_ =	shalt  }
0x72: {  	_ =	shalt  }
0x73: {  	_ =	shalt  }
0x74: {  	_ =	shalt  }
0x75: {  	_ =	shalt  }
0x76: {  	_ =	shalt  }
0x77: {  	_ =	shalt  }
0x78: {  	_ =	shalt  }
0x79: {  	_ =	shalt  }
0x7a: {  	_ =	shalt  }
0x7b: {  	_ =	shalt  }
0x7c: {  	_ =	shalt  }
0x7d: {  	_ =	shalt  }
0x7e: {  	_ =	shalt  }
0x7f: {  	_ =	shalt  }
0x80: {  	_ =	shalt  }
0x81: {  	_ =	shalt  }
0x82: {  	_ =	shalt  }
0x83: {  	_ =	shalt  }
0x84: {  	_ =	shalt  }
0x85: {  	_ =	shalt  }
0x86: {  	_ =	shalt  }
0x87: {  	_ =	shalt  }
.Lfunc_end0:
.L_simem_size_0:
called_computation.3_lowered:
.L_overlay_start_0:
0x88: {  	s2 =	sld [smem:$0x3FD9]  }
0x89: {  	s3 =	sld [smem:$0x3FFE];
	_ =	sdelay $0x1  }
0x8a: {  	s1 =	srdreg.scid  }
0x8b: {  	s0 =	sand.u32 $0x1, s1  }
0x8c: {  	s17 =	sshll.u32 s0, $0xA;
	s2 =	sadd.s32 s3, s2  }
0x8d: {  	s2 =	sadd.s32 s2, s17  }
0x8e: {  	[smem:$0x3FC2] =	sst s2  }
0x8f: {  	_ = 	snop  }
0x90: {  	s18 =	sld [smem:$0x3FC8];
	(tm) =	ssettm $0x1  }
0x91: {  	s19 =	sld [smem:$0x3FFB];
	_ =	sdelay $0x3  }
0x92: {  	_ =	strace s19  }
0x93: {  	s2 =	sld [smem:$0x3FFC];
	_ =	sdelay $0x3  }
0x94: {  	_ =	strace s2  }
0x95: {  	s2 =	sld [smem:$0x3FFD];
	_ =	sdelay $0x3  }
0x96: {  	_ =	strace s2  }
0x97: {  	_ =	strace $0x8FFFFFFF  }
0x98: {  	s20 =	sld [smem:$0x3FDB];
	_ =	sdelay $0x1  }
0x99: {  	s4 =	simm.s32 $_scs_section_size  }
0x9a: {  	s5 =	simm.s32 $_size__tile_overlayer_lowered;
	s6 =	simm.s32 $_tile_overlayer_lowered  }
0x9b: {  	s7 =	simm.s32 $0x1BFF;
	s21 =	sshll.u32 s6, $0x1;
	s4 =	sadd.s32 s4, s20  }
0x9c: {  	s22 =	simm.s32 $0x0;
	s5 =	sshll.u32 s5, $0x1;
	s6 =	sadd.s32 s21, s4  }
0x9d: {  	[timem:s22], [sflag:s7] =	dma.local [hbm:s6], s5  }
0x9e: {  	_ =	swait.ge [sflag:s7], s5  }
0x9f: {  	s5 =	ssub.s32 $0x0, s5;
	[sflag:s7] =	ssyncset.done $0x0  }
0xa0: {  	[sflag:s7] =	ssyncadd.s32 s5;
	_ =	sdelay $0x1  }
0xa1: {  	s23 =	simm.s32 $0x1B8B  }
0xa2: {  	_ =	swait.ge [sflag:s23], $0x1  }
0xa3: {  	[sflag:s23] =	ssyncset.done $0x0  }
0xa4: {  	[sflag:s23] =	ssyncadd.s32 $0xFFFFFFFF  }
0xa5: {  	s5 =	sld [smem:$0x0]  }
0xa6: {  	s6 =	sand.u32 $0xFFFFFFFE, s1  }
0xa7: {  	p0 =	sne.s32 s1, s6  }
0xa8: {  	s6 =	sshll.u32 @p0 s6, $0xE  }
0xa9: {  	s6 =	sadd.s32 @p0 $0x11B8D, s6;
	s7 =	sshll.u32 @p0 s5, $0x11  }
0xaa: {  	s6 =	sor.u32 @p0 s7, s6  }
0xab: {  	[sflag:s6] =	ssyncadd.remote.s32 @p0 $0x1;
	_ =	sdelay $0x1  }
0xac: {  	s6 =	simm.s32 @p0 $0x1B8D  }
0xad: {  	_ =	swait.eq @p0 [sflag:s6], $0x1  }
0xae: {  	[sflag:s6] =	ssyncadd.s32 @p0 $0xFFFFFFFF  }
0xaf: {  	s7 =	sshll.u32 @!p0 s1, $0xE  }
0xb0: {  	s7 =	sor.u32 @!p0 $0x4000, s7;
	s6 =	simm.s32 @!p0 $0x1B8D  }
0xb1: {  	s5 =	sshll.u32 @!p0 s5, $0x11;
	s7 =	sadd.s32 @!p0 $0x11B8D, s7;
	_ =	swait.eq @!p0 [sflag:s6], $0x1  }
0xb2: {  	s5 =	sor.u32 @!p0 s5, s7;
	[sflag:s6] =	ssyncadd.s32 @!p0 $0xFFFFFFFF  }
0xb3: {  	s25 =	simm.s32 $0x1B8E;
	s24 =	sld [smem:$0x3FFE];
	[sflag:s5] =	ssyncadd.remote.s32 @!p0 $0x1  }
0xb4: {  	s26 =	simm.s32 $execute0_lowered;
	[smem:$0x3FD2] =	sst s25  }
0xb5: {  	s6 =	sshll.u32 s26, $0x1;
	_ =	strace $0x8000004F;
	[dreg:$0x1] =	wrdreg $0xFFFFFFFF  }
0xb6: {  	s28 =	simm.s32 $_size_execute0_lowered;
	s4 =	sadd.s32 s4, s6;
	[dreg:$0x0] =	wrdreg $0x0  }
0xb7: {  	s6 =	sshll.u32 s28, $0x1;
	[dreg:$0x2] =	wrdreg s4  }
0xb8: {  	[dreg:$0x3] =	wrdreg s6  }
0xb9: {  	[dreg:$0x4] =	wrdreg $0xC0  }
0xba: {  	_ =	task [dreg:s22], $0x5FFFF  }
0xbb: {  	[dreg:$0x1] =	wrdreg $0xFFFFFFFF  }
0xbc: {  	[dreg:$0x0] =	wrdreg $0x60  }
0xbd: {  	[dreg:$0x2] =	wrdreg s18  }
0xbe: {  	[dreg:$0x3] =	wrdreg s24  }
0xbf: {  	[dreg:$0x4] =	wrdreg $0xC  }
0xc0: {  	_ =	task.clear_ibuf [dreg:s22], $0x5FFFF;
	_ =	strace $0x9000004F  }
0xc1: {  	s29 =	simm.s32 $0xC;
	_ =	strace $0x80000051  }
0xc2: {  	_ =	swait.ge [sflag:s29], $0x1  }
0xc3: {  	[sflag:s29] =	ssyncadd.s32 $0xFFFFFFFF  }
0xc4: {  	_ =	strace $0x90000051  }
0xc5: {  	_ =	sfence  }
0xc6: {  	s30 =	sld [smem:$0x0];
	_ =	sdelay $0x2  }
0xc7: {  	s31 =	sshll.u32 s1, $0xD;
	s1 =	sshrl.u32 s1, $0x2  }
0xc8: {  	s4 =	sand.u32 $0x4000, s31;
	s1 =	sadd.s32 s1, s30  }
0xc9: {  	s0 =	sor.u32 s4, s0;
	s1 =	sshll.u32 s1, $0x11  }
0xca: {  	s0 =	sor.u32 s1, s0  }
0xcb: {  	s0 =	sadd.s32 $0x8F2B, s0  }
0xcc: {  	[sflag:s0] =	ssyncadd.remote.s32 $0x1  }
0xcd: {  	_ =	sfence.sel $0xFFFF  }
0xce: {  	[dreg:$0x0] =	wrdreg $0xFFFFFFFF;
	(pc) =	sbr.abs _section_cstart, $3  }
0xcf: {  	[dreg:$0x1] =	wrdreg $0xFFFFFFFF  }
0xd0: {  	_ =	task.clear_ibuf [dreg:s22], $0x2FFFF;
	_ =	strace $0x9FFFFFFF  }
0xd1: {  	(tm) =	ssettm $0x7FFFFFFF  }
tec
execute0_lowered:
.L_overlay_start_1:
0x0: {  	(tag) =	ssettag $0x1  }
0x1: {  	s1 =	srdreg.scid;
	s0 =	stileid.u32  }
0x2: {  	s1 =	sand.u32 $0x1, s1;
	s3 =	sshll.u32 s0, $0x1  }
0x3: {  	s2 =	rddreg [dreg:$0x0];
	s5 =	sor.u32 s1, s3  }
0x4: {  	s4 =	rddreg [dreg:$0x1];
	s19 =	sshrl.u32 s0, $0x2;
	s20 =	smul.u32 $0x28000, s5  }
0x5: {  	s3 =	simm.s32 $0x0;
	s7 =	sshll.u32 s5, $0x7;
	s5 =	smul.u32 $0x5000, s5  }
0x6: {  	s8 =	sadd.s32 $0x149400, s4;
	s6 =	smul.u32 $0x2800, s19;
	[smem:$0x7FF] =	sst s3  }
0x7: {  	s7 =	sand.u32 $0x380, s7;
	_ =	strace $0x80000050;
	s31 =	sadd.s32 s8, s5  }
0x8: {  	s6 =	sor.u32 s6, s7;
	s21 =	sshrl.u32 s20, $0x3;
	s5 =	sadd.s32 $0x800, s31  }
0x9: {  	s6 =	sshrl.u32 s6, $0x3;
	s24 =	sadd.s32 $0x1000, s31;
	[dreg:$0x6] =	wrdreg s5  }
0xa: {  	s25 =	sadd.s32 $0x1800, s31;
	s6 =	sadd.s32 s6, s4;
	[dreg:$0x7] =	wrdreg s24  }
0xb: {  	s4 =	sadd.s32 s8, s21;
	[dreg:$0x8] =	wrdreg s25;
	s6 =	sadd.s32 $0x5800, s6  }
0xc: {  	s22 =	sadd.s32 $0x4000, s4;
	[dreg:$0x3] =	wrdreg s6  }
0xd: {  	s23 =	sadd.s32 $0x4800, s4;
	[dreg:$0x4] =	wrdreg s22  }
0xe: {  	s7 =	simm.s32 $0x400;
	[dreg:$0x5] =	wrdreg s23  }
0xf: {  	s5 =	simm.s32 $0x9;
	s6 =	simm.s32 $0x80;
	s26 =	rddreg [dreg:$0x3]  }
0x10: {  	[tilespmem:s3], [sflag:$0x9] =	stream.strided.gather [hbm4b:s26+s6], $0x500, s7, s6, $0x38;
	[tilespmem:$0x10500] =	vst v63  }
0x11: {  	_ =	swait.ge [sflag:s5], $0x500  }
0x12: {  	[sflag:s5] =	ssyncset.done $0x0  }
0x13: {  	s8 =	simm.s32 $0x500;
	[sflag:s5] =	ssyncadd.s32 $0xFFFFFB00  }
0x14: {  	[tilespmem:s8], [sflag:$0x1] =	stream.indirect.gather [hbm4b:s2+s6], $0x80, s3, s6, $0xb8;
	[tilespmem:$0x10500] =	vst v63  }
0x15: {  	s9 =	simm.s32 $0x4500  }
0x16: {  	[tilespmem:s9], [sflag:$0x2] =	stream.indirect.gather [hbm4b:s2+s6], $0x80, s6, s6, $0xb8;
	[tilespmem:$0x10500] =	vst v63  }
0x17: {  	s10 =	simm.s32 $0x100;
	s11 =	simm.s32 $0x8500  }
0x18: {  	[tilespmem:s11], [sflag:$0x3] =	stream.indirect.gather [hbm4b:s2+s6], $0x80, s10, s6, $0xb8;
	[tilespmem:$0x10500] =	vst v63  }
0x19: {  	s12 =	simm.s32 $0x180;
	s13 =	simm.s32 $0xC500;
	s14 =	simm.s32 $0x1  }
0x1a: {  	[tilespmem:s13], [sflag:$0x4] =	stream.indirect.gather [hbm4b:s2+s6], $0x80, s12, s6, $0xb8;
	[tilespmem:$0x10500] =	vst v63  }
0x1b: {  	_ =	swait.ge [sflag:s14], $0x4000  }
0x1c: {  	[sflag:s14] =	ssyncset.done $0x0  }
0x1d: {  	s15 =	simm.s32 $0x5;
	[sflag:s14] =	ssyncadd.s32 $0xFFFFC000  }
0x1e: {  	[hbm4b:s4+s3] =	stream.linear.scatter [tilespmem:s8], [sflag:$0x5], $0x4000, $0x38;
	[tilespmem:$0x10500] =	vst v63  }
0x1f: {  	_ =	swait.ge [sflag:s15], $0x4000  }
0x20: {  	[sflag:s15] =	ssyncset.done $0x0  }
0x21: {  	s16 =	simm.s32 $0x200;
	s17 =	simm.s32 $0x2;
	[sflag:s15] =	ssyncadd.s32 $0xFFFFC000  }
0x22: {  	[tilespmem:s8], [sflag:$0x1] =	stream.indirect.gather [hbm4b:s2+s6], $0x80, s16, s6, $0xb8;
	[tilespmem:$0x10500] =	vst v63  }
0x23: {  	_ =	swait.ge [sflag:s17], $0x4000  }
0x24: {  	[sflag:s17] =	ssyncset.done $0x0  }
0x25: {  	s18 =	simm.s32 $0x6;
	s19 =	rddreg [dreg:$0x6];
	[sflag:s17] =	ssyncadd.s32 $0xFFFFC000  }
0x26: {  	[hbm4b:s19+s3] =	stream.linear.scatter [tilespmem:s9], [sflag:$0x6], $0x4000, $0x38;
	[tilespmem:$0x10500] =	vst v63  }
0x27: {  	_ =	swait.ge [sflag:s18], $0x4000  }
0x28: {  	[sflag:s18] =	ssyncset.done $0x0  }
0x29: {  	s20 =	simm.s32 $0x3;
	s19 =	simm.s32 $0x280;
	[sflag:s18] =	ssyncadd.s32 $0xFFFFC000  }
0x2a: {  	[tilespmem:s9], [sflag:$0x2] =	stream.indirect.gather [hbm4b:s2+s6], $0x80, s19, s6, $0xb8;
	[tilespmem:$0x10500] =	vst v63  }
0x2b: {  	_ =	swait.ge [sflag:s20], $0x4000  }
0x2c: {  	[sflag:s20] =	ssyncset.done $0x0  }
0x2d: {  	s21 =	simm.s32 $0x7;
	s22 =	rddreg [dreg:$0x7];
	[sflag:s20] =	ssyncadd.s32 $0xFFFFC000  }
0x2e: {  	[hbm4b:s22+s3] =	stream.linear.scatter [tilespmem:s11], [sflag:$0x7], $0x4000, $0x38;
	[tilespmem:$0x10500] =	vst v63  }
0x2f: {  	_ =	swait.ge [sflag:s21], $0x4000  }
0x30: {  	[sflag:s21] =	ssyncset.done $0x0  }
0x31: {  	s23 =	simm.s32 $0x4;
	s22 =	simm.s32 $0x300;
	[sflag:s21] =	ssyncadd.s32 $0xFFFFC000  }
0x32: {  	[tilespmem:s11], [sflag:$0x3] =	stream.indirect.gather [hbm4b:s2+s6], $0x80, s22, s6, $0xb8;
	[tilespmem:$0x10500] =	vst v63  }
0x33: {  	_ =	swait.ge [sflag:s23], $0x4000  }
0x34: {  	[sflag:s23] =	ssyncset.done $0x0  }
0x35: {  	s24 =	rddreg [dreg:$0x8];
	[sflag:s23] =	ssyncadd.s32 $0xFFFFC000  }
0x36: {  	[hbm4b:s24+s3] =	stream.linear.scatter [tilespmem:s13], [sflag:$0x8], $0x4000, $0x38;
	[tilespmem:$0x10500] =	vst v63  }
0x37: {  	s24 =	simm.s32 $0x8  }
0x38: {  	_ =	swait.ge [sflag:s24], $0x4000  }
0x39: {  	[sflag:s24] =	ssyncset.done $0x0  }
0x3a: {  	s25 =	simm.s32 $0x380;
	[sflag:s24] =	ssyncadd.s32 $0xFFFFC000  }
0x3b: {  	[tilespmem:s13], [sflag:$0x4] =	stream.indirect.gather [hbm4b:s2+s6], $0x80, s25, s6, $0xb8;
	[tilespmem:$0x10500] =	vst v63  }
0x3c: {  	_ =	swait.ge [sflag:s14], $0x4000  }
0x3d: {  	[sflag:s14] =	ssyncset.done $0x0  }
0x3e: {  	s26 =	sadd.s32 $0x2000, s4;
	[sflag:s14] =	ssyncadd.s32 $0xFFFFC000  }
0x3f: {  	[hbm4b:s26+s3] =	stream.linear.scatter [tilespmem:s8], [sflag:$0x5], $0x4000, $0x38;
	[tilespmem:$0x10500] =	vst v63  }
0x40: {  	_ =	swait.ge [sflag:s15], $0x4000  }
0x41: {  	[sflag:s15] =	ssyncset.done $0x0  }
0x42: {  	[sflag:s15] =	ssyncadd.s32 $0xFFFFC000  }
0x43: {  	[tilespmem:s8], [sflag:$0x1] =	stream.indirect.gather [hbm4b:s2+s6], $0x80, s7, s6, $0xb8;
	[tilespmem:$0x10500] =	vst v63  }
0x44: {  	_ =	swait.ge [sflag:s17], $0x4000  }
0x45: {  	[sflag:s17] =	ssyncset.done $0x0  }
0x46: {  	s28 =	sadd.s32 $0x2800, s31;
	[sflag:s17] =	ssyncadd.s32 $0xFFFFC000  }
0x47: {  	[hbm4b:s28+s3] =	stream.linear.scatter [tilespmem:s9], [sflag:$0x6], $0x4000, $0x38;
	[tilespmem:$0x10500] =	vst v63  }
0x48: {  	_ =	swait.ge [sflag:s18], $0x4000  }
0x49: {  	[sflag:s18] =	ssyncset.done $0x0  }
0x4a: {  	s29 =	simm.s32 $0x480;
	[sflag:s18] =	ssyncadd.s32 $0xFFFFC000  }
0x4b: {  	[tilespmem:s9], [sflag:$0x2] =	stream.indirect.gather [hbm4b:s2+s6], $0x80, s29, s6, $0xb8;
	[tilespmem:$0x10500] =	vst v63  }
0x4c: {  	_ =	swait.ge [sflag:s20], $0x4000  }
0x4d: {  	[sflag:s20] =	ssyncset.done $0x0  }
0x4e: {  	s30 =	sadd.s32 $0x3000, s31;
	[sflag:s20] =	ssyncadd.s32 $0xFFFFC000  }
0x4f: {  	[hbm4b:s30+s3] =	stream.linear.scatter [tilespmem:s11], [sflag:$0x7], $0x4000, $0x38;
	[tilespmem:$0x10500] =	vst v63  }
0x50: {  	_ =	swait.ge [sflag:s21], $0x4000  }
0x51: {  	[sflag:s21] =	ssyncset.done $0x0  }
0x52: {  	[sflag:s21] =	ssyncadd.s32 $0xFFFFC000  }
0x53: {  	_ =	swait.ge [sflag:s23], $0x4000  }
0x54: {  	[sflag:s23] =	ssyncset.done $0x0  }
0x55: {  	s31 =	sadd.s32 $0x3800, s31;
	[sflag:s23] =	ssyncadd.s32 $0xFFFFC000  }
0x56: {  	[hbm4b:s31+s3] =	stream.linear.scatter [tilespmem:s13], [sflag:$0x8], $0x4000, $0x38;
	[tilespmem:$0x10500] =	vst v63  }
0x57: {  	_ =	swait.ge [sflag:s24], $0x4000  }
0x58: {  	[sflag:s24] =	ssyncset.done $0x0  }
0x59: {  	[sflag:s24] =	ssyncadd.s32 $0xFFFFC000  }
0x5a: {  	_ =	swait.ge [sflag:s14], $0x4000  }
0x5b: {  	[sflag:s14] =	ssyncset.done $0x0  }
0x5c: {  	s0 =	rddreg [dreg:$0x4];
	[sflag:s14] =	ssyncadd.s32 $0xFFFFC000  }
0x5d: {  	[hbm4b:s0+s3] =	stream.linear.scatter [tilespmem:s8], [sflag:$0x9], $0x4000, $0x38;
	[tilespmem:$0x10500] =	vst v63  }
0x5e: {  	_ =	swait.ge [sflag:s5], $0x4000  }
0x5f: {  	[sflag:s5] =	ssyncset.done $0x0  }
0x60: {  	[sflag:s5] =	ssyncadd.s32 $0xFFFFC000  }
0x61: {  	_ =	swait.ge [sflag:s17], $0x4000  }
0x62: {  	s0 =	ssub.s32 $0x2, s1;
	s1 =	rddreg [dreg:$0x5]  }
0x63: {  	[dreg:$0x9] =	wrdreg s1;
	s1 =	sshrl.u32 s0, $0x1  }
0x64: {  	s0 =	ssub.s32 s0, s1  }
0x65: {  	s0 =	smax.u32 s0, $0x1  }
0x66: {  	p0 =	sne.s32 s0, $0x1  }
.Ltmp0:
0x67: {  	_ = 	snop;
	(pc) =	sbr.rel @!p0 .LBB2_2-.Ltmp0, $4  }
0x68: {  	[sflag:s17] =	ssyncset.done $0x0  }
0x69: {  	[sflag:s17] =	ssyncadd.s32 $0xFFFFC000;
	s1 =	rddreg [dreg:$0x9]  }
0x6a: {  	[hbm4b:s1+s3] =	stream.linear.scatter [tilespmem:s9], [sflag:$0x9], $0x4000, $0x38;
	[tilespmem:$0x10500] =	vst v63  }
0x6b: {  	s1 =	sadd.s32 $0xFFFFFFFF, s0;
	_ =	swait.ge [sflag:s5], $0x4000  }
.LBB2_1:
0x6c: {  	[sflag:s5] =	ssyncset.done $0x0  }
0x6d: {  	s0 =	rddreg [dreg:$0x3];
	[sflag:s5] =	ssyncadd.s32 $0xFFFFC000  }
0x6e: {  	[tilespmem:s3], [sflag:$0x9] =	stream.strided.gather [hbm4b:s0+s6], $0x500, s7, s6, $0x38;
	[tilespmem:$0x10500] =	vst v63  }
0x6f: {  	_ =	swait.ge [sflag:s5], $0x500  }
0x70: {  	[sflag:s5] =	ssyncset.done $0x0  }
0x71: {  	[sflag:s5] =	ssyncadd.s32 $0xFFFFFB00  }
0x72: {  	[tilespmem:s8], [sflag:$0x1] =	stream.indirect.gather [hbm4b:s2+s6], $0x80, s3, s6, $0xb8;
	[tilespmem:$0x10500] =	vst v63  }
0x73: {  	_ = 	snop  }
0x74: {  	[tilespmem:s9], [sflag:$0x2] =	stream.indirect.gather [hbm4b:s2+s6], $0x80, s6, s6, $0xb8;
	[tilespmem:$0x10500] =	vst v63  }
0x75: {  	_ = 	snop  }
0x76: {  	[tilespmem:s11], [sflag:$0x3] =	stream.indirect.gather [hbm4b:s2+s6], $0x80, s10, s6, $0xb8;
	[tilespmem:$0x10500] =	vst v63  }
0x77: {  	_ = 	snop  }
0x78: {  	[tilespmem:s13], [sflag:$0x4] =	stream.indirect.gather [hbm4b:s2+s6], $0x80, s12, s6, $0xb8;
	[tilespmem:$0x10500] =	vst v63  }
0x79: {  	_ =	swait.ge [sflag:s14], $0x4000  }
0x7a: {  	[sflag:s14] =	ssyncset.done $0x0  }
0x7b: {  	[sflag:s14] =	ssyncadd.s32 $0xFFFFC000  }
0x7c: {  	[hbm4b:s4+s3] =	stream.linear.scatter [tilespmem:s8], [sflag:$0x5], $0x4000, $0x38;
	[tilespmem:$0x10500] =	vst v63  }
0x7d: {  	_ =	swait.ge [sflag:s15], $0x4000  }
0x7e: {  	[sflag:s15] =	ssyncset.done $0x0  }
0x7f: {  	[sflag:s15] =	ssyncadd.s32 $0xFFFFC000  }
0x80: {  	[tilespmem:s8], [sflag:$0x1] =	stream.indirect.gather [hbm4b:s2+s6], $0x80, s16, s6, $0xb8;
	[tilespmem:$0x10500] =	vst v63  }
0x81: {  	_ =	swait.ge [sflag:s17], $0x4000  }
0x82: {  	[sflag:s17] =	ssyncset.done $0x0  }
0x83: {  	s0 =	rddreg [dreg:$0x6];
	[sflag:s17] =	ssyncadd.s32 $0xFFFFC000  }
0x84: {  	[hbm4b:s0+s3] =	stream.linear.scatter [tilespmem:s9], [sflag:$0x6], $0x4000, $0x38;
	[tilespmem:$0x10500] =	vst v63  }
0x85: {  	_ =	swait.ge [sflag:s18], $0x4000  }
0x86: {  	[sflag:s18] =	ssyncset.done $0x0  }
0x87: {  	[sflag:s18] =	ssyncadd.s32 $0xFFFFC000  }
0x88: {  	[tilespmem:s9], [sflag:$0x2] =	stream.indirect.gather [hbm4b:s2+s6], $0x80, s19, s6, $0xb8;
	[tilespmem:$0x10500] =	vst v63  }
0x89: {  	_ =	swait.ge [sflag:s20], $0x4000  }
0x8a: {  	[sflag:s20] =	ssyncset.done $0x0  }
0x8b: {  	s0 =	rddreg [dreg:$0x7];
	[sflag:s20] =	ssyncadd.s32 $0xFFFFC000  }
0x8c: {  	[hbm4b:s0+s3] =	stream.linear.scatter [tilespmem:s11], [sflag:$0x7], $0x4000, $0x38;
	[tilespmem:$0x10500] =	vst v63  }
0x8d: {  	_ =	swait.ge [sflag:s21], $0x4000  }
0x8e: {  	[sflag:s21] =	ssyncset.done $0x0  }
0x8f: {  	[sflag:s21] =	ssyncadd.s32 $0xFFFFC000  }
0x90: {  	[tilespmem:s11], [sflag:$0x3] =	stream.indirect.gather [hbm4b:s2+s6], $0x80, s22, s6, $0xb8;
	[tilespmem:$0x10500] =	vst v63  }
0x91: {  	_ =	swait.ge [sflag:s23], $0x4000  }
0x92: {  	[sflag:s23] =	ssyncset.done $0x0  }
0x93: {  	s0 =	rddreg [dreg:$0x8];
	[sflag:s23] =	ssyncadd.s32 $0xFFFFC000  }
0x94: {  	[hbm4b:s0+s3] =	stream.linear.scatter [tilespmem:s13], [sflag:$0x8], $0x4000, $0x38;
	[tilespmem:$0x10500] =	vst v63  }
0x95: {  	_ =	swait.ge [sflag:s24], $0x4000  }
0x96: {  	[sflag:s24] =	ssyncset.done $0x0  }
0x97: {  	[sflag:s24] =	ssyncadd.s32 $0xFFFFC000  }
0x98: {  	[tilespmem:s13], [sflag:$0x4] =	stream.indirect.gather [hbm4b:s2+s6], $0x80, s25, s6, $0xb8;
	[tilespmem:$0x10500] =	vst v63  }
0x99: {  	_ =	swait.ge [sflag:s14], $0x4000  }
0x9a: {  	[sflag:s14] =	ssyncset.done $0x0  }
0x9b: {  	[sflag:s14] =	ssyncadd.s32 $0xFFFFC000  }
0x9c: {  	[hbm4b:s26+s3] =	stream.linear.scatter [tilespmem:s8], [sflag:$0x5], $0x4000, $0x38;
	[tilespmem:$0x10500] =	vst v63  }
0x9d: {  	_ =	swait.ge [sflag:s15], $0x4000  }
0x9e: {  	[sflag:s15] =	ssyncset.done $0x0  }
0x9f: {  	[sflag:s15] =	ssyncadd.s32 $0xFFFFC000  }
0xa0: {  	[tilespmem:s8], [sflag:$0x1] =	stream.indirect.gather [hbm4b:s2+s6], $0x80, s7, s6, $0xb8;
	[tilespmem:$0x10500] =	vst v63  }
0xa1: {  	_ =	swait.ge [sflag:s17], $0x4000  }
0xa2: {  	[sflag:s17] =	ssyncset.done $0x0  }
0xa3: {  	[sflag:s17] =	ssyncadd.s32 $0xFFFFC000  }
0xa4: {  	[hbm4b:s28+s3] =	stream.linear.scatter [tilespmem:s9], [sflag:$0x6], $0x4000, $0x38;
	[tilespmem:$0x10500] =	vst v63  }
0xa5: {  	_ =	swait.ge [sflag:s18], $0x4000  }
0xa6: {  	[sflag:s18] =	ssyncset.done $0x0  }
0xa7: {  	[sflag:s18] =	ssyncadd.s32 $0xFFFFC000  }
0xa8: {  	[tilespmem:s9], [sflag:$0x2] =	stream.indirect.gather [hbm4b:s2+s6], $0x80, s29, s6, $0xb8;
	[tilespmem:$0x10500] =	vst v63  }
0xa9: {  	_ =	swait.ge [sflag:s20], $0x4000  }
0xaa: {  	[sflag:s20] =	ssyncset.done $0x0  }
0xab: {  	[sflag:s20] =	ssyncadd.s32 $0xFFFFC000  }
0xac: {  	[hbm4b:s30+s3] =	stream.linear.scatter [tilespmem:s11], [sflag:$0x7], $0x4000, $0x38;
	[tilespmem:$0x10500] =	vst v63  }
0xad: {  	_ =	swait.ge [sflag:s21], $0x4000  }
0xae: {  	[sflag:s21] =	ssyncset.done $0x0  }
0xaf: {  	[sflag:s21] =	ssyncadd.s32 $0xFFFFC000  }
0xb0: {  	_ =	swait.ge [sflag:s23], $0x4000  }
0xb1: {  	[sflag:s23] =	ssyncset.done $0x0  }
0xb2: {  	[sflag:s23] =	ssyncadd.s32 $0xFFFFC000  }
0xb3: {  	[hbm4b:s31+s3] =	stream.linear.scatter [tilespmem:s13], [sflag:$0x8], $0x4000, $0x38;
	[tilespmem:$0x10500] =	vst v63  }
0xb4: {  	_ =	swait.ge [sflag:s24], $0x4000  }
0xb5: {  	[sflag:s24] =	ssyncset.done $0x0  }
0xb6: {  	[sflag:s24] =	ssyncadd.s32 $0xFFFFC000  }
0xb7: {  	_ =	swait.ge [sflag:s14], $0x4000  }
0xb8: {  	[sflag:s14] =	ssyncset.done $0x0  }
0xb9: {  	s0 =	rddreg [dreg:$0x4];
	[sflag:s14] =	ssyncadd.s32 $0xFFFFC000  }
0xba: {  	[hbm4b:s0+s3] =	stream.linear.scatter [tilespmem:s8], [sflag:$0x9], $0x4000, $0x38;
	[tilespmem:$0x10500] =	vst v63  }
0xbb: {  	_ =	swait.ge [sflag:s5], $0x4000  }
0xbc: {  	[sflag:s5] =	ssyncset.done $0x0  }
0xbd: {  	p0 =	sne.s32 s1, $0x1;
	[sflag:s5] =	ssyncadd.s32 $0xFFFFC000  }
.Ltmp1:
0xbe: {  	_ =	swait.ge [sflag:s17], $0x4000;
	(pc) =	sbr.rel @p0 .LBB2_1-.Ltmp1, $4  }
0xbf: {  	[sflag:s17] =	ssyncset.done $0x0  }
0xc0: {  	s0 =	rddreg [dreg:$0x5];
	[sflag:s17] =	ssyncadd.s32 $0xFFFFC000  }
0xc1: {  	[hbm4b:s0+s3] =	stream.linear.scatter [tilespmem:s9], [sflag:$0x9], $0x4000, $0x38;
	[tilespmem:$0x10500] =	vst v63  }
0xc2: {  	s1 =	sadd.s32 $0xFFFFFFFF, s1;
	_ =	swait.ge [sflag:s5], $0x4000  }
.LBB2_2:
0xc3: {  	[sflag:s5] =	ssyncset.done $0x0  }
0xc4: {  	[sflag:s5] =	ssyncadd.s32 $0xFFFFC000  }
0xc5: {  	_ =	sfence.sel $0x180000  }
0xc6: {  	[bflag:$0x0] =	sbarrier.arrive $0xFFFF  }
0xc7: {  	_ =	strace $0x90000050  }
0xc8: {  	s0 =	stileid.u32;
	[bflag:$0x2] =	sbarrier.arrive $0xFFFF  }
0xc9: {  	p0 =	sne.s32 s0, $0x0;
	s0 =	rddreg [dreg:$0x2]  }
0xca: {  	s0 =	sadd.s32 @!p0 $0x100000, s0  }
0xcb: {  	[sflag:s0] =	ssyncadd.tile.s32 @!p0 $0x1;
	_ =	shalt  }
.Lfunc_end2:
_tile_overlayer_lowered:
.L_overlay_start_2:
0xcc: {  	(tag) =	ssettag $0x2  }
0xcd: {  	s0 =	rddreg [dreg:$0x0];
	s2 =	stileid.u32  }
0xce: {  	s1 =	rddreg [dreg:$0x1];
	p0 =	sne.s32 s2, $0x0  }
0xcf: {  	s3 =	rddreg [dreg:$0x2];
	[bflag:$0x3] =	sbarrier.arrive $0xFFFF;
	s2 =	simm.s32 @!p0 $0x1C09  }
0xd0: {  	[timem:s3], [sflag:s2] =	dma.local @!p0 [hbm:s0], s1  }
0xd1: {  	s0 =	simm.s32 @!p0 $0x9  }
0xd2: {  	_ =	swait.ge @!p0 [sflag:s0], s1  }
0xd3: {  	s1 =	ssub.s32 @!p0 $0x0, s1;
	[sflag:s0] =	ssyncset.done @!p0 $0x0  }
0xd4: {  	[sflag:s0] =	ssyncadd.s32 @!p0 s1  }
0xd5: {  	[bflag:$0x3] =	sbarrier.arrive $0xFFFF  }
0xd6: {  	_ =	shalt  }

// kernel: kernel.24.cloned.1.call-start
scs
__scs_entry_jumppad:
0x0: {  	(pc) =	sbr.rel $0x88, $3  }
0x1: {  	(tag) =	ssettag $0x0;
	lr =	simm.s32 $0x1  }
0x2: {  	[smem:$0x3F9B] =	sst lr;
	_ =	strace $0xD0000000  }
0x3: {  	_ = 	snop  }
0x4: {  	_ = 	snop  }
0x5: {  	_ = 	snop  }
0x6: {  	_ = 	snop  }
0x7: {  	_ = 	snop  }
__scs_overlays_trampoline_lowered:
0x8: {  	[smem:$0x3FAA] =	sst s0  }
0x9: {  	[smem:$0x3FAB] =	sst s1  }
0xa: {  	[smem:$0x3FAC] =	sst s2  }
0xb: {  	[smem:$0x3FAD] =	sst s3  }
0xc: {  	[smem:$0x3FAE] =	sst s4  }
0xd: {  	[smem:$0x3FAF] =	sst s5  }
0xe: {  	[smem:$0x3FB0] =	sst s6  }
0xf: {  	[smem:$0x3FB1] =	sst s7  }
0x10: {  	[smem:$0x3FB2] =	sst s8  }
0x11: {  	[smem:$0x3FB3] =	sst s9;
	s0 =	simm.s32 @!p0 $0x0  }
0x12: {  	s1 =	sld [smem:$0x3F99];
	s0 =	simm.s32 @p0 $0x1  }
0x13: {  	[smem:$0x3FB4] =	sst s0;
	s0 =	simm.s32 @!p1 $0x0  }
0x14: {  	s2 =	sld [smem:$0x3F98];
	s0 =	simm.s32 @p1 $0x1  }
0x15: {  	[smem:$0x3FB5] =	sst s0;
	s0 =	simm.s32 @!p2 $0x0  }
0x16: {  	s3 =	sld [smem:$0x3FDB];
	s0 =	simm.s32 @p2 $0x1  }
0x17: {  	s4 =	simm.s32 $0x1BF5;
	[smem:$0x3FB7] =	sst s0  }
0x18: {  	s0 =	sld [smem:$0x3F9A];
	_ =	swait.ge [sflag:s4], $0x0  }
0x19: {  	s7 =	sld [smem:$0x3F9B]  }
0x1a: {  	s8 =	sadd.s32 $0xFFFFE003, lr  }
0x1b: {  	s9 =	sadd.s32 $0xFFFFFEF7, lr;
	s5 =	simm.s32 $0xFFFFFFFF;
	p2 =	slt.u32 s8, $0xFFFFF086  }
0x1c: {  	p1 =	slt.u32 s9, $0xF7A;
	s5 =	simm.s32 @!p2 $0x0  }
0x1d: {  	s5 =	simm.s32 @p1 $0x1;
	p0 =	seq.s32 s7, s2  }
0x1e: {  	s7 =	smul.u32 @!p0 $0xF7A, s2;
	p2 =	seq.s32 @!p0 s5, $0x0  }
0x1f: {  	s9 =	smul.u32 $0xF7A, s1;
	s8 =	simm.s32 @!p0 $0x1BF5;
	p2 =	por !p2, p0  }
0x20: {  	[sflag:s8] =	ssyncset.s32 @!p0 $0xFFFFF086;
	s6 =	sadd.s32 @!p0 s3, s7;
	s7 =	simm.s32 @!p0 $0x108  }
0x21: {  	s3 =	sadd.s32 s3, s9;
	s6 =	sadd.s32 @!p0 $0x88, s6;
	s7 =	simm.s32 @p2 $0x1082  }
0x22: {  	[simem:s7], [sflag:s8] =	dma.local @!p0 [hbm:s6], $0xF7A  }
0x23: {  	s9 =	sor.u32 $0xD0000000, s2;
	s6 =	simm.s32 $0x108;
	_ =	swait.ge @!p0 [sflag:s8], $0x0  }
0x24: {  	s3 =	sadd.s32 $0x88, s3;
	s6 =	simm.s32 @!p1 $0x1082;
	[sflag:s4] =	ssyncset.s32 $0xFFFFF086  }
0x25: {  	[simem:s6], [sflag:s4] =	dma.local [hbm:s3], $0xF7A  }
0x26: {  	[smem:$0x3F9B] =	sst s1;
	(tag) =	ssettag s2;
	_ =	strace s9  }
0x27: {  	s1 =	sld [smem:$0x3FAB]  }
0x28: {  	s2 =	sld [smem:$0x3FAC]  }
0x29: {  	s4 =	sld [smem:$0x3FAE]  }
0x2a: {  	p0 =	seq.s32 s5, $0x0;
	s5 =	sld [smem:$0x3FAF]  }
0x2b: {  	s6 =	sld [smem:$0x3FB0]  }
0x2c: {  	s7 =	sld [smem:$0x3FB1]  }
0x2d: {  	s3 =	simm.s32 $0x108;
	s8 =	sld [smem:$0x3FB2]  }
0x2e: {  	s3 =	simm.s32 @!p0 $0x1082;
	s9 =	sld [smem:$0x3FB3]  }
0x2f: {  	lr =	sadd.s32 s0, s3;
	s0 =	sld [smem:$0x3FAA]  }
0x30: {  	s3 =	sld [smem:$0x3FAD]  }
0x31: {  	[smem:$0x3FB6] =	sst s10  }
0x32: {  	s10 =	sld [smem:$0x3FB4];
	_ =	sdelay $0x3  }
0x33: {  	p0 =	seq.s32 s10, $0x1;
	s10 =	sld [smem:$0x3FB6];
	_ =	sdelay $0x3  }
0x34: {  	[smem:$0x3FB6] =	sst s10  }
0x35: {  	s10 =	sld [smem:$0x3FB5];
	_ =	sdelay $0x3  }
0x36: {  	p1 =	seq.s32 s10, $0x1;
	s10 =	sld [smem:$0x3FB6];
	_ =	sdelay $0x3  }
0x37: {  	[smem:$0x3FB6] =	sst s10  }
0x38: {  	s10 =	sld [smem:$0x3FB7]  }
0x39: {  	_ = 	snop;
	(pc) =	sbr.ind lr, $3  }
0x3a: {  	_ = 	snop  }
0x3b: {  	_ = 	snop  }
0x3c: {  	p2 =	seq.s32 s10, $0x1;
	s10 =	sld [smem:$0x3FB6]  }
0x3d: {  	_ =	shalt  }
0x3e: {  	_ =	shalt  }
0x3f: {  	_ =	shalt  }
0x40: {  	_ =	shalt  }
0x41: {  	_ =	shalt  }
0x42: {  	_ =	shalt  }
0x43: {  	_ =	shalt  }
0x44: {  	_ =	shalt  }
0x45: {  	_ =	shalt  }
0x46: {  	_ =	shalt  }
0x47: {  	_ =	shalt  }
0x48: {  	_ =	shalt  }
0x49: {  	_ =	shalt  }
0x4a: {  	_ =	shalt  }
0x4b: {  	_ =	shalt  }
0x4c: {  	_ =	shalt  }
0x4d: {  	_ =	shalt  }
0x4e: {  	_ =	shalt  }
0x4f: {  	_ =	shalt  }
0x50: {  	_ =	shalt  }
0x51: {  	_ =	shalt  }
0x52: {  	_ =	shalt  }
0x53: {  	_ =	shalt  }
0x54: {  	_ =	shalt  }
0x55: {  	_ =	shalt  }
0x56: {  	_ =	shalt  }
0x57: {  	_ =	shalt  }
0x58: {  	_ =	shalt  }
0x59: {  	_ =	shalt  }
0x5a: {  	_ =	shalt  }
0x5b: {  	_ =	shalt  }
0x5c: {  	_ =	shalt  }
0x5d: {  	_ =	shalt  }
0x5e: {  	_ =	shalt  }
0x5f: {  	_ =	shalt  }
0x60: {  	_ =	shalt  }
0x61: {  	_ =	shalt  }
0x62: {  	_ =	shalt  }
0x63: {  	_ =	shalt  }
0x64: {  	_ =	shalt  }
0x65: {  	_ =	shalt  }
0x66: {  	_ =	shalt  }
0x67: {  	_ =	shalt  }
0x68: {  	_ =	shalt  }
0x69: {  	_ =	shalt  }
0x6a: {  	_ =	shalt  }
0x6b: {  	_ =	shalt  }
0x6c: {  	_ =	shalt  }
0x6d: {  	_ =	shalt  }
0x6e: {  	_ =	shalt  }
0x6f: {  	_ =	shalt  }
0x70: {  	_ =	shalt  }
0x71: {  	_ =	shalt  }
0x72: {  	_ =	shalt  }
0x73: {  	_ =	shalt  }
0x74: {  	_ =	shalt  }
0x75: {  	_ =	shalt  }
0x76: {  	_ =	shalt  }
0x77: {  	_ =	shalt  }
0x78: {  	_ =	shalt  }
0x79: {  	_ =	shalt  }
0x7a: {  	_ =	shalt  }
0x7b: {  	_ =	shalt  }
0x7c: {  	_ =	shalt  }
0x7d: {  	_ =	shalt  }
0x7e: {  	_ =	shalt  }
0x7f: {  	_ =	shalt  }
0x80: {  	_ =	shalt  }
0x81: {  	_ =	shalt  }
0x82: {  	_ =	shalt  }
0x83: {  	_ =	shalt  }
0x84: {  	_ =	shalt  }
0x85: {  	_ =	shalt  }
0x86: {  	_ =	shalt  }
0x87: {  	_ =	shalt  }
.Lfunc_end0:
.L_simem_size_0:
called_computation.4_lowered:
.L_overlay_start_0:
0x88: {  	s2 =	sld [smem:$0x3FD9]  }
0x89: {  	s3 =	sld [smem:$0x3FFE];
	_ =	sdelay $0x1  }
0x8a: {  	s1 =	srdreg.scid  }
0x8b: {  	s0 =	sand.u32 $0x1, s1  }
0x8c: {  	s17 =	sshll.u32 s0, $0xA;
	s2 =	sadd.s32 s3, s2  }
0x8d: {  	s2 =	sadd.s32 s2, s17  }
0x8e: {  	[smem:$0x3FC2] =	sst s2  }
0x8f: {  	_ = 	snop  }
0x90: {  	s18 =	sld [smem:$0x3FC8];
	(tm) =	ssettm $0x1  }
0x91: {  	s19 =	sld [smem:$0x3FFB];
	_ =	sdelay $0x3  }
0x92: {  	_ =	strace s19  }
0x93: {  	s2 =	sld [smem:$0x3FFC];
	_ =	sdelay $0x3  }
0x94: {  	_ =	strace s2  }
0x95: {  	s2 =	sld [smem:$0x3FFD];
	_ =	sdelay $0x3  }
0x96: {  	_ =	strace s2  }
0x97: {  	_ =	strace $0x8FFFFFFF  }
0x98: {  	s20 =	sld [smem:$0x3FDB];
	_ =	sdelay $0x1  }
0x99: {  	s4 =	simm.s32 $_scs_section_size  }
0x9a: {  	s5 =	simm.s32 $_size__tile_overlayer_lowered;
	s6 =	simm.s32 $_tile_overlayer_lowered  }
0x9b: {  	s7 =	simm.s32 $0x1BFF;
	s21 =	sshll.u32 s6, $0x1;
	s4 =	sadd.s32 s4, s20  }
0x9c: {  	s22 =	simm.s32 $0x0;
	s5 =	sshll.u32 s5, $0x1;
	s6 =	sadd.s32 s21, s4  }
0x9d: {  	[timem:s22], [sflag:s7] =	dma.local [hbm:s6], s5  }
0x9e: {  	_ =	swait.ge [sflag:s7], s5  }
0x9f: {  	s5 =	ssub.s32 $0x0, s5;
	[sflag:s7] =	ssyncset.done $0x0  }
0xa0: {  	[sflag:s7] =	ssyncadd.s32 s5;
	_ =	sdelay $0x1  }
0xa1: {  	s23 =	simm.s32 $0x1B8B  }
0xa2: {  	_ =	swait.ge [sflag:s23], $0x1  }
0xa3: {  	[sflag:s23] =	ssyncset.done $0x0  }
0xa4: {  	[sflag:s23] =	ssyncadd.s32 $0xFFFFFFFF  }
0xa5: {  	s5 =	sld [smem:$0x0]  }
0xa6: {  	s6 =	sand.u32 $0xFFFFFFFE, s1  }
0xa7: {  	p0 =	sne.s32 s1, s6  }
0xa8: {  	s6 =	sshll.u32 @p0 s6, $0xE  }
0xa9: {  	s6 =	sadd.s32 @p0 $0x11B8D, s6;
	s7 =	sshll.u32 @p0 s5, $0x11  }
0xaa: {  	s6 =	sor.u32 @p0 s7, s6  }
0xab: {  	[sflag:s6] =	ssyncadd.remote.s32 @p0 $0x1;
	_ =	sdelay $0x1  }
0xac: {  	s6 =	simm.s32 @p0 $0x1B8D  }
0xad: {  	_ =	swait.eq @p0 [sflag:s6], $0x1  }
0xae: {  	[sflag:s6] =	ssyncadd.s32 @p0 $0xFFFFFFFF  }
0xaf: {  	s7 =	sshll.u32 @!p0 s1, $0xE  }
0xb0: {  	s7 =	sor.u32 @!p0 $0x4000, s7;
	s6 =	simm.s32 @!p0 $0x1B8D  }
0xb1: {  	s5 =	sshll.u32 @!p0 s5, $0x11;
	s7 =	sadd.s32 @!p0 $0x11B8D, s7;
	_ =	swait.eq @!p0 [sflag:s6], $0x1  }
0xb2: {  	s5 =	sor.u32 @!p0 s5, s7;
	[sflag:s6] =	ssyncadd.s32 @!p0 $0xFFFFFFFF  }
0xb3: {  	s25 =	simm.s32 $0x1B8E;
	s24 =	sld [smem:$0x3FFE];
	[sflag:s5] =	ssyncadd.remote.s32 @!p0 $0x1  }
0xb4: {  	s26 =	simm.s32 $execute0_lowered;
	[smem:$0x3FD2] =	sst s25  }
0xb5: {  	s6 =	sshll.u32 s26, $0x1;
	_ =	strace $0x80000052;
	[dreg:$0x1] =	wrdreg $0xFFFFFFFF  }
0xb6: {  	s28 =	simm.s32 $_size_execute0_lowered;
	s4 =	sadd.s32 s4, s6;
	[dreg:$0x0] =	wrdreg $0x0  }
0xb7: {  	s6 =	sshll.u32 s28, $0x1;
	[dreg:$0x2] =	wrdreg s4  }
0xb8: {  	[dreg:$0x3] =	wrdreg s6  }
0xb9: {  	[dreg:$0x4] =	wrdreg $0xC0  }
0xba: {  	_ =	task [dreg:s22], $0x5FFFF  }
0xbb: {  	[dreg:$0x1] =	wrdreg $0xFFFFFFFF  }
0xbc: {  	[dreg:$0x0] =	wrdreg $0x60  }
0xbd: {  	[dreg:$0x2] =	wrdreg s18  }
0xbe: {  	[dreg:$0x3] =	wrdreg s24  }
0xbf: {  	[dreg:$0x4] =	wrdreg $0xD  }
0xc0: {  	_ =	task.clear_ibuf [dreg:s22], $0x5FFFF;
	_ =	strace $0x90000052  }
0xc1: {  	s29 =	simm.s32 $0xD;
	_ =	strace $0x80000054  }
0xc2: {  	_ =	swait.ge [sflag:s29], $0x1  }
0xc3: {  	[sflag:s29] =	ssyncadd.s32 $0xFFFFFFFF  }
0xc4: {  	_ =	strace $0x90000054  }
0xc5: {  	_ =	sfence  }
0xc6: {  	s30 =	sld [smem:$0x0];
	_ =	sdelay $0x2  }
0xc7: {  	s31 =	sshll.u32 s1, $0xD;
	s1 =	sshrl.u32 s1, $0x2  }
0xc8: {  	s4 =	sand.u32 $0x4000, s31;
	s1 =	sadd.s32 s1, s30  }
0xc9: {  	s0 =	sor.u32 s4, s0;
	s1 =	sshll.u32 s1, $0x11  }
0xca: {  	s0 =	sor.u32 s1, s0  }
0xcb: {  	s0 =	sadd.s32 $0x8F2B, s0  }
0xcc: {  	[sflag:s0] =	ssyncadd.remote.s32 $0x1  }
0xcd: {  	_ =	sfence.sel $0xFFFF  }
0xce: {  	[dreg:$0x0] =	wrdreg $0xFFFFFFFF;
	(pc) =	sbr.abs _section_cstart, $3  }
0xcf: {  	[dreg:$0x1] =	wrdreg $0xFFFFFFFF  }
0xd0: {  	_ =	task.clear_ibuf [dreg:s22], $0x2FFFF;
	_ =	strace $0x9FFFFFFF  }
0xd1: {  	(tm) =	ssettm $0x7FFFFFFF  }
tec
execute0_lowered:
.L_overlay_start_1:
0x0: {  	(tag) =	ssettag $0x1  }
0x1: {  	s1 =	srdreg.scid;
	s0 =	stileid.u32  }
0x2: {  	s1 =	sand.u32 $0x1, s1;
	s3 =	sshll.u32 s0, $0x1  }
0x3: {  	s2 =	rddreg [dreg:$0x0];
	s5 =	sor.u32 s1, s3  }
0x4: {  	s4 =	rddreg [dreg:$0x1];
	s19 =	sshrl.u32 s0, $0x2;
	s20 =	smul.u32 $0x28000, s5  }
0x5: {  	s3 =	simm.s32 $0x0;
	s7 =	sshll.u32 s5, $0x7;
	s5 =	smul.u32 $0x5000, s5  }
0x6: {  	s8 =	sadd.s32 $0x1E9400, s4;
	s6 =	smul.u32 $0x2800, s19;
	[smem:$0x7FF] =	sst s3  }
0x7: {  	s7 =	sand.u32 $0x380, s7;
	_ =	strace $0x80000053;
	s31 =	sadd.s32 s8, s5  }
0x8: {  	s6 =	sor.u32 s6, s7;
	s21 =	sshrl.u32 s20, $0x3;
	s5 =	sadd.s32 $0x800, s31  }
0x9: {  	s6 =	sshrl.u32 s6, $0x3;
	s24 =	sadd.s32 $0x1000, s31;
	[dreg:$0x6] =	wrdreg s5  }
0xa: {  	s25 =	sadd.s32 $0x1800, s31;
	s6 =	sadd.s32 s6, s4;
	[dreg:$0x7] =	wrdreg s24  }
0xb: {  	s4 =	sadd.s32 s8, s21;
	[dreg:$0x8] =	wrdreg s25;
	s6 =	sadd.s32 $0x6C00, s6  }
0xc: {  	s22 =	sadd.s32 $0x4000, s4;
	[dreg:$0x3] =	wrdreg s6  }
0xd: {  	s23 =	sadd.s32 $0x4800, s4;
	[dreg:$0x4] =	wrdreg s22  }
0xe: {  	s7 =	simm.s32 $0x400;
	[dreg:$0x5] =	wrdreg s23  }
0xf: {  	s5 =	simm.s32 $0x9;
	s6 =	simm.s32 $0x80;
	s26 =	rddreg [dreg:$0x3]  }
0x10: {  	[tilespmem:s3], [sflag:$0x9] =	stream.strided.gather [hbm4b:s26+s6], $0x500, s7, s6, $0x38;
	[tilespmem:$0x10500] =	vst v63  }
0x11: {  	_ =	swait.ge [sflag:s5], $0x500  }
0x12: {  	[sflag:s5] =	ssyncset.done $0x0  }
0x13: {  	s8 =	simm.s32 $0x500;
	[sflag:s5] =	ssyncadd.s32 $0xFFFFFB00  }
0x14: {  	[tilespmem:s8], [sflag:$0x1] =	stream.indirect.gather [hbm4b:s2+s6], $0x80, s3, s6, $0xb8;
	[tilespmem:$0x10500] =	vst v63  }
0x15: {  	s9 =	simm.s32 $0x4500  }
0x16: {  	[tilespmem:s9], [sflag:$0x2] =	stream.indirect.gather [hbm4b:s2+s6], $0x80, s6, s6, $0xb8;
	[tilespmem:$0x10500] =	vst v63  }
0x17: {  	s10 =	simm.s32 $0x100;
	s11 =	simm.s32 $0x8500  }
0x18: {  	[tilespmem:s11], [sflag:$0x3] =	stream.indirect.gather [hbm4b:s2+s6], $0x80, s10, s6, $0xb8;
	[tilespmem:$0x10500] =	vst v63  }
0x19: {  	s12 =	simm.s32 $0x180;
	s13 =	simm.s32 $0xC500;
	s14 =	simm.s32 $0x1  }
0x1a: {  	[tilespmem:s13], [sflag:$0x4] =	stream.indirect.gather [hbm4b:s2+s6], $0x80, s12, s6, $0xb8;
	[tilespmem:$0x10500] =	vst v63  }
0x1b: {  	_ =	swait.ge [sflag:s14], $0x4000  }
0x1c: {  	[sflag:s14] =	ssyncset.done $0x0  }
0x1d: {  	s15 =	simm.s32 $0x5;
	[sflag:s14] =	ssyncadd.s32 $0xFFFFC000  }
0x1e: {  	[hbm4b:s4+s3] =	stream.linear.scatter [tilespmem:s8], [sflag:$0x5], $0x4000, $0x38;
	[tilespmem:$0x10500] =	vst v63  }
0x1f: {  	_ =	swait.ge [sflag:s15], $0x4000  }
0x20: {  	[sflag:s15] =	ssyncset.done $0x0  }
0x21: {  	s16 =	simm.s32 $0x200;
	s17 =	simm.s32 $0x2;
	[sflag:s15] =	ssyncadd.s32 $0xFFFFC000  }
0x22: {  	[tilespmem:s8], [sflag:$0x1] =	stream.indirect.gather [hbm4b:s2+s6], $0x80, s16, s6, $0xb8;
	[tilespmem:$0x10500] =	vst v63  }
0x23: {  	_ =	swait.ge [sflag:s17], $0x4000  }
0x24: {  	[sflag:s17] =	ssyncset.done $0x0  }
0x25: {  	s18 =	simm.s32 $0x6;
	s19 =	rddreg [dreg:$0x6];
	[sflag:s17] =	ssyncadd.s32 $0xFFFFC000  }
0x26: {  	[hbm4b:s19+s3] =	stream.linear.scatter [tilespmem:s9], [sflag:$0x6], $0x4000, $0x38;
	[tilespmem:$0x10500] =	vst v63  }
0x27: {  	_ =	swait.ge [sflag:s18], $0x4000  }
0x28: {  	[sflag:s18] =	ssyncset.done $0x0  }
0x29: {  	s20 =	simm.s32 $0x3;
	s19 =	simm.s32 $0x280;
	[sflag:s18] =	ssyncadd.s32 $0xFFFFC000  }
0x2a: {  	[tilespmem:s9], [sflag:$0x2] =	stream.indirect.gather [hbm4b:s2+s6], $0x80, s19, s6, $0xb8;
	[tilespmem:$0x10500] =	vst v63  }
0x2b: {  	_ =	swait.ge [sflag:s20], $0x4000  }
0x2c: {  	[sflag:s20] =	ssyncset.done $0x0  }
0x2d: {  	s21 =	simm.s32 $0x7;
	s22 =	rddreg [dreg:$0x7];
	[sflag:s20] =	ssyncadd.s32 $0xFFFFC000  }
0x2e: {  	[hbm4b:s22+s3] =	stream.linear.scatter [tilespmem:s11], [sflag:$0x7], $0x4000, $0x38;
	[tilespmem:$0x10500] =	vst v63  }
0x2f: {  	_ =	swait.ge [sflag:s21], $0x4000  }
0x30: {  	[sflag:s21] =	ssyncset.done $0x0  }
0x31: {  	s23 =	simm.s32 $0x4;
	s22 =	simm.s32 $0x300;
	[sflag:s21] =	ssyncadd.s32 $0xFFFFC000  }
0x32: {  	[tilespmem:s11], [sflag:$0x3] =	stream.indirect.gather [hbm4b:s2+s6], $0x80, s22, s6, $0xb8;
	[tilespmem:$0x10500] =	vst v63  }
0x33: {  	_ =	swait.ge [sflag:s23], $0x4000  }
0x34: {  	[sflag:s23] =	ssyncset.done $0x0  }
0x35: {  	s24 =	rddreg [dreg:$0x8];
	[sflag:s23] =	ssyncadd.s32 $0xFFFFC000  }
0x36: {  	[hbm4b:s24+s3] =	stream.linear.scatter [tilespmem:s13], [sflag:$0x8], $0x4000, $0x38;
	[tilespmem:$0x10500] =	vst v63  }
0x37: {  	s24 =	simm.s32 $0x8  }
0x38: {  	_ =	swait.ge [sflag:s24], $0x4000  }
0x39: {  	[sflag:s24] =	ssyncset.done $0x0  }
0x3a: {  	s25 =	simm.s32 $0x380;
	[sflag:s24] =	ssyncadd.s32 $0xFFFFC000  }
0x3b: {  	[tilespmem:s13], [sflag:$0x4] =	stream.indirect.gather [hbm4b:s2+s6], $0x80, s25, s6, $0xb8;
	[tilespmem:$0x10500] =	vst v63  }
0x3c: {  	_ =	swait.ge [sflag:s14], $0x4000  }
0x3d: {  	[sflag:s14] =	ssyncset.done $0x0  }
0x3e: {  	s26 =	sadd.s32 $0x2000, s4;
	[sflag:s14] =	ssyncadd.s32 $0xFFFFC000  }
0x3f: {  	[hbm4b:s26+s3] =	stream.linear.scatter [tilespmem:s8], [sflag:$0x5], $0x4000, $0x38;
	[tilespmem:$0x10500] =	vst v63  }
0x40: {  	_ =	swait.ge [sflag:s15], $0x4000  }
0x41: {  	[sflag:s15] =	ssyncset.done $0x0  }
0x42: {  	[sflag:s15] =	ssyncadd.s32 $0xFFFFC000  }
0x43: {  	[tilespmem:s8], [sflag:$0x1] =	stream.indirect.gather [hbm4b:s2+s6], $0x80, s7, s6, $0xb8;
	[tilespmem:$0x10500] =	vst v63  }
0x44: {  	_ =	swait.ge [sflag:s17], $0x4000  }
0x45: {  	[sflag:s17] =	ssyncset.done $0x0  }
0x46: {  	s28 =	sadd.s32 $0x2800, s31;
	[sflag:s17] =	ssyncadd.s32 $0xFFFFC000  }
0x47: {  	[hbm4b:s28+s3] =	stream.linear.scatter [tilespmem:s9], [sflag:$0x6], $0x4000, $0x38;
	[tilespmem:$0x10500] =	vst v63  }
0x48: {  	_ =	swait.ge [sflag:s18], $0x4000  }
0x49: {  	[sflag:s18] =	ssyncset.done $0x0  }
0x4a: {  	s29 =	simm.s32 $0x480;
	[sflag:s18] =	ssyncadd.s32 $0xFFFFC000  }
0x4b: {  	[tilespmem:s9], [sflag:$0x2] =	stream.indirect.gather [hbm4b:s2+s6], $0x80, s29, s6, $0xb8;
	[tilespmem:$0x10500] =	vst v63  }
0x4c: {  	_ =	swait.ge [sflag:s20], $0x4000  }
0x4d: {  	[sflag:s20] =	ssyncset.done $0x0  }
0x4e: {  	s30 =	sadd.s32 $0x3000, s31;
	[sflag:s20] =	ssyncadd.s32 $0xFFFFC000  }
0x4f: {  	[hbm4b:s30+s3] =	stream.linear.scatter [tilespmem:s11], [sflag:$0x7], $0x4000, $0x38;
	[tilespmem:$0x10500] =	vst v63  }
0x50: {  	_ =	swait.ge [sflag:s21], $0x4000  }
0x51: {  	[sflag:s21] =	ssyncset.done $0x0  }
0x52: {  	[sflag:s21] =	ssyncadd.s32 $0xFFFFC000  }
0x53: {  	_ =	swait.ge [sflag:s23], $0x4000  }
0x54: {  	[sflag:s23] =	ssyncset.done $0x0  }
0x55: {  	s31 =	sadd.s32 $0x3800, s31;
	[sflag:s23] =	ssyncadd.s32 $0xFFFFC000  }
0x56: {  	[hbm4b:s31+s3] =	stream.linear.scatter [tilespmem:s13], [sflag:$0x8], $0x4000, $0x38;
	[tilespmem:$0x10500] =	vst v63  }
0x57: {  	_ =	swait.ge [sflag:s24], $0x4000  }
0x58: {  	[sflag:s24] =	ssyncset.done $0x0  }
0x59: {  	[sflag:s24] =	ssyncadd.s32 $0xFFFFC000  }
0x5a: {  	_ =	swait.ge [sflag:s14], $0x4000  }
0x5b: {  	[sflag:s14] =	ssyncset.done $0x0  }
0x5c: {  	s0 =	rddreg [dreg:$0x4];
	[sflag:s14] =	ssyncadd.s32 $0xFFFFC000  }
0x5d: {  	[hbm4b:s0+s3] =	stream.linear.scatter [tilespmem:s8], [sflag:$0x9], $0x4000, $0x38;
	[tilespmem:$0x10500] =	vst v63  }
0x5e: {  	_ =	swait.ge [sflag:s5], $0x4000  }
0x5f: {  	[sflag:s5] =	ssyncset.done $0x0  }
0x60: {  	[sflag:s5] =	ssyncadd.s32 $0xFFFFC000  }
0x61: {  	_ =	swait.ge [sflag:s17], $0x4000  }
0x62: {  	s0 =	ssub.s32 $0x2, s1;
	s1 =	rddreg [dreg:$0x5]  }
0x63: {  	[dreg:$0x9] =	wrdreg s1;
	s1 =	sshrl.u32 s0, $0x1  }
0x64: {  	s0 =	ssub.s32 s0, s1  }
0x65: {  	s0 =	smax.u32 s0, $0x1  }
0x66: {  	p0 =	sne.s32 s0, $0x1  }
.Ltmp0:
0x67: {  	_ = 	snop;
	(pc) =	sbr.rel @!p0 .LBB2_2-.Ltmp0, $4  }
0x68: {  	[sflag:s17] =	ssyncset.done $0x0  }
0x69: {  	[sflag:s17] =	ssyncadd.s32 $0xFFFFC000;
	s1 =	rddreg [dreg:$0x9]  }
0x6a: {  	[hbm4b:s1+s3] =	stream.linear.scatter [tilespmem:s9], [sflag:$0x9], $0x4000, $0x38;
	[tilespmem:$0x10500] =	vst v63  }
0x6b: {  	s1 =	sadd.s32 $0xFFFFFFFF, s0;
	_ =	swait.ge [sflag:s5], $0x4000  }
.LBB2_1:
0x6c: {  	[sflag:s5] =	ssyncset.done $0x0  }
0x6d: {  	s0 =	rddreg [dreg:$0x3];
	[sflag:s5] =	ssyncadd.s32 $0xFFFFC000  }
0x6e: {  	[tilespmem:s3], [sflag:$0x9] =	stream.strided.gather [hbm4b:s0+s6], $0x500, s7, s6, $0x38;
	[tilespmem:$0x10500] =	vst v63  }
0x6f: {  	_ =	swait.ge [sflag:s5], $0x500  }
0x70: {  	[sflag:s5] =	ssyncset.done $0x0  }
0x71: {  	[sflag:s5] =	ssyncadd.s32 $0xFFFFFB00  }
0x72: {  	[tilespmem:s8], [sflag:$0x1] =	stream.indirect.gather [hbm4b:s2+s6], $0x80, s3, s6, $0xb8;
	[tilespmem:$0x10500] =	vst v63  }
0x73: {  	_ = 	snop  }
0x74: {  	[tilespmem:s9], [sflag:$0x2] =	stream.indirect.gather [hbm4b:s2+s6], $0x80, s6, s6, $0xb8;
	[tilespmem:$0x10500] =	vst v63  }
0x75: {  	_ = 	snop  }
0x76: {  	[tilespmem:s11], [sflag:$0x3] =	stream.indirect.gather [hbm4b:s2+s6], $0x80, s10, s6, $0xb8;
	[tilespmem:$0x10500] =	vst v63  }
0x77: {  	_ = 	snop  }
0x78: {  	[tilespmem:s13], [sflag:$0x4] =	stream.indirect.gather [hbm4b:s2+s6], $0x80, s12, s6, $0xb8;
	[tilespmem:$0x10500] =	vst v63  }
0x79: {  	_ =	swait.ge [sflag:s14], $0x4000  }
0x7a: {  	[sflag:s14] =	ssyncset.done $0x0  }
0x7b: {  	[sflag:s14] =	ssyncadd.s32 $0xFFFFC000  }
0x7c: {  	[hbm4b:s4+s3] =	stream.linear.scatter [tilespmem:s8], [sflag:$0x5], $0x4000, $0x38;
	[tilespmem:$0x10500] =	vst v63  }
0x7d: {  	_ =	swait.ge [sflag:s15], $0x4000  }
0x7e: {  	[sflag:s15] =	ssyncset.done $0x0  }
0x7f: {  	[sflag:s15] =	ssyncadd.s32 $0xFFFFC000  }
0x80: {  	[tilespmem:s8], [sflag:$0x1] =	stream.indirect.gather [hbm4b:s2+s6], $0x80, s16, s6, $0xb8;
	[tilespmem:$0x10500] =	vst v63  }
0x81: {  	_ =	swait.ge [sflag:s17], $0x4000  }
0x82: {  	[sflag:s17] =	ssyncset.done $0x0  }
0x83: {  	s0 =	rddreg [dreg:$0x6];
	[sflag:s17] =	ssyncadd.s32 $0xFFFFC000  }
0x84: {  	[hbm4b:s0+s3] =	stream.linear.scatter [tilespmem:s9], [sflag:$0x6], $0x4000, $0x38;
	[tilespmem:$0x10500] =	vst v63  }
0x85: {  	_ =	swait.ge [sflag:s18], $0x4000  }
0x86: {  	[sflag:s18] =	ssyncset.done $0x0  }
0x87: {  	[sflag:s18] =	ssyncadd.s32 $0xFFFFC000  }
0x88: {  	[tilespmem:s9], [sflag:$0x2] =	stream.indirect.gather [hbm4b:s2+s6], $0x80, s19, s6, $0xb8;
	[tilespmem:$0x10500] =	vst v63  }
0x89: {  	_ =	swait.ge [sflag:s20], $0x4000  }
0x8a: {  	[sflag:s20] =	ssyncset.done $0x0  }
0x8b: {  	s0 =	rddreg [dreg:$0x7];
	[sflag:s20] =	ssyncadd.s32 $0xFFFFC000  }
0x8c: {  	[hbm4b:s0+s3] =	stream.linear.scatter [tilespmem:s11], [sflag:$0x7], $0x4000, $0x38;
	[tilespmem:$0x10500] =	vst v63  }
0x8d: {  	_ =	swait.ge [sflag:s21], $0x4000  }
0x8e: {  	[sflag:s21] =	ssyncset.done $0x0  }
0x8f: {  	[sflag:s21] =	ssyncadd.s32 $0xFFFFC000  }
0x90: {  	[tilespmem:s11], [sflag:$0x3] =	stream.indirect.gather [hbm4b:s2+s6], $0x80, s22, s6, $0xb8;
	[tilespmem:$0x10500] =	vst v63  }
0x91: {  	_ =	swait.ge [sflag:s23], $0x4000  }
0x92: {  	[sflag:s23] =	ssyncset.done $0x0  }
0x93: {  	s0 =	rddreg [dreg:$0x8];
	[sflag:s23] =	ssyncadd.s32 $0xFFFFC000  }
0x94: {  	[hbm4b:s0+s3] =	stream.linear.scatter [tilespmem:s13], [sflag:$0x8], $0x4000, $0x38;
	[tilespmem:$0x10500] =	vst v63  }
0x95: {  	_ =	swait.ge [sflag:s24], $0x4000  }
0x96: {  	[sflag:s24] =	ssyncset.done $0x0  }
0x97: {  	[sflag:s24] =	ssyncadd.s32 $0xFFFFC000  }
0x98: {  	[tilespmem:s13], [sflag:$0x4] =	stream.indirect.gather [hbm4b:s2+s6], $0x80, s25, s6, $0xb8;
	[tilespmem:$0x10500] =	vst v63  }
0x99: {  	_ =	swait.ge [sflag:s14], $0x4000  }
0x9a: {  	[sflag:s14] =	ssyncset.done $0x0  }
0x9b: {  	[sflag:s14] =	ssyncadd.s32 $0xFFFFC000  }
0x9c: {  	[hbm4b:s26+s3] =	stream.linear.scatter [tilespmem:s8], [sflag:$0x5], $0x4000, $0x38;
	[tilespmem:$0x10500] =	vst v63  }
0x9d: {  	_ =	swait.ge [sflag:s15], $0x4000  }
0x9e: {  	[sflag:s15] =	ssyncset.done $0x0  }
0x9f: {  	[sflag:s15] =	ssyncadd.s32 $0xFFFFC000  }
0xa0: {  	[tilespmem:s8], [sflag:$0x1] =	stream.indirect.gather [hbm4b:s2+s6], $0x80, s7, s6, $0xb8;
	[tilespmem:$0x10500] =	vst v63  }
0xa1: {  	_ =	swait.ge [sflag:s17], $0x4000  }
0xa2: {  	[sflag:s17] =	ssyncset.done $0x0  }
0xa3: {  	[sflag:s17] =	ssyncadd.s32 $0xFFFFC000  }
0xa4: {  	[hbm4b:s28+s3] =	stream.linear.scatter [tilespmem:s9], [sflag:$0x6], $0x4000, $0x38;
	[tilespmem:$0x10500] =	vst v63  }
0xa5: {  	_ =	swait.ge [sflag:s18], $0x4000  }
0xa6: {  	[sflag:s18] =	ssyncset.done $0x0  }
0xa7: {  	[sflag:s18] =	ssyncadd.s32 $0xFFFFC000  }
0xa8: {  	[tilespmem:s9], [sflag:$0x2] =	stream.indirect.gather [hbm4b:s2+s6], $0x80, s29, s6, $0xb8;
	[tilespmem:$0x10500] =	vst v63  }
0xa9: {  	_ =	swait.ge [sflag:s20], $0x4000  }
0xaa: {  	[sflag:s20] =	ssyncset.done $0x0  }
0xab: {  	[sflag:s20] =	ssyncadd.s32 $0xFFFFC000  }
0xac: {  	[hbm4b:s30+s3] =	stream.linear.scatter [tilespmem:s11], [sflag:$0x7], $0x4000, $0x38;
	[tilespmem:$0x10500] =	vst v63  }
0xad: {  	_ =	swait.ge [sflag:s21], $0x4000  }
0xae: {  	[sflag:s21] =	ssyncset.done $0x0  }
0xaf: {  	[sflag:s21] =	ssyncadd.s32 $0xFFFFC000  }
0xb0: {  	_ =	swait.ge [sflag:s23], $0x4000  }
0xb1: {  	[sflag:s23] =	ssyncset.done $0x0  }
0xb2: {  	[sflag:s23] =	ssyncadd.s32 $0xFFFFC000  }
0xb3: {  	[hbm4b:s31+s3] =	stream.linear.scatter [tilespmem:s13], [sflag:$0x8], $0x4000, $0x38;
	[tilespmem:$0x10500] =	vst v63  }
0xb4: {  	_ =	swait.ge [sflag:s24], $0x4000  }
0xb5: {  	[sflag:s24] =	ssyncset.done $0x0  }
0xb6: {  	[sflag:s24] =	ssyncadd.s32 $0xFFFFC000  }
0xb7: {  	_ =	swait.ge [sflag:s14], $0x4000  }
0xb8: {  	[sflag:s14] =	ssyncset.done $0x0  }
0xb9: {  	s0 =	rddreg [dreg:$0x4];
	[sflag:s14] =	ssyncadd.s32 $0xFFFFC000  }
0xba: {  	[hbm4b:s0+s3] =	stream.linear.scatter [tilespmem:s8], [sflag:$0x9], $0x4000, $0x38;
	[tilespmem:$0x10500] =	vst v63  }
0xbb: {  	_ =	swait.ge [sflag:s5], $0x4000  }
0xbc: {  	[sflag:s5] =	ssyncset.done $0x0  }
0xbd: {  	p0 =	sne.s32 s1, $0x1;
	[sflag:s5] =	ssyncadd.s32 $0xFFFFC000  }
.Ltmp1:
0xbe: {  	_ =	swait.ge [sflag:s17], $0x4000;
	(pc) =	sbr.rel @p0 .LBB2_1-.Ltmp1, $4  }
0xbf: {  	[sflag:s17] =	ssyncset.done $0x0  }
0xc0: {  	s0 =	rddreg [dreg:$0x5];
	[sflag:s17] =	ssyncadd.s32 $0xFFFFC000  }
0xc1: {  	[hbm4b:s0+s3] =	stream.linear.scatter [tilespmem:s9], [sflag:$0x9], $0x4000, $0x38;
	[tilespmem:$0x10500] =	vst v63  }
0xc2: {  	s1 =	sadd.s32 $0xFFFFFFFF, s1;
	_ =	swait.ge [sflag:s5], $0x4000  }
.LBB2_2:
0xc3: {  	[sflag:s5] =	ssyncset.done $0x0  }
0xc4: {  	[sflag:s5] =	ssyncadd.s32 $0xFFFFC000  }
0xc5: {  	_ =	sfence.sel $0x180000  }
0xc6: {  	[bflag:$0x0] =	sbarrier.arrive $0xFFFF  }
0xc7: {  	_ =	strace $0x90000053  }
0xc8: {  	s0 =	stileid.u32;
	[bflag:$0x2] =	sbarrier.arrive $0xFFFF  }
0xc9: {  	p0 =	sne.s32 s0, $0x0;
	s0 =	rddreg [dreg:$0x2]  }
0xca: {  	s0 =	sadd.s32 @!p0 $0x100000, s0  }
0xcb: {  	[sflag:s0] =	ssyncadd.tile.s32 @!p0 $0x1;
	_ =	shalt  }
.Lfunc_end2:
_tile_overlayer_lowered:
.L_overlay_start_2:
0xcc: {  	(tag) =	ssettag $0x2  }
0xcd: {  	s0 =	rddreg [dreg:$0x0];
	s2 =	stileid.u32  }
0xce: {  	s1 =	rddreg [dreg:$0x1];
	p0 =	sne.s32 s2, $0x0  }
0xcf: {  	s3 =	rddreg [dreg:$0x2];
	[bflag:$0x3] =	sbarrier.arrive $0xFFFF;
	s2 =	simm.s32 @!p0 $0x1C09  }
0xd0: {  	[timem:s3], [sflag:s2] =	dma.local @!p0 [hbm:s0], s1  }
0xd1: {  	s0 =	simm.s32 @!p0 $0x9  }
0xd2: {  	_ =	swait.ge @!p0 [sflag:s0], s1  }
0xd3: {  	s1 =	ssub.s32 @!p0 $0x0, s1;
	[sflag:s0] =	ssyncset.done @!p0 $0x0  }
0xd4: {  	[sflag:s0] =	ssyncadd.s32 @!p0 s1  }
0xd5: {  	[bflag:$0x3] =	sbarrier.arrive $0xFFFF  }
0xd6: {  	_ =	shalt  }

</sc_bundles>
